<compile_context>
chip_gen: v7x
topology: tpu7x:2x2x1
jax: 0.10.2.dev20260603
libtpu: 0.0.44.dev20260713+nightly
codegen_flags: <defaults>
</compile_context>

<pallas_src>
import functools

import jax
import jax.numpy as jnp
from jax import lax
from jax.experimental import pallas as pl
from jax.experimental.pallas import tpu as pltpu
from jax.experimental.pallas import tpu_sc as plsc

N = 10000
NPAD = 10240
F = 256
ESL = 170000
EPAD = 172032
B = 128
BLKS = 42
ROWS_PER_TILE = NPAD // 16
NCHUNK = ROWS_PER_TILE // B

_mesh = plsc.VectorSubcoreMesh(
    core_axis_name="c", subcore_axis_name="s", num_cores=2, num_subcores=16)


def _tca_body(x_ref, w_ref, s_ref, d_ref, srcT_ref, dstT_ref):
    h = jnp.dot(x_ref[...], w_ref[...], preferred_element_type=jnp.float32)
    a16 = jnp.dot(h, s_ref[...], preferred_element_type=jnp.float32)
    srcT_ref[...] = jnp.concatenate([a16, h], axis=1)
    dstT_ref[...] = jnp.dot(h, d_ref[...], preferred_element_type=jnp.float32)


def _tca(x, W1cm, Scm, Dcm):
    return pl.pallas_call(
        _tca_body,
        grid=(NPAD // 1024,),
        in_specs=[
            pl.BlockSpec((1024, F), lambda i: (i, 0)),
            pl.BlockSpec((F, 64), lambda i: (0, 0)),
            pl.BlockSpec((64, 16), lambda i: (0, 0)),
            pl.BlockSpec((64, 16), lambda i: (0, 0)),
        ],
        out_specs=[
            pl.BlockSpec((1024, 80), lambda i: (i, 0)),
            pl.BlockSpec((1024, 16), lambda i: (i, 0)),
        ],
        out_shape=[
            jax.ShapeDtypeStruct((NPAD, 80), jnp.float32),
            jax.ShapeDtypeStruct((NPAD, 16), jnp.float32),
        ],
    )(x, W1cm, Scm, Dcm)


NPAIR = BLKS // 2


def _make_sc_body(SW, DW, CW, edge_fn):
    def body(srcT, dstT, srcI, dstI, out,
             idxs, idxd, rows_s, rows_d, contrib, acc,
             gsa, gda, sca, gsb, gdb, scb):
        c = lax.axis_index("c")
        s = lax.axis_index("s")
        tile = c * 16 + s
        gs = (gsa, gsb)
        gd = (gda, gdb)
        sc = (sca, scb)

        pltpu.sync_copy(srcI.at[pl.ds(tile * BLKS, BLKS)], idxs)
        pltpu.sync_copy(dstI.at[pl.ds(tile * BLKS, BLKS)], idxd)

        z16 = jnp.zeros((16,), jnp.float32)

        def zrow(i, _):
            for j in range(CW // 16):
                contrib[0, i, pl.ds(16 * j, 16)] = z16
            return 0
        lax.fori_loop(0, B, zrow, 0)

        def zcp(k, _):
            pltpu.sync_copy(contrib.at[0],
                            acc.at[pl.ds(s * ROWS_PER_TILE + k * B, B)])
            return 0
        lax.fori_loop(0, NCHUNK, zcp, 0)
        plsc.subcore_barrier()

        def issue(b, p):
            pltpu.async_copy(srcT.at[idxs.at[b]], rows_s.at[p], gs[p])
            pltpu.async_copy(dstT.at[idxd.at[b]], rows_d.at[p], gd[p])

        def wait_gather(b, p):
            pltpu.make_async_copy(srcT.at[idxs.at[b]], rows_s.at[p], gs[p]).wait()
            pltpu.make_async_copy(dstT.at[idxd.at[b]], rows_d.at[p], gd[p]).wait()

        def compute(p):
            @plsc.parallel_loop(0, B, unroll=4)
            def _(i):
                edge_fn(rows_s, rows_d, contrib, p, i)

        def scat(b, p):
            pltpu.async_copy(contrib.at[p], acc.at[idxd.at[b]], sc[p], add=True)

        def wait_scat(b, p):
            pltpu.make_async_copy(contrib.at[p], acc.at[idxd.at[b]], sc[p]).wait()

        issue(0, 0)
        issue(1, 1)
        wait_gather(0, 0)
        compute(0)
        scat(0, 0)
        issue(2, 0)
        wait_gather(1, 1)
        compute(1)
        scat(1, 1)
        issue(3, 1)

        def step(t, _):
            b0 = 2 * t
            b1 = b0 + 1
            wait_gather(b0, 0)
            wait_scat(b0 - 2, 0)
            compute(0)
            scat(b0, 0)
            issue(b0 + 2, 0)
            wait_gather(b1, 1)
            wait_scat(b1 - 2, 1)
            compute(1)
            scat(b1, 1)
            issue(b1 + 2, 1)
            return 0
        lax.fori_loop(1, NPAIR - 1, step, 0)

        bl = BLKS - 2
        wait_gather(bl, 0)
        wait_scat(bl - 2, 0)
        compute(0)
        scat(bl, 0)
        wait_gather(bl + 1, 1)
        wait_scat(bl - 1, 1)
        compute(1)
        scat(bl + 1, 1)
        wait_scat(bl, 0)
        wait_scat(bl + 1, 1)
        plsc.subcore_barrier()

        def drain(k, _):
            r0 = s * ROWS_PER_TILE + k * B
            pltpu.sync_copy(acc.at[pl.ds(r0, B)], contrib.at[0])
            pltpu.sync_copy(contrib.at[0], out.at[c, pl.ds(r0, B)])
            return 0
        lax.fori_loop(0, NCHUNK, drain, 0)

    return body


def _edge1(rows_s, rows_d, contrib, p, i):
    e = rows_s[p, i, pl.ds(0, 16)] + rows_d[p, i, pl.ds(0, 16)]
    w = jnp.exp(jnp.maximum(e, 0.2 * e))
    contrib[p, i, pl.ds(0, 16)] = w
    for q in range(4):
        contrib[p, i, pl.ds(16 + 16 * q, 16)] = (
            rows_s[p, i, pl.ds(16 + 16 * q, 16)] * w)


def _edge2(rows_s, rows_d, contrib, p, i):
    e = rows_s[p, i, pl.ds(16, 16)] + rows_d[p, i, pl.ds(0, 16)]
    w = jnp.exp(jnp.maximum(e, 0.2 * e))
    contrib[p, i, pl.ds(0, 16)] = rows_s[p, i, pl.ds(0, 16)] * w


def _sc_scratch(SW, DW, CW):
    return [
        pltpu.VMEM((BLKS, B), jnp.int32),
        pltpu.VMEM((BLKS, B), jnp.int32),
        pltpu.VMEM((2, B, SW), jnp.float32),
        pltpu.VMEM((2, B, DW), jnp.float32),
        pltpu.VMEM((2, B, CW), jnp.float32),
        pltpu.VMEM_SHARED((NPAD, CW), jnp.float32),
        pltpu.SemaphoreType.DMA,
        pltpu.SemaphoreType.DMA,
        pltpu.SemaphoreType.DMA,
        pltpu.SemaphoreType.DMA,
        pltpu.SemaphoreType.DMA,
        pltpu.SemaphoreType.DMA,
    ]


_sc_params = pltpu.CompilerParams(use_tc_tiling_on_sc=False)

_sc1 = functools.partial(
    pl.kernel,
    out_type=jax.ShapeDtypeStruct((2, NPAD, 80), jnp.float32),
    mesh=_mesh,
    compiler_params=_sc_params,
    scratch_types=_sc_scratch(80, 16, 80),
)(_make_sc_body(80, 16, 80, _edge1))


def _tcb_body(accs_ref, r_ref, b1_ref, w2_ref, as_ref, ad_ref,
              srcT_ref, dstT_ref):
    acc = accs_ref[0] + accs_ref[1]
    den = jnp.dot(acc[:, 0:8], r_ref[...],
                  preferred_element_type=jnp.float32) + 1e-16
    out1 = acc[:, 16:80] / den + b1_ref[...]
    g = jnp.where(out1 > 0, out1, jnp.exp(out1) - 1.0)
    h2 = jnp.dot(g, w2_ref[...], preferred_element_type=jnp.float32)
    asrc2 = jnp.sum(h2 * as_ref[...], axis=1, keepdims=True)
    adst2 = jnp.sum(h2 * ad_ref[...], axis=1, keepdims=True)
    srcT_ref[...] = jnp.concatenate(
        [jnp.ones((1024, 1), jnp.float32), h2,
         jnp.zeros((1024, 8), jnp.float32),
         jnp.broadcast_to(asrc2, (1024, 16))], axis=1)
    dstT_ref[...] = jnp.broadcast_to(adst2, (1024, 16))


def _tcb(accs, Rcm, b1cm, W2cm, a2s_row, a2d_row):
    return pl.pallas_call(
        _tcb_body,
        grid=(NPAD // 1024,),
        in_specs=[
            pl.BlockSpec((2, 1024, 80), lambda i: (0, i, 0)),
            pl.BlockSpec((8, 64), lambda i: (0, 0)),
            pl.BlockSpec((1, 64), lambda i: (0, 0)),
            pl.BlockSpec((64, 7), lambda i: (0, 0)),
            pl.BlockSpec((1, 7), lambda i: (0, 0)),
            pl.BlockSpec((1, 7), lambda i: (0, 0)),
        ],
        out_specs=[
            pl.BlockSpec((1024, 32), lambda i: (i, 0)),
            pl.BlockSpec((1024, 16), lambda i: (i, 0)),
        ],
        out_shape=[
            jax.ShapeDtypeStruct((NPAD, 32), jnp.float32),
            jax.ShapeDtypeStruct((NPAD, 16), jnp.float32),
        ],
    )(accs, Rcm, b1cm, W2cm, a2s_row, a2d_row)


_sc2 = functools.partial(
    pl.kernel,
    out_type=jax.ShapeDtypeStruct((2, NPAD, 16), jnp.float32),
    mesh=_mesh,
    compiler_params=_sc_params,
    scratch_types=_sc_scratch(32, 16, 16),
)(_make_sc_body(32, 16, 16, _edge2))


def _tcc_body(a_ref, b2_ref, out_ref, emb_ref):
    acc = a_ref[0] + a_ref[1]
    den = acc[:, 0:1] + 1e-16
    emb = acc[:, 1:8] / den + b2_ref[...]
    m = jnp.max(emb, axis=1, keepdims=True)
    p = jnp.exp(emb - m)
    out_ref[...] = p / jnp.sum(p, axis=1, keepdims=True)
    emb_ref[...] = emb


def _tcc(accs2, b2_row):
    return pl.pallas_call(
        _tcc_body,
        grid=(N // 1000,),
        in_specs=[
            pl.BlockSpec((2, 1000, 16), lambda i: (0, i, 0)),
            pl.BlockSpec((1, 7), lambda i: (0, 0)),
        ],
        out_specs=[
            pl.BlockSpec((1000, 7), lambda i: (i, 0)),
            pl.BlockSpec((1000, 7), lambda i: (i, 0)),
        ],
        out_shape=[
            jax.ShapeDtypeStruct((N, 7), jnp.float32),
            jax.ShapeDtypeStruct((N, 7), jnp.float32),
        ],
    )(accs2, b2_row)


def kernel(x, edge_index, W1, a1_src, a1_dst, b1, W2, a2_src, a2_dst, b2):
    f32 = jnp.float32
    perm = (jnp.arange(64) % 8) * 8 + jnp.arange(64) // 8
    W1cm = W1[:, perm]
    b1cm = b1[perm].reshape(1, 64).astype(f32)
    W2cm = W2[perm, :]
    M = jnp.tile(jnp.eye(8, dtype=f32), (8, 2))
    Scm = a1_src.reshape(8, 8).T.reshape(64, 1).astype(f32) * M
    Dcm = a1_dst.reshape(8, 8).T.reshape(64, 1).astype(f32) * M
    Rcm = jnp.tile(jnp.eye(8, dtype=f32), (1, 8))
    a2s_row = a2_src.reshape(1, 7).astype(f32)
    a2d_row = a2_dst.reshape(1, 7).astype(f32)
    b2_row = b2.reshape(1, 7).astype(f32)

    loops = jnp.arange(N, dtype=jnp.int32)
    def _blocks(e, pad):
        b2d = pad.at[:ESL].set(
            jnp.concatenate([e.astype(jnp.int32), loops])
        ).reshape(BLKS, 32, B)
        return b2d.transpose(1, 0, 2).reshape(EPAD // B, B)
    dpad = N + jnp.arange(EPAD, dtype=jnp.int32) % (NPAD - N)
    src = _blocks(edge_index[0], jnp.full((EPAD,), N, jnp.int32))
    dst = _blocks(edge_index[1], dpad)

    srcT1, dstT1 = _tca(x, W1cm, Scm, Dcm)
    accs1 = _sc1(srcT1, dstT1, src, dst)
    srcT2, dstT2 = _tcb(accs1, Rcm, b1cm, W2cm, a2s_row, a2d_row)
    accs2 = _sc2(srcT2, dstT2, src, dst)
    out, emb = _tcc(accs2, b2_row)
    return (out, emb)

# --- scband reference (transcript-rebuilt; emitter-appended) ---
"""Pipeline reference for scband-cora-gat-5471788335228 (READ-ONLY COPY).

The authoritative reference and input builder live on the scoring server;
editing this copy changes nothing except your own understanding.
"""

import jax, jax.numpy as jnp
import numpy as np


def gat_layer(x, edge_index, W, a_src, a_dst, bias, heads, out_ch):
    # PyG GATConv semantics: linear proj, add self-loops, edge-softmax attention, scatter-add.
    N = x.shape[0]
    loops = jnp.arange(N, dtype=edge_index.dtype)
    ei = jnp.concatenate([edge_index, jnp.stack([loops, loops])], axis=1)
    src, dst = ei[0], ei[1]
    h = (x @ W).reshape(N, heads, out_ch)
    alpha_src = jnp.sum(h * a_src, axis=-1)  # [N, H]
    alpha_dst = jnp.sum(h * a_dst, axis=-1)  # [N, H]
    e = jax.nn.leaky_relu(alpha_src[src] + alpha_dst[dst], negative_slope=0.2)  # [E, H]
    emax = jax.ops.segment_max(e, dst, num_segments=N)
    emax = jax.lax.stop_gradient(jnp.where(jnp.isfinite(emax), emax, 0.0))
    ex = jnp.exp(e - emax[dst])
    denom = jax.ops.segment_sum(ex, dst, num_segments=N)
    alpha = ex / (denom[dst] + 1e-16)  # [E, H]
    msg = h[src] * alpha[:, :, None]  # [E, H, C]
    out = jax.ops.segment_sum(msg, dst, num_segments=N)  # [N, H, C]
    out = out.reshape(N, heads * out_ch)
    return out + bias


def setup_inputs(seed: int = 0):
    key = jax.random.key(seed)
    ks = jax.random.split(key, 12)
    N, E, F, C = 10000, 160000, 256, 7
    x = jax.random.normal(ks[0], (N, F), dtype=jnp.float32)
    edge_index = jax.random.randint(ks[1], (2, E), 0, N)
    W1 = jax.random.normal(ks[2], (F, 64), dtype=jnp.float32) * 0.06
    a1_src = jax.random.normal(ks[3], (1, 8, 8), dtype=jnp.float32) * 0.1
    a1_dst = jax.random.normal(ks[4], (1, 8, 8), dtype=jnp.float32) * 0.1
    b1 = jnp.zeros((64,), dtype=jnp.float32)
    W2 = jax.random.normal(ks[5], (64, C), dtype=jnp.float32) * 0.12
    a2_src = jax.random.normal(ks[6], (1, 1, C), dtype=jnp.float32) * 0.1
    a2_dst = jax.random.normal(ks[7], (1, 1, C), dtype=jnp.float32) * 0.1
    b2 = jnp.zeros((C,), dtype=jnp.float32)
    return {"x": x, "edge_index": edge_index, "W1": W1, "a1_src": a1_src,
            "a1_dst": a1_dst, "b1": b1, "W2": W2, "a2_src": a2_src,
            "a2_dst": a2_dst, "b2": b2}


def reference(x, edge_index, W1, a1_src, a1_dst, b1, W2, a2_src, a2_dst, b2):
    h = gat_layer(x, edge_index, W1, a1_src, a1_dst, b1, heads=8, out_ch=8)
    h = jax.nn.elu(h)
    node_embeddings = gat_layer(h, edge_index, W2, a2_src, a2_dst, b2, heads=1, out_ch=7)
    out = jax.nn.softmax(node_embeddings, axis=-1)
    return (out, node_embeddings)

if __name__ == "__main__":
    import jax
    _d = setup_inputs()
    print(jax.jit(kernel)(*tuple(_d.values())))

</pallas_src>

<mosaic_0001>
#map = affine_map<(d0, d1) -> (0, 0)>
#map1 = affine_map<(d0, d1) -> (0, 0, 0)>
module attributes {stable_mosaic.version = 14 : i64} {
  func.func @body(%arg0: i32, %arg1: i32, %arg2: memref<10240x80xf32, #tpu.memory_space<hbm>>, %arg3: memref<10240x16xf32, #tpu.memory_space<hbm>>, %arg4: memref<1344x128xi32, #tpu.memory_space<hbm>>, %arg5: memref<1344x128xi32, #tpu.memory_space<hbm>>, %arg6: memref<2x10240x80xf32, #tpu.memory_space<hbm>>, %arg7: memref<42x128xi32, #tpu.memory_space<vmem>>, %arg8: memref<42x128xi32, #tpu.memory_space<vmem>>, %arg9: memref<2x128x80xf32, #tpu.memory_space<vmem>>, %arg10: memref<2x128x16xf32, #tpu.memory_space<vmem>>, %arg11: memref<2x128x80xf32, #tpu.memory_space<vmem>>, %arg12: memref<10240x80xf32, #tpu.memory_space<vmem_shared>>, %arg13: memref<!tpu.dma_semaphore, #tpu.memory_space<semaphore_mem>>, %arg14: memref<!tpu.dma_semaphore, #tpu.memory_space<semaphore_mem>>, %arg15: memref<!tpu.dma_semaphore, #tpu.memory_space<semaphore_mem>>, %arg16: memref<!tpu.dma_semaphore, #tpu.memory_space<semaphore_mem>>, %arg17: memref<!tpu.dma_semaphore, #tpu.memory_space<semaphore_mem>>, %arg18: memref<!tpu.dma_semaphore, #tpu.memory_space<semaphore_mem>>) attributes {dimension_semantics = [#tpu.dimension_semantics<core_parallel>, #tpu.dimension_semantics<subcore_parallel>], iteration_bounds = array<i64: 2, 16>, scalar_prefetch = 0 : i64, scratch_operands = 12 : i64, tpu.core_type = #tpu.core_type<sc_vector_subcore>, window_params = [{transform_indices = #map}, {transform_indices = #map}, {transform_indices = #map}, {transform_indices = #map}, {transform_indices = #map1}]} {
    %mul3A = arith.constant 16 : i32
    %mul3A_0 = arith.muli %arg0, %mul3A : i32
    %add3A = arith.addi %mul3A_0, %arg1 : i32
    %mul3A_1 = arith.constant 42 : i32
    %mul3A_2 = arith.muli %add3A, %mul3A_1 : i32
    "tpu.region"() ({
      %run_scoped3A = tpu.sem_alloc : memref<!tpu.dma_semaphore, #tpu.memory_space<semaphore_mem>>
      %dma_start3A_331 = arith.constant 0 : i32
      %dma_start3A_332 = tpu.memref_slice %arg4[%mul3A_2, %dma_start3A_331] : memref<1344x128xi32, #tpu.memory_space<hbm>> -> memref<42x128xi32, #tpu.memory_space<hbm>>
      %dma_start3A_333 = arith.constant 0 : i32
      %dma_start3A_334 = tpu.memref_slice %arg4[%mul3A_2, %dma_start3A_333] : memref<1344x128xi32, #tpu.memory_space<hbm>> -> memref<42x128xi32, #tpu.memory_space<hbm>>
      tpu.enqueue_dma source(%dma_start3A_334 : memref<42x128xi32, #tpu.memory_space<hbm>>) target(%arg7 : memref<42x128xi32, #tpu.memory_space<vmem>>) target_semaphore(%run_scoped3A : memref<!tpu.dma_semaphore, #tpu.memory_space<semaphore_mem>>)
      %dma_wait3A_335 = arith.constant 0 : i32
      %dma_wait3A_336 = tpu.memref_slice %arg4[%mul3A_2, %dma_wait3A_335] : memref<1344x128xi32, #tpu.memory_space<hbm>> -> memref<42x128xi32, #tpu.memory_space<hbm>>
      %dma_wait3A_337 = arith.constant 0 : i32
      %dma_wait3A_338 = tpu.memref_slice %arg4[%mul3A_2, %dma_wait3A_337] : memref<1344x128xi32, #tpu.memory_space<hbm>> -> memref<42x128xi32, #tpu.memory_space<hbm>>
      tpu.wait_dma2 semaphore(%run_scoped3A : memref<!tpu.dma_semaphore, #tpu.memory_space<semaphore_mem>>) src(%dma_wait3A_338 : memref<42x128xi32, #tpu.memory_space<hbm>>) dst(%arg7 : memref<42x128xi32, #tpu.memory_space<vmem>>)
      tpu.yield
    }) : () -> ()
    %mul3A_3 = arith.constant 42 : i32
    %mul3A_4 = arith.muli %add3A, %mul3A_3 : i32
    "tpu.region"() ({
      %run_scoped3A = tpu.sem_alloc : memref<!tpu.dma_semaphore, #tpu.memory_space<semaphore_mem>>
      %dma_start3A_331 = arith.constant 0 : i32
      %dma_start3A_332 = tpu.memref_slice %arg5[%mul3A_4, %dma_start3A_331] : memref<1344x128xi32, #tpu.memory_space<hbm>> -> memref<42x128xi32, #tpu.memory_space<hbm>>
      %dma_start3A_333 = arith.constant 0 : i32
      %dma_start3A_334 = tpu.memref_slice %arg5[%mul3A_4, %dma_start3A_333] : memref<1344x128xi32, #tpu.memory_space<hbm>> -> memref<42x128xi32, #tpu.memory_space<hbm>>
      tpu.enqueue_dma source(%dma_start3A_334 : memref<42x128xi32, #tpu.memory_space<hbm>>) target(%arg8 : memref<42x128xi32, #tpu.memory_space<vmem>>) target_semaphore(%run_scoped3A : memref<!tpu.dma_semaphore, #tpu.memory_space<semaphore_mem>>)
      %dma_wait3A_335 = arith.constant 0 : i32
      %dma_wait3A_336 = tpu.memref_slice %arg5[%mul3A_4, %dma_wait3A_335] : memref<1344x128xi32, #tpu.memory_space<hbm>> -> memref<42x128xi32, #tpu.memory_space<hbm>>
      %dma_wait3A_337 = arith.constant 0 : i32
      %dma_wait3A_338 = tpu.memref_slice %arg5[%mul3A_4, %dma_wait3A_337] : memref<1344x128xi32, #tpu.memory_space<hbm>> -> memref<42x128xi32, #tpu.memory_space<hbm>>
      tpu.wait_dma2 semaphore(%run_scoped3A : memref<!tpu.dma_semaphore, #tpu.memory_space<semaphore_mem>>) src(%dma_wait3A_338 : memref<42x128xi32, #tpu.memory_space<hbm>>) dst(%arg8 : memref<42x128xi32, #tpu.memory_space<vmem>>)
      tpu.yield
    }) : () -> ()
    %broadcast_in_dim3A = arith.constant 0.000000e+00 : f32
    %broadcast_in_dim3A_5 = vector.broadcast %broadcast_in_dim3A : f32 to vector<16xf32>
    %scan3A = arith.constant 0 : i32
    %scan3A_6 = arith.constant 0 : i32
    %scan3A_7 = arith.constant 128 : i32
    %scan3A_8 = arith.addi %scan3A_6, %scan3A_7 : i32
    %scan3A_9 = arith.constant 1 : i32
    %scan3A_10 = scf.for %scan3A_331 = %scan3A_6 to %scan3A_8 step %scan3A_9 iter_args(%scan3A_332 = %scan3A) -> (i32)  : i32 {
      %swap3A = arith.constant 0 : i32
      %swap3A_333 = arith.index_cast %swap3A : i32 to index
      %swap3A_334 = arith.index_cast %scan3A_331 : i32 to index
      %swap3A_335 = arith.constant 0 : index
      %swap3A_336 = tpu.vector_load %arg11[%swap3A_333, %swap3A_334, %swap3A_335] {strides = array<i32>} : memref<2x128x80xf32, #tpu.memory_space<vmem>>, vector<1x1x16xf32>,
      %swap3A_337 = vector.shape_cast %swap3A_336 : vector<1x1x16xf32> to vector<16xf32>
      %swap3A_338 = vector.shape_cast %broadcast_in_dim3A_5 : vector<16xf32> to vector<1x1x16xf32>
      tpu.vector_store %arg11[%swap3A_333, %swap3A_334, %swap3A_335], %swap3A_338 {strides = array<i32>} : memref<2x128x80xf32, #tpu.memory_space<vmem>>, vector<1x1x16xf32>,
      %swap3A_339 = arith.constant 0 : i32
      %swap3A_340 = arith.index_cast %swap3A_339 : i32 to index
      %swap3A_341 = arith.index_cast %scan3A_331 : i32 to index
      %swap3A_342 = arith.constant 16 : index
      %swap3A_343 = tpu.vector_load %arg11[%swap3A_340, %swap3A_341, %swap3A_342] {strides = array<i32>} : memref<2x128x80xf32, #tpu.memory_space<vmem>>, vector<1x1x16xf32>,
      %swap3A_344 = vector.shape_cast %swap3A_343 : vector<1x1x16xf32> to vector<16xf32>
      %swap3A_345 = vector.shape_cast %broadcast_in_dim3A_5 : vector<16xf32> to vector<1x1x16xf32>
      tpu.vector_store %arg11[%swap3A_340, %swap3A_341, %swap3A_342], %swap3A_345 {strides = array<i32>} : memref<2x128x80xf32, #tpu.memory_space<vmem>>, vector<1x1x16xf32>,
      %swap3A_346 = arith.constant 0 : i32
      %swap3A_347 = arith.index_cast %swap3A_346 : i32 to index
      %swap3A_348 = arith.index_cast %scan3A_331 : i32 to index
      %swap3A_349 = arith.constant 32 : index
      %swap3A_350 = tpu.vector_load %arg11[%swap3A_347, %swap3A_348, %swap3A_349] {strides = array<i32>} : memref<2x128x80xf32, #tpu.memory_space<vmem>>, vector<1x1x16xf32>,
      %swap3A_351 = vector.shape_cast %swap3A_350 : vector<1x1x16xf32> to vector<16xf32>
      %swap3A_352 = vector.shape_cast %broadcast_in_dim3A_5 : vector<16xf32> to vector<1x1x16xf32>
      tpu.vector_store %arg11[%swap3A_347, %swap3A_348, %swap3A_349], %swap3A_352 {strides = array<i32>} : memref<2x128x80xf32, #tpu.memory_space<vmem>>, vector<1x1x16xf32>,
      %swap3A_353 = arith.constant 0 : i32
      %swap3A_354 = arith.index_cast %swap3A_353 : i32 to index
      %swap3A_355 = arith.index_cast %scan3A_331 : i32 to index
      %swap3A_356 = arith.constant 48 : index
      %swap3A_357 = tpu.vector_load %arg11[%swap3A_354, %swap3A_355, %swap3A_356] {strides = array<i32>} : memref<2x128x80xf32, #tpu.memory_space<vmem>>, vector<1x1x16xf32>,
      %swap3A_358 = vector.shape_cast %swap3A_357 : vector<1x1x16xf32> to vector<16xf32>
      %swap3A_359 = vector.shape_cast %broadcast_in_dim3A_5 : vector<16xf32> to vector<1x1x16xf32>
      tpu.vector_store %arg11[%swap3A_354, %swap3A_355, %swap3A_356], %swap3A_359 {strides = array<i32>} : memref<2x128x80xf32, #tpu.memory_space<vmem>>, vector<1x1x16xf32>,
      %swap3A_360 = arith.constant 0 : i32
      %swap3A_361 = arith.index_cast %swap3A_360 : i32 to index
      %swap3A_362 = arith.index_cast %scan3A_331 : i32 to index
      %swap3A_363 = arith.constant 64 : index
      %swap3A_364 = tpu.vector_load %arg11[%swap3A_361, %swap3A_362, %swap3A_363] {strides = array<i32>} : memref<2x128x80xf32, #tpu.memory_space<vmem>>, vector<1x1x16xf32>,
      %swap3A_365 = vector.shape_cast %swap3A_364 : vector<1x1x16xf32> to vector<16xf32>
      %swap3A_366 = vector.shape_cast %broadcast_in_dim3A_5 : vector<16xf32> to vector<1x1x16xf32>
      tpu.vector_store %arg11[%swap3A_361, %swap3A_362, %swap3A_363], %swap3A_366 {strides = array<i32>} : memref<2x128x80xf32, #tpu.memory_space<vmem>>, vector<1x1x16xf32>,
      %scan3A_367 = arith.constant 0 : i32
      scf.yield %scan3A_367 : i32
    }
    %scan3A_11 = arith.constant 128 : i32
    %scan3A_12 = arith.constant 0 : i32
    %scan3A_13 = arith.constant 0 : i32
    %scan3A_14 = arith.constant 5 : i32
    %scan3A_15 = arith.addi %scan3A_13, %scan3A_14 : i32
    %scan3A_16 = arith.constant 1 : i32
    %scan3A_17 = scf.for %scan3A_331 = %scan3A_13 to %scan3A_15 step %scan3A_16 iter_args(%scan3A_332 = %scan3A_12) -> (i32)  : i32 {
      %mul3A_333 = arith.constant 640 : i32
      %mul3A_334 = arith.muli %arg1, %mul3A_333 : i32
      %mul3A_335 = arith.constant 128 : i32
      %mul3A_336 = arith.muli %scan3A_331, %mul3A_335 : i32
      %add3A_337 = arith.addi %mul3A_334, %mul3A_336 : i32
      %run_scoped3A = arith.constant 0 : i32
      "tpu.region"() ({
        %run_scoped3A_339 = tpu.sem_alloc : memref<!tpu.dma_semaphore, #tpu.memory_space<semaphore_mem>>
        %dma_start3A_340 = arith.constant 0 : i32
        %dma_start3A_341 = arith.constant 0 : i32
        %dma_start3A_342 = tpu.memref_slice %arg11[%run_scoped3A, %dma_start3A_340, %dma_start3A_341] : memref<2x128x80xf32, #tpu.memory_space<vmem>> -> memref<1x128x80xf32, #tpu.memory_space<vmem>>
        %dma_start3A_343 = tpu.memref_squeeze %dma_start3A_342 : memref<1x128x80xf32, #tpu.memory_space<vmem>> -> memref<128x80xf32, #tpu.memory_space<vmem>>
        %dma_start3A_344 = arith.constant 0 : i32
        %dma_start3A_345 = tpu.memref_slice %arg12[%add3A_337, %dma_start3A_344] : memref<10240x80xf32, #tpu.memory_space<vmem_shared>> -> memref<128x80xf32, #tpu.memory_space<vmem_shared>>
        %dma_start3A_346 = arith.constant 0 : i32
        %dma_start3A_347 = tpu.memref_slice %arg12[%add3A_337, %dma_start3A_346] : memref<10240x80xf32, #tpu.memory_space<vmem_shared>> -> memref<128x80xf32, #tpu.memory_space<vmem_shared>>
        %dma_start3A_348 = arith.constant 0 : i32
        %dma_start3A_349 = arith.constant 0 : i32
        %dma_start3A_350 = tpu.memref_slice %arg11[%run_scoped3A, %dma_start3A_348, %dma_start3A_349] : memref<2x128x80xf32, #tpu.memory_space<vmem>> -> memref<1x128x80xf32, #tpu.memory_space<vmem>>
        %dma_start3A_351 = tpu.memref_squeeze %dma_start3A_350 : memref<1x128x80xf32, #tpu.memory_space<vmem>> -> memref<128x80xf32, #tpu.memory_space<vmem>>
        tpu.enqueue_dma source(%dma_start3A_351 : memref<128x80xf32, #tpu.memory_space<vmem>>) target(%dma_start3A_347 : memref<128x80xf32, #tpu.memory_space<vmem_shared>>) target_semaphore(%run_scoped3A_339 : memref<!tpu.dma_semaphore, #tpu.memory_space<semaphore_mem>>)
        %dma_wait3A_352 = arith.constant 0 : i32
        %dma_wait3A_353 = arith.constant 0 : i32
        %dma_wait3A_354 = tpu.memref_slice %arg11[%run_scoped3A, %dma_wait3A_352, %dma_wait3A_353] : memref<2x128x80xf32, #tpu.memory_space<vmem>> -> memref<1x128x80xf32, #tpu.memory_space<vmem>>
        %dma_wait3A_355 = tpu.memref_squeeze %dma_wait3A_354 : memref<1x128x80xf32, #tpu.memory_space<vmem>> -> memref<128x80xf32, #tpu.memory_space<vmem>>
        %dma_wait3A_356 = arith.constant 0 : i32
        %dma_wait3A_357 = tpu.memref_slice %arg12[%add3A_337, %dma_wait3A_356] : memref<10240x80xf32, #tpu.memory_space<vmem_shared>> -> memref<128x80xf32, #tpu.memory_space<vmem_shared>>
        %dma_wait3A_358 = arith.constant 0 : i32
        %dma_wait3A_359 = tpu.memref_slice %arg12[%add3A_337, %dma_wait3A_358] : memref<10240x80xf32, #tpu.memory_space<vmem_shared>> -> memref<128x80xf32, #tpu.memory_space<vmem_shared>>
        %dma_wait3A_360 = arith.constant 0 : i32
        %dma_wait3A_361 = arith.constant 0 : i32
        %dma_wait3A_362 = tpu.memref_slice %arg11[%run_scoped3A, %dma_wait3A_360, %dma_wait3A_361] : memref<2x128x80xf32, #tpu.memory_space<vmem>> -> memref<1x128x80xf32, #tpu.memory_space<vmem>>
        %dma_wait3A_363 = tpu.memref_squeeze %dma_wait3A_362 : memref<1x128x80xf32, #tpu.memory_space<vmem>> -> memref<128x80xf32, #tpu.memory_space<vmem>>
        tpu.wait_dma2 semaphore(%run_scoped3A_339 : memref<!tpu.dma_semaphore, #tpu.memory_space<semaphore_mem>>) src(%dma_wait3A_363 : memref<128x80xf32, #tpu.memory_space<vmem>>) dst(%dma_wait3A_359 : memref<128x80xf32, #tpu.memory_space<vmem_shared>>)
        tpu.yield
      }) : () -> ()
      %scan3A_338 = arith.constant 0 : i32
      scf.yield %scan3A_338 : i32
    }
    %scan3A_18 = arith.constant 5 : i32
    %barrier3A = arith.constant 0 : index
    tpu.barrier barrier_id(%barrier3A)
    %dma_start3A = arith.constant 0 : i32
    %dma_start3A_19 = arith.constant 0 : i32
    %dma_start3A_20 = arith.constant 0 : i32
    %dma_start3A_21 = arith.constant 0 : i32
    %dma_start3A_22 = tpu.memref_slice %arg9[%dma_start3A_19, %dma_start3A_20, %dma_start3A_21] : memref<2x128x80xf32, #tpu.memory_space<vmem>> -> memref<1x128x80xf32, #tpu.memory_space<vmem>>
    %dma_start3A_23 = tpu.memref_squeeze %dma_start3A_22 : memref<1x128x80xf32, #tpu.memory_space<vmem>> -> memref<128x80xf32, #tpu.memory_space<vmem>>
    %dma_start3A_24 = arith.constant 0 : i32
    %dma_start3A_25 = tpu.memref_slice %arg7[%dma_start3A, %dma_start3A_24] : memref<42x128xi32, #tpu.memory_space<vmem>> -> memref<1x128xi32, #tpu.memory_space<vmem>>
    %dma_start3A_26 = tpu.memref_squeeze %dma_start3A_25 : memref<1x128xi32, #tpu.memory_space<vmem>> -> memref<128xi32, #tpu.memory_space<vmem>>
    %dma_start3A_27 = arith.constant 0 : i32
    %dma_start3A_28 = arith.constant 0 : i32
    %dma_start3A_29 = tpu.memref_slice %arg2[%dma_start3A_27, %dma_start3A_28] : memref<10240x80xf32, #tpu.memory_space<hbm>> -> memref<10240x80xf32, #tpu.memory_space<hbm>>
    tpu.enqueue_indirect_dma source(%dma_start3A_29 : memref<10240x80xf32, #tpu.memory_space<hbm>>) target(%dma_start3A_23 : memref<128x80xf32, #tpu.memory_space<vmem>>) offsets(%dma_start3A_26 : memref<128xi32, #tpu.memory_space<vmem>>) semaphore(%arg13 : memref<!tpu.dma_semaphore, #tpu.memory_space<semaphore_mem>>)
    %dma_start3A_30 = arith.constant 0 : i32
    %dma_start3A_31 = arith.constant 0 : i32
    %dma_start3A_32 = arith.constant 0 : i32
    %dma_start3A_33 = arith.constant 0 : i32
    %dma_start3A_34 = tpu.memref_slice %arg10[%dma_start3A_31, %dma_start3A_32, %dma_start3A_33] : memref<2x128x16xf32, #tpu.memory_space<vmem>> -> memref<1x128x16xf32, #tpu.memory_space<vmem>>
    %dma_start3A_35 = tpu.memref_squeeze %dma_start3A_34 : memref<1x128x16xf32, #tpu.memory_space<vmem>> -> memref<128x16xf32, #tpu.memory_space<vmem>>
    %dma_start3A_36 = arith.constant 0 : i32
    %dma_start3A_37 = tpu.memref_slice %arg8[%dma_start3A_30, %dma_start3A_36] : memref<42x128xi32, #tpu.memory_space<vmem>> -> memref<1x128xi32, #tpu.memory_space<vmem>>
    %dma_start3A_38 = tpu.memref_squeeze %dma_start3A_37 : memref<1x128xi32, #tpu.memory_space<vmem>> -> memref<128xi32, #tpu.memory_space<vmem>>
    %dma_start3A_39 = arith.constant 0 : i32
    %dma_start3A_40 = arith.constant 0 : i32
    %dma_start3A_41 = tpu.memref_slice %arg3[%dma_start3A_39, %dma_start3A_40] : memref<10240x16xf32, #tpu.memory_space<hbm>> -> memref<10240x16xf32, #tpu.memory_space<hbm>>
    tpu.enqueue_indirect_dma source(%dma_start3A_41 : memref<10240x16xf32, #tpu.memory_space<hbm>>) target(%dma_start3A_35 : memref<128x16xf32, #tpu.memory_space<vmem>>) offsets(%dma_start3A_38 : memref<128xi32, #tpu.memory_space<vmem>>) semaphore(%arg14 : memref<!tpu.dma_semaphore, #tpu.memory_space<semaphore_mem>>)
    %dma_start3A_42 = arith.constant 1 : i32
    %dma_start3A_43 = arith.constant 1 : i32
    %dma_start3A_44 = arith.constant 0 : i32
    %dma_start3A_45 = arith.constant 0 : i32
    %dma_start3A_46 = tpu.memref_slice %arg9[%dma_start3A_43, %dma_start3A_44, %dma_start3A_45] : memref<2x128x80xf32, #tpu.memory_space<vmem>> -> memref<1x128x80xf32, #tpu.memory_space<vmem>>
    %dma_start3A_47 = tpu.memref_squeeze %dma_start3A_46 : memref<1x128x80xf32, #tpu.memory_space<vmem>> -> memref<128x80xf32, #tpu.memory_space<vmem>>
    %dma_start3A_48 = arith.constant 0 : i32
    %dma_start3A_49 = tpu.memref_slice %arg7[%dma_start3A_42, %dma_start3A_48] : memref<42x128xi32, #tpu.memory_space<vmem>> -> memref<1x128xi32, #tpu.memory_space<vmem>>
    %dma_start3A_50 = tpu.memref_squeeze %dma_start3A_49 : memref<1x128xi32, #tpu.memory_space<vmem>> -> memref<128xi32, #tpu.memory_space<vmem>>
    %dma_start3A_51 = arith.constant 0 : i32
    %dma_start3A_52 = arith.constant 0 : i32
    %dma_start3A_53 = tpu.memref_slice %arg2[%dma_start3A_51, %dma_start3A_52] : memref<10240x80xf32, #tpu.memory_space<hbm>> -> memref<10240x80xf32, #tpu.memory_space<hbm>>
    tpu.enqueue_indirect_dma source(%dma_start3A_53 : memref<10240x80xf32, #tpu.memory_space<hbm>>) target(%dma_start3A_47 : memref<128x80xf32, #tpu.memory_space<vmem>>) offsets(%dma_start3A_50 : memref<128xi32, #tpu.memory_space<vmem>>) semaphore(%arg16 : memref<!tpu.dma_semaphore, #tpu.memory_space<semaphore_mem>>)
    %dma_start3A_54 = arith.constant 1 : i32
    %dma_start3A_55 = arith.constant 1 : i32
    %dma_start3A_56 = arith.constant 0 : i32
    %dma_start3A_57 = arith.constant 0 : i32
    %dma_start3A_58 = tpu.memref_slice %arg10[%dma_start3A_55, %dma_start3A_56, %dma_start3A_57] : memref<2x128x16xf32, #tpu.memory_space<vmem>> -> memref<1x128x16xf32, #tpu.memory_space<vmem>>
    %dma_start3A_59 = tpu.memref_squeeze %dma_start3A_58 : memref<1x128x16xf32, #tpu.memory_space<vmem>> -> memref<128x16xf32, #tpu.memory_space<vmem>>
    %dma_start3A_60 = arith.constant 0 : i32
    %dma_start3A_61 = tpu.memref_slice %arg8[%dma_start3A_54, %dma_start3A_60] : memref<42x128xi32, #tpu.memory_space<vmem>> -> memref<1x128xi32, #tpu.memory_space<vmem>>
    %dma_start3A_62 = tpu.memref_squeeze %dma_start3A_61 : memref<1x128xi32, #tpu.memory_space<vmem>> -> memref<128xi32, #tpu.memory_space<vmem>>
    %dma_start3A_63 = arith.constant 0 : i32
    %dma_start3A_64 = arith.constant 0 : i32
    %dma_start3A_65 = tpu.memref_slice %arg3[%dma_start3A_63, %dma_start3A_64] : memref<10240x16xf32, #tpu.memory_space<hbm>> -> memref<10240x16xf32, #tpu.memory_space<hbm>>
    tpu.enqueue_indirect_dma source(%dma_start3A_65 : memref<10240x16xf32, #tpu.memory_space<hbm>>) target(%dma_start3A_59 : memref<128x16xf32, #tpu.memory_space<vmem>>) offsets(%dma_start3A_62 : memref<128xi32, #tpu.memory_space<vmem>>) semaphore(%arg17 : memref<!tpu.dma_semaphore, #tpu.memory_space<semaphore_mem>>)
    %dma_wait3A = arith.constant 0 : i32
    %dma_wait3A_66 = arith.constant 0 : i32
    %dma_wait3A_67 = arith.constant 0 : i32
    %dma_wait3A_68 = arith.constant 0 : i32
    %dma_wait3A_69 = tpu.memref_slice %arg9[%dma_wait3A_66, %dma_wait3A_67, %dma_wait3A_68] : memref<2x128x80xf32, #tpu.memory_space<vmem>> -> memref<1x128x80xf32, #tpu.memory_space<vmem>>
    %dma_wait3A_70 = tpu.memref_squeeze %dma_wait3A_69 : memref<1x128x80xf32, #tpu.memory_space<vmem>> -> memref<128x80xf32, #tpu.memory_space<vmem>>
    %dma_wait3A_71 = arith.constant 0 : i32
    %dma_wait3A_72 = tpu.memref_slice %arg7[%dma_wait3A, %dma_wait3A_71] : memref<42x128xi32, #tpu.memory_space<vmem>> -> memref<1x128xi32, #tpu.memory_space<vmem>>
    %dma_wait3A_73 = tpu.memref_squeeze %dma_wait3A_72 : memref<1x128xi32, #tpu.memory_space<vmem>> -> memref<128xi32, #tpu.memory_space<vmem>>
    %dma_wait3A_74 = arith.constant 0 : i32
    %dma_wait3A_75 = arith.constant 0 : i32
    %dma_wait3A_76 = tpu.memref_slice %arg2[%dma_wait3A_74, %dma_wait3A_75] : memref<10240x80xf32, #tpu.memory_space<hbm>> -> memref<10240x80xf32, #tpu.memory_space<hbm>>
    tpu.wait_indirect_dma semaphore(%arg13 : memref<!tpu.dma_semaphore, #tpu.memory_space<semaphore_mem>>) src(%dma_wait3A_76 : memref<10240x80xf32, #tpu.memory_space<hbm>>) dst(%dma_wait3A_70 : memref<128x80xf32, #tpu.memory_space<vmem>>)
    %dma_wait3A_77 = arith.constant 0 : i32
    %dma_wait3A_78 = arith.constant 0 : i32
    %dma_wait3A_79 = arith.constant 0 : i32
    %dma_wait3A_80 = arith.constant 0 : i32
    %dma_wait3A_81 = tpu.memref_slice %arg10[%dma_wait3A_78, %dma_wait3A_79, %dma_wait3A_80] : memref<2x128x16xf32, #tpu.memory_space<vmem>> -> memref<1x128x16xf32, #tpu.memory_space<vmem>>
    %dma_wait3A_82 = tpu.memref_squeeze %dma_wait3A_81 : memref<1x128x16xf32, #tpu.memory_space<vmem>> -> memref<128x16xf32, #tpu.memory_space<vmem>>
    %dma_wait3A_83 = arith.constant 0 : i32
    %dma_wait3A_84 = tpu.memref_slice %arg8[%dma_wait3A_77, %dma_wait3A_83] : memref<42x128xi32, #tpu.memory_space<vmem>> -> memref<1x128xi32, #tpu.memory_space<vmem>>
    %dma_wait3A_85 = tpu.memref_squeeze %dma_wait3A_84 : memref<1x128xi32, #tpu.memory_space<vmem>> -> memref<128xi32, #tpu.memory_space<vmem>>
    %dma_wait3A_86 = arith.constant 0 : i32
    %dma_wait3A_87 = arith.constant 0 : i32
    %dma_wait3A_88 = tpu.memref_slice %arg3[%dma_wait3A_86, %dma_wait3A_87] : memref<10240x16xf32, #tpu.memory_space<hbm>> -> memref<10240x16xf32, #tpu.memory_space<hbm>>
    tpu.wait_indirect_dma semaphore(%arg14 : memref<!tpu.dma_semaphore, #tpu.memory_space<semaphore_mem>>) src(%dma_wait3A_88 : memref<10240x16xf32, #tpu.memory_space<hbm>>) dst(%dma_wait3A_82 : memref<128x16xf32, #tpu.memory_space<vmem>>)
    %parallel_loop3A = arith.constant 0 : i32
    %parallel_loop3A_89 = arith.constant 128 : i32
    %parallel_loop3A_90 = arith.constant 1 : i32
    scf.for %parallel_loop3A_331 = %parallel_loop3A to %parallel_loop3A_89 step %parallel_loop3A_90  : i32 {
      %parallel_loop3A_332 = arith.constant 0 : i32
      %parallel_loop3A_333 = arith.index_cast %parallel_loop3A_332 : i32 to index
      %parallel_loop3A_334 = arith.index_cast %parallel_loop3A_331 : i32 to index
      %parallel_loop3A_335 = arith.constant 0 : index
      %parallel_loop3A_336 = tpu.vector_load %arg9[%parallel_loop3A_333, %parallel_loop3A_334, %parallel_loop3A_335] {strides = array<i32>} : memref<2x128x80xf32, #tpu.memory_space<vmem>>, vector<1x1x16xf32>,
      %parallel_loop3A_337 = vector.shape_cast %parallel_loop3A_336 : vector<1x1x16xf32> to vector<16xf32>
      %parallel_loop3A_338 = arith.constant 0 : i32
      %parallel_loop3A_339 = arith.index_cast %parallel_loop3A_338 : i32 to index
      %parallel_loop3A_340 = arith.index_cast %parallel_loop3A_331 : i32 to index
      %parallel_loop3A_341 = arith.constant 0 : index
      %parallel_loop3A_342 = tpu.vector_load %arg10[%parallel_loop3A_339, %parallel_loop3A_340, %parallel_loop3A_341] {strides = array<i32>} : memref<2x128x16xf32, #tpu.memory_space<vmem>>, vector<1x1x16xf32>,
      %parallel_loop3A_343 = vector.shape_cast %parallel_loop3A_342 : vector<1x1x16xf32> to vector<16xf32>
      %parallel_loop3A_344 = arith.addf %parallel_loop3A_337, %parallel_loop3A_343 : vector<16xf32>
      %parallel_loop3A_345 = arith.constant 2.000000e-01 : f32
      %parallel_loop3A_346 = vector.broadcast %parallel_loop3A_345 : f32 to vector<16xf32>
      %parallel_loop3A_347 = arith.mulf %parallel_loop3A_346, %parallel_loop3A_344 : vector<16xf32>
      %parallel_loop3A_348 = arith.maximumf %parallel_loop3A_344, %parallel_loop3A_347 : vector<16xf32>
      %parallel_loop3A_349 = math.exp %parallel_loop3A_348 : vector<16xf32>
      %parallel_loop3A_350 = arith.constant 0 : i32
      %parallel_loop3A_351 = arith.index_cast %parallel_loop3A_350 : i32 to index
      %parallel_loop3A_352 = arith.index_cast %parallel_loop3A_331 : i32 to index
      %parallel_loop3A_353 = arith.constant 0 : index
      %parallel_loop3A_354 = tpu.vector_load %arg11[%parallel_loop3A_351, %parallel_loop3A_352, %parallel_loop3A_353] {strides = array<i32>} : memref<2x128x80xf32, #tpu.memory_space<vmem>>, vector<1x1x16xf32>,
      %parallel_loop3A_355 = vector.shape_cast %parallel_loop3A_354 : vector<1x1x16xf32> to vector<16xf32>
      %parallel_loop3A_356 = vector.shape_cast %parallel_loop3A_349 : vector<16xf32> to vector<1x1x16xf32>
      tpu.vector_store %arg11[%parallel_loop3A_351, %parallel_loop3A_352, %parallel_loop3A_353], %parallel_loop3A_356 {strides = array<i32>} : memref<2x128x80xf32, #tpu.memory_space<vmem>>, vector<1x1x16xf32>,
      %parallel_loop3A_357 = arith.constant 0 : i32
      %parallel_loop3A_358 = arith.index_cast %parallel_loop3A_357 : i32 to index
      %parallel_loop3A_359 = arith.index_cast %parallel_loop3A_331 : i32 to index
      %parallel_loop3A_360 = arith.constant 16 : index
      %parallel_loop3A_361 = tpu.vector_load %arg9[%parallel_loop3A_358, %parallel_loop3A_359, %parallel_loop3A_360] {strides = array<i32>} : memref<2x128x80xf32, #tpu.memory_space<vmem>>, vector<1x1x16xf32>,
      %parallel_loop3A_362 = vector.shape_cast %parallel_loop3A_361 : vector<1x1x16xf32> to vector<16xf32>
      %parallel_loop3A_363 = arith.mulf %parallel_loop3A_362, %parallel_loop3A_349 : vector<16xf32>
      %parallel_loop3A_364 = arith.constant 0 : i32
      %parallel_loop3A_365 = arith.index_cast %parallel_loop3A_364 : i32 to index
      %parallel_loop3A_366 = arith.index_cast %parallel_loop3A_331 : i32 to index
      %parallel_loop3A_367 = arith.constant 16 : index
      %parallel_loop3A_368 = tpu.vector_load %arg11[%parallel_loop3A_365, %parallel_loop3A_366, %parallel_loop3A_367] {strides = array<i32>} : memref<2x128x80xf32, #tpu.memory_space<vmem>>, vector<1x1x16xf32>,
      %parallel_loop3A_369 = vector.shape_cast %parallel_loop3A_368 : vector<1x1x16xf32> to vector<16xf32>
      %parallel_loop3A_370 = vector.shape_cast %parallel_loop3A_363 : vector<16xf32> to vector<1x1x16xf32>
      tpu.vector_store %arg11[%parallel_loop3A_365, %parallel_loop3A_366, %parallel_loop3A_367], %parallel_loop3A_370 {strides = array<i32>} : memref<2x128x80xf32, #tpu.memory_space<vmem>>, vector<1x1x16xf32>,
      %parallel_loop3A_371 = arith.constant 0 : i32
      %parallel_loop3A_372 = arith.index_cast %parallel_loop3A_371 : i32 to index
      %parallel_loop3A_373 = arith.index_cast %parallel_loop3A_331 : i32 to index
      %parallel_loop3A_374 = arith.constant 32 : index
      %parallel_loop3A_375 = tpu.vector_load %arg9[%parallel_loop3A_372, %parallel_loop3A_373, %parallel_loop3A_374] {strides = array<i32>} : memref<2x128x80xf32, #tpu.memory_space<vmem>>, vector<1x1x16xf32>,
      %parallel_loop3A_376 = vector.shape_cast %parallel_loop3A_375 : vector<1x1x16xf32> to vector<16xf32>
      %parallel_loop3A_377 = arith.mulf %parallel_loop3A_376, %parallel_loop3A_349 : vector<16xf32>
      %parallel_loop3A_378 = arith.constant 0 : i32
      %parallel_loop3A_379 = arith.index_cast %parallel_loop3A_378 : i32 to index
      %parallel_loop3A_380 = arith.index_cast %parallel_loop3A_331 : i32 to index
      %parallel_loop3A_381 = arith.constant 32 : index
      %parallel_loop3A_382 = tpu.vector_load %arg11[%parallel_loop3A_379, %parallel_loop3A_380, %parallel_loop3A_381] {strides = array<i32>} : memref<2x128x80xf32, #tpu.memory_space<vmem>>, vector<1x1x16xf32>,
      %parallel_loop3A_383 = vector.shape_cast %parallel_loop3A_382 : vector<1x1x16xf32> to vector<16xf32>
      %parallel_loop3A_384 = vector.shape_cast %parallel_loop3A_377 : vector<16xf32> to vector<1x1x16xf32>
      tpu.vector_store %arg11[%parallel_loop3A_379, %parallel_loop3A_380, %parallel_loop3A_381], %parallel_loop3A_384 {strides = array<i32>} : memref<2x128x80xf32, #tpu.memory_space<vmem>>, vector<1x1x16xf32>,
      %parallel_loop3A_385 = arith.constant 0 : i32
      %parallel_loop3A_386 = arith.index_cast %parallel_loop3A_385 : i32 to index
      %parallel_loop3A_387 = arith.index_cast %parallel_loop3A_331 : i32 to index
      %parallel_loop3A_388 = arith.constant 48 : index
      %parallel_loop3A_389 = tpu.vector_load %arg9[%parallel_loop3A_386, %parallel_loop3A_387, %parallel_loop3A_388] {strides = array<i32>} : memref<2x128x80xf32, #tpu.memory_space<vmem>>, vector<1x1x16xf32>,
      %parallel_loop3A_390 = vector.shape_cast %parallel_loop3A_389 : vector<1x1x16xf32> to vector<16xf32>
      %parallel_loop3A_391 = arith.mulf %parallel_loop3A_390, %parallel_loop3A_349 : vector<16xf32>
      %parallel_loop3A_392 = arith.constant 0 : i32
      %parallel_loop3A_393 = arith.index_cast %parallel_loop3A_392 : i32 to index
      %parallel_loop3A_394 = arith.index_cast %parallel_loop3A_331 : i32 to index
      %parallel_loop3A_395 = arith.constant 48 : index
      %parallel_loop3A_396 = tpu.vector_load %arg11[%parallel_loop3A_393, %parallel_loop3A_394, %parallel_loop3A_395] {strides = array<i32>} : memref<2x128x80xf32, #tpu.memory_space<vmem>>, vector<1x1x16xf32>,
      %parallel_loop3A_397 = vector.shape_cast %parallel_loop3A_396 : vector<1x1x16xf32> to vector<16xf32>
      %parallel_loop3A_398 = vector.shape_cast %parallel_loop3A_391 : vector<16xf32> to vector<1x1x16xf32>
      tpu.vector_store %arg11[%parallel_loop3A_393, %parallel_loop3A_394, %parallel_loop3A_395], %parallel_loop3A_398 {strides = array<i32>} : memref<2x128x80xf32, #tpu.memory_space<vmem>>, vector<1x1x16xf32>,
      %parallel_loop3A_399 = arith.constant 0 : i32
      %parallel_loop3A_400 = arith.index_cast %parallel_loop3A_399 : i32 to index
      %parallel_loop3A_401 = arith.index_cast %parallel_loop3A_331 : i32 to index
      %parallel_loop3A_402 = arith.constant 64 : index
      %parallel_loop3A_403 = tpu.vector_load %arg9[%parallel_loop3A_400, %parallel_loop3A_401, %parallel_loop3A_402] {strides = array<i32>} : memref<2x128x80xf32, #tpu.memory_space<vmem>>, vector<1x1x16xf32>,
      %parallel_loop3A_404 = vector.shape_cast %parallel_loop3A_403 : vector<1x1x16xf32> to vector<16xf32>
      %parallel_loop3A_405 = arith.mulf %parallel_loop3A_404, %parallel_loop3A_349 : vector<16xf32>
      %parallel_loop3A_406 = arith.constant 0 : i32
      %parallel_loop3A_407 = arith.index_cast %parallel_loop3A_406 : i32 to index
      %parallel_loop3A_408 = arith.index_cast %parallel_loop3A_331 : i32 to index
      %parallel_loop3A_409 = arith.constant 64 : index
      %parallel_loop3A_410 = tpu.vector_load %arg11[%parallel_loop3A_407, %parallel_loop3A_408, %parallel_loop3A_409] {strides = array<i32>} : memref<2x128x80xf32, #tpu.memory_space<vmem>>, vector<1x1x16xf32>,
      %parallel_loop3A_411 = vector.shape_cast %parallel_loop3A_410 : vector<1x1x16xf32> to vector<16xf32>
      %parallel_loop3A_412 = vector.shape_cast %parallel_loop3A_405 : vector<16xf32> to vector<1x1x16xf32>
      tpu.vector_store %arg11[%parallel_loop3A_407, %parallel_loop3A_408, %parallel_loop3A_409], %parallel_loop3A_412 {strides = array<i32>} : memref<2x128x80xf32, #tpu.memory_space<vmem>>, vector<1x1x16xf32>,
    } {sc.loop_unroll_factor = 4 : i64, sc.parallel_access}
    %dma_start3A_91 = arith.constant 0 : i32
    %dma_start3A_92 = arith.constant 0 : i32
    %dma_start3A_93 = arith.constant 0 : i32
    %dma_start3A_94 = arith.constant 0 : i32
    %dma_start3A_95 = tpu.memref_slice %arg11[%dma_start3A_91, %dma_start3A_93, %dma_start3A_94] : memref<2x128x80xf32, #tpu.memory_space<vmem>> -> memref<1x128x80xf32, #tpu.memory_space<vmem>>
    %dma_start3A_96 = tpu.memref_squeeze %dma_start3A_95 : memref<1x128x80xf32, #tpu.memory_space<vmem>> -> memref<128x80xf32, #tpu.memory_space<vmem>>
    %dma_start3A_97 = arith.constant 0 : i32
    %dma_start3A_98 = tpu.memref_slice %arg8[%dma_start3A_92, %dma_start3A_97] : memref<42x128xi32, #tpu.memory_space<vmem>> -> memref<1x128xi32, #tpu.memory_space<vmem>>
    %dma_start3A_99 = tpu.memref_squeeze %dma_start3A_98 : memref<1x128xi32, #tpu.memory_space<vmem>> -> memref<128xi32, #tpu.memory_space<vmem>>
    %dma_start3A_100 = arith.constant 0 : i32
    %dma_start3A_101 = arith.constant 0 : i32
    %dma_start3A_102 = tpu.memref_slice %arg12[%dma_start3A_100, %dma_start3A_101] : memref<10240x80xf32, #tpu.memory_space<vmem_shared>> -> memref<10240x80xf32, #tpu.memory_space<vmem_shared>>
    tpu.enqueue_indirect_dma source(%dma_start3A_96 : memref<128x80xf32, #tpu.memory_space<vmem>>) target(%dma_start3A_102 : memref<10240x80xf32, #tpu.memory_space<vmem_shared>>) offsets(%dma_start3A_99 : memref<128xi32, #tpu.memory_space<vmem>>) semaphore(%arg15 : memref<!tpu.dma_semaphore, #tpu.memory_space<semaphore_mem>>) {add = true}
    %dma_start3A_103 = arith.constant 2 : i32
    %dma_start3A_104 = arith.constant 0 : i32
    %dma_start3A_105 = arith.constant 0 : i32
    %dma_start3A_106 = arith.constant 0 : i32
    %dma_start3A_107 = tpu.memref_slice %arg9[%dma_start3A_104, %dma_start3A_105, %dma_start3A_106] : memref<2x128x80xf32, #tpu.memory_space<vmem>> -> memref<1x128x80xf32, #tpu.memory_space<vmem>>
    %dma_start3A_108 = tpu.memref_squeeze %dma_start3A_107 : memref<1x128x80xf32, #tpu.memory_space<vmem>> -> memref<128x80xf32, #tpu.memory_space<vmem>>
    %dma_start3A_109 = arith.constant 0 : i32
    %dma_start3A_110 = tpu.memref_slice %arg7[%dma_start3A_103, %dma_start3A_109] : memref<42x128xi32, #tpu.memory_space<vmem>> -> memref<1x128xi32, #tpu.memory_space<vmem>>
    %dma_start3A_111 = tpu.memref_squeeze %dma_start3A_110 : memref<1x128xi32, #tpu.memory_space<vmem>> -> memref<128xi32, #tpu.memory_space<vmem>>
    %dma_start3A_112 = arith.constant 0 : i32
    %dma_start3A_113 = arith.constant 0 : i32
    %dma_start3A_114 = tpu.memref_slice %arg2[%dma_start3A_112, %dma_start3A_113] : memref<10240x80xf32, #tpu.memory_space<hbm>> -> memref<10240x80xf32, #tpu.memory_space<hbm>>
    tpu.enqueue_indirect_dma source(%dma_start3A_114 : memref<10240x80xf32, #tpu.memory_space<hbm>>) target(%dma_start3A_108 : memref<128x80xf32, #tpu.memory_space<vmem>>) offsets(%dma_start3A_111 : memref<128xi32, #tpu.memory_space<vmem>>) semaphore(%arg13 : memref<!tpu.dma_semaphore, #tpu.memory_space<semaphore_mem>>)
    %dma_start3A_115 = arith.constant 2 : i32
    %dma_start3A_116 = arith.constant 0 : i32
    %dma_start3A_117 = arith.constant 0 : i32
    %dma_start3A_118 = arith.constant 0 : i32
    %dma_start3A_119 = tpu.memref_slice %arg10[%dma_start3A_116, %dma_start3A_117, %dma_start3A_118] : memref<2x128x16xf32, #tpu.memory_space<vmem>> -> memref<1x128x16xf32, #tpu.memory_space<vmem>>
    %dma_start3A_120 = tpu.memref_squeeze %dma_start3A_119 : memref<1x128x16xf32, #tpu.memory_space<vmem>> -> memref<128x16xf32, #tpu.memory_space<vmem>>
    %dma_start3A_121 = arith.constant 0 : i32
    %dma_start3A_122 = tpu.memref_slice %arg8[%dma_start3A_115, %dma_start3A_121] : memref<42x128xi32, #tpu.memory_space<vmem>> -> memref<1x128xi32, #tpu.memory_space<vmem>>
    %dma_start3A_123 = tpu.memref_squeeze %dma_start3A_122 : memref<1x128xi32, #tpu.memory_space<vmem>> -> memref<128xi32, #tpu.memory_space<vmem>>
    %dma_start3A_124 = arith.constant 0 : i32
    %dma_start3A_125 = arith.constant 0 : i32
    %dma_start3A_126 = tpu.memref_slice %arg3[%dma_start3A_124, %dma_start3A_125] : memref<10240x16xf32, #tpu.memory_space<hbm>> -> memref<10240x16xf32, #tpu.memory_space<hbm>>
    tpu.enqueue_indirect_dma source(%dma_start3A_126 : memref<10240x16xf32, #tpu.memory_space<hbm>>) target(%dma_start3A_120 : memref<128x16xf32, #tpu.memory_space<vmem>>) offsets(%dma_start3A_123 : memref<128xi32, #tpu.memory_space<vmem>>) semaphore(%arg14 : memref<!tpu.dma_semaphore, #tpu.memory_space<semaphore_mem>>)
    %dma_wait3A_127 = arith.constant 1 : i32
    %dma_wait3A_128 = arith.constant 1 : i32
    %dma_wait3A_129 = arith.constant 0 : i32
    %dma_wait3A_130 = arith.constant 0 : i32
    %dma_wait3A_131 = tpu.memref_slice %arg9[%dma_wait3A_128, %dma_wait3A_129, %dma_wait3A_130] : memref<2x128x80xf32, #tpu.memory_space<vmem>> -> memref<1x128x80xf32, #tpu.memory_space<vmem>>
    %dma_wait3A_132 = tpu.memref_squeeze %dma_wait3A_131 : memref<1x128x80xf32, #tpu.memory_space<vmem>> -> memref<128x80xf32, #tpu.memory_space<vmem>>
    %dma_wait3A_133 = arith.constant 0 : i32
    %dma_wait3A_134 = tpu.memref_slice %arg7[%dma_wait3A_127, %dma_wait3A_133] : memref<42x128xi32, #tpu.memory_space<vmem>> -> memref<1x128xi32, #tpu.memory_space<vmem>>
    %dma_wait3A_135 = tpu.memref_squeeze %dma_wait3A_134 : memref<1x128xi32, #tpu.memory_space<vmem>> -> memref<128xi32, #tpu.memory_space<vmem>>
    %dma_wait3A_136 = arith.constant 0 : i32
    %dma_wait3A_137 = arith.constant 0 : i32
    %dma_wait3A_138 = tpu.memref_slice %arg2[%dma_wait3A_136, %dma_wait3A_137] : memref<10240x80xf32, #tpu.memory_space<hbm>> -> memref<10240x80xf32, #tpu.memory_space<hbm>>
    tpu.wait_indirect_dma semaphore(%arg16 : memref<!tpu.dma_semaphore, #tpu.memory_space<semaphore_mem>>) src(%dma_wait3A_138 : memref<10240x80xf32, #tpu.memory_space<hbm>>) dst(%dma_wait3A_132 : memref<128x80xf32, #tpu.memory_space<vmem>>)
    %dma_wait3A_139 = arith.constant 1 : i32
    %dma_wait3A_140 = arith.constant 1 : i32
    %dma_wait3A_141 = arith.constant 0 : i32
    %dma_wait3A_142 = arith.constant 0 : i32
    %dma_wait3A_143 = tpu.memref_slice %arg10[%dma_wait3A_140, %dma_wait3A_141, %dma_wait3A_142] : memref<2x128x16xf32, #tpu.memory_space<vmem>> -> memref<1x128x16xf32, #tpu.memory_space<vmem>>
    %dma_wait3A_144 = tpu.memref_squeeze %dma_wait3A_143 : memref<1x128x16xf32, #tpu.memory_space<vmem>> -> memref<128x16xf32, #tpu.memory_space<vmem>>
    %dma_wait3A_145 = arith.constant 0 : i32
    %dma_wait3A_146 = tpu.memref_slice %arg8[%dma_wait3A_139, %dma_wait3A_145] : memref<42x128xi32, #tpu.memory_space<vmem>> -> memref<1x128xi32, #tpu.memory_space<vmem>>
    %dma_wait3A_147 = tpu.memref_squeeze %dma_wait3A_146 : memref<1x128xi32, #tpu.memory_space<vmem>> -> memref<128xi32, #tpu.memory_space<vmem>>
    %dma_wait3A_148 = arith.constant 0 : i32
    %dma_wait3A_149 = arith.constant 0 : i32
    %dma_wait3A_150 = tpu.memref_slice %arg3[%dma_wait3A_148, %dma_wait3A_149] : memref<10240x16xf32, #tpu.memory_space<hbm>> -> memref<10240x16xf32, #tpu.memory_space<hbm>>
    tpu.wait_indirect_dma semaphore(%arg17 : memref<!tpu.dma_semaphore, #tpu.memory_space<semaphore_mem>>) src(%dma_wait3A_150 : memref<10240x16xf32, #tpu.memory_space<hbm>>) dst(%dma_wait3A_144 : memref<128x16xf32, #tpu.memory_space<vmem>>)
    %parallel_loop3A_151 = arith.constant 0 : i32
    %parallel_loop3A_152 = arith.constant 128 : i32
    %parallel_loop3A_153 = arith.constant 1 : i32
    scf.for %parallel_loop3A_331 = %parallel_loop3A_151 to %parallel_loop3A_152 step %parallel_loop3A_153  : i32 {
      %parallel_loop3A_332 = arith.constant 1 : i32
      %parallel_loop3A_333 = arith.index_cast %parallel_loop3A_332 : i32 to index
      %parallel_loop3A_334 = arith.index_cast %parallel_loop3A_331 : i32 to index
      %parallel_loop3A_335 = arith.constant 0 : index
      %parallel_loop3A_336 = tpu.vector_load %arg9[%parallel_loop3A_333, %parallel_loop3A_334, %parallel_loop3A_335] {strides = array<i32>} : memref<2x128x80xf32, #tpu.memory_space<vmem>>, vector<1x1x16xf32>,
      %parallel_loop3A_337 = vector.shape_cast %parallel_loop3A_336 : vector<1x1x16xf32> to vector<16xf32>
      %parallel_loop3A_338 = arith.constant 1 : i32
      %parallel_loop3A_339 = arith.index_cast %parallel_loop3A_338 : i32 to index
      %parallel_loop3A_340 = arith.index_cast %parallel_loop3A_331 : i32 to index
      %parallel_loop3A_341 = arith.constant 0 : index
      %parallel_loop3A_342 = tpu.vector_load %arg10[%parallel_loop3A_339, %parallel_loop3A_340, %parallel_loop3A_341] {strides = array<i32>} : memref<2x128x16xf32, #tpu.memory_space<vmem>>, vector<1x1x16xf32>,
      %parallel_loop3A_343 = vector.shape_cast %parallel_loop3A_342 : vector<1x1x16xf32> to vector<16xf32>
      %parallel_loop3A_344 = arith.addf %parallel_loop3A_337, %parallel_loop3A_343 : vector<16xf32>
      %parallel_loop3A_345 = arith.constant 2.000000e-01 : f32
      %parallel_loop3A_346 = vector.broadcast %parallel_loop3A_345 : f32 to vector<16xf32>
      %parallel_loop3A_347 = arith.mulf %parallel_loop3A_346, %parallel_loop3A_344 : vector<16xf32>
      %parallel_loop3A_348 = arith.maximumf %parallel_loop3A_344, %parallel_loop3A_347 : vector<16xf32>
      %parallel_loop3A_349 = math.exp %parallel_loop3A_348 : vector<16xf32>
      %parallel_loop3A_350 = arith.constant 1 : i32
      %parallel_loop3A_351 = arith.index_cast %parallel_loop3A_350 : i32 to index
      %parallel_loop3A_352 = arith.index_cast %parallel_loop3A_331 : i32 to index
      %parallel_loop3A_353 = arith.constant 0 : index
      %parallel_loop3A_354 = tpu.vector_load %arg11[%parallel_loop3A_351, %parallel_loop3A_352, %parallel_loop3A_353] {strides = array<i32>} : memref<2x128x80xf32, #tpu.memory_space<vmem>>, vector<1x1x16xf32>,
      %parallel_loop3A_355 = vector.shape_cast %parallel_loop3A_354 : vector<1x1x16xf32> to vector<16xf32>
      %parallel_loop3A_356 = vector.shape_cast %parallel_loop3A_349 : vector<16xf32> to vector<1x1x16xf32>
      tpu.vector_store %arg11[%parallel_loop3A_351, %parallel_loop3A_352, %parallel_loop3A_353], %parallel_loop3A_356 {strides = array<i32>} : memref<2x128x80xf32, #tpu.memory_space<vmem>>, vector<1x1x16xf32>,
      %parallel_loop3A_357 = arith.constant 1 : i32
      %parallel_loop3A_358 = arith.index_cast %parallel_loop3A_357 : i32 to index
      %parallel_loop3A_359 = arith.index_cast %parallel_loop3A_331 : i32 to index
      %parallel_loop3A_360 = arith.constant 16 : index
      %parallel_loop3A_361 = tpu.vector_load %arg9[%parallel_loop3A_358, %parallel_loop3A_359, %parallel_loop3A_360] {strides = array<i32>} : memref<2x128x80xf32, #tpu.memory_space<vmem>>, vector<1x1x16xf32>,
      %parallel_loop3A_362 = vector.shape_cast %parallel_loop3A_361 : vector<1x1x16xf32> to vector<16xf32>
      %parallel_loop3A_363 = arith.mulf %parallel_loop3A_362, %parallel_loop3A_349 : vector<16xf32>
      %parallel_loop3A_364 = arith.constant 1 : i32
      %parallel_loop3A_365 = arith.index_cast %parallel_loop3A_364 : i32 to index
      %parallel_loop3A_366 = arith.index_cast %parallel_loop3A_331 : i32 to index
      %parallel_loop3A_367 = arith.constant 16 : index
      %parallel_loop3A_368 = tpu.vector_load %arg11[%parallel_loop3A_365, %parallel_loop3A_366, %parallel_loop3A_367] {strides = array<i32>} : memref<2x128x80xf32, #tpu.memory_space<vmem>>, vector<1x1x16xf32>,
      %parallel_loop3A_369 = vector.shape_cast %parallel_loop3A_368 : vector<1x1x16xf32> to vector<16xf32>
      %parallel_loop3A_370 = vector.shape_cast %parallel_loop3A_363 : vector<16xf32> to vector<1x1x16xf32>
      tpu.vector_store %arg11[%parallel_loop3A_365, %parallel_loop3A_366, %parallel_loop3A_367], %parallel_loop3A_370 {strides = array<i32>} : memref<2x128x80xf32, #tpu.memory_space<vmem>>, vector<1x1x16xf32>,
      %parallel_loop3A_371 = arith.constant 1 : i32
      %parallel_loop3A_372 = arith.index_cast %parallel_loop3A_371 : i32 to index
      %parallel_loop3A_373 = arith.index_cast %parallel_loop3A_331 : i32 to index
      %parallel_loop3A_374 = arith.constant 32 : index
      %parallel_loop3A_375 = tpu.vector_load %arg9[%parallel_loop3A_372, %parallel_loop3A_373, %parallel_loop3A_374] {strides = array<i32>} : memref<2x128x80xf32, #tpu.memory_space<vmem>>, vector<1x1x16xf32>,
      %parallel_loop3A_376 = vector.shape_cast %parallel_loop3A_375 : vector<1x1x16xf32> to vector<16xf32>
      %parallel_loop3A_377 = arith.mulf %parallel_loop3A_376, %parallel_loop3A_349 : vector<16xf32>
      %parallel_loop3A_378 = arith.constant 1 : i32
      %parallel_loop3A_379 = arith.index_cast %parallel_loop3A_378 : i32 to index
      %parallel_loop3A_380 = arith.index_cast %parallel_loop3A_331 : i32 to index
      %parallel_loop3A_381 = arith.constant 32 : index
      %parallel_loop3A_382 = tpu.vector_load %arg11[%parallel_loop3A_379, %parallel_loop3A_380, %parallel_loop3A_381] {strides = array<i32>} : memref<2x128x80xf32, #tpu.memory_space<vmem>>, vector<1x1x16xf32>,
      %parallel_loop3A_383 = vector.shape_cast %parallel_loop3A_382 : vector<1x1x16xf32> to vector<16xf32>
      %parallel_loop3A_384 = vector.shape_cast %parallel_loop3A_377 : vector<16xf32> to vector<1x1x16xf32>
      tpu.vector_store %arg11[%parallel_loop3A_379, %parallel_loop3A_380, %parallel_loop3A_381], %parallel_loop3A_384 {strides = array<i32>} : memref<2x128x80xf32, #tpu.memory_space<vmem>>, vector<1x1x16xf32>,
      %parallel_loop3A_385 = arith.constant 1 : i32
      %parallel_loop3A_386 = arith.index_cast %parallel_loop3A_385 : i32 to index
      %parallel_loop3A_387 = arith.index_cast %parallel_loop3A_331 : i32 to index
      %parallel_loop3A_388 = arith.constant 48 : index
      %parallel_loop3A_389 = tpu.vector_load %arg9[%parallel_loop3A_386, %parallel_loop3A_387, %parallel_loop3A_388] {strides = array<i32>} : memref<2x128x80xf32, #tpu.memory_space<vmem>>, vector<1x1x16xf32>,
      %parallel_loop3A_390 = vector.shape_cast %parallel_loop3A_389 : vector<1x1x16xf32> to vector<16xf32>
      %parallel_loop3A_391 = arith.mulf %parallel_loop3A_390, %parallel_loop3A_349 : vector<16xf32>
      %parallel_loop3A_392 = arith.constant 1 : i32
      %parallel_loop3A_393 = arith.index_cast %parallel_loop3A_392 : i32 to index
      %parallel_loop3A_394 = arith.index_cast %parallel_loop3A_331 : i32 to index
      %parallel_loop3A_395 = arith.constant 48 : index
      %parallel_loop3A_396 = tpu.vector_load %arg11[%parallel_loop3A_393, %parallel_loop3A_394, %parallel_loop3A_395] {strides = array<i32>} : memref<2x128x80xf32, #tpu.memory_space<vmem>>, vector<1x1x16xf32>,
      %parallel_loop3A_397 = vector.shape_cast %parallel_loop3A_396 : vector<1x1x16xf32> to vector<16xf32>
      %parallel_loop3A_398 = vector.shape_cast %parallel_loop3A_391 : vector<16xf32> to vector<1x1x16xf32>
      tpu.vector_store %arg11[%parallel_loop3A_393, %parallel_loop3A_394, %parallel_loop3A_395], %parallel_loop3A_398 {strides = array<i32>} : memref<2x128x80xf32, #tpu.memory_space<vmem>>, vector<1x1x16xf32>,
      %parallel_loop3A_399 = arith.constant 1 : i32
      %parallel_loop3A_400 = arith.index_cast %parallel_loop3A_399 : i32 to index
      %parallel_loop3A_401 = arith.index_cast %parallel_loop3A_331 : i32 to index
      %parallel_loop3A_402 = arith.constant 64 : index
      %parallel_loop3A_403 = tpu.vector_load %arg9[%parallel_loop3A_400, %parallel_loop3A_401, %parallel_loop3A_402] {strides = array<i32>} : memref<2x128x80xf32, #tpu.memory_space<vmem>>, vector<1x1x16xf32>,
      %parallel_loop3A_404 = vector.shape_cast %parallel_loop3A_403 : vector<1x1x16xf32> to vector<16xf32>
      %parallel_loop3A_405 = arith.mulf %parallel_loop3A_404, %parallel_loop3A_349 : vector<16xf32>
      %parallel_loop3A_406 = arith.constant 1 : i32
      %parallel_loop3A_407 = arith.index_cast %parallel_loop3A_406 : i32 to index
      %parallel_loop3A_408 = arith.index_cast %parallel_loop3A_331 : i32 to index
      %parallel_loop3A_409 = arith.constant 64 : index
      %parallel_loop3A_410 = tpu.vector_load %arg11[%parallel_loop3A_407, %parallel_loop3A_408, %parallel_loop3A_409] {strides = array<i32>} : memref<2x128x80xf32, #tpu.memory_space<vmem>>, vector<1x1x16xf32>,
      %parallel_loop3A_411 = vector.shape_cast %parallel_loop3A_410 : vector<1x1x16xf32> to vector<16xf32>
      %parallel_loop3A_412 = vector.shape_cast %parallel_loop3A_405 : vector<16xf32> to vector<1x1x16xf32>
      tpu.vector_store %arg11[%parallel_loop3A_407, %parallel_loop3A_408, %parallel_loop3A_409], %parallel_loop3A_412 {strides = array<i32>} : memref<2x128x80xf32, #tpu.memory_space<vmem>>, vector<1x1x16xf32>,
    } {sc.loop_unroll_factor = 4 : i64, sc.parallel_access}
    %dma_start3A_154 = arith.constant 1 : i32
    %dma_start3A_155 = arith.constant 1 : i32
    %dma_start3A_156 = arith.constant 0 : i32
    %dma_start3A_157 = arith.constant 0 : i32
    %dma_start3A_158 = tpu.memref_slice %arg11[%dma_start3A_154, %dma_start3A_156, %dma_start3A_157] : memref<2x128x80xf32, #tpu.memory_space<vmem>> -> memref<1x128x80xf32, #tpu.memory_space<vmem>>
    %dma_start3A_159 = tpu.memref_squeeze %dma_start3A_158 : memref<1x128x80xf32, #tpu.memory_space<vmem>> -> memref<128x80xf32, #tpu.memory_space<vmem>>
    %dma_start3A_160 = arith.constant 0 : i32
    %dma_start3A_161 = tpu.memref_slice %arg8[%dma_start3A_155, %dma_start3A_160] : memref<42x128xi32, #tpu.memory_space<vmem>> -> memref<1x128xi32, #tpu.memory_space<vmem>>
    %dma_start3A_162 = tpu.memref_squeeze %dma_start3A_161 : memref<1x128xi32, #tpu.memory_space<vmem>> -> memref<128xi32, #tpu.memory_space<vmem>>
    %dma_start3A_163 = arith.constant 0 : i32
    %dma_start3A_164 = arith.constant 0 : i32
    %dma_start3A_165 = tpu.memref_slice %arg12[%dma_start3A_163, %dma_start3A_164] : memref<10240x80xf32, #tpu.memory_space<vmem_shared>> -> memref<10240x80xf32, #tpu.memory_space<vmem_shared>>
    tpu.enqueue_indirect_dma source(%dma_start3A_159 : memref<128x80xf32, #tpu.memory_space<vmem>>) target(%dma_start3A_165 : memref<10240x80xf32, #tpu.memory_space<vmem_shared>>) offsets(%dma_start3A_162 : memref<128xi32, #tpu.memory_space<vmem>>) semaphore(%arg18 : memref<!tpu.dma_semaphore, #tpu.memory_space<semaphore_mem>>) {add = true}
    %dma_start3A_166 = arith.constant 3 : i32
    %dma_start3A_167 = arith.constant 1 : i32
    %dma_start3A_168 = arith.constant 0 : i32
    %dma_start3A_169 = arith.constant 0 : i32
    %dma_start3A_170 = tpu.memref_slice %arg9[%dma_start3A_167, %dma_start3A_168, %dma_start3A_169] : memref<2x128x80xf32, #tpu.memory_space<vmem>> -> memref<1x128x80xf32, #tpu.memory_space<vmem>>
    %dma_start3A_171 = tpu.memref_squeeze %dma_start3A_170 : memref<1x128x80xf32, #tpu.memory_space<vmem>> -> memref<128x80xf32, #tpu.memory_space<vmem>>
    %dma_start3A_172 = arith.constant 0 : i32
    %dma_start3A_173 = tpu.memref_slice %arg7[%dma_start3A_166, %dma_start3A_172] : memref<42x128xi32, #tpu.memory_space<vmem>> -> memref<1x128xi32, #tpu.memory_space<vmem>>
    %dma_start3A_174 = tpu.memref_squeeze %dma_start3A_173 : memref<1x128xi32, #tpu.memory_space<vmem>> -> memref<128xi32, #tpu.memory_space<vmem>>
    %dma_start3A_175 = arith.constant 0 : i32
    %dma_start3A_176 = arith.constant 0 : i32
    %dma_start3A_177 = tpu.memref_slice %arg2[%dma_start3A_175, %dma_start3A_176] : memref<10240x80xf32, #tpu.memory_space<hbm>> -> memref<10240x80xf32, #tpu.memory_space<hbm>>
    tpu.enqueue_indirect_dma source(%dma_start3A_177 : memref<10240x80xf32, #tpu.memory_space<hbm>>) target(%dma_start3A_171 : memref<128x80xf32, #tpu.memory_space<vmem>>) offsets(%dma_start3A_174 : memref<128xi32, #tpu.memory_space<vmem>>) semaphore(%arg16 : memref<!tpu.dma_semaphore, #tpu.memory_space<semaphore_mem>>)
    %dma_start3A_178 = arith.constant 3 : i32
    %dma_start3A_179 = arith.constant 1 : i32
    %dma_start3A_180 = arith.constant 0 : i32
    %dma_start3A_181 = arith.constant 0 : i32
    %dma_start3A_182 = tpu.memref_slice %arg10[%dma_start3A_179, %dma_start3A_180, %dma_start3A_181] : memref<2x128x16xf32, #tpu.memory_space<vmem>> -> memref<1x128x16xf32, #tpu.memory_space<vmem>>
    %dma_start3A_183 = tpu.memref_squeeze %dma_start3A_182 : memref<1x128x16xf32, #tpu.memory_space<vmem>> -> memref<128x16xf32, #tpu.memory_space<vmem>>
    %dma_start3A_184 = arith.constant 0 : i32
    %dma_start3A_185 = tpu.memref_slice %arg8[%dma_start3A_178, %dma_start3A_184] : memref<42x128xi32, #tpu.memory_space<vmem>> -> memref<1x128xi32, #tpu.memory_space<vmem>>
    %dma_start3A_186 = tpu.memref_squeeze %dma_start3A_185 : memref<1x128xi32, #tpu.memory_space<vmem>> -> memref<128xi32, #tpu.memory_space<vmem>>
    %dma_start3A_187 = arith.constant 0 : i32
    %dma_start3A_188 = arith.constant 0 : i32
    %dma_start3A_189 = tpu.memref_slice %arg3[%dma_start3A_187, %dma_start3A_188] : memref<10240x16xf32, #tpu.memory_space<hbm>> -> memref<10240x16xf32, #tpu.memory_space<hbm>>
    tpu.enqueue_indirect_dma source(%dma_start3A_189 : memref<10240x16xf32, #tpu.memory_space<hbm>>) target(%dma_start3A_183 : memref<128x16xf32, #tpu.memory_space<vmem>>) offsets(%dma_start3A_186 : memref<128xi32, #tpu.memory_space<vmem>>) semaphore(%arg17 : memref<!tpu.dma_semaphore, #tpu.memory_space<semaphore_mem>>)
    %scan3A_190 = arith.constant 0 : i32
    %scan3A_191 = arith.constant 1 : i32
    %scan3A_192 = arith.constant 19 : i32
    %scan3A_193 = arith.addi %scan3A_191, %scan3A_192 : i32
    %scan3A_194 = arith.constant 1 : i32
    %scan3A_195 = scf.for %scan3A_331 = %scan3A_191 to %scan3A_193 step %scan3A_194 iter_args(%scan3A_332 = %scan3A_190) -> (i32)  : i32 {
      %mul3A_333 = arith.constant 2 : i32
      %mul3A_334 = arith.muli %mul3A_333, %scan3A_331 : i32
      %add3A_335 = arith.constant 1 : i32
      %add3A_336 = arith.addi %mul3A_334, %add3A_335 : i32
      %dma_wait3A_337 = arith.constant 0 : i32
      %dma_wait3A_338 = arith.constant 0 : i32
      %dma_wait3A_339 = arith.constant 0 : i32
      %dma_wait3A_340 = tpu.memref_slice %arg9[%dma_wait3A_337, %dma_wait3A_338, %dma_wait3A_339] : memref<2x128x80xf32, #tpu.memory_space<vmem>> -> memref<1x128x80xf32, #tpu.memory_space<vmem>>
      %dma_wait3A_341 = tpu.memref_squeeze %dma_wait3A_340 : memref<1x128x80xf32, #tpu.memory_space<vmem>> -> memref<128x80xf32, #tpu.memory_space<vmem>>
      %dma_wait3A_342 = arith.constant 0 : i32
      %dma_wait3A_343 = tpu.memref_slice %arg7[%mul3A_334, %dma_wait3A_342] : memref<42x128xi32, #tpu.memory_space<vmem>> -> memref<1x128xi32, #tpu.memory_space<vmem>>
      %dma_wait3A_344 = tpu.memref_squeeze %dma_wait3A_343 : memref<1x128xi32, #tpu.memory_space<vmem>> -> memref<128xi32, #tpu.memory_space<vmem>>
      %dma_wait3A_345 = arith.constant 0 : i32
      %dma_wait3A_346 = arith.constant 0 : i32
      %dma_wait3A_347 = tpu.memref_slice %arg2[%dma_wait3A_345, %dma_wait3A_346] : memref<10240x80xf32, #tpu.memory_space<hbm>> -> memref<10240x80xf32, #tpu.memory_space<hbm>>
      tpu.wait_indirect_dma semaphore(%arg13 : memref<!tpu.dma_semaphore, #tpu.memory_space<semaphore_mem>>) src(%dma_wait3A_347 : memref<10240x80xf32, #tpu.memory_space<hbm>>) dst(%dma_wait3A_341 : memref<128x80xf32, #tpu.memory_space<vmem>>)
      %dma_wait3A_348 = arith.constant 0 : i32
      %dma_wait3A_349 = arith.constant 0 : i32
      %dma_wait3A_350 = arith.constant 0 : i32
      %dma_wait3A_351 = tpu.memref_slice %arg10[%dma_wait3A_348, %dma_wait3A_349, %dma_wait3A_350] : memref<2x128x16xf32, #tpu.memory_space<vmem>> -> memref<1x128x16xf32, #tpu.memory_space<vmem>>
      %dma_wait3A_352 = tpu.memref_squeeze %dma_wait3A_351 : memref<1x128x16xf32, #tpu.memory_space<vmem>> -> memref<128x16xf32, #tpu.memory_space<vmem>>
      %dma_wait3A_353 = arith.constant 0 : i32
      %dma_wait3A_354 = tpu.memref_slice %arg8[%mul3A_334, %dma_wait3A_353] : memref<42x128xi32, #tpu.memory_space<vmem>> -> memref<1x128xi32, #tpu.memory_space<vmem>>
      %dma_wait3A_355 = tpu.memref_squeeze %dma_wait3A_354 : memref<1x128xi32, #tpu.memory_space<vmem>> -> memref<128xi32, #tpu.memory_space<vmem>>
      %dma_wait3A_356 = arith.constant 0 : i32
      %dma_wait3A_357 = arith.constant 0 : i32
      %dma_wait3A_358 = tpu.memref_slice %arg3[%dma_wait3A_356, %dma_wait3A_357] : memref<10240x16xf32, #tpu.memory_space<hbm>> -> memref<10240x16xf32, #tpu.memory_space<hbm>>
      tpu.wait_indirect_dma semaphore(%arg14 : memref<!tpu.dma_semaphore, #tpu.memory_space<semaphore_mem>>) src(%dma_wait3A_358 : memref<10240x16xf32, #tpu.memory_space<hbm>>) dst(%dma_wait3A_352 : memref<128x16xf32, #tpu.memory_space<vmem>>)
      %sub3A = arith.constant 2 : i32
      %sub3A_359 = arith.subi %mul3A_334, %sub3A : i32
      %dma_wait3A_360 = arith.constant 0 : i32
      %dma_wait3A_361 = arith.constant 0 : i32
      %dma_wait3A_362 = arith.constant 0 : i32
      %dma_wait3A_363 = tpu.memref_slice %arg11[%dma_wait3A_360, %dma_wait3A_361, %dma_wait3A_362] : memref<2x128x80xf32, #tpu.memory_space<vmem>> -> memref<1x128x80xf32, #tpu.memory_space<vmem>>
      %dma_wait3A_364 = tpu.memref_squeeze %dma_wait3A_363 : memref<1x128x80xf32, #tpu.memory_space<vmem>> -> memref<128x80xf32, #tpu.memory_space<vmem>>
      %dma_wait3A_365 = arith.constant 0 : i32
      %dma_wait3A_366 = tpu.memref_slice %arg8[%sub3A_359, %dma_wait3A_365] : memref<42x128xi32, #tpu.memory_space<vmem>> -> memref<1x128xi32, #tpu.memory_space<vmem>>
      %dma_wait3A_367 = tpu.memref_squeeze %dma_wait3A_366 : memref<1x128xi32, #tpu.memory_space<vmem>> -> memref<128xi32, #tpu.memory_space<vmem>>
      %dma_wait3A_368 = arith.constant 0 : i32
      %dma_wait3A_369 = arith.constant 0 : i32
      %dma_wait3A_370 = tpu.memref_slice %arg12[%dma_wait3A_368, %dma_wait3A_369] : memref<10240x80xf32, #tpu.memory_space<vmem_shared>> -> memref<10240x80xf32, #tpu.memory_space<vmem_shared>>
      tpu.wait_indirect_dma semaphore(%arg15 : memref<!tpu.dma_semaphore, #tpu.memory_space<semaphore_mem>>) src(%dma_wait3A_364 : memref<128x80xf32, #tpu.memory_space<vmem>>) dst(%dma_wait3A_370 : memref<10240x80xf32, #tpu.memory_space<vmem_shared>>)
      %parallel_loop3A_371 = arith.constant 0 : i32
      %parallel_loop3A_372 = arith.constant 128 : i32
      %parallel_loop3A_373 = arith.constant 1 : i32
      scf.for %parallel_loop3A_483 = %parallel_loop3A_371 to %parallel_loop3A_372 step %parallel_loop3A_373  : i32 {
        %parallel_loop3A_484 = arith.constant 0 : i32
        %parallel_loop3A_485 = arith.index_cast %parallel_loop3A_484 : i32 to index
        %parallel_loop3A_486 = arith.index_cast %parallel_loop3A_483 : i32 to index
        %parallel_loop3A_487 = arith.constant 0 : index
        %parallel_loop3A_488 = tpu.vector_load %arg9[%parallel_loop3A_485, %parallel_loop3A_486, %parallel_loop3A_487] {strides = array<i32>} : memref<2x128x80xf32, #tpu.memory_space<vmem>>, vector<1x1x16xf32>,
        %parallel_loop3A_489 = vector.shape_cast %parallel_loop3A_488 : vector<1x1x16xf32> to vector<16xf32>
        %parallel_loop3A_490 = arith.constant 0 : i32
        %parallel_loop3A_491 = arith.index_cast %parallel_loop3A_490 : i32 to index
        %parallel_loop3A_492 = arith.index_cast %parallel_loop3A_483 : i32 to index
        %parallel_loop3A_493 = arith.constant 0 : index
        %parallel_loop3A_494 = tpu.vector_load %arg10[%parallel_loop3A_491, %parallel_loop3A_492, %parallel_loop3A_493] {strides = array<i32>} : memref<2x128x16xf32, #tpu.memory_space<vmem>>, vector<1x1x16xf32>,
        %parallel_loop3A_495 = vector.shape_cast %parallel_loop3A_494 : vector<1x1x16xf32> to vector<16xf32>
        %parallel_loop3A_496 = arith.addf %parallel_loop3A_489, %parallel_loop3A_495 : vector<16xf32>
        %parallel_loop3A_497 = arith.constant 2.000000e-01 : f32
        %parallel_loop3A_498 = vector.broadcast %parallel_loop3A_497 : f32 to vector<16xf32>
        %parallel_loop3A_499 = arith.mulf %parallel_loop3A_498, %parallel_loop3A_496 : vector<16xf32>
        %parallel_loop3A_500 = arith.maximumf %parallel_loop3A_496, %parallel_loop3A_499 : vector<16xf32>
        %parallel_loop3A_501 = math.exp %parallel_loop3A_500 : vector<16xf32>
        %parallel_loop3A_502 = arith.constant 0 : i32
        %parallel_loop3A_503 = arith.index_cast %parallel_loop3A_502 : i32 to index
        %parallel_loop3A_504 = arith.index_cast %parallel_loop3A_483 : i32 to index
        %parallel_loop3A_505 = arith.constant 0 : index
        %parallel_loop3A_506 = tpu.vector_load %arg11[%parallel_loop3A_503, %parallel_loop3A_504, %parallel_loop3A_505] {strides = array<i32>} : memref<2x128x80xf32, #tpu.memory_space<vmem>>, vector<1x1x16xf32>,
        %parallel_loop3A_507 = vector.shape_cast %parallel_loop3A_506 : vector<1x1x16xf32> to vector<16xf32>
        %parallel_loop3A_508 = vector.shape_cast %parallel_loop3A_501 : vector<16xf32> to vector<1x1x16xf32>
        tpu.vector_store %arg11[%parallel_loop3A_503, %parallel_loop3A_504, %parallel_loop3A_505], %parallel_loop3A_508 {strides = array<i32>} : memref<2x128x80xf32, #tpu.memory_space<vmem>>, vector<1x1x16xf32>,
        %parallel_loop3A_509 = arith.constant 0 : i32
        %parallel_loop3A_510 = arith.index_cast %parallel_loop3A_509 : i32 to index
        %parallel_loop3A_511 = arith.index_cast %parallel_loop3A_483 : i32 to index
        %parallel_loop3A_512 = arith.constant 16 : index
        %parallel_loop3A_513 = tpu.vector_load %arg9[%parallel_loop3A_510, %parallel_loop3A_511, %parallel_loop3A_512] {strides = array<i32>} : memref<2x128x80xf32, #tpu.memory_space<vmem>>, vector<1x1x16xf32>,
        %parallel_loop3A_514 = vector.shape_cast %parallel_loop3A_513 : vector<1x1x16xf32> to vector<16xf32>
        %parallel_loop3A_515 = arith.mulf %parallel_loop3A_514, %parallel_loop3A_501 : vector<16xf32>
        %parallel_loop3A_516 = arith.constant 0 : i32
        %parallel_loop3A_517 = arith.index_cast %parallel_loop3A_516 : i32 to index
        %parallel_loop3A_518 = arith.index_cast %parallel_loop3A_483 : i32 to index
        %parallel_loop3A_519 = arith.constant 16 : index
        %parallel_loop3A_520 = tpu.vector_load %arg11[%parallel_loop3A_517, %parallel_loop3A_518, %parallel_loop3A_519] {strides = array<i32>} : memref<2x128x80xf32, #tpu.memory_space<vmem>>, vector<1x1x16xf32>,
        %parallel_loop3A_521 = vector.shape_cast %parallel_loop3A_520 : vector<1x1x16xf32> to vector<16xf32>
        %parallel_loop3A_522 = vector.shape_cast %parallel_loop3A_515 : vector<16xf32> to vector<1x1x16xf32>
        tpu.vector_store %arg11[%parallel_loop3A_517, %parallel_loop3A_518, %parallel_loop3A_519], %parallel_loop3A_522 {strides = array<i32>} : memref<2x128x80xf32, #tpu.memory_space<vmem>>, vector<1x1x16xf32>,
        %parallel_loop3A_523 = arith.constant 0 : i32
        %parallel_loop3A_524 = arith.index_cast %parallel_loop3A_523 : i32 to index
        %parallel_loop3A_525 = arith.index_cast %parallel_loop3A_483 : i32 to index
        %parallel_loop3A_526 = arith.constant 32 : index
        %parallel_loop3A_527 = tpu.vector_load %arg9[%parallel_loop3A_524, %parallel_loop3A_525, %parallel_loop3A_526] {strides = array<i32>} : memref<2x128x80xf32, #tpu.memory_space<vmem>>, vector<1x1x16xf32>,
        %parallel_loop3A_528 = vector.shape_cast %parallel_loop3A_527 : vector<1x1x16xf32> to vector<16xf32>
        %parallel_loop3A_529 = arith.mulf %parallel_loop3A_528, %parallel_loop3A_501 : vector<16xf32>
        %parallel_loop3A_530 = arith.constant 0 : i32
        %parallel_loop3A_531 = arith.index_cast %parallel_loop3A_530 : i32 to index
        %parallel_loop3A_532 = arith.index_cast %parallel_loop3A_483 : i32 to index
        %parallel_loop3A_533 = arith.constant 32 : index
        %parallel_loop3A_534 = tpu.vector_load %arg11[%parallel_loop3A_531, %parallel_loop3A_532, %parallel_loop3A_533] {strides = array<i32>} : memref<2x128x80xf32, #tpu.memory_space<vmem>>, vector<1x1x16xf32>,
        %parallel_loop3A_535 = vector.shape_cast %parallel_loop3A_534 : vector<1x1x16xf32> to vector<16xf32>
        %parallel_loop3A_536 = vector.shape_cast %parallel_loop3A_529 : vector<16xf32> to vector<1x1x16xf32>
        tpu.vector_store %arg11[%parallel_loop3A_531, %parallel_loop3A_532, %parallel_loop3A_533], %parallel_loop3A_536 {strides = array<i32>} : memref<2x128x80xf32, #tpu.memory_space<vmem>>, vector<1x1x16xf32>,
        %parallel_loop3A_537 = arith.constant 0 : i32
        %parallel_loop3A_538 = arith.index_cast %parallel_loop3A_537 : i32 to index
        %parallel_loop3A_539 = arith.index_cast %parallel_loop3A_483 : i32 to index
        %parallel_loop3A_540 = arith.constant 48 : index
        %parallel_loop3A_541 = tpu.vector_load %arg9[%parallel_loop3A_538, %parallel_loop3A_539, %parallel_loop3A_540] {strides = array<i32>} : memref<2x128x80xf32, #tpu.memory_space<vmem>>, vector<1x1x16xf32>,
        %parallel_loop3A_542 = vector.shape_cast %parallel_loop3A_541 : vector<1x1x16xf32> to vector<16xf32>
        %parallel_loop3A_543 = arith.mulf %parallel_loop3A_542, %parallel_loop3A_501 : vector<16xf32>
        %parallel_loop3A_544 = arith.constant 0 : i32
        %parallel_loop3A_545 = arith.index_cast %parallel_loop3A_544 : i32 to index
        %parallel_loop3A_546 = arith.index_cast %parallel_loop3A_483 : i32 to index
        %parallel_loop3A_547 = arith.constant 48 : index
        %parallel_loop3A_548 = tpu.vector_load %arg11[%parallel_loop3A_545, %parallel_loop3A_546, %parallel_loop3A_547] {strides = array<i32>} : memref<2x128x80xf32, #tpu.memory_space<vmem>>, vector<1x1x16xf32>,
        %parallel_loop3A_549 = vector.shape_cast %parallel_loop3A_548 : vector<1x1x16xf32> to vector<16xf32>
        %parallel_loop3A_550 = vector.shape_cast %parallel_loop3A_543 : vector<16xf32> to vector<1x1x16xf32>
        tpu.vector_store %arg11[%parallel_loop3A_545, %parallel_loop3A_546, %parallel_loop3A_547], %parallel_loop3A_550 {strides = array<i32>} : memref<2x128x80xf32, #tpu.memory_space<vmem>>, vector<1x1x16xf32>,
        %parallel_loop3A_551 = arith.constant 0 : i32
        %parallel_loop3A_552 = arith.index_cast %parallel_loop3A_551 : i32 to index
        %parallel_loop3A_553 = arith.index_cast %parallel_loop3A_483 : i32 to index
        %parallel_loop3A_554 = arith.constant 64 : index
        %parallel_loop3A_555 = tpu.vector_load %arg9[%parallel_loop3A_552, %parallel_loop3A_553, %parallel_loop3A_554] {strides = array<i32>} : memref<2x128x80xf32, #tpu.memory_space<vmem>>, vector<1x1x16xf32>,
        %parallel_loop3A_556 = vector.shape_cast %parallel_loop3A_555 : vector<1x1x16xf32> to vector<16xf32>
        %parallel_loop3A_557 = arith.mulf %parallel_loop3A_556, %parallel_loop3A_501 : vector<16xf32>
        %parallel_loop3A_558 = arith.constant 0 : i32
        %parallel_loop3A_559 = arith.index_cast %parallel_loop3A_558 : i32 to index
        %parallel_loop3A_560 = arith.index_cast %parallel_loop3A_483 : i32 to index
        %parallel_loop3A_561 = arith.constant 64 : index
        %parallel_loop3A_562 = tpu.vector_load %arg11[%parallel_loop3A_559, %parallel_loop3A_560, %parallel_loop3A_561] {strides = array<i32>} : memref<2x128x80xf32, #tpu.memory_space<vmem>>, vector<1x1x16xf32>,
        %parallel_loop3A_563 = vector.shape_cast %parallel_loop3A_562 : vector<1x1x16xf32> to vector<16xf32>
        %parallel_loop3A_564 = vector.shape_cast %parallel_loop3A_557 : vector<16xf32> to vector<1x1x16xf32>
        tpu.vector_store %arg11[%parallel_loop3A_559, %parallel_loop3A_560, %parallel_loop3A_561], %parallel_loop3A_564 {strides = array<i32>} : memref<2x128x80xf32, #tpu.memory_space<vmem>>, vector<1x1x16xf32>,
      } {sc.loop_unroll_factor = 4 : i64, sc.parallel_access}
      %dma_start3A_374 = arith.constant 0 : i32
      %dma_start3A_375 = arith.constant 0 : i32
      %dma_start3A_376 = arith.constant 0 : i32
      %dma_start3A_377 = tpu.memref_slice %arg11[%dma_start3A_374, %dma_start3A_375, %dma_start3A_376] : memref<2x128x80xf32, #tpu.memory_space<vmem>> -> memref<1x128x80xf32, #tpu.memory_space<vmem>>
      %dma_start3A_378 = tpu.memref_squeeze %dma_start3A_377 : memref<1x128x80xf32, #tpu.memory_space<vmem>> -> memref<128x80xf32, #tpu.memory_space<vmem>>
      %dma_start3A_379 = arith.constant 0 : i32
      %dma_start3A_380 = tpu.memref_slice %arg8[%mul3A_334, %dma_start3A_379] : memref<42x128xi32, #tpu.memory_space<vmem>> -> memref<1x128xi32, #tpu.memory_space<vmem>>
      %dma_start3A_381 = tpu.memref_squeeze %dma_start3A_380 : memref<1x128xi32, #tpu.memory_space<vmem>> -> memref<128xi32, #tpu.memory_space<vmem>>
      %dma_start3A_382 = arith.constant 0 : i32
      %dma_start3A_383 = arith.constant 0 : i32
      %dma_start3A_384 = tpu.memref_slice %arg12[%dma_start3A_382, %dma_start3A_383] : memref<10240x80xf32, #tpu.memory_space<vmem_shared>> -> memref<10240x80xf32, #tpu.memory_space<vmem_shared>>
      tpu.enqueue_indirect_dma source(%dma_start3A_378 : memref<128x80xf32, #tpu.memory_space<vmem>>) target(%dma_start3A_384 : memref<10240x80xf32, #tpu.memory_space<vmem_shared>>) offsets(%dma_start3A_381 : memref<128xi32, #tpu.memory_space<vmem>>) semaphore(%arg15 : memref<!tpu.dma_semaphore, #tpu.memory_space<semaphore_mem>>) {add = true}
      %add3A_385 = arith.constant 2 : i32
      %add3A_386 = arith.addi %mul3A_334, %add3A_385 : i32
      %dma_start3A_387 = arith.constant 0 : i32
      %dma_start3A_388 = arith.constant 0 : i32
      %dma_start3A_389 = arith.constant 0 : i32
      %dma_start3A_390 = tpu.memref_slice %arg9[%dma_start3A_387, %dma_start3A_388, %dma_start3A_389] : memref<2x128x80xf32, #tpu.memory_space<vmem>> -> memref<1x128x80xf32, #tpu.memory_space<vmem>>
      %dma_start3A_391 = tpu.memref_squeeze %dma_start3A_390 : memref<1x128x80xf32, #tpu.memory_space<vmem>> -> memref<128x80xf32, #tpu.memory_space<vmem>>
      %dma_start3A_392 = arith.constant 0 : i32
      %dma_start3A_393 = tpu.memref_slice %arg7[%add3A_386, %dma_start3A_392] : memref<42x128xi32, #tpu.memory_space<vmem>> -> memref<1x128xi32, #tpu.memory_space<vmem>>
      %dma_start3A_394 = tpu.memref_squeeze %dma_start3A_393 : memref<1x128xi32, #tpu.memory_space<vmem>> -> memref<128xi32, #tpu.memory_space<vmem>>
      %dma_start3A_395 = arith.constant 0 : i32
      %dma_start3A_396 = arith.constant 0 : i32
      %dma_start3A_397 = tpu.memref_slice %arg2[%dma_start3A_395, %dma_start3A_396] : memref<10240x80xf32, #tpu.memory_space<hbm>> -> memref<10240x80xf32, #tpu.memory_space<hbm>>
      tpu.enqueue_indirect_dma source(%dma_start3A_397 : memref<10240x80xf32, #tpu.memory_space<hbm>>) target(%dma_start3A_391 : memref<128x80xf32, #tpu.memory_space<vmem>>) offsets(%dma_start3A_394 : memref<128xi32, #tpu.memory_space<vmem>>) semaphore(%arg13 : memref<!tpu.dma_semaphore, #tpu.memory_space<semaphore_mem>>)
      %dma_start3A_398 = arith.constant 0 : i32
      %dma_start3A_399 = arith.constant 0 : i32
      %dma_start3A_400 = arith.constant 0 : i32
      %dma_start3A_401 = tpu.memref_slice %arg10[%dma_start3A_398, %dma_start3A_399, %dma_start3A_400] : memref<2x128x16xf32, #tpu.memory_space<vmem>> -> memref<1x128x16xf32, #tpu.memory_space<vmem>>
      %dma_start3A_402 = tpu.memref_squeeze %dma_start3A_401 : memref<1x128x16xf32, #tpu.memory_space<vmem>> -> memref<128x16xf32, #tpu.memory_space<vmem>>
      %dma_start3A_403 = arith.constant 0 : i32
      %dma_start3A_404 = tpu.memref_slice %arg8[%add3A_386, %dma_start3A_403] : memref<42x128xi32, #tpu.memory_space<vmem>> -> memref<1x128xi32, #tpu.memory_space<vmem>>
      %dma_start3A_405 = tpu.memref_squeeze %dma_start3A_404 : memref<1x128xi32, #tpu.memory_space<vmem>> -> memref<128xi32, #tpu.memory_space<vmem>>
      %dma_start3A_406 = arith.constant 0 : i32
      %dma_start3A_407 = arith.constant 0 : i32
      %dma_start3A_408 = tpu.memref_slice %arg3[%dma_start3A_406, %dma_start3A_407] : memref<10240x16xf32, #tpu.memory_space<hbm>> -> memref<10240x16xf32, #tpu.memory_space<hbm>>
      tpu.enqueue_indirect_dma source(%dma_start3A_408 : memref<10240x16xf32, #tpu.memory_space<hbm>>) target(%dma_start3A_402 : memref<128x16xf32, #tpu.memory_space<vmem>>) offsets(%dma_start3A_405 : memref<128xi32, #tpu.memory_space<vmem>>) semaphore(%arg14 : memref<!tpu.dma_semaphore, #tpu.memory_space<semaphore_mem>>)
      %dma_wait3A_409 = arith.constant 1 : i32
      %dma_wait3A_410 = arith.constant 0 : i32
      %dma_wait3A_411 = arith.constant 0 : i32
      %dma_wait3A_412 = tpu.memref_slice %arg9[%dma_wait3A_409, %dma_wait3A_410, %dma_wait3A_411] : memref<2x128x80xf32, #tpu.memory_space<vmem>> -> memref<1x128x80xf32, #tpu.memory_space<vmem>>
      %dma_wait3A_413 = tpu.memref_squeeze %dma_wait3A_412 : memref<1x128x80xf32, #tpu.memory_space<vmem>> -> memref<128x80xf32, #tpu.memory_space<vmem>>
      %dma_wait3A_414 = arith.constant 0 : i32
      %dma_wait3A_415 = tpu.memref_slice %arg7[%add3A_336, %dma_wait3A_414] : memref<42x128xi32, #tpu.memory_space<vmem>> -> memref<1x128xi32, #tpu.memory_space<vmem>>
      %dma_wait3A_416 = tpu.memref_squeeze %dma_wait3A_415 : memref<1x128xi32, #tpu.memory_space<vmem>> -> memref<128xi32, #tpu.memory_space<vmem>>
      %dma_wait3A_417 = arith.constant 0 : i32
      %dma_wait3A_418 = arith.constant 0 : i32
      %dma_wait3A_419 = tpu.memref_slice %arg2[%dma_wait3A_417, %dma_wait3A_418] : memref<10240x80xf32, #tpu.memory_space<hbm>> -> memref<10240x80xf32, #tpu.memory_space<hbm>>
      tpu.wait_indirect_dma semaphore(%arg16 : memref<!tpu.dma_semaphore, #tpu.memory_space<semaphore_mem>>) src(%dma_wait3A_419 : memref<10240x80xf32, #tpu.memory_space<hbm>>) dst(%dma_wait3A_413 : memref<128x80xf32, #tpu.memory_space<vmem>>)
      %dma_wait3A_420 = arith.constant 1 : i32
      %dma_wait3A_421 = arith.constant 0 : i32
      %dma_wait3A_422 = arith.constant 0 : i32
      %dma_wait3A_423 = tpu.memref_slice %arg10[%dma_wait3A_420, %dma_wait3A_421, %dma_wait3A_422] : memref<2x128x16xf32, #tpu.memory_space<vmem>> -> memref<1x128x16xf32, #tpu.memory_space<vmem>>
      %dma_wait3A_424 = tpu.memref_squeeze %dma_wait3A_423 : memref<1x128x16xf32, #tpu.memory_space<vmem>> -> memref<128x16xf32, #tpu.memory_space<vmem>>
      %dma_wait3A_425 = arith.constant 0 : i32
      %dma_wait3A_426 = tpu.memref_slice %arg8[%add3A_336, %dma_wait3A_425] : memref<42x128xi32, #tpu.memory_space<vmem>> -> memref<1x128xi32, #tpu.memory_space<vmem>>
      %dma_wait3A_427 = tpu.memref_squeeze %dma_wait3A_426 : memref<1x128xi32, #tpu.memory_space<vmem>> -> memref<128xi32, #tpu.memory_space<vmem>>
      %dma_wait3A_428 = arith.constant 0 : i32
      %dma_wait3A_429 = arith.constant 0 : i32
      %dma_wait3A_430 = tpu.memref_slice %arg3[%dma_wait3A_428, %dma_wait3A_429] : memref<10240x16xf32, #tpu.memory_space<hbm>> -> memref<10240x16xf32, #tpu.memory_space<hbm>>
      tpu.wait_indirect_dma semaphore(%arg17 : memref<!tpu.dma_semaphore, #tpu.memory_space<semaphore_mem>>) src(%dma_wait3A_430 : memref<10240x16xf32, #tpu.memory_space<hbm>>) dst(%dma_wait3A_424 : memref<128x16xf32, #tpu.memory_space<vmem>>)
      %sub3A_431 = arith.constant 2 : i32
      %sub3A_432 = arith.subi %add3A_336, %sub3A_431 : i32
      %dma_wait3A_433 = arith.constant 1 : i32
      %dma_wait3A_434 = arith.constant 0 : i32
      %dma_wait3A_435 = arith.constant 0 : i32
      %dma_wait3A_436 = tpu.memref_slice %arg11[%dma_wait3A_433, %dma_wait3A_434, %dma_wait3A_435] : memref<2x128x80xf32, #tpu.memory_space<vmem>> -> memref<1x128x80xf32, #tpu.memory_space<vmem>>
      %dma_wait3A_437 = tpu.memref_squeeze %dma_wait3A_436 : memref<1x128x80xf32, #tpu.memory_space<vmem>> -> memref<128x80xf32, #tpu.memory_space<vmem>>
      %dma_wait3A_438 = arith.constant 0 : i32
      %dma_wait3A_439 = tpu.memref_slice %arg8[%sub3A_432, %dma_wait3A_438] : memref<42x128xi32, #tpu.memory_space<vmem>> -> memref<1x128xi32, #tpu.memory_space<vmem>>
      %dma_wait3A_440 = tpu.memref_squeeze %dma_wait3A_439 : memref<1x128xi32, #tpu.memory_space<vmem>> -> memref<128xi32, #tpu.memory_space<vmem>>
      %dma_wait3A_441 = arith.constant 0 : i32
      %dma_wait3A_442 = arith.constant 0 : i32
      %dma_wait3A_443 = tpu.memref_slice %arg12[%dma_wait3A_441, %dma_wait3A_442] : memref<10240x80xf32, #tpu.memory_space<vmem_shared>> -> memref<10240x80xf32, #tpu.memory_space<vmem_shared>>
      tpu.wait_indirect_dma semaphore(%arg18 : memref<!tpu.dma_semaphore, #tpu.memory_space<semaphore_mem>>) src(%dma_wait3A_437 : memref<128x80xf32, #tpu.memory_space<vmem>>) dst(%dma_wait3A_443 : memref<10240x80xf32, #tpu.memory_space<vmem_shared>>)
      %parallel_loop3A_444 = arith.constant 0 : i32
      %parallel_loop3A_445 = arith.constant 128 : i32
      %parallel_loop3A_446 = arith.constant 1 : i32
      scf.for %parallel_loop3A_483 = %parallel_loop3A_444 to %parallel_loop3A_445 step %parallel_loop3A_446  : i32 {
        %parallel_loop3A_484 = arith.constant 1 : i32
        %parallel_loop3A_485 = arith.index_cast %parallel_loop3A_484 : i32 to index
        %parallel_loop3A_486 = arith.index_cast %parallel_loop3A_483 : i32 to index
        %parallel_loop3A_487 = arith.constant 0 : index
        %parallel_loop3A_488 = tpu.vector_load %arg9[%parallel_loop3A_485, %parallel_loop3A_486, %parallel_loop3A_487] {strides = array<i32>} : memref<2x128x80xf32, #tpu.memory_space<vmem>>, vector<1x1x16xf32>,
        %parallel_loop3A_489 = vector.shape_cast %parallel_loop3A_488 : vector<1x1x16xf32> to vector<16xf32>
        %parallel_loop3A_490 = arith.constant 1 : i32
        %parallel_loop3A_491 = arith.index_cast %parallel_loop3A_490 : i32 to index
        %parallel_loop3A_492 = arith.index_cast %parallel_loop3A_483 : i32 to index
        %parallel_loop3A_493 = arith.constant 0 : index
        %parallel_loop3A_494 = tpu.vector_load %arg10[%parallel_loop3A_491, %parallel_loop3A_492, %parallel_loop3A_493] {strides = array<i32>} : memref<2x128x16xf32, #tpu.memory_space<vmem>>, vector<1x1x16xf32>,
        %parallel_loop3A_495 = vector.shape_cast %parallel_loop3A_494 : vector<1x1x16xf32> to vector<16xf32>
        %parallel_loop3A_496 = arith.addf %parallel_loop3A_489, %parallel_loop3A_495 : vector<16xf32>
        %parallel_loop3A_497 = arith.constant 2.000000e-01 : f32
        %parallel_loop3A_498 = vector.broadcast %parallel_loop3A_497 : f32 to vector<16xf32>
        %parallel_loop3A_499 = arith.mulf %parallel_loop3A_498, %parallel_loop3A_496 : vector<16xf32>
        %parallel_loop3A_500 = arith.maximumf %parallel_loop3A_496, %parallel_loop3A_499 : vector<16xf32>
        %parallel_loop3A_501 = math.exp %parallel_loop3A_500 : vector<16xf32>
        %parallel_loop3A_502 = arith.constant 1 : i32
        %parallel_loop3A_503 = arith.index_cast %parallel_loop3A_502 : i32 to index
        %parallel_loop3A_504 = arith.index_cast %parallel_loop3A_483 : i32 to index
        %parallel_loop3A_505 = arith.constant 0 : index
        %parallel_loop3A_506 = tpu.vector_load %arg11[%parallel_loop3A_503, %parallel_loop3A_504, %parallel_loop3A_505] {strides = array<i32>} : memref<2x128x80xf32, #tpu.memory_space<vmem>>, vector<1x1x16xf32>,
        %parallel_loop3A_507 = vector.shape_cast %parallel_loop3A_506 : vector<1x1x16xf32> to vector<16xf32>
        %parallel_loop3A_508 = vector.shape_cast %parallel_loop3A_501 : vector<16xf32> to vector<1x1x16xf32>
        tpu.vector_store %arg11[%parallel_loop3A_503, %parallel_loop3A_504, %parallel_loop3A_505], %parallel_loop3A_508 {strides = array<i32>} : memref<2x128x80xf32, #tpu.memory_space<vmem>>, vector<1x1x16xf32>,
        %parallel_loop3A_509 = arith.constant 1 : i32
        %parallel_loop3A_510 = arith.index_cast %parallel_loop3A_509 : i32 to index
        %parallel_loop3A_511 = arith.index_cast %parallel_loop3A_483 : i32 to index
        %parallel_loop3A_512 = arith.constant 16 : index
        %parallel_loop3A_513 = tpu.vector_load %arg9[%parallel_loop3A_510, %parallel_loop3A_511, %parallel_loop3A_512] {strides = array<i32>} : memref<2x128x80xf32, #tpu.memory_space<vmem>>, vector<1x1x16xf32>,
        %parallel_loop3A_514 = vector.shape_cast %parallel_loop3A_513 : vector<1x1x16xf32> to vector<16xf32>
        %parallel_loop3A_515 = arith.mulf %parallel_loop3A_514, %parallel_loop3A_501 : vector<16xf32>
        %parallel_loop3A_516 = arith.constant 1 : i32
        %parallel_loop3A_517 = arith.index_cast %parallel_loop3A_516 : i32 to index
        %parallel_loop3A_518 = arith.index_cast %parallel_loop3A_483 : i32 to index
        %parallel_loop3A_519 = arith.constant 16 : index
        %parallel_loop3A_520 = tpu.vector_load %arg11[%parallel_loop3A_517, %parallel_loop3A_518, %parallel_loop3A_519] {strides = array<i32>} : memref<2x128x80xf32, #tpu.memory_space<vmem>>, vector<1x1x16xf32>,
        %parallel_loop3A_521 = vector.shape_cast %parallel_loop3A_520 : vector<1x1x16xf32> to vector<16xf32>
        %parallel_loop3A_522 = vector.shape_cast %parallel_loop3A_515 : vector<16xf32> to vector<1x1x16xf32>
        tpu.vector_store %arg11[%parallel_loop3A_517, %parallel_loop3A_518, %parallel_loop3A_519], %parallel_loop3A_522 {strides = array<i32>} : memref<2x128x80xf32, #tpu.memory_space<vmem>>, vector<1x1x16xf32>,
        %parallel_loop3A_523 = arith.constant 1 : i32
        %parallel_loop3A_524 = arith.index_cast %parallel_loop3A_523 : i32 to index
        %parallel_loop3A_525 = arith.index_cast %parallel_loop3A_483 : i32 to index
        %parallel_loop3A_526 = arith.constant 32 : index
        %parallel_loop3A_527 = tpu.vector_load %arg9[%parallel_loop3A_524, %parallel_loop3A_525, %parallel_loop3A_526] {strides = array<i32>} : memref<2x128x80xf32, #tpu.memory_space<vmem>>, vector<1x1x16xf32>,
        %parallel_loop3A_528 = vector.shape_cast %parallel_loop3A_527 : vector<1x1x16xf32> to vector<16xf32>
        %parallel_loop3A_529 = arith.mulf %parallel_loop3A_528, %parallel_loop3A_501 : vector<16xf32>
        %parallel_loop3A_530 = arith.constant 1 : i32
        %parallel_loop3A_531 = arith.index_cast %parallel_loop3A_530 : i32 to index
        %parallel_loop3A_532 = arith.index_cast %parallel_loop3A_483 : i32 to index
        %parallel_loop3A_533 = arith.constant 32 : index
        %parallel_loop3A_534 = tpu.vector_load %arg11[%parallel_loop3A_531, %parallel_loop3A_532, %parallel_loop3A_533] {strides = array<i32>} : memref<2x128x80xf32, #tpu.memory_space<vmem>>, vector<1x1x16xf32>,
        %parallel_loop3A_535 = vector.shape_cast %parallel_loop3A_534 : vector<1x1x16xf32> to vector<16xf32>
        %parallel_loop3A_536 = vector.shape_cast %parallel_loop3A_529 : vector<16xf32> to vector<1x1x16xf32>
        tpu.vector_store %arg11[%parallel_loop3A_531, %parallel_loop3A_532, %parallel_loop3A_533], %parallel_loop3A_536 {strides = array<i32>} : memref<2x128x80xf32, #tpu.memory_space<vmem>>, vector<1x1x16xf32>,
        %parallel_loop3A_537 = arith.constant 1 : i32
        %parallel_loop3A_538 = arith.index_cast %parallel_loop3A_537 : i32 to index
        %parallel_loop3A_539 = arith.index_cast %parallel_loop3A_483 : i32 to index
        %parallel_loop3A_540 = arith.constant 48 : index
        %parallel_loop3A_541 = tpu.vector_load %arg9[%parallel_loop3A_538, %parallel_loop3A_539, %parallel_loop3A_540] {strides = array<i32>} : memref<2x128x80xf32, #tpu.memory_space<vmem>>, vector<1x1x16xf32>,
        %parallel_loop3A_542 = vector.shape_cast %parallel_loop3A_541 : vector<1x1x16xf32> to vector<16xf32>
        %parallel_loop3A_543 = arith.mulf %parallel_loop3A_542, %parallel_loop3A_501 : vector<16xf32>
        %parallel_loop3A_544 = arith.constant 1 : i32
        %parallel_loop3A_545 = arith.index_cast %parallel_loop3A_544 : i32 to index
        %parallel_loop3A_546 = arith.index_cast %parallel_loop3A_483 : i32 to index
        %parallel_loop3A_547 = arith.constant 48 : index
        %parallel_loop3A_548 = tpu.vector_load %arg11[%parallel_loop3A_545, %parallel_loop3A_546, %parallel_loop3A_547] {strides = array<i32>} : memref<2x128x80xf32, #tpu.memory_space<vmem>>, vector<1x1x16xf32>,
        %parallel_loop3A_549 = vector.shape_cast %parallel_loop3A_548 : vector<1x1x16xf32> to vector<16xf32>
        %parallel_loop3A_550 = vector.shape_cast %parallel_loop3A_543 : vector<16xf32> to vector<1x1x16xf32>
        tpu.vector_store %arg11[%parallel_loop3A_545, %parallel_loop3A_546, %parallel_loop3A_547], %parallel_loop3A_550 {strides = array<i32>} : memref<2x128x80xf32, #tpu.memory_space<vmem>>, vector<1x1x16xf32>,
        %parallel_loop3A_551 = arith.constant 1 : i32
        %parallel_loop3A_552 = arith.index_cast %parallel_loop3A_551 : i32 to index
        %parallel_loop3A_553 = arith.index_cast %parallel_loop3A_483 : i32 to index
        %parallel_loop3A_554 = arith.constant 64 : index
        %parallel_loop3A_555 = tpu.vector_load %arg9[%parallel_loop3A_552, %parallel_loop3A_553, %parallel_loop3A_554] {strides = array<i32>} : memref<2x128x80xf32, #tpu.memory_space<vmem>>, vector<1x1x16xf32>,
        %parallel_loop3A_556 = vector.shape_cast %parallel_loop3A_555 : vector<1x1x16xf32> to vector<16xf32>
        %parallel_loop3A_557 = arith.mulf %parallel_loop3A_556, %parallel_loop3A_501 : vector<16xf32>
        %parallel_loop3A_558 = arith.constant 1 : i32
        %parallel_loop3A_559 = arith.index_cast %parallel_loop3A_558 : i32 to index
        %parallel_loop3A_560 = arith.index_cast %parallel_loop3A_483 : i32 to index
        %parallel_loop3A_561 = arith.constant 64 : index
        %parallel_loop3A_562 = tpu.vector_load %arg11[%parallel_loop3A_559, %parallel_loop3A_560, %parallel_loop3A_561] {strides = array<i32>} : memref<2x128x80xf32, #tpu.memory_space<vmem>>, vector<1x1x16xf32>,
        %parallel_loop3A_563 = vector.shape_cast %parallel_loop3A_562 : vector<1x1x16xf32> to vector<16xf32>
        %parallel_loop3A_564 = vector.shape_cast %parallel_loop3A_557 : vector<16xf32> to vector<1x1x16xf32>
        tpu.vector_store %arg11[%parallel_loop3A_559, %parallel_loop3A_560, %parallel_loop3A_561], %parallel_loop3A_564 {strides = array<i32>} : memref<2x128x80xf32, #tpu.memory_space<vmem>>, vector<1x1x16xf32>,
      } {sc.loop_unroll_factor = 4 : i64, sc.parallel_access}
      %dma_start3A_447 = arith.constant 1 : i32
      %dma_start3A_448 = arith.constant 0 : i32
      %dma_start3A_449 = arith.constant 0 : i32
      %dma_start3A_450 = tpu.memref_slice %arg11[%dma_start3A_447, %dma_start3A_448, %dma_start3A_449] : memref<2x128x80xf32, #tpu.memory_space<vmem>> -> memref<1x128x80xf32, #tpu.memory_space<vmem>>
      %dma_start3A_451 = tpu.memref_squeeze %dma_start3A_450 : memref<1x128x80xf32, #tpu.memory_space<vmem>> -> memref<128x80xf32, #tpu.memory_space<vmem>>
      %dma_start3A_452 = arith.constant 0 : i32
      %dma_start3A_453 = tpu.memref_slice %arg8[%add3A_336, %dma_start3A_452] : memref<42x128xi32, #tpu.memory_space<vmem>> -> memref<1x128xi32, #tpu.memory_space<vmem>>
      %dma_start3A_454 = tpu.memref_squeeze %dma_start3A_453 : memref<1x128xi32, #tpu.memory_space<vmem>> -> memref<128xi32, #tpu.memory_space<vmem>>
      %dma_start3A_455 = arith.constant 0 : i32
      %dma_start3A_456 = arith.constant 0 : i32
      %dma_start3A_457 = tpu.memref_slice %arg12[%dma_start3A_455, %dma_start3A_456] : memref<10240x80xf32, #tpu.memory_space<vmem_shared>> -> memref<10240x80xf32, #tpu.memory_space<vmem_shared>>
      tpu.enqueue_indirect_dma source(%dma_start3A_451 : memref<128x80xf32, #tpu.memory_space<vmem>>) target(%dma_start3A_457 : memref<10240x80xf32, #tpu.memory_space<vmem_shared>>) offsets(%dma_start3A_454 : memref<128xi32, #tpu.memory_space<vmem>>) semaphore(%arg18 : memref<!tpu.dma_semaphore, #tpu.memory_space<semaphore_mem>>) {add = true}
      %add3A_458 = arith.constant 2 : i32
      %add3A_459 = arith.addi %add3A_336, %add3A_458 : i32
      %dma_start3A_460 = arith.constant 1 : i32
      %dma_start3A_461 = arith.constant 0 : i32
      %dma_start3A_462 = arith.constant 0 : i32
      %dma_start3A_463 = tpu.memref_slice %arg9[%dma_start3A_460, %dma_start3A_461, %dma_start3A_462] : memref<2x128x80xf32, #tpu.memory_space<vmem>> -> memref<1x128x80xf32, #tpu.memory_space<vmem>>
      %dma_start3A_464 = tpu.memref_squeeze %dma_start3A_463 : memref<1x128x80xf32, #tpu.memory_space<vmem>> -> memref<128x80xf32, #tpu.memory_space<vmem>>
      %dma_start3A_465 = arith.constant 0 : i32
      %dma_start3A_466 = tpu.memref_slice %arg7[%add3A_459, %dma_start3A_465] : memref<42x128xi32, #tpu.memory_space<vmem>> -> memref<1x128xi32, #tpu.memory_space<vmem>>
      %dma_start3A_467 = tpu.memref_squeeze %dma_start3A_466 : memref<1x128xi32, #tpu.memory_space<vmem>> -> memref<128xi32, #tpu.memory_space<vmem>>
      %dma_start3A_468 = arith.constant 0 : i32
      %dma_start3A_469 = arith.constant 0 : i32
      %dma_start3A_470 = tpu.memref_slice %arg2[%dma_start3A_468, %dma_start3A_469] : memref<10240x80xf32, #tpu.memory_space<hbm>> -> memref<10240x80xf32, #tpu.memory_space<hbm>>
      tpu.enqueue_indirect_dma source(%dma_start3A_470 : memref<10240x80xf32, #tpu.memory_space<hbm>>) target(%dma_start3A_464 : memref<128x80xf32, #tpu.memory_space<vmem>>) offsets(%dma_start3A_467 : memref<128xi32, #tpu.memory_space<vmem>>) semaphore(%arg16 : memref<!tpu.dma_semaphore, #tpu.memory_space<semaphore_mem>>)
      %dma_start3A_471 = arith.constant 1 : i32
      %dma_start3A_472 = arith.constant 0 : i32
      %dma_start3A_473 = arith.constant 0 : i32
      %dma_start3A_474 = tpu.memref_slice %arg10[%dma_start3A_471, %dma_start3A_472, %dma_start3A_473] : memref<2x128x16xf32, #tpu.memory_space<vmem>> -> memref<1x128x16xf32, #tpu.memory_space<vmem>>
      %dma_start3A_475 = tpu.memref_squeeze %dma_start3A_474 : memref<1x128x16xf32, #tpu.memory_space<vmem>> -> memref<128x16xf32, #tpu.memory_space<vmem>>
      %dma_start3A_476 = arith.constant 0 : i32
      %dma_start3A_477 = tpu.memref_slice %arg8[%add3A_459, %dma_start3A_476] : memref<42x128xi32, #tpu.memory_space<vmem>> -> memref<1x128xi32, #tpu.memory_space<vmem>>
      %dma_start3A_478 = tpu.memref_squeeze %dma_start3A_477 : memref<1x128xi32, #tpu.memory_space<vmem>> -> memref<128xi32, #tpu.memory_space<vmem>>
      %dma_start3A_479 = arith.constant 0 : i32
      %dma_start3A_480 = arith.constant 0 : i32
      %dma_start3A_481 = tpu.memref_slice %arg3[%dma_start3A_479, %dma_start3A_480] : memref<10240x16xf32, #tpu.memory_space<hbm>> -> memref<10240x16xf32, #tpu.memory_space<hbm>>
      tpu.enqueue_indirect_dma source(%dma_start3A_481 : memref<10240x16xf32, #tpu.memory_space<hbm>>) target(%dma_start3A_475 : memref<128x16xf32, #tpu.memory_space<vmem>>) offsets(%dma_start3A_478 : memref<128xi32, #tpu.memory_space<vmem>>) semaphore(%arg17 : memref<!tpu.dma_semaphore, #tpu.memory_space<semaphore_mem>>)
      %scan3A_482 = arith.constant 0 : i32
      scf.yield %scan3A_482 : i32
    }
    %scan3A_196 = arith.constant 19 : i32
    %dma_wait3A_197 = arith.constant 40 : i32
    %dma_wait3A_198 = arith.constant 0 : i32
    %dma_wait3A_199 = arith.constant 0 : i32
    %dma_wait3A_200 = arith.constant 0 : i32
    %dma_wait3A_201 = tpu.memref_slice %arg9[%dma_wait3A_198, %dma_wait3A_199, %dma_wait3A_200] : memref<2x128x80xf32, #tpu.memory_space<vmem>> -> memref<1x128x80xf32, #tpu.memory_space<vmem>>
    %dma_wait3A_202 = tpu.memref_squeeze %dma_wait3A_201 : memref<1x128x80xf32, #tpu.memory_space<vmem>> -> memref<128x80xf32, #tpu.memory_space<vmem>>
    %dma_wait3A_203 = arith.constant 0 : i32
    %dma_wait3A_204 = tpu.memref_slice %arg7[%dma_wait3A_197, %dma_wait3A_203] : memref<42x128xi32, #tpu.memory_space<vmem>> -> memref<1x128xi32, #tpu.memory_space<vmem>>
    %dma_wait3A_205 = tpu.memref_squeeze %dma_wait3A_204 : memref<1x128xi32, #tpu.memory_space<vmem>> -> memref<128xi32, #tpu.memory_space<vmem>>
    %dma_wait3A_206 = arith.constant 0 : i32
    %dma_wait3A_207 = arith.constant 0 : i32
    %dma_wait3A_208 = tpu.memref_slice %arg2[%dma_wait3A_206, %dma_wait3A_207] : memref<10240x80xf32, #tpu.memory_space<hbm>> -> memref<10240x80xf32, #tpu.memory_space<hbm>>
    tpu.wait_indirect_dma semaphore(%arg13 : memref<!tpu.dma_semaphore, #tpu.memory_space<semaphore_mem>>) src(%dma_wait3A_208 : memref<10240x80xf32, #tpu.memory_space<hbm>>) dst(%dma_wait3A_202 : memref<128x80xf32, #tpu.memory_space<vmem>>)
    %dma_wait3A_209 = arith.constant 40 : i32
    %dma_wait3A_210 = arith.constant 0 : i32
    %dma_wait3A_211 = arith.constant 0 : i32
    %dma_wait3A_212 = arith.constant 0 : i32
    %dma_wait3A_213 = tpu.memref_slice %arg10[%dma_wait3A_210, %dma_wait3A_211, %dma_wait3A_212] : memref<2x128x16xf32, #tpu.memory_space<vmem>> -> memref<1x128x16xf32, #tpu.memory_space<vmem>>
    %dma_wait3A_214 = tpu.memref_squeeze %dma_wait3A_213 : memref<1x128x16xf32, #tpu.memory_space<vmem>> -> memref<128x16xf32, #tpu.memory_space<vmem>>
    %dma_wait3A_215 = arith.constant 0 : i32
    %dma_wait3A_216 = tpu.memref_slice %arg8[%dma_wait3A_209, %dma_wait3A_215] : memref<42x128xi32, #tpu.memory_space<vmem>> -> memref<1x128xi32, #tpu.memory_space<vmem>>
    %dma_wait3A_217 = tpu.memref_squeeze %dma_wait3A_216 : memref<1x128xi32, #tpu.memory_space<vmem>> -> memref<128xi32, #tpu.memory_space<vmem>>
    %dma_wait3A_218 = arith.constant 0 : i32
    %dma_wait3A_219 = arith.constant 0 : i32
    %dma_wait3A_220 = tpu.memref_slice %arg3[%dma_wait3A_218, %dma_wait3A_219] : memref<10240x16xf32, #tpu.memory_space<hbm>> -> memref<10240x16xf32, #tpu.memory_space<hbm>>
    tpu.wait_indirect_dma semaphore(%arg14 : memref<!tpu.dma_semaphore, #tpu.memory_space<semaphore_mem>>) src(%dma_wait3A_220 : memref<10240x16xf32, #tpu.memory_space<hbm>>) dst(%dma_wait3A_214 : memref<128x16xf32, #tpu.memory_space<vmem>>)
    %dma_wait3A_221 = arith.constant 0 : i32
    %dma_wait3A_222 = arith.constant 38 : i32
    %dma_wait3A_223 = arith.constant 0 : i32
    %dma_wait3A_224 = arith.constant 0 : i32
    %dma_wait3A_225 = tpu.memref_slice %arg11[%dma_wait3A_221, %dma_wait3A_223, %dma_wait3A_224] : memref<2x128x80xf32, #tpu.memory_space<vmem>> -> memref<1x128x80xf32, #tpu.memory_space<vmem>>
    %dma_wait3A_226 = tpu.memref_squeeze %dma_wait3A_225 : memref<1x128x80xf32, #tpu.memory_space<vmem>> -> memref<128x80xf32, #tpu.memory_space<vmem>>
    %dma_wait3A_227 = arith.constant 0 : i32
    %dma_wait3A_228 = tpu.memref_slice %arg8[%dma_wait3A_222, %dma_wait3A_227] : memref<42x128xi32, #tpu.memory_space<vmem>> -> memref<1x128xi32, #tpu.memory_space<vmem>>
    %dma_wait3A_229 = tpu.memref_squeeze %dma_wait3A_228 : memref<1x128xi32, #tpu.memory_space<vmem>> -> memref<128xi32, #tpu.memory_space<vmem>>
    %dma_wait3A_230 = arith.constant 0 : i32
    %dma_wait3A_231 = arith.constant 0 : i32
    %dma_wait3A_232 = tpu.memref_slice %arg12[%dma_wait3A_230, %dma_wait3A_231] : memref<10240x80xf32, #tpu.memory_space<vmem_shared>> -> memref<10240x80xf32, #tpu.memory_space<vmem_shared>>
    tpu.wait_indirect_dma semaphore(%arg15 : memref<!tpu.dma_semaphore, #tpu.memory_space<semaphore_mem>>) src(%dma_wait3A_226 : memref<128x80xf32, #tpu.memory_space<vmem>>) dst(%dma_wait3A_232 : memref<10240x80xf32, #tpu.memory_space<vmem_shared>>)
    %parallel_loop3A_233 = arith.constant 0 : i32
    %parallel_loop3A_234 = arith.constant 128 : i32
    %parallel_loop3A_235 = arith.constant 1 : i32
    scf.for %parallel_loop3A_331 = %parallel_loop3A_233 to %parallel_loop3A_234 step %parallel_loop3A_235  : i32 {
      %parallel_loop3A_332 = arith.constant 0 : i32
      %parallel_loop3A_333 = arith.index_cast %parallel_loop3A_332 : i32 to index
      %parallel_loop3A_334 = arith.index_cast %parallel_loop3A_331 : i32 to index
      %parallel_loop3A_335 = arith.constant 0 : index
      %parallel_loop3A_336 = tpu.vector_load %arg9[%parallel_loop3A_333, %parallel_loop3A_334, %parallel_loop3A_335] {strides = array<i32>} : memref<2x128x80xf32, #tpu.memory_space<vmem>>, vector<1x1x16xf32>,
      %parallel_loop3A_337 = vector.shape_cast %parallel_loop3A_336 : vector<1x1x16xf32> to vector<16xf32>
      %parallel_loop3A_338 = arith.constant 0 : i32
      %parallel_loop3A_339 = arith.index_cast %parallel_loop3A_338 : i32 to index
      %parallel_loop3A_340 = arith.index_cast %parallel_loop3A_331 : i32 to index
      %parallel_loop3A_341 = arith.constant 0 : index
      %parallel_loop3A_342 = tpu.vector_load %arg10[%parallel_loop3A_339, %parallel_loop3A_340, %parallel_loop3A_341] {strides = array<i32>} : memref<2x128x16xf32, #tpu.memory_space<vmem>>, vector<1x1x16xf32>,
      %parallel_loop3A_343 = vector.shape_cast %parallel_loop3A_342 : vector<1x1x16xf32> to vector<16xf32>
      %parallel_loop3A_344 = arith.addf %parallel_loop3A_337, %parallel_loop3A_343 : vector<16xf32>
      %parallel_loop3A_345 = arith.constant 2.000000e-01 : f32
      %parallel_loop3A_346 = vector.broadcast %parallel_loop3A_345 : f32 to vector<16xf32>
      %parallel_loop3A_347 = arith.mulf %parallel_loop3A_346, %parallel_loop3A_344 : vector<16xf32>
      %parallel_loop3A_348 = arith.maximumf %parallel_loop3A_344, %parallel_loop3A_347 : vector<16xf32>
      %parallel_loop3A_349 = math.exp %parallel_loop3A_348 : vector<16xf32>
      %parallel_loop3A_350 = arith.constant 0 : i32
      %parallel_loop3A_351 = arith.index_cast %parallel_loop3A_350 : i32 to index
      %parallel_loop3A_352 = arith.index_cast %parallel_loop3A_331 : i32 to index
      %parallel_loop3A_353 = arith.constant 0 : index
      %parallel_loop3A_354 = tpu.vector_load %arg11[%parallel_loop3A_351, %parallel_loop3A_352, %parallel_loop3A_353] {strides = array<i32>} : memref<2x128x80xf32, #tpu.memory_space<vmem>>, vector<1x1x16xf32>,
      %parallel_loop3A_355 = vector.shape_cast %parallel_loop3A_354 : vector<1x1x16xf32> to vector<16xf32>
      %parallel_loop3A_356 = vector.shape_cast %parallel_loop3A_349 : vector<16xf32> to vector<1x1x16xf32>
      tpu.vector_store %arg11[%parallel_loop3A_351, %parallel_loop3A_352, %parallel_loop3A_353], %parallel_loop3A_356 {strides = array<i32>} : memref<2x128x80xf32, #tpu.memory_space<vmem>>, vector<1x1x16xf32>,
      %parallel_loop3A_357 = arith.constant 0 : i32
      %parallel_loop3A_358 = arith.index_cast %parallel_loop3A_357 : i32 to index
      %parallel_loop3A_359 = arith.index_cast %parallel_loop3A_331 : i32 to index
      %parallel_loop3A_360 = arith.constant 16 : index
      %parallel_loop3A_361 = tpu.vector_load %arg9[%parallel_loop3A_358, %parallel_loop3A_359, %parallel_loop3A_360] {strides = array<i32>} : memref<2x128x80xf32, #tpu.memory_space<vmem>>, vector<1x1x16xf32>,
      %parallel_loop3A_362 = vector.shape_cast %parallel_loop3A_361 : vector<1x1x16xf32> to vector<16xf32>
      %parallel_loop3A_363 = arith.mulf %parallel_loop3A_362, %parallel_loop3A_349 : vector<16xf32>
      %parallel_loop3A_364 = arith.constant 0 : i32
      %parallel_loop3A_365 = arith.index_cast %parallel_loop3A_364 : i32 to index
      %parallel_loop3A_366 = arith.index_cast %parallel_loop3A_331 : i32 to index
      %parallel_loop3A_367 = arith.constant 16 : index
      %parallel_loop3A_368 = tpu.vector_load %arg11[%parallel_loop3A_365, %parallel_loop3A_366, %parallel_loop3A_367] {strides = array<i32>} : memref<2x128x80xf32, #tpu.memory_space<vmem>>, vector<1x1x16xf32>,
      %parallel_loop3A_369 = vector.shape_cast %parallel_loop3A_368 : vector<1x1x16xf32> to vector<16xf32>
      %parallel_loop3A_370 = vector.shape_cast %parallel_loop3A_363 : vector<16xf32> to vector<1x1x16xf32>
      tpu.vector_store %arg11[%parallel_loop3A_365, %parallel_loop3A_366, %parallel_loop3A_367], %parallel_loop3A_370 {strides = array<i32>} : memref<2x128x80xf32, #tpu.memory_space<vmem>>, vector<1x1x16xf32>,
      %parallel_loop3A_371 = arith.constant 0 : i32
      %parallel_loop3A_372 = arith.index_cast %parallel_loop3A_371 : i32 to index
      %parallel_loop3A_373 = arith.index_cast %parallel_loop3A_331 : i32 to index
      %parallel_loop3A_374 = arith.constant 32 : index
      %parallel_loop3A_375 = tpu.vector_load %arg9[%parallel_loop3A_372, %parallel_loop3A_373, %parallel_loop3A_374] {strides = array<i32>} : memref<2x128x80xf32, #tpu.memory_space<vmem>>, vector<1x1x16xf32>,
      %parallel_loop3A_376 = vector.shape_cast %parallel_loop3A_375 : vector<1x1x16xf32> to vector<16xf32>
      %parallel_loop3A_377 = arith.mulf %parallel_loop3A_376, %parallel_loop3A_349 : vector<16xf32>
      %parallel_loop3A_378 = arith.constant 0 : i32
      %parallel_loop3A_379 = arith.index_cast %parallel_loop3A_378 : i32 to index
      %parallel_loop3A_380 = arith.index_cast %parallel_loop3A_331 : i32 to index
      %parallel_loop3A_381 = arith.constant 32 : index
      %parallel_loop3A_382 = tpu.vector_load %arg11[%parallel_loop3A_379, %parallel_loop3A_380, %parallel_loop3A_381] {strides = array<i32>} : memref<2x128x80xf32, #tpu.memory_space<vmem>>, vector<1x1x16xf32>,
      %parallel_loop3A_383 = vector.shape_cast %parallel_loop3A_382 : vector<1x1x16xf32> to vector<16xf32>
      %parallel_loop3A_384 = vector.shape_cast %parallel_loop3A_377 : vector<16xf32> to vector<1x1x16xf32>
      tpu.vector_store %arg11[%parallel_loop3A_379, %parallel_loop3A_380, %parallel_loop3A_381], %parallel_loop3A_384 {strides = array<i32>} : memref<2x128x80xf32, #tpu.memory_space<vmem>>, vector<1x1x16xf32>,
      %parallel_loop3A_385 = arith.constant 0 : i32
      %parallel_loop3A_386 = arith.index_cast %parallel_loop3A_385 : i32 to index
      %parallel_loop3A_387 = arith.index_cast %parallel_loop3A_331 : i32 to index
      %parallel_loop3A_388 = arith.constant 48 : index
      %parallel_loop3A_389 = tpu.vector_load %arg9[%parallel_loop3A_386, %parallel_loop3A_387, %parallel_loop3A_388] {strides = array<i32>} : memref<2x128x80xf32, #tpu.memory_space<vmem>>, vector<1x1x16xf32>,
      %parallel_loop3A_390 = vector.shape_cast %parallel_loop3A_389 : vector<1x1x16xf32> to vector<16xf32>
      %parallel_loop3A_391 = arith.mulf %parallel_loop3A_390, %parallel_loop3A_349 : vector<16xf32>
      %parallel_loop3A_392 = arith.constant 0 : i32
      %parallel_loop3A_393 = arith.index_cast %parallel_loop3A_392 : i32 to index
      %parallel_loop3A_394 = arith.index_cast %parallel_loop3A_331 : i32 to index
      %parallel_loop3A_395 = arith.constant 48 : index
      %parallel_loop3A_396 = tpu.vector_load %arg11[%parallel_loop3A_393, %parallel_loop3A_394, %parallel_loop3A_395] {strides = array<i32>} : memref<2x128x80xf32, #tpu.memory_space<vmem>>, vector<1x1x16xf32>,
      %parallel_loop3A_397 = vector.shape_cast %parallel_loop3A_396 : vector<1x1x16xf32> to vector<16xf32>
      %parallel_loop3A_398 = vector.shape_cast %parallel_loop3A_391 : vector<16xf32> to vector<1x1x16xf32>
      tpu.vector_store %arg11[%parallel_loop3A_393, %parallel_loop3A_394, %parallel_loop3A_395], %parallel_loop3A_398 {strides = array<i32>} : memref<2x128x80xf32, #tpu.memory_space<vmem>>, vector<1x1x16xf32>,
      %parallel_loop3A_399 = arith.constant 0 : i32
      %parallel_loop3A_400 = arith.index_cast %parallel_loop3A_399 : i32 to index
      %parallel_loop3A_401 = arith.index_cast %parallel_loop3A_331 : i32 to index
      %parallel_loop3A_402 = arith.constant 64 : index
      %parallel_loop3A_403 = tpu.vector_load %arg9[%parallel_loop3A_400, %parallel_loop3A_401, %parallel_loop3A_402] {strides = array<i32>} : memref<2x128x80xf32, #tpu.memory_space<vmem>>, vector<1x1x16xf32>,
      %parallel_loop3A_404 = vector.shape_cast %parallel_loop3A_403 : vector<1x1x16xf32> to vector<16xf32>
      %parallel_loop3A_405 = arith.mulf %parallel_loop3A_404, %parallel_loop3A_349 : vector<16xf32>
      %parallel_loop3A_406 = arith.constant 0 : i32
      %parallel_loop3A_407 = arith.index_cast %parallel_loop3A_406 : i32 to index
      %parallel_loop3A_408 = arith.index_cast %parallel_loop3A_331 : i32 to index
      %parallel_loop3A_409 = arith.constant 64 : index
      %parallel_loop3A_410 = tpu.vector_load %arg11[%parallel_loop3A_407, %parallel_loop3A_408, %parallel_loop3A_409] {strides = array<i32>} : memref<2x128x80xf32, #tpu.memory_space<vmem>>, vector<1x1x16xf32>,
      %parallel_loop3A_411 = vector.shape_cast %parallel_loop3A_410 : vector<1x1x16xf32> to vector<16xf32>
      %parallel_loop3A_412 = vector.shape_cast %parallel_loop3A_405 : vector<16xf32> to vector<1x1x16xf32>
      tpu.vector_store %arg11[%parallel_loop3A_407, %parallel_loop3A_408, %parallel_loop3A_409], %parallel_loop3A_412 {strides = array<i32>} : memref<2x128x80xf32, #tpu.memory_space<vmem>>, vector<1x1x16xf32>,
    } {sc.loop_unroll_factor = 4 : i64, sc.parallel_access}
    %dma_start3A_236 = arith.constant 0 : i32
    %dma_start3A_237 = arith.constant 40 : i32
    %dma_start3A_238 = arith.constant 0 : i32
    %dma_start3A_239 = arith.constant 0 : i32
    %dma_start3A_240 = tpu.memref_slice %arg11[%dma_start3A_236, %dma_start3A_238, %dma_start3A_239] : memref<2x128x80xf32, #tpu.memory_space<vmem>> -> memref<1x128x80xf32, #tpu.memory_space<vmem>>
    %dma_start3A_241 = tpu.memref_squeeze %dma_start3A_240 : memref<1x128x80xf32, #tpu.memory_space<vmem>> -> memref<128x80xf32, #tpu.memory_space<vmem>>
    %dma_start3A_242 = arith.constant 0 : i32
    %dma_start3A_243 = tpu.memref_slice %arg8[%dma_start3A_237, %dma_start3A_242] : memref<42x128xi32, #tpu.memory_space<vmem>> -> memref<1x128xi32, #tpu.memory_space<vmem>>
    %dma_start3A_244 = tpu.memref_squeeze %dma_start3A_243 : memref<1x128xi32, #tpu.memory_space<vmem>> -> memref<128xi32, #tpu.memory_space<vmem>>
    %dma_start3A_245 = arith.constant 0 : i32
    %dma_start3A_246 = arith.constant 0 : i32
    %dma_start3A_247 = tpu.memref_slice %arg12[%dma_start3A_245, %dma_start3A_246] : memref<10240x80xf32, #tpu.memory_space<vmem_shared>> -> memref<10240x80xf32, #tpu.memory_space<vmem_shared>>
    tpu.enqueue_indirect_dma source(%dma_start3A_241 : memref<128x80xf32, #tpu.memory_space<vmem>>) target(%dma_start3A_247 : memref<10240x80xf32, #tpu.memory_space<vmem_shared>>) offsets(%dma_start3A_244 : memref<128xi32, #tpu.memory_space<vmem>>) semaphore(%arg15 : memref<!tpu.dma_semaphore, #tpu.memory_space<semaphore_mem>>) {add = true}
    %dma_wait3A_248 = arith.constant 41 : i32
    %dma_wait3A_249 = arith.constant 1 : i32
    %dma_wait3A_250 = arith.constant 0 : i32
    %dma_wait3A_251 = arith.constant 0 : i32
    %dma_wait3A_252 = tpu.memref_slice %arg9[%dma_wait3A_249, %dma_wait3A_250, %dma_wait3A_251] : memref<2x128x80xf32, #tpu.memory_space<vmem>> -> memref<1x128x80xf32, #tpu.memory_space<vmem>>
    %dma_wait3A_253 = tpu.memref_squeeze %dma_wait3A_252 : memref<1x128x80xf32, #tpu.memory_space<vmem>> -> memref<128x80xf32, #tpu.memory_space<vmem>>
    %dma_wait3A_254 = arith.constant 0 : i32
    %dma_wait3A_255 = tpu.memref_slice %arg7[%dma_wait3A_248, %dma_wait3A_254] : memref<42x128xi32, #tpu.memory_space<vmem>> -> memref<1x128xi32, #tpu.memory_space<vmem>>
    %dma_wait3A_256 = tpu.memref_squeeze %dma_wait3A_255 : memref<1x128xi32, #tpu.memory_space<vmem>> -> memref<128xi32, #tpu.memory_space<vmem>>
    %dma_wait3A_257 = arith.constant 0 : i32
    %dma_wait3A_258 = arith.constant 0 : i32
    %dma_wait3A_259 = tpu.memref_slice %arg2[%dma_wait3A_257, %dma_wait3A_258] : memref<10240x80xf32, #tpu.memory_space<hbm>> -> memref<10240x80xf32, #tpu.memory_space<hbm>>
    tpu.wait_indirect_dma semaphore(%arg16 : memref<!tpu.dma_semaphore, #tpu.memory_space<semaphore_mem>>) src(%dma_wait3A_259 : memref<10240x80xf32, #tpu.memory_space<hbm>>) dst(%dma_wait3A_253 : memref<128x80xf32, #tpu.memory_space<vmem>>)
    %dma_wait3A_260 = arith.constant 41 : i32
    %dma_wait3A_261 = arith.constant 1 : i32
    %dma_wait3A_262 = arith.constant 0 : i32
    %dma_wait3A_263 = arith.constant 0 : i32
    %dma_wait3A_264 = tpu.memref_slice %arg10[%dma_wait3A_261, %dma_wait3A_262, %dma_wait3A_263] : memref<2x128x16xf32, #tpu.memory_space<vmem>> -> memref<1x128x16xf32, #tpu.memory_space<vmem>>
    %dma_wait3A_265 = tpu.memref_squeeze %dma_wait3A_264 : memref<1x128x16xf32, #tpu.memory_space<vmem>> -> memref<128x16xf32, #tpu.memory_space<vmem>>
    %dma_wait3A_266 = arith.constant 0 : i32
    %dma_wait3A_267 = tpu.memref_slice %arg8[%dma_wait3A_260, %dma_wait3A_266] : memref<42x128xi32, #tpu.memory_space<vmem>> -> memref<1x128xi32, #tpu.memory_space<vmem>>
    %dma_wait3A_268 = tpu.memref_squeeze %dma_wait3A_267 : memref<1x128xi32, #tpu.memory_space<vmem>> -> memref<128xi32, #tpu.memory_space<vmem>>
    %dma_wait3A_269 = arith.constant 0 : i32
    %dma_wait3A_270 = arith.constant 0 : i32
    %dma_wait3A_271 = tpu.memref_slice %arg3[%dma_wait3A_269, %dma_wait3A_270] : memref<10240x16xf32, #tpu.memory_space<hbm>> -> memref<10240x16xf32, #tpu.memory_space<hbm>>
    tpu.wait_indirect_dma semaphore(%arg17 : memref<!tpu.dma_semaphore, #tpu.memory_space<semaphore_mem>>) src(%dma_wait3A_271 : memref<10240x16xf32, #tpu.memory_space<hbm>>) dst(%dma_wait3A_265 : memref<128x16xf32, #tpu.memory_space<vmem>>)
    %dma_wait3A_272 = arith.constant 1 : i32
    %dma_wait3A_273 = arith.constant 39 : i32
    %dma_wait3A_274 = arith.constant 0 : i32
    %dma_wait3A_275 = arith.constant 0 : i32
    %dma_wait3A_276 = tpu.memref_slice %arg11[%dma_wait3A_272, %dma_wait3A_274, %dma_wait3A_275] : memref<2x128x80xf32, #tpu.memory_space<vmem>> -> memref<1x128x80xf32, #tpu.memory_space<vmem>>
    %dma_wait3A_277 = tpu.memref_squeeze %dma_wait3A_276 : memref<1x128x80xf32, #tpu.memory_space<vmem>> -> memref<128x80xf32, #tpu.memory_space<vmem>>
    %dma_wait3A_278 = arith.constant 0 : i32
    %dma_wait3A_279 = tpu.memref_slice %arg8[%dma_wait3A_273, %dma_wait3A_278] : memref<42x128xi32, #tpu.memory_space<vmem>> -> memref<1x128xi32, #tpu.memory_space<vmem>>
    %dma_wait3A_280 = tpu.memref_squeeze %dma_wait3A_279 : memref<1x128xi32, #tpu.memory_space<vmem>> -> memref<128xi32, #tpu.memory_space<vmem>>
    %dma_wait3A_281 = arith.constant 0 : i32
    %dma_wait3A_282 = arith.constant 0 : i32
    %dma_wait3A_283 = tpu.memref_slice %arg12[%dma_wait3A_281, %dma_wait3A_282] : memref<10240x80xf32, #tpu.memory_space<vmem_shared>> -> memref<10240x80xf32, #tpu.memory_space<vmem_shared>>
    tpu.wait_indirect_dma semaphore(%arg18 : memref<!tpu.dma_semaphore, #tpu.memory_space<semaphore_mem>>) src(%dma_wait3A_277 : memref<128x80xf32, #tpu.memory_space<vmem>>) dst(%dma_wait3A_283 : memref<10240x80xf32, #tpu.memory_space<vmem_shared>>)
    %parallel_loop3A_284 = arith.constant 0 : i32
    %parallel_loop3A_285 = arith.constant 128 : i32
    %parallel_loop3A_286 = arith.constant 1 : i32
    scf.for %parallel_loop3A_331 = %parallel_loop3A_284 to %parallel_loop3A_285 step %parallel_loop3A_286  : i32 {
      %parallel_loop3A_332 = arith.constant 1 : i32
      %parallel_loop3A_333 = arith.index_cast %parallel_loop3A_332 : i32 to index
      %parallel_loop3A_334 = arith.index_cast %parallel_loop3A_331 : i32 to index
      %parallel_loop3A_335 = arith.constant 0 : index
      %parallel_loop3A_336 = tpu.vector_load %arg9[%parallel_loop3A_333, %parallel_loop3A_334, %parallel_loop3A_335] {strides = array<i32>} : memref<2x128x80xf32, #tpu.memory_space<vmem>>, vector<1x1x16xf32>,
      %parallel_loop3A_337 = vector.shape_cast %parallel_loop3A_336 : vector<1x1x16xf32> to vector<16xf32>
      %parallel_loop3A_338 = arith.constant 1 : i32
      %parallel_loop3A_339 = arith.index_cast %parallel_loop3A_338 : i32 to index
      %parallel_loop3A_340 = arith.index_cast %parallel_loop3A_331 : i32 to index
      %parallel_loop3A_341 = arith.constant 0 : index
      %parallel_loop3A_342 = tpu.vector_load %arg10[%parallel_loop3A_339, %parallel_loop3A_340, %parallel_loop3A_341] {strides = array<i32>} : memref<2x128x16xf32, #tpu.memory_space<vmem>>, vector<1x1x16xf32>,
      %parallel_loop3A_343 = vector.shape_cast %parallel_loop3A_342 : vector<1x1x16xf32> to vector<16xf32>
      %parallel_loop3A_344 = arith.addf %parallel_loop3A_337, %parallel_loop3A_343 : vector<16xf32>
      %parallel_loop3A_345 = arith.constant 2.000000e-01 : f32
      %parallel_loop3A_346 = vector.broadcast %parallel_loop3A_345 : f32 to vector<16xf32>
      %parallel_loop3A_347 = arith.mulf %parallel_loop3A_346, %parallel_loop3A_344 : vector<16xf32>
      %parallel_loop3A_348 = arith.maximumf %parallel_loop3A_344, %parallel_loop3A_347 : vector<16xf32>
      %parallel_loop3A_349 = math.exp %parallel_loop3A_348 : vector<16xf32>
      %parallel_loop3A_350 = arith.constant 1 : i32
      %parallel_loop3A_351 = arith.index_cast %parallel_loop3A_350 : i32 to index
      %parallel_loop3A_352 = arith.index_cast %parallel_loop3A_331 : i32 to index
      %parallel_loop3A_353 = arith.constant 0 : index
      %parallel_loop3A_354 = tpu.vector_load %arg11[%parallel_loop3A_351, %parallel_loop3A_352, %parallel_loop3A_353] {strides = array<i32>} : memref<2x128x80xf32, #tpu.memory_space<vmem>>, vector<1x1x16xf32>,
      %parallel_loop3A_355 = vector.shape_cast %parallel_loop3A_354 : vector<1x1x16xf32> to vector<16xf32>
      %parallel_loop3A_356 = vector.shape_cast %parallel_loop3A_349 : vector<16xf32> to vector<1x1x16xf32>
      tpu.vector_store %arg11[%parallel_loop3A_351, %parallel_loop3A_352, %parallel_loop3A_353], %parallel_loop3A_356 {strides = array<i32>} : memref<2x128x80xf32, #tpu.memory_space<vmem>>, vector<1x1x16xf32>,
      %parallel_loop3A_357 = arith.constant 1 : i32
      %parallel_loop3A_358 = arith.index_cast %parallel_loop3A_357 : i32 to index
      %parallel_loop3A_359 = arith.index_cast %parallel_loop3A_331 : i32 to index
      %parallel_loop3A_360 = arith.constant 16 : index
      %parallel_loop3A_361 = tpu.vector_load %arg9[%parallel_loop3A_358, %parallel_loop3A_359, %parallel_loop3A_360] {strides = array<i32>} : memref<2x128x80xf32, #tpu.memory_space<vmem>>, vector<1x1x16xf32>,
      %parallel_loop3A_362 = vector.shape_cast %parallel_loop3A_361 : vector<1x1x16xf32> to vector<16xf32>
      %parallel_loop3A_363 = arith.mulf %parallel_loop3A_362, %parallel_loop3A_349 : vector<16xf32>
      %parallel_loop3A_364 = arith.constant 1 : i32
      %parallel_loop3A_365 = arith.index_cast %parallel_loop3A_364 : i32 to index
      %parallel_loop3A_366 = arith.index_cast %parallel_loop3A_331 : i32 to index
      %parallel_loop3A_367 = arith.constant 16 : index
      %parallel_loop3A_368 = tpu.vector_load %arg11[%parallel_loop3A_365, %parallel_loop3A_366, %parallel_loop3A_367] {strides = array<i32>} : memref<2x128x80xf32, #tpu.memory_space<vmem>>, vector<1x1x16xf32>,
      %parallel_loop3A_369 = vector.shape_cast %parallel_loop3A_368 : vector<1x1x16xf32> to vector<16xf32>
      %parallel_loop3A_370 = vector.shape_cast %parallel_loop3A_363 : vector<16xf32> to vector<1x1x16xf32>
      tpu.vector_store %arg11[%parallel_loop3A_365, %parallel_loop3A_366, %parallel_loop3A_367], %parallel_loop3A_370 {strides = array<i32>} : memref<2x128x80xf32, #tpu.memory_space<vmem>>, vector<1x1x16xf32>,
      %parallel_loop3A_371 = arith.constant 1 : i32
      %parallel_loop3A_372 = arith.index_cast %parallel_loop3A_371 : i32 to index
      %parallel_loop3A_373 = arith.index_cast %parallel_loop3A_331 : i32 to index
      %parallel_loop3A_374 = arith.constant 32 : index
      %parallel_loop3A_375 = tpu.vector_load %arg9[%parallel_loop3A_372, %parallel_loop3A_373, %parallel_loop3A_374] {strides = array<i32>} : memref<2x128x80xf32, #tpu.memory_space<vmem>>, vector<1x1x16xf32>,
      %parallel_loop3A_376 = vector.shape_cast %parallel_loop3A_375 : vector<1x1x16xf32> to vector<16xf32>
      %parallel_loop3A_377 = arith.mulf %parallel_loop3A_376, %parallel_loop3A_349 : vector<16xf32>
      %parallel_loop3A_378 = arith.constant 1 : i32
      %parallel_loop3A_379 = arith.index_cast %parallel_loop3A_378 : i32 to index
      %parallel_loop3A_380 = arith.index_cast %parallel_loop3A_331 : i32 to index
      %parallel_loop3A_381 = arith.constant 32 : index
      %parallel_loop3A_382 = tpu.vector_load %arg11[%parallel_loop3A_379, %parallel_loop3A_380, %parallel_loop3A_381] {strides = array<i32>} : memref<2x128x80xf32, #tpu.memory_space<vmem>>, vector<1x1x16xf32>,
      %parallel_loop3A_383 = vector.shape_cast %parallel_loop3A_382 : vector<1x1x16xf32> to vector<16xf32>
      %parallel_loop3A_384 = vector.shape_cast %parallel_loop3A_377 : vector<16xf32> to vector<1x1x16xf32>
      tpu.vector_store %arg11[%parallel_loop3A_379, %parallel_loop3A_380, %parallel_loop3A_381], %parallel_loop3A_384 {strides = array<i32>} : memref<2x128x80xf32, #tpu.memory_space<vmem>>, vector<1x1x16xf32>,
      %parallel_loop3A_385 = arith.constant 1 : i32
      %parallel_loop3A_386 = arith.index_cast %parallel_loop3A_385 : i32 to index
      %parallel_loop3A_387 = arith.index_cast %parallel_loop3A_331 : i32 to index
      %parallel_loop3A_388 = arith.constant 48 : index
      %parallel_loop3A_389 = tpu.vector_load %arg9[%parallel_loop3A_386, %parallel_loop3A_387, %parallel_loop3A_388] {strides = array<i32>} : memref<2x128x80xf32, #tpu.memory_space<vmem>>, vector<1x1x16xf32>,
      %parallel_loop3A_390 = vector.shape_cast %parallel_loop3A_389 : vector<1x1x16xf32> to vector<16xf32>
      %parallel_loop3A_391 = arith.mulf %parallel_loop3A_390, %parallel_loop3A_349 : vector<16xf32>
      %parallel_loop3A_392 = arith.constant 1 : i32
      %parallel_loop3A_393 = arith.index_cast %parallel_loop3A_392 : i32 to index
      %parallel_loop3A_394 = arith.index_cast %parallel_loop3A_331 : i32 to index
      %parallel_loop3A_395 = arith.constant 48 : index
      %parallel_loop3A_396 = tpu.vector_load %arg11[%parallel_loop3A_393, %parallel_loop3A_394, %parallel_loop3A_395] {strides = array<i32>} : memref<2x128x80xf32, #tpu.memory_space<vmem>>, vector<1x1x16xf32>,
      %parallel_loop3A_397 = vector.shape_cast %parallel_loop3A_396 : vector<1x1x16xf32> to vector<16xf32>
      %parallel_loop3A_398 = vector.shape_cast %parallel_loop3A_391 : vector<16xf32> to vector<1x1x16xf32>
      tpu.vector_store %arg11[%parallel_loop3A_393, %parallel_loop3A_394, %parallel_loop3A_395], %parallel_loop3A_398 {strides = array<i32>} : memref<2x128x80xf32, #tpu.memory_space<vmem>>, vector<1x1x16xf32>,
      %parallel_loop3A_399 = arith.constant 1 : i32
      %parallel_loop3A_400 = arith.index_cast %parallel_loop3A_399 : i32 to index
      %parallel_loop3A_401 = arith.index_cast %parallel_loop3A_331 : i32 to index
      %parallel_loop3A_402 = arith.constant 64 : index
      %parallel_loop3A_403 = tpu.vector_load %arg9[%parallel_loop3A_400, %parallel_loop3A_401, %parallel_loop3A_402] {strides = array<i32>} : memref<2x128x80xf32, #tpu.memory_space<vmem>>, vector<1x1x16xf32>,
      %parallel_loop3A_404 = vector.shape_cast %parallel_loop3A_403 : vector<1x1x16xf32> to vector<16xf32>
      %parallel_loop3A_405 = arith.mulf %parallel_loop3A_404, %parallel_loop3A_349 : vector<16xf32>
      %parallel_loop3A_406 = arith.constant 1 : i32
      %parallel_loop3A_407 = arith.index_cast %parallel_loop3A_406 : i32 to index
      %parallel_loop3A_408 = arith.index_cast %parallel_loop3A_331 : i32 to index
      %parallel_loop3A_409 = arith.constant 64 : index
      %parallel_loop3A_410 = tpu.vector_load %arg11[%parallel_loop3A_407, %parallel_loop3A_408, %parallel_loop3A_409] {strides = array<i32>} : memref<2x128x80xf32, #tpu.memory_space<vmem>>, vector<1x1x16xf32>,
      %parallel_loop3A_411 = vector.shape_cast %parallel_loop3A_410 : vector<1x1x16xf32> to vector<16xf32>
      %parallel_loop3A_412 = vector.shape_cast %parallel_loop3A_405 : vector<16xf32> to vector<1x1x16xf32>
      tpu.vector_store %arg11[%parallel_loop3A_407, %parallel_loop3A_408, %parallel_loop3A_409], %parallel_loop3A_412 {strides = array<i32>} : memref<2x128x80xf32, #tpu.memory_space<vmem>>, vector<1x1x16xf32>,
    } {sc.loop_unroll_factor = 4 : i64, sc.parallel_access}
    %dma_start3A_287 = arith.constant 1 : i32
    %dma_start3A_288 = arith.constant 41 : i32
    %dma_start3A_289 = arith.constant 0 : i32
    %dma_start3A_290 = arith.constant 0 : i32
    %dma_start3A_291 = tpu.memref_slice %arg11[%dma_start3A_287, %dma_start3A_289, %dma_start3A_290] : memref<2x128x80xf32, #tpu.memory_space<vmem>> -> memref<1x128x80xf32, #tpu.memory_space<vmem>>
    %dma_start3A_292 = tpu.memref_squeeze %dma_start3A_291 : memref<1x128x80xf32, #tpu.memory_space<vmem>> -> memref<128x80xf32, #tpu.memory_space<vmem>>
    %dma_start3A_293 = arith.constant 0 : i32
    %dma_start3A_294 = tpu.memref_slice %arg8[%dma_start3A_288, %dma_start3A_293] : memref<42x128xi32, #tpu.memory_space<vmem>> -> memref<1x128xi32, #tpu.memory_space<vmem>>
    %dma_start3A_295 = tpu.memref_squeeze %dma_start3A_294 : memref<1x128xi32, #tpu.memory_space<vmem>> -> memref<128xi32, #tpu.memory_space<vmem>>
    %dma_start3A_296 = arith.constant 0 : i32
    %dma_start3A_297 = arith.constant 0 : i32
    %dma_start3A_298 = tpu.memref_slice %arg12[%dma_start3A_296, %dma_start3A_297] : memref<10240x80xf32, #tpu.memory_space<vmem_shared>> -> memref<10240x80xf32, #tpu.memory_space<vmem_shared>>
    tpu.enqueue_indirect_dma source(%dma_start3A_292 : memref<128x80xf32, #tpu.memory_space<vmem>>) target(%dma_start3A_298 : memref<10240x80xf32, #tpu.memory_space<vmem_shared>>) offsets(%dma_start3A_295 : memref<128xi32, #tpu.memory_space<vmem>>) semaphore(%arg18 : memref<!tpu.dma_semaphore, #tpu.memory_space<semaphore_mem>>) {add = true}
    %dma_wait3A_299 = arith.constant 0 : i32
    %dma_wait3A_300 = arith.constant 40 : i32
    %dma_wait3A_301 = arith.constant 0 : i32
    %dma_wait3A_302 = arith.constant 0 : i32
    %dma_wait3A_303 = tpu.memref_slice %arg11[%dma_wait3A_299, %dma_wait3A_301, %dma_wait3A_302] : memref<2x128x80xf32, #tpu.memory_space<vmem>> -> memref<1x128x80xf32, #tpu.memory_space<vmem>>
    %dma_wait3A_304 = tpu.memref_squeeze %dma_wait3A_303 : memref<1x128x80xf32, #tpu.memory_space<vmem>> -> memref<128x80xf32, #tpu.memory_space<vmem>>
    %dma_wait3A_305 = arith.constant 0 : i32
    %dma_wait3A_306 = tpu.memref_slice %arg8[%dma_wait3A_300, %dma_wait3A_305] : memref<42x128xi32, #tpu.memory_space<vmem>> -> memref<1x128xi32, #tpu.memory_space<vmem>>
    %dma_wait3A_307 = tpu.memref_squeeze %dma_wait3A_306 : memref<1x128xi32, #tpu.memory_space<vmem>> -> memref<128xi32, #tpu.memory_space<vmem>>
    %dma_wait3A_308 = arith.constant 0 : i32
    %dma_wait3A_309 = arith.constant 0 : i32
    %dma_wait3A_310 = tpu.memref_slice %arg12[%dma_wait3A_308, %dma_wait3A_309] : memref<10240x80xf32, #tpu.memory_space<vmem_shared>> -> memref<10240x80xf32, #tpu.memory_space<vmem_shared>>
    tpu.wait_indirect_dma semaphore(%arg15 : memref<!tpu.dma_semaphore, #tpu.memory_space<semaphore_mem>>) src(%dma_wait3A_304 : memref<128x80xf32, #tpu.memory_space<vmem>>) dst(%dma_wait3A_310 : memref<10240x80xf32, #tpu.memory_space<vmem_shared>>)
    %dma_wait3A_311 = arith.constant 1 : i32
    %dma_wait3A_312 = arith.constant 41 : i32
    %dma_wait3A_313 = arith.constant 0 : i32
    %dma_wait3A_314 = arith.constant 0 : i32
    %dma_wait3A_315 = tpu.memref_slice %arg11[%dma_wait3A_311, %dma_wait3A_313, %dma_wait3A_314] : memref<2x128x80xf32, #tpu.memory_space<vmem>> -> memref<1x128x80xf32, #tpu.memory_space<vmem>>
    %dma_wait3A_316 = tpu.memref_squeeze %dma_wait3A_315 : memref<1x128x80xf32, #tpu.memory_space<vmem>> -> memref<128x80xf32, #tpu.memory_space<vmem>>
    %dma_wait3A_317 = arith.constant 0 : i32
    %dma_wait3A_318 = tpu.memref_slice %arg8[%dma_wait3A_312, %dma_wait3A_317] : memref<42x128xi32, #tpu.memory_space<vmem>> -> memref<1x128xi32, #tpu.memory_space<vmem>>
    %dma_wait3A_319 = tpu.memref_squeeze %dma_wait3A_318 : memref<1x128xi32, #tpu.memory_space<vmem>> -> memref<128xi32, #tpu.memory_space<vmem>>
    %dma_wait3A_320 = arith.constant 0 : i32
    %dma_wait3A_321 = arith.constant 0 : i32
    %dma_wait3A_322 = tpu.memref_slice %arg12[%dma_wait3A_320, %dma_wait3A_321] : memref<10240x80xf32, #tpu.memory_space<vmem_shared>> -> memref<10240x80xf32, #tpu.memory_space<vmem_shared>>
    tpu.wait_indirect_dma semaphore(%arg18 : memref<!tpu.dma_semaphore, #tpu.memory_space<semaphore_mem>>) src(%dma_wait3A_316 : memref<128x80xf32, #tpu.memory_space<vmem>>) dst(%dma_wait3A_322 : memref<10240x80xf32, #tpu.memory_space<vmem_shared>>)
    %barrier3A_323 = arith.constant 0 : index
    tpu.barrier barrier_id(%barrier3A_323)
    %scan3A_324 = arith.constant 0 : i32
    %scan3A_325 = arith.constant 0 : i32
    %scan3A_326 = arith.constant 5 : i32
    %scan3A_327 = arith.addi %scan3A_325, %scan3A_326 : i32
    %scan3A_328 = arith.constant 1 : i32
    %scan3A_329 = scf.for %scan3A_331 = %scan3A_325 to %scan3A_327 step %scan3A_328 iter_args(%scan3A_332 = %scan3A_324) -> (i32)  : i32 {
      %mul3A_333 = arith.constant 640 : i32
      %mul3A_334 = arith.muli %arg1, %mul3A_333 : i32
      %mul3A_335 = arith.constant 128 : i32
      %mul3A_336 = arith.muli %scan3A_331, %mul3A_335 : i32
      %add3A_337 = arith.addi %mul3A_334, %mul3A_336 : i32
      %run_scoped3A = arith.constant 0 : i32
      "tpu.region"() ({
        %run_scoped3A_340 = tpu.sem_alloc : memref<!tpu.dma_semaphore, #tpu.memory_space<semaphore_mem>>
        %dma_start3A_341 = arith.constant 0 : i32
        %dma_start3A_342 = arith.constant 0 : i32
        %dma_start3A_343 = tpu.memref_slice %arg11[%run_scoped3A, %dma_start3A_341, %dma_start3A_342] : memref<2x128x80xf32, #tpu.memory_space<vmem>> -> memref<1x128x80xf32, #tpu.memory_space<vmem>>
        %dma_start3A_344 = tpu.memref_squeeze %dma_start3A_343 : memref<1x128x80xf32, #tpu.memory_space<vmem>> -> memref<128x80xf32, #tpu.memory_space<vmem>>
        %dma_start3A_345 = arith.constant 0 : i32
        %dma_start3A_346 = tpu.memref_slice %arg12[%add3A_337, %dma_start3A_345] : memref<10240x80xf32, #tpu.memory_space<vmem_shared>> -> memref<128x80xf32, #tpu.memory_space<vmem_shared>>
        %dma_start3A_347 = arith.constant 0 : i32
        %dma_start3A_348 = arith.constant 0 : i32
        %dma_start3A_349 = tpu.memref_slice %arg11[%run_scoped3A, %dma_start3A_347, %dma_start3A_348] : memref<2x128x80xf32, #tpu.memory_space<vmem>> -> memref<1x128x80xf32, #tpu.memory_space<vmem>>
        %dma_start3A_350 = tpu.memref_squeeze %dma_start3A_349 : memref<1x128x80xf32, #tpu.memory_space<vmem>> -> memref<128x80xf32, #tpu.memory_space<vmem>>
        %dma_start3A_351 = arith.constant 0 : i32
        %dma_start3A_352 = tpu.memref_slice %arg12[%add3A_337, %dma_start3A_351] : memref<10240x80xf32, #tpu.memory_space<vmem_shared>> -> memref<128x80xf32, #tpu.memory_space<vmem_shared>>
        tpu.enqueue_dma source(%dma_start3A_352 : memref<128x80xf32, #tpu.memory_space<vmem_shared>>) target(%dma_start3A_350 : memref<128x80xf32, #tpu.memory_space<vmem>>) target_semaphore(%run_scoped3A_340 : memref<!tpu.dma_semaphore, #tpu.memory_space<semaphore_mem>>)
        %dma_wait3A_353 = arith.constant 0 : i32
        %dma_wait3A_354 = arith.constant 0 : i32
        %dma_wait3A_355 = tpu.memref_slice %arg11[%run_scoped3A, %dma_wait3A_353, %dma_wait3A_354] : memref<2x128x80xf32, #tpu.memory_space<vmem>> -> memref<1x128x80xf32, #tpu.memory_space<vmem>>
        %dma_wait3A_356 = tpu.memref_squeeze %dma_wait3A_355 : memref<1x128x80xf32, #tpu.memory_space<vmem>> -> memref<128x80xf32, #tpu.memory_space<vmem>>
        %dma_wait3A_357 = arith.constant 0 : i32
        %dma_wait3A_358 = tpu.memref_slice %arg12[%add3A_337, %dma_wait3A_357] : memref<10240x80xf32, #tpu.memory_space<vmem_shared>> -> memref<128x80xf32, #tpu.memory_space<vmem_shared>>
        %dma_wait3A_359 = arith.constant 0 : i32
        %dma_wait3A_360 = arith.constant 0 : i32
        %dma_wait3A_361 = tpu.memref_slice %arg11[%run_scoped3A, %dma_wait3A_359, %dma_wait3A_360] : memref<2x128x80xf32, #tpu.memory_space<vmem>> -> memref<1x128x80xf32, #tpu.memory_space<vmem>>
        %dma_wait3A_362 = tpu.memref_squeeze %dma_wait3A_361 : memref<1x128x80xf32, #tpu.memory_space<vmem>> -> memref<128x80xf32, #tpu.memory_space<vmem>>
        %dma_wait3A_363 = arith.constant 0 : i32
        %dma_wait3A_364 = tpu.memref_slice %arg12[%add3A_337, %dma_wait3A_363] : memref<10240x80xf32, #tpu.memory_space<vmem_shared>> -> memref<128x80xf32, #tpu.memory_space<vmem_shared>>
        tpu.wait_dma2 semaphore(%run_scoped3A_340 : memref<!tpu.dma_semaphore, #tpu.memory_space<semaphore_mem>>) src(%dma_wait3A_364 : memref<128x80xf32, #tpu.memory_space<vmem_shared>>) dst(%dma_wait3A_362 : memref<128x80xf32, #tpu.memory_space<vmem>>)
        tpu.yield
      }) : () -> ()
      %run_scoped3A_338 = arith.constant 0 : i32
      "tpu.region"() ({
        %run_scoped3A_340 = tpu.sem_alloc : memref<!tpu.dma_semaphore, #tpu.memory_space<semaphore_mem>>
        %dma_start3A_341 = arith.constant 0 : i32
        %dma_start3A_342 = arith.constant 0 : i32
        %dma_start3A_343 = tpu.memref_slice %arg11[%run_scoped3A_338, %dma_start3A_341, %dma_start3A_342] : memref<2x128x80xf32, #tpu.memory_space<vmem>> -> memref<1x128x80xf32, #tpu.memory_space<vmem>>
        %dma_start3A_344 = tpu.memref_squeeze %dma_start3A_343 : memref<1x128x80xf32, #tpu.memory_space<vmem>> -> memref<128x80xf32, #tpu.memory_space<vmem>>
        %dma_start3A_345 = arith.constant 0 : i32
        %dma_start3A_346 = tpu.memref_slice %arg6[%arg0, %add3A_337, %dma_start3A_345] : memref<2x10240x80xf32, #tpu.memory_space<hbm>> -> memref<1x128x80xf32, #tpu.memory_space<hbm>>
        %dma_start3A_347 = tpu.memref_squeeze %dma_start3A_346 : memref<1x128x80xf32, #tpu.memory_space<hbm>> -> memref<128x80xf32, #tpu.memory_space<hbm>>
        %dma_start3A_348 = arith.constant 0 : i32
        %dma_start3A_349 = tpu.memref_slice %arg6[%arg0, %add3A_337, %dma_start3A_348] : memref<2x10240x80xf32, #tpu.memory_space<hbm>> -> memref<1x128x80xf32, #tpu.memory_space<hbm>>
        %dma_start3A_350 = tpu.memref_squeeze %dma_start3A_349 : memref<1x128x80xf32, #tpu.memory_space<hbm>> -> memref<128x80xf32, #tpu.memory_space<hbm>>
        %dma_start3A_351 = arith.constant 0 : i32
        %dma_start3A_352 = arith.constant 0 : i32
        %dma_start3A_353 = tpu.memref_slice %arg11[%run_scoped3A_338, %dma_start3A_351, %dma_start3A_352] : memref<2x128x80xf32, #tpu.memory_space<vmem>> -> memref<1x128x80xf32, #tpu.memory_space<vmem>>
        %dma_start3A_354 = tpu.memref_squeeze %dma_start3A_353 : memref<1x128x80xf32, #tpu.memory_space<vmem>> -> memref<128x80xf32, #tpu.memory_space<vmem>>
        tpu.enqueue_dma source(%dma_start3A_354 : memref<128x80xf32, #tpu.memory_space<vmem>>) target(%dma_start3A_350 : memref<128x80xf32, #tpu.memory_space<hbm>>) target_semaphore(%run_scoped3A_340 : memref<!tpu.dma_semaphore, #tpu.memory_space<semaphore_mem>>)
        %dma_wait3A_355 = arith.constant 0 : i32
        %dma_wait3A_356 = arith.constant 0 : i32
        %dma_wait3A_357 = tpu.memref_slice %arg11[%run_scoped3A_338, %dma_wait3A_355, %dma_wait3A_356] : memref<2x128x80xf32, #tpu.memory_space<vmem>> -> memref<1x128x80xf32, #tpu.memory_space<vmem>>
        %dma_wait3A_358 = tpu.memref_squeeze %dma_wait3A_357 : memref<1x128x80xf32, #tpu.memory_space<vmem>> -> memref<128x80xf32, #tpu.memory_space<vmem>>
        %dma_wait3A_359 = arith.constant 0 : i32
        %dma_wait3A_360 = tpu.memref_slice %arg6[%arg0, %add3A_337, %dma_wait3A_359] : memref<2x10240x80xf32, #tpu.memory_space<hbm>> -> memref<1x128x80xf32, #tpu.memory_space<hbm>>
        %dma_wait3A_361 = tpu.memref_squeeze %dma_wait3A_360 : memref<1x128x80xf32, #tpu.memory_space<hbm>> -> memref<128x80xf32, #tpu.memory_space<hbm>>
        %dma_wait3A_362 = arith.constant 0 : i32
        %dma_wait3A_363 = tpu.memref_slice %arg6[%arg0, %add3A_337, %dma_wait3A_362] : memref<2x10240x80xf32, #tpu.memory_space<hbm>> -> memref<1x128x80xf32, #tpu.memory_space<hbm>>
        %dma_wait3A_364 = tpu.memref_squeeze %dma_wait3A_363 : memref<1x128x80xf32, #tpu.memory_space<hbm>> -> memref<128x80xf32, #tpu.memory_space<hbm>>
        %dma_wait3A_365 = arith.constant 0 : i32
        %dma_wait3A_366 = arith.constant 0 : i32
        %dma_wait3A_367 = tpu.memref_slice %arg11[%run_scoped3A_338, %dma_wait3A_365, %dma_wait3A_366] : memref<2x128x80xf32, #tpu.memory_space<vmem>> -> memref<1x128x80xf32, #tpu.memory_space<vmem>>
        %dma_wait3A_368 = tpu.memref_squeeze %dma_wait3A_367 : memref<1x128x80xf32, #tpu.memory_space<vmem>> -> memref<128x80xf32, #tpu.memory_space<vmem>>
        tpu.wait_dma2 semaphore(%run_scoped3A_340 : memref<!tpu.dma_semaphore, #tpu.memory_space<semaphore_mem>>) src(%dma_wait3A_368 : memref<128x80xf32, #tpu.memory_space<vmem>>) dst(%dma_wait3A_364 : memref<128x80xf32, #tpu.memory_space<hbm>>)
        tpu.yield
      }) : () -> ()
      %scan3A_339 = arith.constant 0 : i32
      scf.yield %scan3A_339 : i32
    }
    %scan3A_330 = arith.constant 5 : i32
    return
  }
}

#map = affine_map<(d0, d1) -> (0, 0)>
#map1 = affine_map<(d0, d1) -> (0, 0, 0)>
module attributes {stable_mosaic.version = 14 : i64} {
  func.func @body(%arg0: i32, %arg1: i32, %arg2: memref<10240x32xf32, #tpu.memory_space<hbm>>, %arg3: memref<10240x16xf32, #tpu.memory_space<hbm>>, %arg4: memref<1344x128xi32, #tpu.memory_space<hbm>>, %arg5: memref<1344x128xi32, #tpu.memory_space<hbm>>, %arg6: memref<2x10240x16xf32, #tpu.memory_space<hbm>>, %arg7: memref<42x128xi32, #tpu.memory_space<vmem>>, %arg8: memref<42x128xi32, #tpu.memory_space<vmem>>, %arg9: memref<2x128x32xf32, #tpu.memory_space<vmem>>, %arg10: memref<2x128x16xf32, #tpu.memory_space<vmem>>, %arg11: memref<2x128x16xf32, #tpu.memory_space<vmem>>, %arg12: memref<10240x16xf32, #tpu.memory_space<vmem_shared>>, %arg13: memref<!tpu.dma_semaphore, #tpu.memory_space<semaphore_mem>>, %arg14: memref<!tpu.dma_semaphore, #tpu.memory_space<semaphore_mem>>, %arg15: memref<!tpu.dma_semaphore, #tpu.memory_space<semaphore_mem>>, %arg16: memref<!tpu.dma_semaphore, #tpu.memory_space<semaphore_mem>>, %arg17: memref<!tpu.dma_semaphore, #tpu.memory_space<semaphore_mem>>, %arg18: memref<!tpu.dma_semaphore, #tpu.memory_space<semaphore_mem>>) attributes {dimension_semantics = [#tpu.dimension_semantics<core_parallel>, #tpu.dimension_semantics<subcore_parallel>], iteration_bounds = array<i64: 2, 16>, scalar_prefetch = 0 : i64, scratch_operands = 12 : i64, tpu.core_type = #tpu.core_type<sc_vector_subcore>, window_params = [{transform_indices = #map}, {transform_indices = #map}, {transform_indices = #map}, {transform_indices = #map}, {transform_indices = #map1}]} {
    %mul3A = arith.constant 16 : i32
    %mul3A_0 = arith.muli %arg0, %mul3A : i32
    %add3A = arith.addi %mul3A_0, %arg1 : i32
    %mul3A_1 = arith.constant 42 : i32
    %mul3A_2 = arith.muli %add3A, %mul3A_1 : i32
    "tpu.region"() ({
      %run_scoped3A = tpu.sem_alloc : memref<!tpu.dma_semaphore, #tpu.memory_space<semaphore_mem>>
      %dma_start3A_331 = arith.constant 0 : i32
      %dma_start3A_332 = tpu.memref_slice %arg4[%mul3A_2, %dma_start3A_331] : memref<1344x128xi32, #tpu.memory_space<hbm>> -> memref<42x128xi32, #tpu.memory_space<hbm>>
      %dma_start3A_333 = arith.constant 0 : i32
      %dma_start3A_334 = tpu.memref_slice %arg4[%mul3A_2, %dma_start3A_333] : memref<1344x128xi32, #tpu.memory_space<hbm>> -> memref<42x128xi32, #tpu.memory_space<hbm>>
      tpu.enqueue_dma source(%dma_start3A_334 : memref<42x128xi32, #tpu.memory_space<hbm>>) target(%arg7 : memref<42x128xi32, #tpu.memory_space<vmem>>) target_semaphore(%run_scoped3A : memref<!tpu.dma_semaphore, #tpu.memory_space<semaphore_mem>>)
      %dma_wait3A_335 = arith.constant 0 : i32
      %dma_wait3A_336 = tpu.memref_slice %arg4[%mul3A_2, %dma_wait3A_335] : memref<1344x128xi32, #tpu.memory_space<hbm>> -> memref<42x128xi32, #tpu.memory_space<hbm>>
      %dma_wait3A_337 = arith.constant 0 : i32
      %dma_wait3A_338 = tpu.memref_slice %arg4[%mul3A_2, %dma_wait3A_337] : memref<1344x128xi32, #tpu.memory_space<hbm>> -> memref<42x128xi32, #tpu.memory_space<hbm>>
      tpu.wait_dma2 semaphore(%run_scoped3A : memref<!tpu.dma_semaphore, #tpu.memory_space<semaphore_mem>>) src(%dma_wait3A_338 : memref<42x128xi32, #tpu.memory_space<hbm>>) dst(%arg7 : memref<42x128xi32, #tpu.memory_space<vmem>>)
      tpu.yield
    }) : () -> ()
    %mul3A_3 = arith.constant 42 : i32
    %mul3A_4 = arith.muli %add3A, %mul3A_3 : i32
    "tpu.region"() ({
      %run_scoped3A = tpu.sem_alloc : memref<!tpu.dma_semaphore, #tpu.memory_space<semaphore_mem>>
      %dma_start3A_331 = arith.constant 0 : i32
      %dma_start3A_332 = tpu.memref_slice %arg5[%mul3A_4, %dma_start3A_331] : memref<1344x128xi32, #tpu.memory_space<hbm>> -> memref<42x128xi32, #tpu.memory_space<hbm>>
      %dma_start3A_333 = arith.constant 0 : i32
      %dma_start3A_334 = tpu.memref_slice %arg5[%mul3A_4, %dma_start3A_333] : memref<1344x128xi32, #tpu.memory_space<hbm>> -> memref<42x128xi32, #tpu.memory_space<hbm>>
      tpu.enqueue_dma source(%dma_start3A_334 : memref<42x128xi32, #tpu.memory_space<hbm>>) target(%arg8 : memref<42x128xi32, #tpu.memory_space<vmem>>) target_semaphore(%run_scoped3A : memref<!tpu.dma_semaphore, #tpu.memory_space<semaphore_mem>>)
      %dma_wait3A_335 = arith.constant 0 : i32
      %dma_wait3A_336 = tpu.memref_slice %arg5[%mul3A_4, %dma_wait3A_335] : memref<1344x128xi32, #tpu.memory_space<hbm>> -> memref<42x128xi32, #tpu.memory_space<hbm>>
      %dma_wait3A_337 = arith.constant 0 : i32
      %dma_wait3A_338 = tpu.memref_slice %arg5[%mul3A_4, %dma_wait3A_337] : memref<1344x128xi32, #tpu.memory_space<hbm>> -> memref<42x128xi32, #tpu.memory_space<hbm>>
      tpu.wait_dma2 semaphore(%run_scoped3A : memref<!tpu.dma_semaphore, #tpu.memory_space<semaphore_mem>>) src(%dma_wait3A_338 : memref<42x128xi32, #tpu.memory_space<hbm>>) dst(%arg8 : memref<42x128xi32, #tpu.memory_space<vmem>>)
      tpu.yield
    }) : () -> ()
    %broadcast_in_dim3A = arith.constant 0.000000e+00 : f32
    %broadcast_in_dim3A_5 = vector.broadcast %broadcast_in_dim3A : f32 to vector<16xf32>
    %scan3A = arith.constant 0 : i32
    %scan3A_6 = arith.constant 0 : i32
    %scan3A_7 = arith.constant 128 : i32
    %scan3A_8 = arith.addi %scan3A_6, %scan3A_7 : i32
    %scan3A_9 = arith.constant 1 : i32
    %scan3A_10 = scf.for %scan3A_331 = %scan3A_6 to %scan3A_8 step %scan3A_9 iter_args(%scan3A_332 = %scan3A) -> (i32)  : i32 {
      %swap3A = arith.constant 0 : i32
      %swap3A_333 = arith.index_cast %swap3A : i32 to index
      %swap3A_334 = arith.index_cast %scan3A_331 : i32 to index
      %swap3A_335 = arith.constant 0 : index
      %swap3A_336 = tpu.vector_load %arg11[%swap3A_333, %swap3A_334, %swap3A_335] {strides = array<i32>} : memref<2x128x16xf32, #tpu.memory_space<vmem>>, vector<1x1x16xf32>,
      %swap3A_337 = vector.shape_cast %swap3A_336 : vector<1x1x16xf32> to vector<16xf32>
      %swap3A_338 = vector.shape_cast %broadcast_in_dim3A_5 : vector<16xf32> to vector<1x1x16xf32>
      tpu.vector_store %arg11[%swap3A_333, %swap3A_334, %swap3A_335], %swap3A_338 {strides = array<i32>} : memref<2x128x16xf32, #tpu.memory_space<vmem>>, vector<1x1x16xf32>,
      %scan3A_339 = arith.constant 0 : i32
      scf.yield %scan3A_339 : i32
    }
    %scan3A_11 = arith.constant 128 : i32
    %scan3A_12 = arith.constant 0 : i32
    %scan3A_13 = arith.constant 0 : i32
    %scan3A_14 = arith.constant 5 : i32
    %scan3A_15 = arith.addi %scan3A_13, %scan3A_14 : i32
    %scan3A_16 = arith.constant 1 : i32
    %scan3A_17 = scf.for %scan3A_331 = %scan3A_13 to %scan3A_15 step %scan3A_16 iter_args(%scan3A_332 = %scan3A_12) -> (i32)  : i32 {
      %mul3A_333 = arith.constant 640 : i32
      %mul3A_334 = arith.muli %arg1, %mul3A_333 : i32
      %mul3A_335 = arith.constant 128 : i32
      %mul3A_336 = arith.muli %scan3A_331, %mul3A_335 : i32
      %add3A_337 = arith.addi %mul3A_334, %mul3A_336 : i32
      %run_scoped3A = arith.constant 0 : i32
      "tpu.region"() ({
        %run_scoped3A_339 = tpu.sem_alloc : memref<!tpu.dma_semaphore, #tpu.memory_space<semaphore_mem>>
        %dma_start3A_340 = arith.constant 0 : i32
        %dma_start3A_341 = arith.constant 0 : i32
        %dma_start3A_342 = tpu.memref_slice %arg11[%run_scoped3A, %dma_start3A_340, %dma_start3A_341] : memref<2x128x16xf32, #tpu.memory_space<vmem>> -> memref<1x128x16xf32, #tpu.memory_space<vmem>>
        %dma_start3A_343 = tpu.memref_squeeze %dma_start3A_342 : memref<1x128x16xf32, #tpu.memory_space<vmem>> -> memref<128x16xf32, #tpu.memory_space<vmem>>
        %dma_start3A_344 = arith.constant 0 : i32
        %dma_start3A_345 = tpu.memref_slice %arg12[%add3A_337, %dma_start3A_344] : memref<10240x16xf32, #tpu.memory_space<vmem_shared>> -> memref<128x16xf32, #tpu.memory_space<vmem_shared>>
        %dma_start3A_346 = arith.constant 0 : i32
        %dma_start3A_347 = tpu.memref_slice %arg12[%add3A_337, %dma_start3A_346] : memref<10240x16xf32, #tpu.memory_space<vmem_shared>> -> memref<128x16xf32, #tpu.memory_space<vmem_shared>>
        %dma_start3A_348 = arith.constant 0 : i32
        %dma_start3A_349 = arith.constant 0 : i32
        %dma_start3A_350 = tpu.memref_slice %arg11[%run_scoped3A, %dma_start3A_348, %dma_start3A_349] : memref<2x128x16xf32, #tpu.memory_space<vmem>> -> memref<1x128x16xf32, #tpu.memory_space<vmem>>
        %dma_start3A_351 = tpu.memref_squeeze %dma_start3A_350 : memref<1x128x16xf32, #tpu.memory_space<vmem>> -> memref<128x16xf32, #tpu.memory_space<vmem>>
        tpu.enqueue_dma source(%dma_start3A_351 : memref<128x16xf32, #tpu.memory_space<vmem>>) target(%dma_start3A_347 : memref<128x16xf32, #tpu.memory_space<vmem_shared>>) target_semaphore(%run_scoped3A_339 : memref<!tpu.dma_semaphore, #tpu.memory_space<semaphore_mem>>)
        %dma_wait3A_352 = arith.constant 0 : i32
        %dma_wait3A_353 = arith.constant 0 : i32
        %dma_wait3A_354 = tpu.memref_slice %arg11[%run_scoped3A, %dma_wait3A_352, %dma_wait3A_353] : memref<2x128x16xf32, #tpu.memory_space<vmem>> -> memref<1x128x16xf32, #tpu.memory_space<vmem>>
        %dma_wait3A_355 = tpu.memref_squeeze %dma_wait3A_354 : memref<1x128x16xf32, #tpu.memory_space<vmem>> -> memref<128x16xf32, #tpu.memory_space<vmem>>
        %dma_wait3A_356 = arith.constant 0 : i32
        %dma_wait3A_357 = tpu.memref_slice %arg12[%add3A_337, %dma_wait3A_356] : memref<10240x16xf32, #tpu.memory_space<vmem_shared>> -> memref<128x16xf32, #tpu.memory_space<vmem_shared>>
        %dma_wait3A_358 = arith.constant 0 : i32
        %dma_wait3A_359 = tpu.memref_slice %arg12[%add3A_337, %dma_wait3A_358] : memref<10240x16xf32, #tpu.memory_space<vmem_shared>> -> memref<128x16xf32, #tpu.memory_space<vmem_shared>>
        %dma_wait3A_360 = arith.constant 0 : i32
        %dma_wait3A_361 = arith.constant 0 : i32
        %dma_wait3A_362 = tpu.memref_slice %arg11[%run_scoped3A, %dma_wait3A_360, %dma_wait3A_361] : memref<2x128x16xf32, #tpu.memory_space<vmem>> -> memref<1x128x16xf32, #tpu.memory_space<vmem>>
        %dma_wait3A_363 = tpu.memref_squeeze %dma_wait3A_362 : memref<1x128x16xf32, #tpu.memory_space<vmem>> -> memref<128x16xf32, #tpu.memory_space<vmem>>
        tpu.wait_dma2 semaphore(%run_scoped3A_339 : memref<!tpu.dma_semaphore, #tpu.memory_space<semaphore_mem>>) src(%dma_wait3A_363 : memref<128x16xf32, #tpu.memory_space<vmem>>) dst(%dma_wait3A_359 : memref<128x16xf32, #tpu.memory_space<vmem_shared>>)
        tpu.yield
      }) : () -> ()
      %scan3A_338 = arith.constant 0 : i32
      scf.yield %scan3A_338 : i32
    }
    %scan3A_18 = arith.constant 5 : i32
    %barrier3A = arith.constant 0 : index
    tpu.barrier barrier_id(%barrier3A)
    %dma_start3A = arith.constant 0 : i32
    %dma_start3A_19 = arith.constant 0 : i32
    %dma_start3A_20 = arith.constant 0 : i32
    %dma_start3A_21 = arith.constant 0 : i32
    %dma_start3A_22 = tpu.memref_slice %arg9[%dma_start3A_19, %dma_start3A_20, %dma_start3A_21] : memref<2x128x32xf32, #tpu.memory_space<vmem>> -> memref<1x128x32xf32, #tpu.memory_space<vmem>>
    %dma_start3A_23 = tpu.memref_squeeze %dma_start3A_22 : memref<1x128x32xf32, #tpu.memory_space<vmem>> -> memref<128x32xf32, #tpu.memory_space<vmem>>
    %dma_start3A_24 = arith.constant 0 : i32
    %dma_start3A_25 = tpu.memref_slice %arg7[%dma_start3A, %dma_start3A_24] : memref<42x128xi32, #tpu.memory_space<vmem>> -> memref<1x128xi32, #tpu.memory_space<vmem>>
    %dma_start3A_26 = tpu.memref_squeeze %dma_start3A_25 : memref<1x128xi32, #tpu.memory_space<vmem>> -> memref<128xi32, #tpu.memory_space<vmem>>
    %dma_start3A_27 = arith.constant 0 : i32
    %dma_start3A_28 = arith.constant 0 : i32
    %dma_start3A_29 = tpu.memref_slice %arg2[%dma_start3A_27, %dma_start3A_28] : memref<10240x32xf32, #tpu.memory_space<hbm>> -> memref<10240x32xf32, #tpu.memory_space<hbm>>
    tpu.enqueue_indirect_dma source(%dma_start3A_29 : memref<10240x32xf32, #tpu.memory_space<hbm>>) target(%dma_start3A_23 : memref<128x32xf32, #tpu.memory_space<vmem>>) offsets(%dma_start3A_26 : memref<128xi32, #tpu.memory_space<vmem>>) semaphore(%arg13 : memref<!tpu.dma_semaphore, #tpu.memory_space<semaphore_mem>>)
    %dma_start3A_30 = arith.constant 0 : i32
    %dma_start3A_31 = arith.constant 0 : i32
    %dma_start3A_32 = arith.constant 0 : i32
    %dma_start3A_33 = arith.constant 0 : i32
    %dma_start3A_34 = tpu.memref_slice %arg10[%dma_start3A_31, %dma_start3A_32, %dma_start3A_33] : memref<2x128x16xf32, #tpu.memory_space<vmem>> -> memref<1x128x16xf32, #tpu.memory_space<vmem>>
    %dma_start3A_35 = tpu.memref_squeeze %dma_start3A_34 : memref<1x128x16xf32, #tpu.memory_space<vmem>> -> memref<128x16xf32, #tpu.memory_space<vmem>>
    %dma_start3A_36 = arith.constant 0 : i32
    %dma_start3A_37 = tpu.memref_slice %arg8[%dma_start3A_30, %dma_start3A_36] : memref<42x128xi32, #tpu.memory_space<vmem>> -> memref<1x128xi32, #tpu.memory_space<vmem>>
    %dma_start3A_38 = tpu.memref_squeeze %dma_start3A_37 : memref<1x128xi32, #tpu.memory_space<vmem>> -> memref<128xi32, #tpu.memory_space<vmem>>
    %dma_start3A_39 = arith.constant 0 : i32
    %dma_start3A_40 = arith.constant 0 : i32
    %dma_start3A_41 = tpu.memref_slice %arg3[%dma_start3A_39, %dma_start3A_40] : memref<10240x16xf32, #tpu.memory_space<hbm>> -> memref<10240x16xf32, #tpu.memory_space<hbm>>
    tpu.enqueue_indirect_dma source(%dma_start3A_41 : memref<10240x16xf32, #tpu.memory_space<hbm>>) target(%dma_start3A_35 : memref<128x16xf32, #tpu.memory_space<vmem>>) offsets(%dma_start3A_38 : memref<128xi32, #tpu.memory_space<vmem>>) semaphore(%arg14 : memref<!tpu.dma_semaphore, #tpu.memory_space<semaphore_mem>>)
    %dma_start3A_42 = arith.constant 1 : i32
    %dma_start3A_43 = arith.constant 1 : i32
    %dma_start3A_44 = arith.constant 0 : i32
    %dma_start3A_45 = arith.constant 0 : i32
    %dma_start3A_46 = tpu.memref_slice %arg9[%dma_start3A_43, %dma_start3A_44, %dma_start3A_45] : memref<2x128x32xf32, #tpu.memory_space<vmem>> -> memref<1x128x32xf32, #tpu.memory_space<vmem>>
    %dma_start3A_47 = tpu.memref_squeeze %dma_start3A_46 : memref<1x128x32xf32, #tpu.memory_space<vmem>> -> memref<128x32xf32, #tpu.memory_space<vmem>>
    %dma_start3A_48 = arith.constant 0 : i32
    %dma_start3A_49 = tpu.memref_slice %arg7[%dma_start3A_42, %dma_start3A_48] : memref<42x128xi32, #tpu.memory_space<vmem>> -> memref<1x128xi32, #tpu.memory_space<vmem>>
    %dma_start3A_50 = tpu.memref_squeeze %dma_start3A_49 : memref<1x128xi32, #tpu.memory_space<vmem>> -> memref<128xi32, #tpu.memory_space<vmem>>
    %dma_start3A_51 = arith.constant 0 : i32
    %dma_start3A_52 = arith.constant 0 : i32
    %dma_start3A_53 = tpu.memref_slice %arg2[%dma_start3A_51, %dma_start3A_52] : memref<10240x32xf32, #tpu.memory_space<hbm>> -> memref<10240x32xf32, #tpu.memory_space<hbm>>
    tpu.enqueue_indirect_dma source(%dma_start3A_53 : memref<10240x32xf32, #tpu.memory_space<hbm>>) target(%dma_start3A_47 : memref<128x32xf32, #tpu.memory_space<vmem>>) offsets(%dma_start3A_50 : memref<128xi32, #tpu.memory_space<vmem>>) semaphore(%arg16 : memref<!tpu.dma_semaphore, #tpu.memory_space<semaphore_mem>>)
    %dma_start3A_54 = arith.constant 1 : i32
    %dma_start3A_55 = arith.constant 1 : i32
    %dma_start3A_56 = arith.constant 0 : i32
    %dma_start3A_57 = arith.constant 0 : i32
    %dma_start3A_58 = tpu.memref_slice %arg10[%dma_start3A_55, %dma_start3A_56, %dma_start3A_57] : memref<2x128x16xf32, #tpu.memory_space<vmem>> -> memref<1x128x16xf32, #tpu.memory_space<vmem>>
    %dma_start3A_59 = tpu.memref_squeeze %dma_start3A_58 : memref<1x128x16xf32, #tpu.memory_space<vmem>> -> memref<128x16xf32, #tpu.memory_space<vmem>>
    %dma_start3A_60 = arith.constant 0 : i32
    %dma_start3A_61 = tpu.memref_slice %arg8[%dma_start3A_54, %dma_start3A_60] : memref<42x128xi32, #tpu.memory_space<vmem>> -> memref<1x128xi32, #tpu.memory_space<vmem>>
    %dma_start3A_62 = tpu.memref_squeeze %dma_start3A_61 : memref<1x128xi32, #tpu.memory_space<vmem>> -> memref<128xi32, #tpu.memory_space<vmem>>
    %dma_start3A_63 = arith.constant 0 : i32
    %dma_start3A_64 = arith.constant 0 : i32
    %dma_start3A_65 = tpu.memref_slice %arg3[%dma_start3A_63, %dma_start3A_64] : memref<10240x16xf32, #tpu.memory_space<hbm>> -> memref<10240x16xf32, #tpu.memory_space<hbm>>
    tpu.enqueue_indirect_dma source(%dma_start3A_65 : memref<10240x16xf32, #tpu.memory_space<hbm>>) target(%dma_start3A_59 : memref<128x16xf32, #tpu.memory_space<vmem>>) offsets(%dma_start3A_62 : memref<128xi32, #tpu.memory_space<vmem>>) semaphore(%arg17 : memref<!tpu.dma_semaphore, #tpu.memory_space<semaphore_mem>>)
    %dma_wait3A = arith.constant 0 : i32
    %dma_wait3A_66 = arith.constant 0 : i32
    %dma_wait3A_67 = arith.constant 0 : i32
    %dma_wait3A_68 = arith.constant 0 : i32
    %dma_wait3A_69 = tpu.memref_slice %arg9[%dma_wait3A_66, %dma_wait3A_67, %dma_wait3A_68] : memref<2x128x32xf32, #tpu.memory_space<vmem>> -> memref<1x128x32xf32, #tpu.memory_space<vmem>>
    %dma_wait3A_70 = tpu.memref_squeeze %dma_wait3A_69 : memref<1x128x32xf32, #tpu.memory_space<vmem>> -> memref<128x32xf32, #tpu.memory_space<vmem>>
    %dma_wait3A_71 = arith.constant 0 : i32
    %dma_wait3A_72 = tpu.memref_slice %arg7[%dma_wait3A, %dma_wait3A_71] : memref<42x128xi32, #tpu.memory_space<vmem>> -> memref<1x128xi32, #tpu.memory_space<vmem>>
    %dma_wait3A_73 = tpu.memref_squeeze %dma_wait3A_72 : memref<1x128xi32, #tpu.memory_space<vmem>> -> memref<128xi32, #tpu.memory_space<vmem>>
    %dma_wait3A_74 = arith.constant 0 : i32
    %dma_wait3A_75 = arith.constant 0 : i32
    %dma_wait3A_76 = tpu.memref_slice %arg2[%dma_wait3A_74, %dma_wait3A_75] : memref<10240x32xf32, #tpu.memory_space<hbm>> -> memref<10240x32xf32, #tpu.memory_space<hbm>>
    tpu.wait_indirect_dma semaphore(%arg13 : memref<!tpu.dma_semaphore, #tpu.memory_space<semaphore_mem>>) src(%dma_wait3A_76 : memref<10240x32xf32, #tpu.memory_space<hbm>>) dst(%dma_wait3A_70 : memref<128x32xf32, #tpu.memory_space<vmem>>)
    %dma_wait3A_77 = arith.constant 0 : i32
    %dma_wait3A_78 = arith.constant 0 : i32
    %dma_wait3A_79 = arith.constant 0 : i32
    %dma_wait3A_80 = arith.constant 0 : i32
    %dma_wait3A_81 = tpu.memref_slice %arg10[%dma_wait3A_78, %dma_wait3A_79, %dma_wait3A_80] : memref<2x128x16xf32, #tpu.memory_space<vmem>> -> memref<1x128x16xf32, #tpu.memory_space<vmem>>
    %dma_wait3A_82 = tpu.memref_squeeze %dma_wait3A_81 : memref<1x128x16xf32, #tpu.memory_space<vmem>> -> memref<128x16xf32, #tpu.memory_space<vmem>>
    %dma_wait3A_83 = arith.constant 0 : i32
    %dma_wait3A_84 = tpu.memref_slice %arg8[%dma_wait3A_77, %dma_wait3A_83] : memref<42x128xi32, #tpu.memory_space<vmem>> -> memref<1x128xi32, #tpu.memory_space<vmem>>
    %dma_wait3A_85 = tpu.memref_squeeze %dma_wait3A_84 : memref<1x128xi32, #tpu.memory_space<vmem>> -> memref<128xi32, #tpu.memory_space<vmem>>
    %dma_wait3A_86 = arith.constant 0 : i32
    %dma_wait3A_87 = arith.constant 0 : i32
    %dma_wait3A_88 = tpu.memref_slice %arg3[%dma_wait3A_86, %dma_wait3A_87] : memref<10240x16xf32, #tpu.memory_space<hbm>> -> memref<10240x16xf32, #tpu.memory_space<hbm>>
    tpu.wait_indirect_dma semaphore(%arg14 : memref<!tpu.dma_semaphore, #tpu.memory_space<semaphore_mem>>) src(%dma_wait3A_88 : memref<10240x16xf32, #tpu.memory_space<hbm>>) dst(%dma_wait3A_82 : memref<128x16xf32, #tpu.memory_space<vmem>>)
    %parallel_loop3A = arith.constant 0 : i32
    %parallel_loop3A_89 = arith.constant 128 : i32
    %parallel_loop3A_90 = arith.constant 1 : i32
    scf.for %parallel_loop3A_331 = %parallel_loop3A to %parallel_loop3A_89 step %parallel_loop3A_90  : i32 {
      %parallel_loop3A_332 = arith.constant 0 : i32
      %parallel_loop3A_333 = arith.index_cast %parallel_loop3A_332 : i32 to index
      %parallel_loop3A_334 = arith.index_cast %parallel_loop3A_331 : i32 to index
      %parallel_loop3A_335 = arith.constant 16 : index
      %parallel_loop3A_336 = tpu.vector_load %arg9[%parallel_loop3A_333, %parallel_loop3A_334, %parallel_loop3A_335] {strides = array<i32>} : memref<2x128x32xf32, #tpu.memory_space<vmem>>, vector<1x1x16xf32>,
      %parallel_loop3A_337 = vector.shape_cast %parallel_loop3A_336 : vector<1x1x16xf32> to vector<16xf32>
      %parallel_loop3A_338 = arith.constant 0 : i32
      %parallel_loop3A_339 = arith.index_cast %parallel_loop3A_338 : i32 to index
      %parallel_loop3A_340 = arith.index_cast %parallel_loop3A_331 : i32 to index
      %parallel_loop3A_341 = arith.constant 0 : index
      %parallel_loop3A_342 = tpu.vector_load %arg10[%parallel_loop3A_339, %parallel_loop3A_340, %parallel_loop3A_341] {strides = array<i32>} : memref<2x128x16xf32, #tpu.memory_space<vmem>>, vector<1x1x16xf32>,
      %parallel_loop3A_343 = vector.shape_cast %parallel_loop3A_342 : vector<1x1x16xf32> to vector<16xf32>
      %parallel_loop3A_344 = arith.addf %parallel_loop3A_337, %parallel_loop3A_343 : vector<16xf32>
      %parallel_loop3A_345 = arith.constant 2.000000e-01 : f32
      %parallel_loop3A_346 = vector.broadcast %parallel_loop3A_345 : f32 to vector<16xf32>
      %parallel_loop3A_347 = arith.mulf %parallel_loop3A_346, %parallel_loop3A_344 : vector<16xf32>
      %parallel_loop3A_348 = arith.maximumf %parallel_loop3A_344, %parallel_loop3A_347 : vector<16xf32>
      %parallel_loop3A_349 = math.exp %parallel_loop3A_348 : vector<16xf32>
      %parallel_loop3A_350 = arith.constant 0 : i32
      %parallel_loop3A_351 = arith.index_cast %parallel_loop3A_350 : i32 to index
      %parallel_loop3A_352 = arith.index_cast %parallel_loop3A_331 : i32 to index
      %parallel_loop3A_353 = arith.constant 0 : index
      %parallel_loop3A_354 = tpu.vector_load %arg9[%parallel_loop3A_351, %parallel_loop3A_352, %parallel_loop3A_353] {strides = array<i32>} : memref<2x128x32xf32, #tpu.memory_space<vmem>>, vector<1x1x16xf32>,
      %parallel_loop3A_355 = vector.shape_cast %parallel_loop3A_354 : vector<1x1x16xf32> to vector<16xf32>
      %parallel_loop3A_356 = arith.mulf %parallel_loop3A_355, %parallel_loop3A_349 : vector<16xf32>
      %parallel_loop3A_357 = arith.constant 0 : i32
      %parallel_loop3A_358 = arith.index_cast %parallel_loop3A_357 : i32 to index
      %parallel_loop3A_359 = arith.index_cast %parallel_loop3A_331 : i32 to index
      %parallel_loop3A_360 = arith.constant 0 : index
      %parallel_loop3A_361 = tpu.vector_load %arg11[%parallel_loop3A_358, %parallel_loop3A_359, %parallel_loop3A_360] {strides = array<i32>} : memref<2x128x16xf32, #tpu.memory_space<vmem>>, vector<1x1x16xf32>,
      %parallel_loop3A_362 = vector.shape_cast %parallel_loop3A_361 : vector<1x1x16xf32> to vector<16xf32>
      %parallel_loop3A_363 = vector.shape_cast %parallel_loop3A_356 : vector<16xf32> to vector<1x1x16xf32>
      tpu.vector_store %arg11[%parallel_loop3A_358, %parallel_loop3A_359, %parallel_loop3A_360], %parallel_loop3A_363 {strides = array<i32>} : memref<2x128x16xf32, #tpu.memory_space<vmem>>, vector<1x1x16xf32>,
    } {sc.loop_unroll_factor = 4 : i64, sc.parallel_access}
    %dma_start3A_91 = arith.constant 0 : i32
    %dma_start3A_92 = arith.constant 0 : i32
    %dma_start3A_93 = arith.constant 0 : i32
    %dma_start3A_94 = arith.constant 0 : i32
    %dma_start3A_95 = tpu.memref_slice %arg11[%dma_start3A_91, %dma_start3A_93, %dma_start3A_94] : memref<2x128x16xf32, #tpu.memory_space<vmem>> -> memref<1x128x16xf32, #tpu.memory_space<vmem>>
    %dma_start3A_96 = tpu.memref_squeeze %dma_start3A_95 : memref<1x128x16xf32, #tpu.memory_space<vmem>> -> memref<128x16xf32, #tpu.memory_space<vmem>>
    %dma_start3A_97 = arith.constant 0 : i32
    %dma_start3A_98 = tpu.memref_slice %arg8[%dma_start3A_92, %dma_start3A_97] : memref<42x128xi32, #tpu.memory_space<vmem>> -> memref<1x128xi32, #tpu.memory_space<vmem>>
    %dma_start3A_99 = tpu.memref_squeeze %dma_start3A_98 : memref<1x128xi32, #tpu.memory_space<vmem>> -> memref<128xi32, #tpu.memory_space<vmem>>
    %dma_start3A_100 = arith.constant 0 : i32
    %dma_start3A_101 = arith.constant 0 : i32
    %dma_start3A_102 = tpu.memref_slice %arg12[%dma_start3A_100, %dma_start3A_101] : memref<10240x16xf32, #tpu.memory_space<vmem_shared>> -> memref<10240x16xf32, #tpu.memory_space<vmem_shared>>
    tpu.enqueue_indirect_dma source(%dma_start3A_96 : memref<128x16xf32, #tpu.memory_space<vmem>>) target(%dma_start3A_102 : memref<10240x16xf32, #tpu.memory_space<vmem_shared>>) offsets(%dma_start3A_99 : memref<128xi32, #tpu.memory_space<vmem>>) semaphore(%arg15 : memref<!tpu.dma_semaphore, #tpu.memory_space<semaphore_mem>>) {add = true}
    %dma_start3A_103 = arith.constant 2 : i32
    %dma_start3A_104 = arith.constant 0 : i32
    %dma_start3A_105 = arith.constant 0 : i32
    %dma_start3A_106 = arith.constant 0 : i32
    %dma_start3A_107 = tpu.memref_slice %arg9[%dma_start3A_104, %dma_start3A_105, %dma_start3A_106] : memref<2x128x32xf32, #tpu.memory_space<vmem>> -> memref<1x128x32xf32, #tpu.memory_space<vmem>>
    %dma_start3A_108 = tpu.memref_squeeze %dma_start3A_107 : memref<1x128x32xf32, #tpu.memory_space<vmem>> -> memref<128x32xf32, #tpu.memory_space<vmem>>
    %dma_start3A_109 = arith.constant 0 : i32
    %dma_start3A_110 = tpu.memref_slice %arg7[%dma_start3A_103, %dma_start3A_109] : memref<42x128xi32, #tpu.memory_space<vmem>> -> memref<1x128xi32, #tpu.memory_space<vmem>>
    %dma_start3A_111 = tpu.memref_squeeze %dma_start3A_110 : memref<1x128xi32, #tpu.memory_space<vmem>> -> memref<128xi32, #tpu.memory_space<vmem>>
    %dma_start3A_112 = arith.constant 0 : i32
    %dma_start3A_113 = arith.constant 0 : i32
    %dma_start3A_114 = tpu.memref_slice %arg2[%dma_start3A_112, %dma_start3A_113] : memref<10240x32xf32, #tpu.memory_space<hbm>> -> memref<10240x32xf32, #tpu.memory_space<hbm>>
    tpu.enqueue_indirect_dma source(%dma_start3A_114 : memref<10240x32xf32, #tpu.memory_space<hbm>>) target(%dma_start3A_108 : memref<128x32xf32, #tpu.memory_space<vmem>>) offsets(%dma_start3A_111 : memref<128xi32, #tpu.memory_space<vmem>>) semaphore(%arg13 : memref<!tpu.dma_semaphore, #tpu.memory_space<semaphore_mem>>)
    %dma_start3A_115 = arith.constant 2 : i32
    %dma_start3A_116 = arith.constant 0 : i32
    %dma_start3A_117 = arith.constant 0 : i32
    %dma_start3A_118 = arith.constant 0 : i32
    %dma_start3A_119 = tpu.memref_slice %arg10[%dma_start3A_116, %dma_start3A_117, %dma_start3A_118] : memref<2x128x16xf32, #tpu.memory_space<vmem>> -> memref<1x128x16xf32, #tpu.memory_space<vmem>>
    %dma_start3A_120 = tpu.memref_squeeze %dma_start3A_119 : memref<1x128x16xf32, #tpu.memory_space<vmem>> -> memref<128x16xf32, #tpu.memory_space<vmem>>
    %dma_start3A_121 = arith.constant 0 : i32
    %dma_start3A_122 = tpu.memref_slice %arg8[%dma_start3A_115, %dma_start3A_121] : memref<42x128xi32, #tpu.memory_space<vmem>> -> memref<1x128xi32, #tpu.memory_space<vmem>>
    %dma_start3A_123 = tpu.memref_squeeze %dma_start3A_122 : memref<1x128xi32, #tpu.memory_space<vmem>> -> memref<128xi32, #tpu.memory_space<vmem>>
    %dma_start3A_124 = arith.constant 0 : i32
    %dma_start3A_125 = arith.constant 0 : i32
    %dma_start3A_126 = tpu.memref_slice %arg3[%dma_start3A_124, %dma_start3A_125] : memref<10240x16xf32, #tpu.memory_space<hbm>> -> memref<10240x16xf32, #tpu.memory_space<hbm>>
    tpu.enqueue_indirect_dma source(%dma_start3A_126 : memref<10240x16xf32, #tpu.memory_space<hbm>>) target(%dma_start3A_120 : memref<128x16xf32, #tpu.memory_space<vmem>>) offsets(%dma_start3A_123 : memref<128xi32, #tpu.memory_space<vmem>>) semaphore(%arg14 : memref<!tpu.dma_semaphore, #tpu.memory_space<semaphore_mem>>)
    %dma_wait3A_127 = arith.constant 1 : i32
    %dma_wait3A_128 = arith.constant 1 : i32
    %dma_wait3A_129 = arith.constant 0 : i32
    %dma_wait3A_130 = arith.constant 0 : i32
    %dma_wait3A_131 = tpu.memref_slice %arg9[%dma_wait3A_128, %dma_wait3A_129, %dma_wait3A_130] : memref<2x128x32xf32, #tpu.memory_space<vmem>> -> memref<1x128x32xf32, #tpu.memory_space<vmem>>
    %dma_wait3A_132 = tpu.memref_squeeze %dma_wait3A_131 : memref<1x128x32xf32, #tpu.memory_space<vmem>> -> memref<128x32xf32, #tpu.memory_space<vmem>>
    %dma_wait3A_133 = arith.constant 0 : i32
    %dma_wait3A_134 = tpu.memref_slice %arg7[%dma_wait3A_127, %dma_wait3A_133] : memref<42x128xi32, #tpu.memory_space<vmem>> -> memref<1x128xi32, #tpu.memory_space<vmem>>
    %dma_wait3A_135 = tpu.memref_squeeze %dma_wait3A_134 : memref<1x128xi32, #tpu.memory_space<vmem>> -> memref<128xi32, #tpu.memory_space<vmem>>
    %dma_wait3A_136 = arith.constant 0 : i32
    %dma_wait3A_137 = arith.constant 0 : i32
    %dma_wait3A_138 = tpu.memref_slice %arg2[%dma_wait3A_136, %dma_wait3A_137] : memref<10240x32xf32, #tpu.memory_space<hbm>> -> memref<10240x32xf32, #tpu.memory_space<hbm>>
    tpu.wait_indirect_dma semaphore(%arg16 : memref<!tpu.dma_semaphore, #tpu.memory_space<semaphore_mem>>) src(%dma_wait3A_138 : memref<10240x32xf32, #tpu.memory_space<hbm>>) dst(%dma_wait3A_132 : memref<128x32xf32, #tpu.memory_space<vmem>>)
    %dma_wait3A_139 = arith.constant 1 : i32
    %dma_wait3A_140 = arith.constant 1 : i32
    %dma_wait3A_141 = arith.constant 0 : i32
    %dma_wait3A_142 = arith.constant 0 : i32
    %dma_wait3A_143 = tpu.memref_slice %arg10[%dma_wait3A_140, %dma_wait3A_141, %dma_wait3A_142] : memref<2x128x16xf32, #tpu.memory_space<vmem>> -> memref<1x128x16xf32, #tpu.memory_space<vmem>>
    %dma_wait3A_144 = tpu.memref_squeeze %dma_wait3A_143 : memref<1x128x16xf32, #tpu.memory_space<vmem>> -> memref<128x16xf32, #tpu.memory_space<vmem>>
    %dma_wait3A_145 = arith.constant 0 : i32
    %dma_wait3A_146 = tpu.memref_slice %arg8[%dma_wait3A_139, %dma_wait3A_145] : memref<42x128xi32, #tpu.memory_space<vmem>> -> memref<1x128xi32, #tpu.memory_space<vmem>>
    %dma_wait3A_147 = tpu.memref_squeeze %dma_wait3A_146 : memref<1x128xi32, #tpu.memory_space<vmem>> -> memref<128xi32, #tpu.memory_space<vmem>>
    %dma_wait3A_148 = arith.constant 0 : i32
    %dma_wait3A_149 = arith.constant 0 : i32
    %dma_wait3A_150 = tpu.memref_slice %arg3[%dma_wait3A_148, %dma_wait3A_149] : memref<10240x16xf32, #tpu.memory_space<hbm>> -> memref<10240x16xf32, #tpu.memory_space<hbm>>
    tpu.wait_indirect_dma semaphore(%arg17 : memref<!tpu.dma_semaphore, #tpu.memory_space<semaphore_mem>>) src(%dma_wait3A_150 : memref<10240x16xf32, #tpu.memory_space<hbm>>) dst(%dma_wait3A_144 : memref<128x16xf32, #tpu.memory_space<vmem>>)
    %parallel_loop3A_151 = arith.constant 0 : i32
    %parallel_loop3A_152 = arith.constant 128 : i32
    %parallel_loop3A_153 = arith.constant 1 : i32
    scf.for %parallel_loop3A_331 = %parallel_loop3A_151 to %parallel_loop3A_152 step %parallel_loop3A_153  : i32 {
      %parallel_loop3A_332 = arith.constant 1 : i32
      %parallel_loop3A_333 = arith.index_cast %parallel_loop3A_332 : i32 to index
      %parallel_loop3A_334 = arith.index_cast %parallel_loop3A_331 : i32 to index
      %parallel_loop3A_335 = arith.constant 16 : index
      %parallel_loop3A_336 = tpu.vector_load %arg9[%parallel_loop3A_333, %parallel_loop3A_334, %parallel_loop3A_335] {strides = array<i32>} : memref<2x128x32xf32, #tpu.memory_space<vmem>>, vector<1x1x16xf32>,
      %parallel_loop3A_337 = vector.shape_cast %parallel_loop3A_336 : vector<1x1x16xf32> to vector<16xf32>
      %parallel_loop3A_338 = arith.constant 1 : i32
      %parallel_loop3A_339 = arith.index_cast %parallel_loop3A_338 : i32 to index
      %parallel_loop3A_340 = arith.index_cast %parallel_loop3A_331 : i32 to index
      %parallel_loop3A_341 = arith.constant 0 : index
      %parallel_loop3A_342 = tpu.vector_load %arg10[%parallel_loop3A_339, %parallel_loop3A_340, %parallel_loop3A_341] {strides = array<i32>} : memref<2x128x16xf32, #tpu.memory_space<vmem>>, vector<1x1x16xf32>,
      %parallel_loop3A_343 = vector.shape_cast %parallel_loop3A_342 : vector<1x1x16xf32> to vector<16xf32>
      %parallel_loop3A_344 = arith.addf %parallel_loop3A_337, %parallel_loop3A_343 : vector<16xf32>
      %parallel_loop3A_345 = arith.constant 2.000000e-01 : f32
      %parallel_loop3A_346 = vector.broadcast %parallel_loop3A_345 : f32 to vector<16xf32>
      %parallel_loop3A_347 = arith.mulf %parallel_loop3A_346, %parallel_loop3A_344 : vector<16xf32>
      %parallel_loop3A_348 = arith.maximumf %parallel_loop3A_344, %parallel_loop3A_347 : vector<16xf32>
      %parallel_loop3A_349 = math.exp %parallel_loop3A_348 : vector<16xf32>
      %parallel_loop3A_350 = arith.constant 1 : i32
      %parallel_loop3A_351 = arith.index_cast %parallel_loop3A_350 : i32 to index
      %parallel_loop3A_352 = arith.index_cast %parallel_loop3A_331 : i32 to index
      %parallel_loop3A_353 = arith.constant 0 : index
      %parallel_loop3A_354 = tpu.vector_load %arg9[%parallel_loop3A_351, %parallel_loop3A_352, %parallel_loop3A_353] {strides = array<i32>} : memref<2x128x32xf32, #tpu.memory_space<vmem>>, vector<1x1x16xf32>,
      %parallel_loop3A_355 = vector.shape_cast %parallel_loop3A_354 : vector<1x1x16xf32> to vector<16xf32>
      %parallel_loop3A_356 = arith.mulf %parallel_loop3A_355, %parallel_loop3A_349 : vector<16xf32>
      %parallel_loop3A_357 = arith.constant 1 : i32
      %parallel_loop3A_358 = arith.index_cast %parallel_loop3A_357 : i32 to index
      %parallel_loop3A_359 = arith.index_cast %parallel_loop3A_331 : i32 to index
      %parallel_loop3A_360 = arith.constant 0 : index
      %parallel_loop3A_361 = tpu.vector_load %arg11[%parallel_loop3A_358, %parallel_loop3A_359, %parallel_loop3A_360] {strides = array<i32>} : memref<2x128x16xf32, #tpu.memory_space<vmem>>, vector<1x1x16xf32>,
      %parallel_loop3A_362 = vector.shape_cast %parallel_loop3A_361 : vector<1x1x16xf32> to vector<16xf32>
      %parallel_loop3A_363 = vector.shape_cast %parallel_loop3A_356 : vector<16xf32> to vector<1x1x16xf32>
      tpu.vector_store %arg11[%parallel_loop3A_358, %parallel_loop3A_359, %parallel_loop3A_360], %parallel_loop3A_363 {strides = array<i32>} : memref<2x128x16xf32, #tpu.memory_space<vmem>>, vector<1x1x16xf32>,
    } {sc.loop_unroll_factor = 4 : i64, sc.parallel_access}
    %dma_start3A_154 = arith.constant 1 : i32
    %dma_start3A_155 = arith.constant 1 : i32
    %dma_start3A_156 = arith.constant 0 : i32
    %dma_start3A_157 = arith.constant 0 : i32
    %dma_start3A_158 = tpu.memref_slice %arg11[%dma_start3A_154, %dma_start3A_156, %dma_start3A_157] : memref<2x128x16xf32, #tpu.memory_space<vmem>> -> memref<1x128x16xf32, #tpu.memory_space<vmem>>
    %dma_start3A_159 = tpu.memref_squeeze %dma_start3A_158 : memref<1x128x16xf32, #tpu.memory_space<vmem>> -> memref<128x16xf32, #tpu.memory_space<vmem>>
    %dma_start3A_160 = arith.constant 0 : i32
    %dma_start3A_161 = tpu.memref_slice %arg8[%dma_start3A_155, %dma_start3A_160] : memref<42x128xi32, #tpu.memory_space<vmem>> -> memref<1x128xi32, #tpu.memory_space<vmem>>
    %dma_start3A_162 = tpu.memref_squeeze %dma_start3A_161 : memref<1x128xi32, #tpu.memory_space<vmem>> -> memref<128xi32, #tpu.memory_space<vmem>>
    %dma_start3A_163 = arith.constant 0 : i32
    %dma_start3A_164 = arith.constant 0 : i32
    %dma_start3A_165 = tpu.memref_slice %arg12[%dma_start3A_163, %dma_start3A_164] : memref<10240x16xf32, #tpu.memory_space<vmem_shared>> -> memref<10240x16xf32, #tpu.memory_space<vmem_shared>>
    tpu.enqueue_indirect_dma source(%dma_start3A_159 : memref<128x16xf32, #tpu.memory_space<vmem>>) target(%dma_start3A_165 : memref<10240x16xf32, #tpu.memory_space<vmem_shared>>) offsets(%dma_start3A_162 : memref<128xi32, #tpu.memory_space<vmem>>) semaphore(%arg18 : memref<!tpu.dma_semaphore, #tpu.memory_space<semaphore_mem>>) {add = true}
    %dma_start3A_166 = arith.constant 3 : i32
    %dma_start3A_167 = arith.constant 1 : i32
    %dma_start3A_168 = arith.constant 0 : i32
    %dma_start3A_169 = arith.constant 0 : i32
    %dma_start3A_170 = tpu.memref_slice %arg9[%dma_start3A_167, %dma_start3A_168, %dma_start3A_169] : memref<2x128x32xf32, #tpu.memory_space<vmem>> -> memref<1x128x32xf32, #tpu.memory_space<vmem>>
    %dma_start3A_171 = tpu.memref_squeeze %dma_start3A_170 : memref<1x128x32xf32, #tpu.memory_space<vmem>> -> memref<128x32xf32, #tpu.memory_space<vmem>>
    %dma_start3A_172 = arith.constant 0 : i32
    %dma_start3A_173 = tpu.memref_slice %arg7[%dma_start3A_166, %dma_start3A_172] : memref<42x128xi32, #tpu.memory_space<vmem>> -> memref<1x128xi32, #tpu.memory_space<vmem>>
    %dma_start3A_174 = tpu.memref_squeeze %dma_start3A_173 : memref<1x128xi32, #tpu.memory_space<vmem>> -> memref<128xi32, #tpu.memory_space<vmem>>
    %dma_start3A_175 = arith.constant 0 : i32
    %dma_start3A_176 = arith.constant 0 : i32
    %dma_start3A_177 = tpu.memref_slice %arg2[%dma_start3A_175, %dma_start3A_176] : memref<10240x32xf32, #tpu.memory_space<hbm>> -> memref<10240x32xf32, #tpu.memory_space<hbm>>
    tpu.enqueue_indirect_dma source(%dma_start3A_177 : memref<10240x32xf32, #tpu.memory_space<hbm>>) target(%dma_start3A_171 : memref<128x32xf32, #tpu.memory_space<vmem>>) offsets(%dma_start3A_174 : memref<128xi32, #tpu.memory_space<vmem>>) semaphore(%arg16 : memref<!tpu.dma_semaphore, #tpu.memory_space<semaphore_mem>>)
    %dma_start3A_178 = arith.constant 3 : i32
    %dma_start3A_179 = arith.constant 1 : i32
    %dma_start3A_180 = arith.constant 0 : i32
    %dma_start3A_181 = arith.constant 0 : i32
    %dma_start3A_182 = tpu.memref_slice %arg10[%dma_start3A_179, %dma_start3A_180, %dma_start3A_181] : memref<2x128x16xf32, #tpu.memory_space<vmem>> -> memref<1x128x16xf32, #tpu.memory_space<vmem>>
    %dma_start3A_183 = tpu.memref_squeeze %dma_start3A_182 : memref<1x128x16xf32, #tpu.memory_space<vmem>> -> memref<128x16xf32, #tpu.memory_space<vmem>>
    %dma_start3A_184 = arith.constant 0 : i32
    %dma_start3A_185 = tpu.memref_slice %arg8[%dma_start3A_178, %dma_start3A_184] : memref<42x128xi32, #tpu.memory_space<vmem>> -> memref<1x128xi32, #tpu.memory_space<vmem>>
    %dma_start3A_186 = tpu.memref_squeeze %dma_start3A_185 : memref<1x128xi32, #tpu.memory_space<vmem>> -> memref<128xi32, #tpu.memory_space<vmem>>
    %dma_start3A_187 = arith.constant 0 : i32
    %dma_start3A_188 = arith.constant 0 : i32
    %dma_start3A_189 = tpu.memref_slice %arg3[%dma_start3A_187, %dma_start3A_188] : memref<10240x16xf32, #tpu.memory_space<hbm>> -> memref<10240x16xf32, #tpu.memory_space<hbm>>
    tpu.enqueue_indirect_dma source(%dma_start3A_189 : memref<10240x16xf32, #tpu.memory_space<hbm>>) target(%dma_start3A_183 : memref<128x16xf32, #tpu.memory_space<vmem>>) offsets(%dma_start3A_186 : memref<128xi32, #tpu.memory_space<vmem>>) semaphore(%arg17 : memref<!tpu.dma_semaphore, #tpu.memory_space<semaphore_mem>>)
    %scan3A_190 = arith.constant 0 : i32
    %scan3A_191 = arith.constant 1 : i32
    %scan3A_192 = arith.constant 19 : i32
    %scan3A_193 = arith.addi %scan3A_191, %scan3A_192 : i32
    %scan3A_194 = arith.constant 1 : i32
    %scan3A_195 = scf.for %scan3A_331 = %scan3A_191 to %scan3A_193 step %scan3A_194 iter_args(%scan3A_332 = %scan3A_190) -> (i32)  : i32 {
      %mul3A_333 = arith.constant 2 : i32
      %mul3A_334 = arith.muli %mul3A_333, %scan3A_331 : i32
      %add3A_335 = arith.constant 1 : i32
      %add3A_336 = arith.addi %mul3A_334, %add3A_335 : i32
      %dma_wait3A_337 = arith.constant 0 : i32
      %dma_wait3A_338 = arith.constant 0 : i32
      %dma_wait3A_339 = arith.constant 0 : i32
      %dma_wait3A_340 = tpu.memref_slice %arg9[%dma_wait3A_337, %dma_wait3A_338, %dma_wait3A_339] : memref<2x128x32xf32, #tpu.memory_space<vmem>> -> memref<1x128x32xf32, #tpu.memory_space<vmem>>
      %dma_wait3A_341 = tpu.memref_squeeze %dma_wait3A_340 : memref<1x128x32xf32, #tpu.memory_space<vmem>> -> memref<128x32xf32, #tpu.memory_space<vmem>>
      %dma_wait3A_342 = arith.constant 0 : i32
      %dma_wait3A_343 = tpu.memref_slice %arg7[%mul3A_334, %dma_wait3A_342] : memref<42x128xi32, #tpu.memory_space<vmem>> -> memref<1x128xi32, #tpu.memory_space<vmem>>
      %dma_wait3A_344 = tpu.memref_squeeze %dma_wait3A_343 : memref<1x128xi32, #tpu.memory_space<vmem>> -> memref<128xi32, #tpu.memory_space<vmem>>
      %dma_wait3A_345 = arith.constant 0 : i32
      %dma_wait3A_346 = arith.constant 0 : i32
      %dma_wait3A_347 = tpu.memref_slice %arg2[%dma_wait3A_345, %dma_wait3A_346] : memref<10240x32xf32, #tpu.memory_space<hbm>> -> memref<10240x32xf32, #tpu.memory_space<hbm>>
      tpu.wait_indirect_dma semaphore(%arg13 : memref<!tpu.dma_semaphore, #tpu.memory_space<semaphore_mem>>) src(%dma_wait3A_347 : memref<10240x32xf32, #tpu.memory_space<hbm>>) dst(%dma_wait3A_341 : memref<128x32xf32, #tpu.memory_space<vmem>>)
      %dma_wait3A_348 = arith.constant 0 : i32
      %dma_wait3A_349 = arith.constant 0 : i32
      %dma_wait3A_350 = arith.constant 0 : i32
      %dma_wait3A_351 = tpu.memref_slice %arg10[%dma_wait3A_348, %dma_wait3A_349, %dma_wait3A_350] : memref<2x128x16xf32, #tpu.memory_space<vmem>> -> memref<1x128x16xf32, #tpu.memory_space<vmem>>
      %dma_wait3A_352 = tpu.memref_squeeze %dma_wait3A_351 : memref<1x128x16xf32, #tpu.memory_space<vmem>> -> memref<128x16xf32, #tpu.memory_space<vmem>>
      %dma_wait3A_353 = arith.constant 0 : i32
      %dma_wait3A_354 = tpu.memref_slice %arg8[%mul3A_334, %dma_wait3A_353] : memref<42x128xi32, #tpu.memory_space<vmem>> -> memref<1x128xi32, #tpu.memory_space<vmem>>
      %dma_wait3A_355 = tpu.memref_squeeze %dma_wait3A_354 : memref<1x128xi32, #tpu.memory_space<vmem>> -> memref<128xi32, #tpu.memory_space<vmem>>
      %dma_wait3A_356 = arith.constant 0 : i32
      %dma_wait3A_357 = arith.constant 0 : i32
      %dma_wait3A_358 = tpu.memref_slice %arg3[%dma_wait3A_356, %dma_wait3A_357] : memref<10240x16xf32, #tpu.memory_space<hbm>> -> memref<10240x16xf32, #tpu.memory_space<hbm>>
      tpu.wait_indirect_dma semaphore(%arg14 : memref<!tpu.dma_semaphore, #tpu.memory_space<semaphore_mem>>) src(%dma_wait3A_358 : memref<10240x16xf32, #tpu.memory_space<hbm>>) dst(%dma_wait3A_352 : memref<128x16xf32, #tpu.memory_space<vmem>>)
      %sub3A = arith.constant 2 : i32
      %sub3A_359 = arith.subi %mul3A_334, %sub3A : i32
      %dma_wait3A_360 = arith.constant 0 : i32
      %dma_wait3A_361 = arith.constant 0 : i32
      %dma_wait3A_362 = arith.constant 0 : i32
      %dma_wait3A_363 = tpu.memref_slice %arg11[%dma_wait3A_360, %dma_wait3A_361, %dma_wait3A_362] : memref<2x128x16xf32, #tpu.memory_space<vmem>> -> memref<1x128x16xf32, #tpu.memory_space<vmem>>
      %dma_wait3A_364 = tpu.memref_squeeze %dma_wait3A_363 : memref<1x128x16xf32, #tpu.memory_space<vmem>> -> memref<128x16xf32, #tpu.memory_space<vmem>>
      %dma_wait3A_365 = arith.constant 0 : i32
      %dma_wait3A_366 = tpu.memref_slice %arg8[%sub3A_359, %dma_wait3A_365] : memref<42x128xi32, #tpu.memory_space<vmem>> -> memref<1x128xi32, #tpu.memory_space<vmem>>
      %dma_wait3A_367 = tpu.memref_squeeze %dma_wait3A_366 : memref<1x128xi32, #tpu.memory_space<vmem>> -> memref<128xi32, #tpu.memory_space<vmem>>
      %dma_wait3A_368 = arith.constant 0 : i32
      %dma_wait3A_369 = arith.constant 0 : i32
      %dma_wait3A_370 = tpu.memref_slice %arg12[%dma_wait3A_368, %dma_wait3A_369] : memref<10240x16xf32, #tpu.memory_space<vmem_shared>> -> memref<10240x16xf32, #tpu.memory_space<vmem_shared>>
      tpu.wait_indirect_dma semaphore(%arg15 : memref<!tpu.dma_semaphore, #tpu.memory_space<semaphore_mem>>) src(%dma_wait3A_364 : memref<128x16xf32, #tpu.memory_space<vmem>>) dst(%dma_wait3A_370 : memref<10240x16xf32, #tpu.memory_space<vmem_shared>>)
      %parallel_loop3A_371 = arith.constant 0 : i32
      %parallel_loop3A_372 = arith.constant 128 : i32
      %parallel_loop3A_373 = arith.constant 1 : i32
      scf.for %parallel_loop3A_483 = %parallel_loop3A_371 to %parallel_loop3A_372 step %parallel_loop3A_373  : i32 {
        %parallel_loop3A_484 = arith.constant 0 : i32
        %parallel_loop3A_485 = arith.index_cast %parallel_loop3A_484 : i32 to index
        %parallel_loop3A_486 = arith.index_cast %parallel_loop3A_483 : i32 to index
        %parallel_loop3A_487 = arith.constant 16 : index
        %parallel_loop3A_488 = tpu.vector_load %arg9[%parallel_loop3A_485, %parallel_loop3A_486, %parallel_loop3A_487] {strides = array<i32>} : memref<2x128x32xf32, #tpu.memory_space<vmem>>, vector<1x1x16xf32>,
        %parallel_loop3A_489 = vector.shape_cast %parallel_loop3A_488 : vector<1x1x16xf32> to vector<16xf32>
        %parallel_loop3A_490 = arith.constant 0 : i32
        %parallel_loop3A_491 = arith.index_cast %parallel_loop3A_490 : i32 to index
        %parallel_loop3A_492 = arith.index_cast %parallel_loop3A_483 : i32 to index
        %parallel_loop3A_493 = arith.constant 0 : index
        %parallel_loop3A_494 = tpu.vector_load %arg10[%parallel_loop3A_491, %parallel_loop3A_492, %parallel_loop3A_493] {strides = array<i32>} : memref<2x128x16xf32, #tpu.memory_space<vmem>>, vector<1x1x16xf32>,
        %parallel_loop3A_495 = vector.shape_cast %parallel_loop3A_494 : vector<1x1x16xf32> to vector<16xf32>
        %parallel_loop3A_496 = arith.addf %parallel_loop3A_489, %parallel_loop3A_495 : vector<16xf32>
        %parallel_loop3A_497 = arith.constant 2.000000e-01 : f32
        %parallel_loop3A_498 = vector.broadcast %parallel_loop3A_497 : f32 to vector<16xf32>
        %parallel_loop3A_499 = arith.mulf %parallel_loop3A_498, %parallel_loop3A_496 : vector<16xf32>
        %parallel_loop3A_500 = arith.maximumf %parallel_loop3A_496, %parallel_loop3A_499 : vector<16xf32>
        %parallel_loop3A_501 = math.exp %parallel_loop3A_500 : vector<16xf32>
        %parallel_loop3A_502 = arith.constant 0 : i32
        %parallel_loop3A_503 = arith.index_cast %parallel_loop3A_502 : i32 to index
        %parallel_loop3A_504 = arith.index_cast %parallel_loop3A_483 : i32 to index
        %parallel_loop3A_505 = arith.constant 0 : index
        %parallel_loop3A_506 = tpu.vector_load %arg9[%parallel_loop3A_503, %parallel_loop3A_504, %parallel_loop3A_505] {strides = array<i32>} : memref<2x128x32xf32, #tpu.memory_space<vmem>>, vector<1x1x16xf32>,
        %parallel_loop3A_507 = vector.shape_cast %parallel_loop3A_506 : vector<1x1x16xf32> to vector<16xf32>
        %parallel_loop3A_508 = arith.mulf %parallel_loop3A_507, %parallel_loop3A_501 : vector<16xf32>
        %parallel_loop3A_509 = arith.constant 0 : i32
        %parallel_loop3A_510 = arith.index_cast %parallel_loop3A_509 : i32 to index
        %parallel_loop3A_511 = arith.index_cast %parallel_loop3A_483 : i32 to index
        %parallel_loop3A_512 = arith.constant 0 : index
        %parallel_loop3A_513 = tpu.vector_load %arg11[%parallel_loop3A_510, %parallel_loop3A_511, %parallel_loop3A_512] {strides = array<i32>} : memref<2x128x16xf32, #tpu.memory_space<vmem>>, vector<1x1x16xf32>,
        %parallel_loop3A_514 = vector.shape_cast %parallel_loop3A_513 : vector<1x1x16xf32> to vector<16xf32>
        %parallel_loop3A_515 = vector.shape_cast %parallel_loop3A_508 : vector<16xf32> to vector<1x1x16xf32>
        tpu.vector_store %arg11[%parallel_loop3A_510, %parallel_loop3A_511, %parallel_loop3A_512], %parallel_loop3A_515 {strides = array<i32>} : memref<2x128x16xf32, #tpu.memory_space<vmem>>, vector<1x1x16xf32>,
      } {sc.loop_unroll_factor = 4 : i64, sc.parallel_access}
      %dma_start3A_374 = arith.constant 0 : i32
      %dma_start3A_375 = arith.constant 0 : i32
      %dma_start3A_376 = arith.constant 0 : i32
      %dma_start3A_377 = tpu.memref_slice %arg11[%dma_start3A_374, %dma_start3A_375, %dma_start3A_376] : memref<2x128x16xf32, #tpu.memory_space<vmem>> -> memref<1x128x16xf32, #tpu.memory_space<vmem>>
      %dma_start3A_378 = tpu.memref_squeeze %dma_start3A_377 : memref<1x128x16xf32, #tpu.memory_space<vmem>> -> memref<128x16xf32, #tpu.memory_space<vmem>>
      %dma_start3A_379 = arith.constant 0 : i32
      %dma_start3A_380 = tpu.memref_slice %arg8[%mul3A_334, %dma_start3A_379] : memref<42x128xi32, #tpu.memory_space<vmem>> -> memref<1x128xi32, #tpu.memory_space<vmem>>
      %dma_start3A_381 = tpu.memref_squeeze %dma_start3A_380 : memref<1x128xi32, #tpu.memory_space<vmem>> -> memref<128xi32, #tpu.memory_space<vmem>>
      %dma_start3A_382 = arith.constant 0 : i32
      %dma_start3A_383 = arith.constant 0 : i32
      %dma_start3A_384 = tpu.memref_slice %arg12[%dma_start3A_382, %dma_start3A_383] : memref<10240x16xf32, #tpu.memory_space<vmem_shared>> -> memref<10240x16xf32, #tpu.memory_space<vmem_shared>>
      tpu.enqueue_indirect_dma source(%dma_start3A_378 : memref<128x16xf32, #tpu.memory_space<vmem>>) target(%dma_start3A_384 : memref<10240x16xf32, #tpu.memory_space<vmem_shared>>) offsets(%dma_start3A_381 : memref<128xi32, #tpu.memory_space<vmem>>) semaphore(%arg15 : memref<!tpu.dma_semaphore, #tpu.memory_space<semaphore_mem>>) {add = true}
      %add3A_385 = arith.constant 2 : i32
      %add3A_386 = arith.addi %mul3A_334, %add3A_385 : i32
      %dma_start3A_387 = arith.constant 0 : i32
      %dma_start3A_388 = arith.constant 0 : i32
      %dma_start3A_389 = arith.constant 0 : i32
      %dma_start3A_390 = tpu.memref_slice %arg9[%dma_start3A_387, %dma_start3A_388, %dma_start3A_389] : memref<2x128x32xf32, #tpu.memory_space<vmem>> -> memref<1x128x32xf32, #tpu.memory_space<vmem>>
      %dma_start3A_391 = tpu.memref_squeeze %dma_start3A_390 : memref<1x128x32xf32, #tpu.memory_space<vmem>> -> memref<128x32xf32, #tpu.memory_space<vmem>>
      %dma_start3A_392 = arith.constant 0 : i32
      %dma_start3A_393 = tpu.memref_slice %arg7[%add3A_386, %dma_start3A_392] : memref<42x128xi32, #tpu.memory_space<vmem>> -> memref<1x128xi32, #tpu.memory_space<vmem>>
      %dma_start3A_394 = tpu.memref_squeeze %dma_start3A_393 : memref<1x128xi32, #tpu.memory_space<vmem>> -> memref<128xi32, #tpu.memory_space<vmem>>
      %dma_start3A_395 = arith.constant 0 : i32
      %dma_start3A_396 = arith.constant 0 : i32
      %dma_start3A_397 = tpu.memref_slice %arg2[%dma_start3A_395, %dma_start3A_396] : memref<10240x32xf32, #tpu.memory_space<hbm>> -> memref<10240x32xf32, #tpu.memory_space<hbm>>
      tpu.enqueue_indirect_dma source(%dma_start3A_397 : memref<10240x32xf32, #tpu.memory_space<hbm>>) target(%dma_start3A_391 : memref<128x32xf32, #tpu.memory_space<vmem>>) offsets(%dma_start3A_394 : memref<128xi32, #tpu.memory_space<vmem>>) semaphore(%arg13 : memref<!tpu.dma_semaphore, #tpu.memory_space<semaphore_mem>>)
      %dma_start3A_398 = arith.constant 0 : i32
      %dma_start3A_399 = arith.constant 0 : i32
      %dma_start3A_400 = arith.constant 0 : i32
      %dma_start3A_401 = tpu.memref_slice %arg10[%dma_start3A_398, %dma_start3A_399, %dma_start3A_400] : memref<2x128x16xf32, #tpu.memory_space<vmem>> -> memref<1x128x16xf32, #tpu.memory_space<vmem>>
      %dma_start3A_402 = tpu.memref_squeeze %dma_start3A_401 : memref<1x128x16xf32, #tpu.memory_space<vmem>> -> memref<128x16xf32, #tpu.memory_space<vmem>>
      %dma_start3A_403 = arith.constant 0 : i32
      %dma_start3A_404 = tpu.memref_slice %arg8[%add3A_386, %dma_start3A_403] : memref<42x128xi32, #tpu.memory_space<vmem>> -> memref<1x128xi32, #tpu.memory_space<vmem>>
      %dma_start3A_405 = tpu.memref_squeeze %dma_start3A_404 : memref<1x128xi32, #tpu.memory_space<vmem>> -> memref<128xi32, #tpu.memory_space<vmem>>
      %dma_start3A_406 = arith.constant 0 : i32
      %dma_start3A_407 = arith.constant 0 : i32
      %dma_start3A_408 = tpu.memref_slice %arg3[%dma_start3A_406, %dma_start3A_407] : memref<10240x16xf32, #tpu.memory_space<hbm>> -> memref<10240x16xf32, #tpu.memory_space<hbm>>
      tpu.enqueue_indirect_dma source(%dma_start3A_408 : memref<10240x16xf32, #tpu.memory_space<hbm>>) target(%dma_start3A_402 : memref<128x16xf32, #tpu.memory_space<vmem>>) offsets(%dma_start3A_405 : memref<128xi32, #tpu.memory_space<vmem>>) semaphore(%arg14 : memref<!tpu.dma_semaphore, #tpu.memory_space<semaphore_mem>>)
      %dma_wait3A_409 = arith.constant 1 : i32
      %dma_wait3A_410 = arith.constant 0 : i32
      %dma_wait3A_411 = arith.constant 0 : i32
      %dma_wait3A_412 = tpu.memref_slice %arg9[%dma_wait3A_409, %dma_wait3A_410, %dma_wait3A_411] : memref<2x128x32xf32, #tpu.memory_space<vmem>> -> memref<1x128x32xf32, #tpu.memory_space<vmem>>
      %dma_wait3A_413 = tpu.memref_squeeze %dma_wait3A_412 : memref<1x128x32xf32, #tpu.memory_space<vmem>> -> memref<128x32xf32, #tpu.memory_space<vmem>>
      %dma_wait3A_414 = arith.constant 0 : i32
      %dma_wait3A_415 = tpu.memref_slice %arg7[%add3A_336, %dma_wait3A_414] : memref<42x128xi32, #tpu.memory_space<vmem>> -> memref<1x128xi32, #tpu.memory_space<vmem>>
      %dma_wait3A_416 = tpu.memref_squeeze %dma_wait3A_415 : memref<1x128xi32, #tpu.memory_space<vmem>> -> memref<128xi32, #tpu.memory_space<vmem>>
      %dma_wait3A_417 = arith.constant 0 : i32
      %dma_wait3A_418 = arith.constant 0 : i32
      %dma_wait3A_419 = tpu.memref_slice %arg2[%dma_wait3A_417, %dma_wait3A_418] : memref<10240x32xf32, #tpu.memory_space<hbm>> -> memref<10240x32xf32, #tpu.memory_space<hbm>>
      tpu.wait_indirect_dma semaphore(%arg16 : memref<!tpu.dma_semaphore, #tpu.memory_space<semaphore_mem>>) src(%dma_wait3A_419 : memref<10240x32xf32, #tpu.memory_space<hbm>>) dst(%dma_wait3A_413 : memref<128x32xf32, #tpu.memory_space<vmem>>)
      %dma_wait3A_420 = arith.constant 1 : i32
      %dma_wait3A_421 = arith.constant 0 : i32
      %dma_wait3A_422 = arith.constant 0 : i32
      %dma_wait3A_423 = tpu.memref_slice %arg10[%dma_wait3A_420, %dma_wait3A_421, %dma_wait3A_422] : memref<2x128x16xf32, #tpu.memory_space<vmem>> -> memref<1x128x16xf32, #tpu.memory_space<vmem>>
      %dma_wait3A_424 = tpu.memref_squeeze %dma_wait3A_423 : memref<1x128x16xf32, #tpu.memory_space<vmem>> -> memref<128x16xf32, #tpu.memory_space<vmem>>
      %dma_wait3A_425 = arith.constant 0 : i32
      %dma_wait3A_426 = tpu.memref_slice %arg8[%add3A_336, %dma_wait3A_425] : memref<42x128xi32, #tpu.memory_space<vmem>> -> memref<1x128xi32, #tpu.memory_space<vmem>>
      %dma_wait3A_427 = tpu.memref_squeeze %dma_wait3A_426 : memref<1x128xi32, #tpu.memory_space<vmem>> -> memref<128xi32, #tpu.memory_space<vmem>>
      %dma_wait3A_428 = arith.constant 0 : i32
      %dma_wait3A_429 = arith.constant 0 : i32
      %dma_wait3A_430 = tpu.memref_slice %arg3[%dma_wait3A_428, %dma_wait3A_429] : memref<10240x16xf32, #tpu.memory_space<hbm>> -> memref<10240x16xf32, #tpu.memory_space<hbm>>
      tpu.wait_indirect_dma semaphore(%arg17 : memref<!tpu.dma_semaphore, #tpu.memory_space<semaphore_mem>>) src(%dma_wait3A_430 : memref<10240x16xf32, #tpu.memory_space<hbm>>) dst(%dma_wait3A_424 : memref<128x16xf32, #tpu.memory_space<vmem>>)
      %sub3A_431 = arith.constant 2 : i32
      %sub3A_432 = arith.subi %add3A_336, %sub3A_431 : i32
      %dma_wait3A_433 = arith.constant 1 : i32
      %dma_wait3A_434 = arith.constant 0 : i32
      %dma_wait3A_435 = arith.constant 0 : i32
      %dma_wait3A_436 = tpu.memref_slice %arg11[%dma_wait3A_433, %dma_wait3A_434, %dma_wait3A_435] : memref<2x128x16xf32, #tpu.memory_space<vmem>> -> memref<1x128x16xf32, #tpu.memory_space<vmem>>
      %dma_wait3A_437 = tpu.memref_squeeze %dma_wait3A_436 : memref<1x128x16xf32, #tpu.memory_space<vmem>> -> memref<128x16xf32, #tpu.memory_space<vmem>>
      %dma_wait3A_438 = arith.constant 0 : i32
      %dma_wait3A_439 = tpu.memref_slice %arg8[%sub3A_432, %dma_wait3A_438] : memref<42x128xi32, #tpu.memory_space<vmem>> -> memref<1x128xi32, #tpu.memory_space<vmem>>
      %dma_wait3A_440 = tpu.memref_squeeze %dma_wait3A_439 : memref<1x128xi32, #tpu.memory_space<vmem>> -> memref<128xi32, #tpu.memory_space<vmem>>
      %dma_wait3A_441 = arith.constant 0 : i32
      %dma_wait3A_442 = arith.constant 0 : i32
      %dma_wait3A_443 = tpu.memref_slice %arg12[%dma_wait3A_441, %dma_wait3A_442] : memref<10240x16xf32, #tpu.memory_space<vmem_shared>> -> memref<10240x16xf32, #tpu.memory_space<vmem_shared>>
      tpu.wait_indirect_dma semaphore(%arg18 : memref<!tpu.dma_semaphore, #tpu.memory_space<semaphore_mem>>) src(%dma_wait3A_437 : memref<128x16xf32, #tpu.memory_space<vmem>>) dst(%dma_wait3A_443 : memref<10240x16xf32, #tpu.memory_space<vmem_shared>>)
      %parallel_loop3A_444 = arith.constant 0 : i32
      %parallel_loop3A_445 = arith.constant 128 : i32
      %parallel_loop3A_446 = arith.constant 1 : i32
      scf.for %parallel_loop3A_483 = %parallel_loop3A_444 to %parallel_loop3A_445 step %parallel_loop3A_446  : i32 {
        %parallel_loop3A_484 = arith.constant 1 : i32
        %parallel_loop3A_485 = arith.index_cast %parallel_loop3A_484 : i32 to index
        %parallel_loop3A_486 = arith.index_cast %parallel_loop3A_483 : i32 to index
        %parallel_loop3A_487 = arith.constant 16 : index
        %parallel_loop3A_488 = tpu.vector_load %arg9[%parallel_loop3A_485, %parallel_loop3A_486, %parallel_loop3A_487] {strides = array<i32>} : memref<2x128x32xf32, #tpu.memory_space<vmem>>, vector<1x1x16xf32>,
        %parallel_loop3A_489 = vector.shape_cast %parallel_loop3A_488 : vector<1x1x16xf32> to vector<16xf32>
        %parallel_loop3A_490 = arith.constant 1 : i32
        %parallel_loop3A_491 = arith.index_cast %parallel_loop3A_490 : i32 to index
        %parallel_loop3A_492 = arith.index_cast %parallel_loop3A_483 : i32 to index
        %parallel_loop3A_493 = arith.constant 0 : index
        %parallel_loop3A_494 = tpu.vector_load %arg10[%parallel_loop3A_491, %parallel_loop3A_492, %parallel_loop3A_493] {strides = array<i32>} : memref<2x128x16xf32, #tpu.memory_space<vmem>>, vector<1x1x16xf32>,
        %parallel_loop3A_495 = vector.shape_cast %parallel_loop3A_494 : vector<1x1x16xf32> to vector<16xf32>
        %parallel_loop3A_496 = arith.addf %parallel_loop3A_489, %parallel_loop3A_495 : vector<16xf32>
        %parallel_loop3A_497 = arith.constant 2.000000e-01 : f32
        %parallel_loop3A_498 = vector.broadcast %parallel_loop3A_497 : f32 to vector<16xf32>
        %parallel_loop3A_499 = arith.mulf %parallel_loop3A_498, %parallel_loop3A_496 : vector<16xf32>
        %parallel_loop3A_500 = arith.maximumf %parallel_loop3A_496, %parallel_loop3A_499 : vector<16xf32>
        %parallel_loop3A_501 = math.exp %parallel_loop3A_500 : vector<16xf32>
        %parallel_loop3A_502 = arith.constant 1 : i32
        %parallel_loop3A_503 = arith.index_cast %parallel_loop3A_502 : i32 to index
        %parallel_loop3A_504 = arith.index_cast %parallel_loop3A_483 : i32 to index
        %parallel_loop3A_505 = arith.constant 0 : index
        %parallel_loop3A_506 = tpu.vector_load %arg9[%parallel_loop3A_503, %parallel_loop3A_504, %parallel_loop3A_505] {strides = array<i32>} : memref<2x128x32xf32, #tpu.memory_space<vmem>>, vector<1x1x16xf32>,
        %parallel_loop3A_507 = vector.shape_cast %parallel_loop3A_506 : vector<1x1x16xf32> to vector<16xf32>
        %parallel_loop3A_508 = arith.mulf %parallel_loop3A_507, %parallel_loop3A_501 : vector<16xf32>
        %parallel_loop3A_509 = arith.constant 1 : i32
        %parallel_loop3A_510 = arith.index_cast %parallel_loop3A_509 : i32 to index
        %parallel_loop3A_511 = arith.index_cast %parallel_loop3A_483 : i32 to index
        %parallel_loop3A_512 = arith.constant 0 : index
        %parallel_loop3A_513 = tpu.vector_load %arg11[%parallel_loop3A_510, %parallel_loop3A_511, %parallel_loop3A_512] {strides = array<i32>} : memref<2x128x16xf32, #tpu.memory_space<vmem>>, vector<1x1x16xf32>,
        %parallel_loop3A_514 = vector.shape_cast %parallel_loop3A_513 : vector<1x1x16xf32> to vector<16xf32>
        %parallel_loop3A_515 = vector.shape_cast %parallel_loop3A_508 : vector<16xf32> to vector<1x1x16xf32>
        tpu.vector_store %arg11[%parallel_loop3A_510, %parallel_loop3A_511, %parallel_loop3A_512], %parallel_loop3A_515 {strides = array<i32>} : memref<2x128x16xf32, #tpu.memory_space<vmem>>, vector<1x1x16xf32>,
      } {sc.loop_unroll_factor = 4 : i64, sc.parallel_access}
      %dma_start3A_447 = arith.constant 1 : i32
      %dma_start3A_448 = arith.constant 0 : i32
      %dma_start3A_449 = arith.constant 0 : i32
      %dma_start3A_450 = tpu.memref_slice %arg11[%dma_start3A_447, %dma_start3A_448, %dma_start3A_449] : memref<2x128x16xf32, #tpu.memory_space<vmem>> -> memref<1x128x16xf32, #tpu.memory_space<vmem>>
      %dma_start3A_451 = tpu.memref_squeeze %dma_start3A_450 : memref<1x128x16xf32, #tpu.memory_space<vmem>> -> memref<128x16xf32, #tpu.memory_space<vmem>>
      %dma_start3A_452 = arith.constant 0 : i32
      %dma_start3A_453 = tpu.memref_slice %arg8[%add3A_336, %dma_start3A_452] : memref<42x128xi32, #tpu.memory_space<vmem>> -> memref<1x128xi32, #tpu.memory_space<vmem>>
      %dma_start3A_454 = tpu.memref_squeeze %dma_start3A_453 : memref<1x128xi32, #tpu.memory_space<vmem>> -> memref<128xi32, #tpu.memory_space<vmem>>
      %dma_start3A_455 = arith.constant 0 : i32
      %dma_start3A_456 = arith.constant 0 : i32
      %dma_start3A_457 = tpu.memref_slice %arg12[%dma_start3A_455, %dma_start3A_456] : memref<10240x16xf32, #tpu.memory_space<vmem_shared>> -> memref<10240x16xf32, #tpu.memory_space<vmem_shared>>
      tpu.enqueue_indirect_dma source(%dma_start3A_451 : memref<128x16xf32, #tpu.memory_space<vmem>>) target(%dma_start3A_457 : memref<10240x16xf32, #tpu.memory_space<vmem_shared>>) offsets(%dma_start3A_454 : memref<128xi32, #tpu.memory_space<vmem>>) semaphore(%arg18 : memref<!tpu.dma_semaphore, #tpu.memory_space<semaphore_mem>>) {add = true}
      %add3A_458 = arith.constant 2 : i32
      %add3A_459 = arith.addi %add3A_336, %add3A_458 : i32
      %dma_start3A_460 = arith.constant 1 : i32
      %dma_start3A_461 = arith.constant 0 : i32
      %dma_start3A_462 = arith.constant 0 : i32
      %dma_start3A_463 = tpu.memref_slice %arg9[%dma_start3A_460, %dma_start3A_461, %dma_start3A_462] : memref<2x128x32xf32, #tpu.memory_space<vmem>> -> memref<1x128x32xf32, #tpu.memory_space<vmem>>
      %dma_start3A_464 = tpu.memref_squeeze %dma_start3A_463 : memref<1x128x32xf32, #tpu.memory_space<vmem>> -> memref<128x32xf32, #tpu.memory_space<vmem>>
      %dma_start3A_465 = arith.constant 0 : i32
      %dma_start3A_466 = tpu.memref_slice %arg7[%add3A_459, %dma_start3A_465] : memref<42x128xi32, #tpu.memory_space<vmem>> -> memref<1x128xi32, #tpu.memory_space<vmem>>
      %dma_start3A_467 = tpu.memref_squeeze %dma_start3A_466 : memref<1x128xi32, #tpu.memory_space<vmem>> -> memref<128xi32, #tpu.memory_space<vmem>>
      %dma_start3A_468 = arith.constant 0 : i32
      %dma_start3A_469 = arith.constant 0 : i32
      %dma_start3A_470 = tpu.memref_slice %arg2[%dma_start3A_468, %dma_start3A_469] : memref<10240x32xf32, #tpu.memory_space<hbm>> -> memref<10240x32xf32, #tpu.memory_space<hbm>>
      tpu.enqueue_indirect_dma source(%dma_start3A_470 : memref<10240x32xf32, #tpu.memory_space<hbm>>) target(%dma_start3A_464 : memref<128x32xf32, #tpu.memory_space<vmem>>) offsets(%dma_start3A_467 : memref<128xi32, #tpu.memory_space<vmem>>) semaphore(%arg16 : memref<!tpu.dma_semaphore, #tpu.memory_space<semaphore_mem>>)
      %dma_start3A_471 = arith.constant 1 : i32
      %dma_start3A_472 = arith.constant 0 : i32
      %dma_start3A_473 = arith.constant 0 : i32
      %dma_start3A_474 = tpu.memref_slice %arg10[%dma_start3A_471, %dma_start3A_472, %dma_start3A_473] : memref<2x128x16xf32, #tpu.memory_space<vmem>> -> memref<1x128x16xf32, #tpu.memory_space<vmem>>
      %dma_start3A_475 = tpu.memref_squeeze %dma_start3A_474 : memref<1x128x16xf32, #tpu.memory_space<vmem>> -> memref<128x16xf32, #tpu.memory_space<vmem>>
      %dma_start3A_476 = arith.constant 0 : i32
      %dma_start3A_477 = tpu.memref_slice %arg8[%add3A_459, %dma_start3A_476] : memref<42x128xi32, #tpu.memory_space<vmem>> -> memref<1x128xi32, #tpu.memory_space<vmem>>
      %dma_start3A_478 = tpu.memref_squeeze %dma_start3A_477 : memref<1x128xi32, #tpu.memory_space<vmem>> -> memref<128xi32, #tpu.memory_space<vmem>>
      %dma_start3A_479 = arith.constant 0 : i32
      %dma_start3A_480 = arith.constant 0 : i32
      %dma_start3A_481 = tpu.memref_slice %arg3[%dma_start3A_479, %dma_start3A_480] : memref<10240x16xf32, #tpu.memory_space<hbm>> -> memref<10240x16xf32, #tpu.memory_space<hbm>>
      tpu.enqueue_indirect_dma source(%dma_start3A_481 : memref<10240x16xf32, #tpu.memory_space<hbm>>) target(%dma_start3A_475 : memref<128x16xf32, #tpu.memory_space<vmem>>) offsets(%dma_start3A_478 : memref<128xi32, #tpu.memory_space<vmem>>) semaphore(%arg17 : memref<!tpu.dma_semaphore, #tpu.memory_space<semaphore_mem>>)
      %scan3A_482 = arith.constant 0 : i32
      scf.yield %scan3A_482 : i32
    }
    %scan3A_196 = arith.constant 19 : i32
    %dma_wait3A_197 = arith.constant 40 : i32
    %dma_wait3A_198 = arith.constant 0 : i32
    %dma_wait3A_199 = arith.constant 0 : i32
    %dma_wait3A_200 = arith.constant 0 : i32
    %dma_wait3A_201 = tpu.memref_slice %arg9[%dma_wait3A_198, %dma_wait3A_199, %dma_wait3A_200] : memref<2x128x32xf32, #tpu.memory_space<vmem>> -> memref<1x128x32xf32, #tpu.memory_space<vmem>>
    %dma_wait3A_202 = tpu.memref_squeeze %dma_wait3A_201 : memref<1x128x32xf32, #tpu.memory_space<vmem>> -> memref<128x32xf32, #tpu.memory_space<vmem>>
    %dma_wait3A_203 = arith.constant 0 : i32
    %dma_wait3A_204 = tpu.memref_slice %arg7[%dma_wait3A_197, %dma_wait3A_203] : memref<42x128xi32, #tpu.memory_space<vmem>> -> memref<1x128xi32, #tpu.memory_space<vmem>>
    %dma_wait3A_205 = tpu.memref_squeeze %dma_wait3A_204 : memref<1x128xi32, #tpu.memory_space<vmem>> -> memref<128xi32, #tpu.memory_space<vmem>>
    %dma_wait3A_206 = arith.constant 0 : i32
    %dma_wait3A_207 = arith.constant 0 : i32
    %dma_wait3A_208 = tpu.memref_slice %arg2[%dma_wait3A_206, %dma_wait3A_207] : memref<10240x32xf32, #tpu.memory_space<hbm>> -> memref<10240x32xf32, #tpu.memory_space<hbm>>
    tpu.wait_indirect_dma semaphore(%arg13 : memref<!tpu.dma_semaphore, #tpu.memory_space<semaphore_mem>>) src(%dma_wait3A_208 : memref<10240x32xf32, #tpu.memory_space<hbm>>) dst(%dma_wait3A_202 : memref<128x32xf32, #tpu.memory_space<vmem>>)
    %dma_wait3A_209 = arith.constant 40 : i32
    %dma_wait3A_210 = arith.constant 0 : i32
    %dma_wait3A_211 = arith.constant 0 : i32
    %dma_wait3A_212 = arith.constant 0 : i32
    %dma_wait3A_213 = tpu.memref_slice %arg10[%dma_wait3A_210, %dma_wait3A_211, %dma_wait3A_212] : memref<2x128x16xf32, #tpu.memory_space<vmem>> -> memref<1x128x16xf32, #tpu.memory_space<vmem>>
    %dma_wait3A_214 = tpu.memref_squeeze %dma_wait3A_213 : memref<1x128x16xf32, #tpu.memory_space<vmem>> -> memref<128x16xf32, #tpu.memory_space<vmem>>
    %dma_wait3A_215 = arith.constant 0 : i32
    %dma_wait3A_216 = tpu.memref_slice %arg8[%dma_wait3A_209, %dma_wait3A_215] : memref<42x128xi32, #tpu.memory_space<vmem>> -> memref<1x128xi32, #tpu.memory_space<vmem>>
    %dma_wait3A_217 = tpu.memref_squeeze %dma_wait3A_216 : memref<1x128xi32, #tpu.memory_space<vmem>> -> memref<128xi32, #tpu.memory_space<vmem>>
    %dma_wait3A_218 = arith.constant 0 : i32
    %dma_wait3A_219 = arith.constant 0 : i32
    %dma_wait3A_220 = tpu.memref_slice %arg3[%dma_wait3A_218, %dma_wait3A_219] : memref<10240x16xf32, #tpu.memory_space<hbm>> -> memref<10240x16xf32, #tpu.memory_space<hbm>>
    tpu.wait_indirect_dma semaphore(%arg14 : memref<!tpu.dma_semaphore, #tpu.memory_space<semaphore_mem>>) src(%dma_wait3A_220 : memref<10240x16xf32, #tpu.memory_space<hbm>>) dst(%dma_wait3A_214 : memref<128x16xf32, #tpu.memory_space<vmem>>)
    %dma_wait3A_221 = arith.constant 0 : i32
    %dma_wait3A_222 = arith.constant 38 : i32
    %dma_wait3A_223 = arith.constant 0 : i32
    %dma_wait3A_224 = arith.constant 0 : i32
    %dma_wait3A_225 = tpu.memref_slice %arg11[%dma_wait3A_221, %dma_wait3A_223, %dma_wait3A_224] : memref<2x128x16xf32, #tpu.memory_space<vmem>> -> memref<1x128x16xf32, #tpu.memory_space<vmem>>
    %dma_wait3A_226 = tpu.memref_squeeze %dma_wait3A_225 : memref<1x128x16xf32, #tpu.memory_space<vmem>> -> memref<128x16xf32, #tpu.memory_space<vmem>>
    %dma_wait3A_227 = arith.constant 0 : i32
    %dma_wait3A_228 = tpu.memref_slice %arg8[%dma_wait3A_222, %dma_wait3A_227] : memref<42x128xi32, #tpu.memory_space<vmem>> -> memref<1x128xi32, #tpu.memory_space<vmem>>
    %dma_wait3A_229 = tpu.memref_squeeze %dma_wait3A_228 : memref<1x128xi32, #tpu.memory_space<vmem>> -> memref<128xi32, #tpu.memory_space<vmem>>
    %dma_wait3A_230 = arith.constant 0 : i32
    %dma_wait3A_231 = arith.constant 0 : i32
    %dma_wait3A_232 = tpu.memref_slice %arg12[%dma_wait3A_230, %dma_wait3A_231] : memref<10240x16xf32, #tpu.memory_space<vmem_shared>> -> memref<10240x16xf32, #tpu.memory_space<vmem_shared>>
    tpu.wait_indirect_dma semaphore(%arg15 : memref<!tpu.dma_semaphore, #tpu.memory_space<semaphore_mem>>) src(%dma_wait3A_226 : memref<128x16xf32, #tpu.memory_space<vmem>>) dst(%dma_wait3A_232 : memref<10240x16xf32, #tpu.memory_space<vmem_shared>>)
    %parallel_loop3A_233 = arith.constant 0 : i32
    %parallel_loop3A_234 = arith.constant 128 : i32
    %parallel_loop3A_235 = arith.constant 1 : i32
    scf.for %parallel_loop3A_331 = %parallel_loop3A_233 to %parallel_loop3A_234 step %parallel_loop3A_235  : i32 {
      %parallel_loop3A_332 = arith.constant 0 : i32
      %parallel_loop3A_333 = arith.index_cast %parallel_loop3A_332 : i32 to index
      %parallel_loop3A_334 = arith.index_cast %parallel_loop3A_331 : i32 to index
      %parallel_loop3A_335 = arith.constant 16 : index
      %parallel_loop3A_336 = tpu.vector_load %arg9[%parallel_loop3A_333, %parallel_loop3A_334, %parallel_loop3A_335] {strides = array<i32>} : memref<2x128x32xf32, #tpu.memory_space<vmem>>, vector<1x1x16xf32>,
      %parallel_loop3A_337 = vector.shape_cast %parallel_loop3A_336 : vector<1x1x16xf32> to vector<16xf32>
      %parallel_loop3A_338 = arith.constant 0 : i32
      %parallel_loop3A_339 = arith.index_cast %parallel_loop3A_338 : i32 to index
      %parallel_loop3A_340 = arith.index_cast %parallel_loop3A_331 : i32 to index
      %parallel_loop3A_341 = arith.constant 0 : index
      %parallel_loop3A_342 = tpu.vector_load %arg10[%parallel_loop3A_339, %parallel_loop3A_340, %parallel_loop3A_341] {strides = array<i32>} : memref<2x128x16xf32, #tpu.memory_space<vmem>>, vector<1x1x16xf32>,
      %parallel_loop3A_343 = vector.shape_cast %parallel_loop3A_342 : vector<1x1x16xf32> to vector<16xf32>
      %parallel_loop3A_344 = arith.addf %parallel_loop3A_337, %parallel_loop3A_343 : vector<16xf32>
      %parallel_loop3A_345 = arith.constant 2.000000e-01 : f32
      %parallel_loop3A_346 = vector.broadcast %parallel_loop3A_345 : f32 to vector<16xf32>
      %parallel_loop3A_347 = arith.mulf %parallel_loop3A_346, %parallel_loop3A_344 : vector<16xf32>
      %parallel_loop3A_348 = arith.maximumf %parallel_loop3A_344, %parallel_loop3A_347 : vector<16xf32>
      %parallel_loop3A_349 = math.exp %parallel_loop3A_348 : vector<16xf32>
      %parallel_loop3A_350 = arith.constant 0 : i32
      %parallel_loop3A_351 = arith.index_cast %parallel_loop3A_350 : i32 to index
      %parallel_loop3A_352 = arith.index_cast %parallel_loop3A_331 : i32 to index
      %parallel_loop3A_353 = arith.constant 0 : index
      %parallel_loop3A_354 = tpu.vector_load %arg9[%parallel_loop3A_351, %parallel_loop3A_352, %parallel_loop3A_353] {strides = array<i32>} : memref<2x128x32xf32, #tpu.memory_space<vmem>>, vector<1x1x16xf32>,
      %parallel_loop3A_355 = vector.shape_cast %parallel_loop3A_354 : vector<1x1x16xf32> to vector<16xf32>
      %parallel_loop3A_356 = arith.mulf %parallel_loop3A_355, %parallel_loop3A_349 : vector<16xf32>
      %parallel_loop3A_357 = arith.constant 0 : i32
      %parallel_loop3A_358 = arith.index_cast %parallel_loop3A_357 : i32 to index
      %parallel_loop3A_359 = arith.index_cast %parallel_loop3A_331 : i32 to index
      %parallel_loop3A_360 = arith.constant 0 : index
      %parallel_loop3A_361 = tpu.vector_load %arg11[%parallel_loop3A_358, %parallel_loop3A_359, %parallel_loop3A_360] {strides = array<i32>} : memref<2x128x16xf32, #tpu.memory_space<vmem>>, vector<1x1x16xf32>,
      %parallel_loop3A_362 = vector.shape_cast %parallel_loop3A_361 : vector<1x1x16xf32> to vector<16xf32>
      %parallel_loop3A_363 = vector.shape_cast %parallel_loop3A_356 : vector<16xf32> to vector<1x1x16xf32>
      tpu.vector_store %arg11[%parallel_loop3A_358, %parallel_loop3A_359, %parallel_loop3A_360], %parallel_loop3A_363 {strides = array<i32>} : memref<2x128x16xf32, #tpu.memory_space<vmem>>, vector<1x1x16xf32>,
    } {sc.loop_unroll_factor = 4 : i64, sc.parallel_access}
    %dma_start3A_236 = arith.constant 0 : i32
    %dma_start3A_237 = arith.constant 40 : i32
    %dma_start3A_238 = arith.constant 0 : i32
    %dma_start3A_239 = arith.constant 0 : i32
    %dma_start3A_240 = tpu.memref_slice %arg11[%dma_start3A_236, %dma_start3A_238, %dma_start3A_239] : memref<2x128x16xf32, #tpu.memory_space<vmem>> -> memref<1x128x16xf32, #tpu.memory_space<vmem>>
    %dma_start3A_241 = tpu.memref_squeeze %dma_start3A_240 : memref<1x128x16xf32, #tpu.memory_space<vmem>> -> memref<128x16xf32, #tpu.memory_space<vmem>>
    %dma_start3A_242 = arith.constant 0 : i32
    %dma_start3A_243 = tpu.memref_slice %arg8[%dma_start3A_237, %dma_start3A_242] : memref<42x128xi32, #tpu.memory_space<vmem>> -> memref<1x128xi32, #tpu.memory_space<vmem>>
    %dma_start3A_244 = tpu.memref_squeeze %dma_start3A_243 : memref<1x128xi32, #tpu.memory_space<vmem>> -> memref<128xi32, #tpu.memory_space<vmem>>
    %dma_start3A_245 = arith.constant 0 : i32
    %dma_start3A_246 = arith.constant 0 : i32
    %dma_start3A_247 = tpu.memref_slice %arg12[%dma_start3A_245, %dma_start3A_246] : memref<10240x16xf32, #tpu.memory_space<vmem_shared>> -> memref<10240x16xf32, #tpu.memory_space<vmem_shared>>
    tpu.enqueue_indirect_dma source(%dma_start3A_241 : memref<128x16xf32, #tpu.memory_space<vmem>>) target(%dma_start3A_247 : memref<10240x16xf32, #tpu.memory_space<vmem_shared>>) offsets(%dma_start3A_244 : memref<128xi32, #tpu.memory_space<vmem>>) semaphore(%arg15 : memref<!tpu.dma_semaphore, #tpu.memory_space<semaphore_mem>>) {add = true}
    %dma_wait3A_248 = arith.constant 41 : i32
    %dma_wait3A_249 = arith.constant 1 : i32
    %dma_wait3A_250 = arith.constant 0 : i32
    %dma_wait3A_251 = arith.constant 0 : i32
    %dma_wait3A_252 = tpu.memref_slice %arg9[%dma_wait3A_249, %dma_wait3A_250, %dma_wait3A_251] : memref<2x128x32xf32, #tpu.memory_space<vmem>> -> memref<1x128x32xf32, #tpu.memory_space<vmem>>
    %dma_wait3A_253 = tpu.memref_squeeze %dma_wait3A_252 : memref<1x128x32xf32, #tpu.memory_space<vmem>> -> memref<128x32xf32, #tpu.memory_space<vmem>>
    %dma_wait3A_254 = arith.constant 0 : i32
    %dma_wait3A_255 = tpu.memref_slice %arg7[%dma_wait3A_248, %dma_wait3A_254] : memref<42x128xi32, #tpu.memory_space<vmem>> -> memref<1x128xi32, #tpu.memory_space<vmem>>
    %dma_wait3A_256 = tpu.memref_squeeze %dma_wait3A_255 : memref<1x128xi32, #tpu.memory_space<vmem>> -> memref<128xi32, #tpu.memory_space<vmem>>
    %dma_wait3A_257 = arith.constant 0 : i32
    %dma_wait3A_258 = arith.constant 0 : i32
    %dma_wait3A_259 = tpu.memref_slice %arg2[%dma_wait3A_257, %dma_wait3A_258] : memref<10240x32xf32, #tpu.memory_space<hbm>> -> memref<10240x32xf32, #tpu.memory_space<hbm>>
    tpu.wait_indirect_dma semaphore(%arg16 : memref<!tpu.dma_semaphore, #tpu.memory_space<semaphore_mem>>) src(%dma_wait3A_259 : memref<10240x32xf32, #tpu.memory_space<hbm>>) dst(%dma_wait3A_253 : memref<128x32xf32, #tpu.memory_space<vmem>>)
    %dma_wait3A_260 = arith.constant 41 : i32
    %dma_wait3A_261 = arith.constant 1 : i32
    %dma_wait3A_262 = arith.constant 0 : i32
    %dma_wait3A_263 = arith.constant 0 : i32
    %dma_wait3A_264 = tpu.memref_slice %arg10[%dma_wait3A_261, %dma_wait3A_262, %dma_wait3A_263] : memref<2x128x16xf32, #tpu.memory_space<vmem>> -> memref<1x128x16xf32, #tpu.memory_space<vmem>>
    %dma_wait3A_265 = tpu.memref_squeeze %dma_wait3A_264 : memref<1x128x16xf32, #tpu.memory_space<vmem>> -> memref<128x16xf32, #tpu.memory_space<vmem>>
    %dma_wait3A_266 = arith.constant 0 : i32
    %dma_wait3A_267 = tpu.memref_slice %arg8[%dma_wait3A_260, %dma_wait3A_266] : memref<42x128xi32, #tpu.memory_space<vmem>> -> memref<1x128xi32, #tpu.memory_space<vmem>>
    %dma_wait3A_268 = tpu.memref_squeeze %dma_wait3A_267 : memref<1x128xi32, #tpu.memory_space<vmem>> -> memref<128xi32, #tpu.memory_space<vmem>>
    %dma_wait3A_269 = arith.constant 0 : i32
    %dma_wait3A_270 = arith.constant 0 : i32
    %dma_wait3A_271 = tpu.memref_slice %arg3[%dma_wait3A_269, %dma_wait3A_270] : memref<10240x16xf32, #tpu.memory_space<hbm>> -> memref<10240x16xf32, #tpu.memory_space<hbm>>
    tpu.wait_indirect_dma semaphore(%arg17 : memref<!tpu.dma_semaphore, #tpu.memory_space<semaphore_mem>>) src(%dma_wait3A_271 : memref<10240x16xf32, #tpu.memory_space<hbm>>) dst(%dma_wait3A_265 : memref<128x16xf32, #tpu.memory_space<vmem>>)
    %dma_wait3A_272 = arith.constant 1 : i32
    %dma_wait3A_273 = arith.constant 39 : i32
    %dma_wait3A_274 = arith.constant 0 : i32
    %dma_wait3A_275 = arith.constant 0 : i32
    %dma_wait3A_276 = tpu.memref_slice %arg11[%dma_wait3A_272, %dma_wait3A_274, %dma_wait3A_275] : memref<2x128x16xf32, #tpu.memory_space<vmem>> -> memref<1x128x16xf32, #tpu.memory_space<vmem>>
    %dma_wait3A_277 = tpu.memref_squeeze %dma_wait3A_276 : memref<1x128x16xf32, #tpu.memory_space<vmem>> -> memref<128x16xf32, #tpu.memory_space<vmem>>
    %dma_wait3A_278 = arith.constant 0 : i32
    %dma_wait3A_279 = tpu.memref_slice %arg8[%dma_wait3A_273, %dma_wait3A_278] : memref<42x128xi32, #tpu.memory_space<vmem>> -> memref<1x128xi32, #tpu.memory_space<vmem>>
    %dma_wait3A_280 = tpu.memref_squeeze %dma_wait3A_279 : memref<1x128xi32, #tpu.memory_space<vmem>> -> memref<128xi32, #tpu.memory_space<vmem>>
    %dma_wait3A_281 = arith.constant 0 : i32
    %dma_wait3A_282 = arith.constant 0 : i32
    %dma_wait3A_283 = tpu.memref_slice %arg12[%dma_wait3A_281, %dma_wait3A_282] : memref<10240x16xf32, #tpu.memory_space<vmem_shared>> -> memref<10240x16xf32, #tpu.memory_space<vmem_shared>>
    tpu.wait_indirect_dma semaphore(%arg18 : memref<!tpu.dma_semaphore, #tpu.memory_space<semaphore_mem>>) src(%dma_wait3A_277 : memref<128x16xf32, #tpu.memory_space<vmem>>) dst(%dma_wait3A_283 : memref<10240x16xf32, #tpu.memory_space<vmem_shared>>)
    %parallel_loop3A_284 = arith.constant 0 : i32
    %parallel_loop3A_285 = arith.constant 128 : i32
    %parallel_loop3A_286 = arith.constant 1 : i32
    scf.for %parallel_loop3A_331 = %parallel_loop3A_284 to %parallel_loop3A_285 step %parallel_loop3A_286  : i32 {
      %parallel_loop3A_332 = arith.constant 1 : i32
      %parallel_loop3A_333 = arith.index_cast %parallel_loop3A_332 : i32 to index
      %parallel_loop3A_334 = arith.index_cast %parallel_loop3A_331 : i32 to index
      %parallel_loop3A_335 = arith.constant 16 : index
      %parallel_loop3A_336 = tpu.vector_load %arg9[%parallel_loop3A_333, %parallel_loop3A_334, %parallel_loop3A_335] {strides = array<i32>} : memref<2x128x32xf32, #tpu.memory_space<vmem>>, vector<1x1x16xf32>,
      %parallel_loop3A_337 = vector.shape_cast %parallel_loop3A_336 : vector<1x1x16xf32> to vector<16xf32>
      %parallel_loop3A_338 = arith.constant 1 : i32
      %parallel_loop3A_339 = arith.index_cast %parallel_loop3A_338 : i32 to index
      %parallel_loop3A_340 = arith.index_cast %parallel_loop3A_331 : i32 to index
      %parallel_loop3A_341 = arith.constant 0 : index
      %parallel_loop3A_342 = tpu.vector_load %arg10[%parallel_loop3A_339, %parallel_loop3A_340, %parallel_loop3A_341] {strides = array<i32>} : memref<2x128x16xf32, #tpu.memory_space<vmem>>, vector<1x1x16xf32>,
      %parallel_loop3A_343 = vector.shape_cast %parallel_loop3A_342 : vector<1x1x16xf32> to vector<16xf32>
      %parallel_loop3A_344 = arith.addf %parallel_loop3A_337, %parallel_loop3A_343 : vector<16xf32>
      %parallel_loop3A_345 = arith.constant 2.000000e-01 : f32
      %parallel_loop3A_346 = vector.broadcast %parallel_loop3A_345 : f32 to vector<16xf32>
      %parallel_loop3A_347 = arith.mulf %parallel_loop3A_346, %parallel_loop3A_344 : vector<16xf32>
      %parallel_loop3A_348 = arith.maximumf %parallel_loop3A_344, %parallel_loop3A_347 : vector<16xf32>
      %parallel_loop3A_349 = math.exp %parallel_loop3A_348 : vector<16xf32>
      %parallel_loop3A_350 = arith.constant 1 : i32
      %parallel_loop3A_351 = arith.index_cast %parallel_loop3A_350 : i32 to index
      %parallel_loop3A_352 = arith.index_cast %parallel_loop3A_331 : i32 to index
      %parallel_loop3A_353 = arith.constant 0 : index
      %parallel_loop3A_354 = tpu.vector_load %arg9[%parallel_loop3A_351, %parallel_loop3A_352, %parallel_loop3A_353] {strides = array<i32>} : memref<2x128x32xf32, #tpu.memory_space<vmem>>, vector<1x1x16xf32>,
      %parallel_loop3A_355 = vector.shape_cast %parallel_loop3A_354 : vector<1x1x16xf32> to vector<16xf32>
      %parallel_loop3A_356 = arith.mulf %parallel_loop3A_355, %parallel_loop3A_349 : vector<16xf32>
      %parallel_loop3A_357 = arith.constant 1 : i32
      %parallel_loop3A_358 = arith.index_cast %parallel_loop3A_357 : i32 to index
      %parallel_loop3A_359 = arith.index_cast %parallel_loop3A_331 : i32 to index
      %parallel_loop3A_360 = arith.constant 0 : index
      %parallel_loop3A_361 = tpu.vector_load %arg11[%parallel_loop3A_358, %parallel_loop3A_359, %parallel_loop3A_360] {strides = array<i32>} : memref<2x128x16xf32, #tpu.memory_space<vmem>>, vector<1x1x16xf32>,
      %parallel_loop3A_362 = vector.shape_cast %parallel_loop3A_361 : vector<1x1x16xf32> to vector<16xf32>
      %parallel_loop3A_363 = vector.shape_cast %parallel_loop3A_356 : vector<16xf32> to vector<1x1x16xf32>
      tpu.vector_store %arg11[%parallel_loop3A_358, %parallel_loop3A_359, %parallel_loop3A_360], %parallel_loop3A_363 {strides = array<i32>} : memref<2x128x16xf32, #tpu.memory_space<vmem>>, vector<1x1x16xf32>,
    } {sc.loop_unroll_factor = 4 : i64, sc.parallel_access}
    %dma_start3A_287 = arith.constant 1 : i32
    %dma_start3A_288 = arith.constant 41 : i32
    %dma_start3A_289 = arith.constant 0 : i32
    %dma_start3A_290 = arith.constant 0 : i32
    %dma_start3A_291 = tpu.memref_slice %arg11[%dma_start3A_287, %dma_start3A_289, %dma_start3A_290] : memref<2x128x16xf32, #tpu.memory_space<vmem>> -> memref<1x128x16xf32, #tpu.memory_space<vmem>>
    %dma_start3A_292 = tpu.memref_squeeze %dma_start3A_291 : memref<1x128x16xf32, #tpu.memory_space<vmem>> -> memref<128x16xf32, #tpu.memory_space<vmem>>
    %dma_start3A_293 = arith.constant 0 : i32
    %dma_start3A_294 = tpu.memref_slice %arg8[%dma_start3A_288, %dma_start3A_293] : memref<42x128xi32, #tpu.memory_space<vmem>> -> memref<1x128xi32, #tpu.memory_space<vmem>>
    %dma_start3A_295 = tpu.memref_squeeze %dma_start3A_294 : memref<1x128xi32, #tpu.memory_space<vmem>> -> memref<128xi32, #tpu.memory_space<vmem>>
    %dma_start3A_296 = arith.constant 0 : i32
    %dma_start3A_297 = arith.constant 0 : i32
    %dma_start3A_298 = tpu.memref_slice %arg12[%dma_start3A_296, %dma_start3A_297] : memref<10240x16xf32, #tpu.memory_space<vmem_shared>> -> memref<10240x16xf32, #tpu.memory_space<vmem_shared>>
    tpu.enqueue_indirect_dma source(%dma_start3A_292 : memref<128x16xf32, #tpu.memory_space<vmem>>) target(%dma_start3A_298 : memref<10240x16xf32, #tpu.memory_space<vmem_shared>>) offsets(%dma_start3A_295 : memref<128xi32, #tpu.memory_space<vmem>>) semaphore(%arg18 : memref<!tpu.dma_semaphore, #tpu.memory_space<semaphore_mem>>) {add = true}
    %dma_wait3A_299 = arith.constant 0 : i32
    %dma_wait3A_300 = arith.constant 40 : i32
    %dma_wait3A_301 = arith.constant 0 : i32
    %dma_wait3A_302 = arith.constant 0 : i32
    %dma_wait3A_303 = tpu.memref_slice %arg11[%dma_wait3A_299, %dma_wait3A_301, %dma_wait3A_302] : memref<2x128x16xf32, #tpu.memory_space<vmem>> -> memref<1x128x16xf32, #tpu.memory_space<vmem>>
    %dma_wait3A_304 = tpu.memref_squeeze %dma_wait3A_303 : memref<1x128x16xf32, #tpu.memory_space<vmem>> -> memref<128x16xf32, #tpu.memory_space<vmem>>
    %dma_wait3A_305 = arith.constant 0 : i32
    %dma_wait3A_306 = tpu.memref_slice %arg8[%dma_wait3A_300, %dma_wait3A_305] : memref<42x128xi32, #tpu.memory_space<vmem>> -> memref<1x128xi32, #tpu.memory_space<vmem>>
    %dma_wait3A_307 = tpu.memref_squeeze %dma_wait3A_306 : memref<1x128xi32, #tpu.memory_space<vmem>> -> memref<128xi32, #tpu.memory_space<vmem>>
    %dma_wait3A_308 = arith.constant 0 : i32
    %dma_wait3A_309 = arith.constant 0 : i32
    %dma_wait3A_310 = tpu.memref_slice %arg12[%dma_wait3A_308, %dma_wait3A_309] : memref<10240x16xf32, #tpu.memory_space<vmem_shared>> -> memref<10240x16xf32, #tpu.memory_space<vmem_shared>>
    tpu.wait_indirect_dma semaphore(%arg15 : memref<!tpu.dma_semaphore, #tpu.memory_space<semaphore_mem>>) src(%dma_wait3A_304 : memref<128x16xf32, #tpu.memory_space<vmem>>) dst(%dma_wait3A_310 : memref<10240x16xf32, #tpu.memory_space<vmem_shared>>)
    %dma_wait3A_311 = arith.constant 1 : i32
    %dma_wait3A_312 = arith.constant 41 : i32
    %dma_wait3A_313 = arith.constant 0 : i32
    %dma_wait3A_314 = arith.constant 0 : i32
    %dma_wait3A_315 = tpu.memref_slice %arg11[%dma_wait3A_311, %dma_wait3A_313, %dma_wait3A_314] : memref<2x128x16xf32, #tpu.memory_space<vmem>> -> memref<1x128x16xf32, #tpu.memory_space<vmem>>
    %dma_wait3A_316 = tpu.memref_squeeze %dma_wait3A_315 : memref<1x128x16xf32, #tpu.memory_space<vmem>> -> memref<128x16xf32, #tpu.memory_space<vmem>>
    %dma_wait3A_317 = arith.constant 0 : i32
    %dma_wait3A_318 = tpu.memref_slice %arg8[%dma_wait3A_312, %dma_wait3A_317] : memref<42x128xi32, #tpu.memory_space<vmem>> -> memref<1x128xi32, #tpu.memory_space<vmem>>
    %dma_wait3A_319 = tpu.memref_squeeze %dma_wait3A_318 : memref<1x128xi32, #tpu.memory_space<vmem>> -> memref<128xi32, #tpu.memory_space<vmem>>
    %dma_wait3A_320 = arith.constant 0 : i32
    %dma_wait3A_321 = arith.constant 0 : i32
    %dma_wait3A_322 = tpu.memref_slice %arg12[%dma_wait3A_320, %dma_wait3A_321] : memref<10240x16xf32, #tpu.memory_space<vmem_shared>> -> memref<10240x16xf32, #tpu.memory_space<vmem_shared>>
    tpu.wait_indirect_dma semaphore(%arg18 : memref<!tpu.dma_semaphore, #tpu.memory_space<semaphore_mem>>) src(%dma_wait3A_316 : memref<128x16xf32, #tpu.memory_space<vmem>>) dst(%dma_wait3A_322 : memref<10240x16xf32, #tpu.memory_space<vmem_shared>>)
    %barrier3A_323 = arith.constant 0 : index
    tpu.barrier barrier_id(%barrier3A_323)
    %scan3A_324 = arith.constant 0 : i32
    %scan3A_325 = arith.constant 0 : i32
    %scan3A_326 = arith.constant 5 : i32
    %scan3A_327 = arith.addi %scan3A_325, %scan3A_326 : i32
    %scan3A_328 = arith.constant 1 : i32
    %scan3A_329 = scf.for %scan3A_331 = %scan3A_325 to %scan3A_327 step %scan3A_328 iter_args(%scan3A_332 = %scan3A_324) -> (i32)  : i32 {
      %mul3A_333 = arith.constant 640 : i32
      %mul3A_334 = arith.muli %arg1, %mul3A_333 : i32
      %mul3A_335 = arith.constant 128 : i32
      %mul3A_336 = arith.muli %scan3A_331, %mul3A_335 : i32
      %add3A_337 = arith.addi %mul3A_334, %mul3A_336 : i32
      %run_scoped3A = arith.constant 0 : i32
      "tpu.region"() ({
        %run_scoped3A_340 = tpu.sem_alloc : memref<!tpu.dma_semaphore, #tpu.memory_space<semaphore_mem>>
        %dma_start3A_341 = arith.constant 0 : i32
        %dma_start3A_342 = arith.constant 0 : i32
        %dma_start3A_343 = tpu.memref_slice %arg11[%run_scoped3A, %dma_start3A_341, %dma_start3A_342] : memref<2x128x16xf32, #tpu.memory_space<vmem>> -> memref<1x128x16xf32, #tpu.memory_space<vmem>>
        %dma_start3A_344 = tpu.memref_squeeze %dma_start3A_343 : memref<1x128x16xf32, #tpu.memory_space<vmem>> -> memref<128x16xf32, #tpu.memory_space<vmem>>
        %dma_start3A_345 = arith.constant 0 : i32
        %dma_start3A_346 = tpu.memref_slice %arg12[%add3A_337, %dma_start3A_345] : memref<10240x16xf32, #tpu.memory_space<vmem_shared>> -> memref<128x16xf32, #tpu.memory_space<vmem_shared>>
        %dma_start3A_347 = arith.constant 0 : i32
        %dma_start3A_348 = arith.constant 0 : i32
        %dma_start3A_349 = tpu.memref_slice %arg11[%run_scoped3A, %dma_start3A_347, %dma_start3A_348] : memref<2x128x16xf32, #tpu.memory_space<vmem>> -> memref<1x128x16xf32, #tpu.memory_space<vmem>>
        %dma_start3A_350 = tpu.memref_squeeze %dma_start3A_349 : memref<1x128x16xf32, #tpu.memory_space<vmem>> -> memref<128x16xf32, #tpu.memory_space<vmem>>
        %dma_start3A_351 = arith.constant 0 : i32
        %dma_start3A_352 = tpu.memref_slice %arg12[%add3A_337, %dma_start3A_351] : memref<10240x16xf32, #tpu.memory_space<vmem_shared>> -> memref<128x16xf32, #tpu.memory_space<vmem_shared>>
        tpu.enqueue_dma source(%dma_start3A_352 : memref<128x16xf32, #tpu.memory_space<vmem_shared>>) target(%dma_start3A_350 : memref<128x16xf32, #tpu.memory_space<vmem>>) target_semaphore(%run_scoped3A_340 : memref<!tpu.dma_semaphore, #tpu.memory_space<semaphore_mem>>)
        %dma_wait3A_353 = arith.constant 0 : i32
        %dma_wait3A_354 = arith.constant 0 : i32
        %dma_wait3A_355 = tpu.memref_slice %arg11[%run_scoped3A, %dma_wait3A_353, %dma_wait3A_354] : memref<2x128x16xf32, #tpu.memory_space<vmem>> -> memref<1x128x16xf32, #tpu.memory_space<vmem>>
        %dma_wait3A_356 = tpu.memref_squeeze %dma_wait3A_355 : memref<1x128x16xf32, #tpu.memory_space<vmem>> -> memref<128x16xf32, #tpu.memory_space<vmem>>
        %dma_wait3A_357 = arith.constant 0 : i32
        %dma_wait3A_358 = tpu.memref_slice %arg12[%add3A_337, %dma_wait3A_357] : memref<10240x16xf32, #tpu.memory_space<vmem_shared>> -> memref<128x16xf32, #tpu.memory_space<vmem_shared>>
        %dma_wait3A_359 = arith.constant 0 : i32
        %dma_wait3A_360 = arith.constant 0 : i32
        %dma_wait3A_361 = tpu.memref_slice %arg11[%run_scoped3A, %dma_wait3A_359, %dma_wait3A_360] : memref<2x128x16xf32, #tpu.memory_space<vmem>> -> memref<1x128x16xf32, #tpu.memory_space<vmem>>
        %dma_wait3A_362 = tpu.memref_squeeze %dma_wait3A_361 : memref<1x128x16xf32, #tpu.memory_space<vmem>> -> memref<128x16xf32, #tpu.memory_space<vmem>>
        %dma_wait3A_363 = arith.constant 0 : i32
        %dma_wait3A_364 = tpu.memref_slice %arg12[%add3A_337, %dma_wait3A_363] : memref<10240x16xf32, #tpu.memory_space<vmem_shared>> -> memref<128x16xf32, #tpu.memory_space<vmem_shared>>
        tpu.wait_dma2 semaphore(%run_scoped3A_340 : memref<!tpu.dma_semaphore, #tpu.memory_space<semaphore_mem>>) src(%dma_wait3A_364 : memref<128x16xf32, #tpu.memory_space<vmem_shared>>) dst(%dma_wait3A_362 : memref<128x16xf32, #tpu.memory_space<vmem>>)
        tpu.yield
      }) : () -> ()
      %run_scoped3A_338 = arith.constant 0 : i32
      "tpu.region"() ({
        %run_scoped3A_340 = tpu.sem_alloc : memref<!tpu.dma_semaphore, #tpu.memory_space<semaphore_mem>>
        %dma_start3A_341 = arith.constant 0 : i32
        %dma_start3A_342 = arith.constant 0 : i32
        %dma_start3A_343 = tpu.memref_slice %arg11[%run_scoped3A_338, %dma_start3A_341, %dma_start3A_342] : memref<2x128x16xf32, #tpu.memory_space<vmem>> -> memref<1x128x16xf32, #tpu.memory_space<vmem>>
        %dma_start3A_344 = tpu.memref_squeeze %dma_start3A_343 : memref<1x128x16xf32, #tpu.memory_space<vmem>> -> memref<128x16xf32, #tpu.memory_space<vmem>>
        %dma_start3A_345 = arith.constant 0 : i32
        %dma_start3A_346 = tpu.memref_slice %arg6[%arg0, %add3A_337, %dma_start3A_345] : memref<2x10240x16xf32, #tpu.memory_space<hbm>> -> memref<1x128x16xf32, #tpu.memory_space<hbm>>
        %dma_start3A_347 = tpu.memref_squeeze %dma_start3A_346 : memref<1x128x16xf32, #tpu.memory_space<hbm>> -> memref<128x16xf32, #tpu.memory_space<hbm>>
        %dma_start3A_348 = arith.constant 0 : i32
        %dma_start3A_349 = tpu.memref_slice %arg6[%arg0, %add3A_337, %dma_start3A_348] : memref<2x10240x16xf32, #tpu.memory_space<hbm>> -> memref<1x128x16xf32, #tpu.memory_space<hbm>>
        %dma_start3A_350 = tpu.memref_squeeze %dma_start3A_349 : memref<1x128x16xf32, #tpu.memory_space<hbm>> -> memref<128x16xf32, #tpu.memory_space<hbm>>
        %dma_start3A_351 = arith.constant 0 : i32
        %dma_start3A_352 = arith.constant 0 : i32
        %dma_start3A_353 = tpu.memref_slice %arg11[%run_scoped3A_338, %dma_start3A_351, %dma_start3A_352] : memref<2x128x16xf32, #tpu.memory_space<vmem>> -> memref<1x128x16xf32, #tpu.memory_space<vmem>>
        %dma_start3A_354 = tpu.memref_squeeze %dma_start3A_353 : memref<1x128x16xf32, #tpu.memory_space<vmem>> -> memref<128x16xf32, #tpu.memory_space<vmem>>
        tpu.enqueue_dma source(%dma_start3A_354 : memref<128x16xf32, #tpu.memory_space<vmem>>) target(%dma_start3A_350 : memref<128x16xf32, #tpu.memory_space<hbm>>) target_semaphore(%run_scoped3A_340 : memref<!tpu.dma_semaphore, #tpu.memory_space<semaphore_mem>>)
        %dma_wait3A_355 = arith.constant 0 : i32
        %dma_wait3A_356 = arith.constant 0 : i32
        %dma_wait3A_357 = tpu.memref_slice %arg11[%run_scoped3A_338, %dma_wait3A_355, %dma_wait3A_356] : memref<2x128x16xf32, #tpu.memory_space<vmem>> -> memref<1x128x16xf32, #tpu.memory_space<vmem>>
        %dma_wait3A_358 = tpu.memref_squeeze %dma_wait3A_357 : memref<1x128x16xf32, #tpu.memory_space<vmem>> -> memref<128x16xf32, #tpu.memory_space<vmem>>
        %dma_wait3A_359 = arith.constant 0 : i32
        %dma_wait3A_360 = tpu.memref_slice %arg6[%arg0, %add3A_337, %dma_wait3A_359] : memref<2x10240x16xf32, #tpu.memory_space<hbm>> -> memref<1x128x16xf32, #tpu.memory_space<hbm>>
        %dma_wait3A_361 = tpu.memref_squeeze %dma_wait3A_360 : memref<1x128x16xf32, #tpu.memory_space<hbm>> -> memref<128x16xf32, #tpu.memory_space<hbm>>
        %dma_wait3A_362 = arith.constant 0 : i32
        %dma_wait3A_363 = tpu.memref_slice %arg6[%arg0, %add3A_337, %dma_wait3A_362] : memref<2x10240x16xf32, #tpu.memory_space<hbm>> -> memref<1x128x16xf32, #tpu.memory_space<hbm>>
        %dma_wait3A_364 = tpu.memref_squeeze %dma_wait3A_363 : memref<1x128x16xf32, #tpu.memory_space<hbm>> -> memref<128x16xf32, #tpu.memory_space<hbm>>
        %dma_wait3A_365 = arith.constant 0 : i32
        %dma_wait3A_366 = arith.constant 0 : i32
        %dma_wait3A_367 = tpu.memref_slice %arg11[%run_scoped3A_338, %dma_wait3A_365, %dma_wait3A_366] : memref<2x128x16xf32, #tpu.memory_space<vmem>> -> memref<1x128x16xf32, #tpu.memory_space<vmem>>
        %dma_wait3A_368 = tpu.memref_squeeze %dma_wait3A_367 : memref<1x128x16xf32, #tpu.memory_space<vmem>> -> memref<128x16xf32, #tpu.memory_space<vmem>>
        tpu.wait_dma2 semaphore(%run_scoped3A_340 : memref<!tpu.dma_semaphore, #tpu.memory_space<semaphore_mem>>) src(%dma_wait3A_368 : memref<128x16xf32, #tpu.memory_space<vmem>>) dst(%dma_wait3A_364 : memref<128x16xf32, #tpu.memory_space<hbm>>)
        tpu.yield
      }) : () -> ()
      %scan3A_339 = arith.constant 0 : i32
      scf.yield %scan3A_339 : i32
    }
    %scan3A_330 = arith.constant 5 : i32
    return
  }
}

module attributes {stable_mosaic.version = 14 : i64} {
  func.func @_tca_body(%arg0: i32, %arg1: memref<1024x256xf32, #tpu.memory_space<vmem>>, %arg2: memref<256x64xf32, #tpu.memory_space<vmem>>, %arg3: memref<64x16xf32, #tpu.memory_space<vmem>>, %arg4: memref<64x16xf32, #tpu.memory_space<vmem>>, %arg5: memref<1024x80xf32, #tpu.memory_space<vmem>>, %arg6: memref<1024x16xf32, #tpu.memory_space<vmem>>) attributes {dimension_semantics = [#tpu.dimension_semantics<arbitrary>], iteration_bounds = array<i64: 10>, scalar_prefetch = 0 : i64, scratch_operands = 0 : i64, tpu.core_type = #tpu.core_type<tc>, window_params = [{transform_indices = @transform_0, window_bounds = array<i64: 1024, 256>}, {pipeline_mode = #tpu.pipeline_mode<synchronous>, transform_indices = @transform_1, window_bounds = array<i64: 256, 64>}, {pipeline_mode = #tpu.pipeline_mode<synchronous>, transform_indices = @transform_2, window_bounds = array<i64: 64, 16>}, {pipeline_mode = #tpu.pipeline_mode<synchronous>, transform_indices = @transform_3, window_bounds = array<i64: 64, 16>}, {transform_indices = @transform_4, window_bounds = array<i64: 1024, 80>}, {transform_indices = @transform_5, window_bounds = array<i64: 1024, 16>}]} {
    %get3A = arith.constant 0 : index
    %get3A_0 = arith.constant 0 : index
    %get3A_1 = vector.load %arg1[%get3A, %get3A_0] : memref<1024x256xf32, #tpu.memory_space<vmem>>, vector<1024x256xf32>
    %get3A_2 = arith.constant 0 : index
    %get3A_3 = arith.constant 0 : index
    %get3A_4 = vector.load %arg2[%get3A_2, %get3A_3] : memref<256x64xf32, #tpu.memory_space<vmem>>, vector<256x64xf32>
    %dot_general3A = arith.constant dense<0.000000e+00> : vector<1024x64xf32>
    %dot_general3A_5 = tpu.matmul %get3A_1, %get3A_4, %dot_general3A {dimension_numbers = #tpu.dot_dimension_numbers<[1], [0], [0], [1], [0, 0, 1, 1], [], []>, transpose_lhs_hint = false} : vector<1024x256xf32>, vector<256x64xf32>, vector<1024x64xf32> -> vector<1024x64xf32>
    %get3A_6 = arith.constant 0 : index
    %get3A_7 = arith.constant 0 : index
    %get3A_8 = vector.load %arg3[%get3A_6, %get3A_7] : memref<64x16xf32, #tpu.memory_space<vmem>>, vector<64x16xf32>
    %dot_general3A_9 = arith.constant dense<0.000000e+00> : vector<1024x16xf32>
    %dot_general3A_10 = tpu.matmul %dot_general3A_5, %get3A_8, %dot_general3A_9 {dimension_numbers = #tpu.dot_dimension_numbers<[1], [0], [0], [1], [0, 0, 1, 1], [], []>, transpose_lhs_hint = false} : vector<1024x64xf32>, vector<64x16xf32>, vector<1024x16xf32> -> vector<1024x16xf32>
    %concatenate3A = tpu.concatenate %dot_general3A_10, %dot_general3A_5 in 1 : vector<1024x16xf32>, vector<1024x64xf32> -> vector<1024x80xf32>
    %swap3A = arith.constant 0 : index
    %swap3A_11 = arith.constant 0 : index
    %swap3A_12 = vector.load %arg5[%swap3A, %swap3A_11] : memref<1024x80xf32, #tpu.memory_space<vmem>>, vector<1024x80xf32>
    tpu.vector_store %arg5[%swap3A, %swap3A_11], %concatenate3A {strides = array<i32>} : memref<1024x80xf32, #tpu.memory_space<vmem>>, vector<1024x80xf32>,
    %get3A_13 = arith.constant 0 : index
    %get3A_14 = arith.constant 0 : index
    %get3A_15 = vector.load %arg4[%get3A_13, %get3A_14] : memref<64x16xf32, #tpu.memory_space<vmem>>, vector<64x16xf32>
    %dot_general3A_16 = arith.constant dense<0.000000e+00> : vector<1024x16xf32>
    %dot_general3A_17 = tpu.matmul %dot_general3A_5, %get3A_15, %dot_general3A_16 {dimension_numbers = #tpu.dot_dimension_numbers<[1], [0], [0], [1], [0, 0, 1, 1], [], []>, transpose_lhs_hint = false} : vector<1024x64xf32>, vector<64x16xf32>, vector<1024x16xf32> -> vector<1024x16xf32>
    %swap3A_18 = arith.constant 0 : index
    %swap3A_19 = arith.constant 0 : index
    %swap3A_20 = vector.load %arg6[%swap3A_18, %swap3A_19] : memref<1024x16xf32, #tpu.memory_space<vmem>>, vector<1024x16xf32>
    tpu.vector_store %arg6[%swap3A_18, %swap3A_19], %dot_general3A_17 {strides = array<i32>} : memref<1024x16xf32, #tpu.memory_space<vmem>>, vector<1024x16xf32>,
    return
  }
  func.func @transform_0(%arg0: i32) -> (i32, i32) {
    %c0_i32 = arith.constant 0 : i32
    %c0_i32_0 = arith.constant 0 : i32
    return %arg0, %c0_i32 : i32, i32
  }
  func.func @transform_1(%arg0: i32) -> (i32, i32) {
    %c0_i32 = arith.constant 0 : i32
    %c0_i32_0 = arith.constant 0 : i32
    %c0_i32_1 = arith.constant 0 : i32
    return %c0_i32, %c0_i32_0 : i32, i32
  }
  func.func @transform_2(%arg0: i32) -> (i32, i32) {
    %c0_i32 = arith.constant 0 : i32
    %c0_i32_0 = arith.constant 0 : i32
    %c0_i32_1 = arith.constant 0 : i32
    return %c0_i32, %c0_i32_0 : i32, i32
  }
  func.func @transform_3(%arg0: i32) -> (i32, i32) {
    %c0_i32 = arith.constant 0 : i32
    %c0_i32_0 = arith.constant 0 : i32
    %c0_i32_1 = arith.constant 0 : i32
    return %c0_i32, %c0_i32_0 : i32, i32
  }
  func.func @transform_4(%arg0: i32) -> (i32, i32) {
    %c0_i32 = arith.constant 0 : i32
    %c0_i32_0 = arith.constant 0 : i32
    return %arg0, %c0_i32 : i32, i32
  }
  func.func @transform_5(%arg0: i32) -> (i32, i32) {
    %c0_i32 = arith.constant 0 : i32
    %c0_i32_0 = arith.constant 0 : i32
    return %arg0, %c0_i32 : i32, i32
  }
}

module attributes {stable_mosaic.version = 14 : i64} {
  func.func @_tcb_body(%arg0: i32, %arg1: memref<2x1024x80xf32, #tpu.memory_space<vmem>>, %arg2: memref<8x64xf32, #tpu.memory_space<vmem>>, %arg3: memref<1x64xf32, #tpu.memory_space<vmem>>, %arg4: memref<64x7xf32, #tpu.memory_space<vmem>>, %arg5: memref<1x7xf32, #tpu.memory_space<vmem>>, %arg6: memref<1x7xf32, #tpu.memory_space<vmem>>, %arg7: memref<1024x32xf32, #tpu.memory_space<vmem>>, %arg8: memref<1024x16xf32, #tpu.memory_space<vmem>>) attributes {dimension_semantics = [#tpu.dimension_semantics<arbitrary>], iteration_bounds = array<i64: 10>, scalar_prefetch = 0 : i64, scratch_operands = 0 : i64, tpu.core_type = #tpu.core_type<tc>, window_params = [{transform_indices = @transform_0, window_bounds = array<i64: 2, 1024, 80>}, {pipeline_mode = #tpu.pipeline_mode<synchronous>, transform_indices = @transform_1, window_bounds = array<i64: 8, 64>}, {pipeline_mode = #tpu.pipeline_mode<synchronous>, transform_indices = @transform_2, window_bounds = array<i64: 1, 64>}, {pipeline_mode = #tpu.pipeline_mode<synchronous>, transform_indices = @transform_3, window_bounds = array<i64: 64, 7>}, {pipeline_mode = #tpu.pipeline_mode<synchronous>, transform_indices = @transform_4, window_bounds = array<i64: 1, 7>}, {pipeline_mode = #tpu.pipeline_mode<synchronous>, transform_indices = @transform_5, window_bounds = array<i64: 1, 7>}, {transform_indices = @transform_6, window_bounds = array<i64: 1024, 32>}, {transform_indices = @transform_7, window_bounds = array<i64: 1024, 16>}]} {
    %get3A = arith.constant 0 : index
    %get3A_0 = arith.constant 0 : index
    %get3A_1 = arith.constant 0 : index
    %get3A_2 = vector.load %arg1[%get3A, %get3A_0, %get3A_1] : memref<2x1024x80xf32, #tpu.memory_space<vmem>>, vector<1x1024x80xf32>
    %get3A_3 = vector.shape_cast %get3A_2 : vector<1x1024x80xf32> to vector<1024x80xf32>
    %get3A_4 = arith.constant 1 : index
    %get3A_5 = arith.constant 0 : index
    %get3A_6 = arith.constant 0 : index
    %get3A_7 = vector.load %arg1[%get3A_4, %get3A_5, %get3A_6] : memref<2x1024x80xf32, #tpu.memory_space<vmem>>, vector<1x1024x80xf32>
    %get3A_8 = vector.shape_cast %get3A_7 : vector<1x1024x80xf32> to vector<1024x80xf32>
    %add3A = arith.addf %get3A_3, %get3A_8 : vector<1024x80xf32>
    %slice3A = vector.extract_strided_slice %add3A {offsets = [0, 0], sizes = [1024, 8], strides = [1, 1]} : vector<1024x80xf32> to vector<1024x8xf32>
    %get3A_9 = arith.constant 0 : index
    %get3A_10 = arith.constant 0 : index
    %get3A_11 = vector.load %arg2[%get3A_9, %get3A_10] : memref<8x64xf32, #tpu.memory_space<vmem>>, vector<8x64xf32>
    %dot_general3A = arith.constant dense<0.000000e+00> : vector<1024x64xf32>
    %dot_general3A_12 = tpu.matmul %slice3A, %get3A_11, %dot_general3A {dimension_numbers = #tpu.dot_dimension_numbers<[1], [0], [0], [1], [0, 0, 1, 1], [], []>, transpose_lhs_hint = false} : vector<1024x8xf32>, vector<8x64xf32>, vector<1024x64xf32> -> vector<1024x64xf32>
    %add3A_13 = arith.constant 1.000000e-16 : f32
    %add3A_14 = vector.broadcast %add3A_13 : f32 to vector<1024x64xf32>
    %add3A_15 = arith.addf %dot_general3A_12, %add3A_14 : vector<1024x64xf32>
    %slice3A_16 = vector.extract_strided_slice %add3A {offsets = [0, 16], sizes = [1024, 64], strides = [1, 1]} : vector<1024x80xf32> to vector<1024x64xf32>
    %div3A = arith.divf %slice3A_16, %add3A_15 : vector<1024x64xf32>
    %get3A_17 = arith.constant 0 : index
    %get3A_18 = arith.constant 0 : index
    %get3A_19 = vector.load %arg3[%get3A_17, %get3A_18] : memref<1x64xf32, #tpu.memory_space<vmem>>, vector<1x64xf32>
    %add3A_20 = vector.broadcast %get3A_19 : vector<1x64xf32> to vector<1024x64xf32>
    %add3A_21 = arith.addf %div3A, %add3A_20 : vector<1024x64xf32>
    %gt3A = arith.constant 0.000000e+00 : f32
    %gt3A_22 = vector.broadcast %gt3A : f32 to vector<1024x64xf32>
    %gt3A_23 = arith.cmpf ogt, %add3A_21, %gt3A_22 : vector<1024x64xf32>
    %exp3A = math.exp %add3A_21 : vector<1024x64xf32>
    %sub3A = arith.constant 1.000000e+00 : f32
    %sub3A_24 = vector.broadcast %sub3A : f32 to vector<1024x64xf32>
    %sub3A_25 = arith.subf %exp3A, %sub3A_24 : vector<1024x64xf32>
    %select_n3A = arith.select %gt3A_23, %add3A_21, %sub3A_25 : vector<1024x64xi1>, vector<1024x64xf32>
    %get3A_26 = arith.constant 0 : index
    %get3A_27 = arith.constant 0 : index
    %get3A_28 = vector.load %arg4[%get3A_26, %get3A_27] : memref<64x7xf32, #tpu.memory_space<vmem>>, vector<64x7xf32>
    %dot_general3A_29 = arith.constant dense<0.000000e+00> : vector<1024x7xf32>
    %dot_general3A_30 = tpu.matmul %select_n3A, %get3A_28, %dot_general3A_29 {dimension_numbers = #tpu.dot_dimension_numbers<[1], [0], [0], [1], [0, 0, 1, 1], [], []>, transpose_lhs_hint = false} : vector<1024x64xf32>, vector<64x7xf32>, vector<1024x7xf32> -> vector<1024x7xf32>
    %get3A_31 = arith.constant 0 : index
    %get3A_32 = arith.constant 0 : index
    %get3A_33 = vector.load %arg5[%get3A_31, %get3A_32] : memref<1x7xf32, #tpu.memory_space<vmem>>, vector<1x7xf32>
    %mul3A = vector.broadcast %get3A_33 : vector<1x7xf32> to vector<1024x7xf32>
    %mul3A_34 = arith.mulf %dot_general3A_30, %mul3A : vector<1024x7xf32>
    %reduce_sum3A = arith.constant dense<0.000000e+00> : vector<1024xf32>
    %reduce_sum3A_35 = vector.multi_reduction <add>, %mul3A_34, %reduce_sum3A [1] : vector<1024x7xf32> to vector<1024xf32>
    %broadcast_in_dim3A = vector.shape_cast %reduce_sum3A_35 : vector<1024xf32> to vector<1024x1xf32>
    %get3A_36 = arith.constant 0 : index
    %get3A_37 = arith.constant 0 : index
    %get3A_38 = vector.load %arg6[%get3A_36, %get3A_37] : memref<1x7xf32, #tpu.memory_space<vmem>>, vector<1x7xf32>
    %mul3A_39 = vector.broadcast %get3A_38 : vector<1x7xf32> to vector<1024x7xf32>
    %mul3A_40 = arith.mulf %dot_general3A_30, %mul3A_39 : vector<1024x7xf32>
    %reduce_sum3A_41 = arith.constant dense<0.000000e+00> : vector<1024xf32>
    %reduce_sum3A_42 = vector.multi_reduction <add>, %mul3A_40, %reduce_sum3A_41 [1] : vector<1024x7xf32> to vector<1024xf32>
    %broadcast_in_dim3A_43 = vector.shape_cast %reduce_sum3A_42 : vector<1024xf32> to vector<1024x1xf32>
    %broadcast_in_dim3A_44 = arith.constant 1.000000e+00 : f32
    %broadcast_in_dim3A_45 = vector.broadcast %broadcast_in_dim3A_44 : f32 to vector<1024x1xf32>
    %broadcast_in_dim3A_46 = arith.constant 0.000000e+00 : f32
    %broadcast_in_dim3A_47 = vector.broadcast %broadcast_in_dim3A_46 : f32 to vector<1024x8xf32>
    %broadcast_in_dim3A_48 = vector.shape_cast %broadcast_in_dim3A : vector<1024x1xf32> to vector<1024x1xf32>
    %broadcast_in_dim3A_49 = vector.broadcast %broadcast_in_dim3A_48 : vector<1024x1xf32> to vector<1024x16xf32>
    %concatenate3A = tpu.concatenate %broadcast_in_dim3A_45, %dot_general3A_30, %broadcast_in_dim3A_47, %broadcast_in_dim3A_49 in 1 : vector<1024x1xf32>, vector<1024x7xf32>, vector<1024x8xf32>, vector<1024x16xf32> -> vector<1024x32xf32>
    %swap3A = arith.constant 0 : index
    %swap3A_50 = arith.constant 0 : index
    %swap3A_51 = vector.load %arg7[%swap3A, %swap3A_50] : memref<1024x32xf32, #tpu.memory_space<vmem>>, vector<1024x32xf32>
    tpu.vector_store %arg7[%swap3A, %swap3A_50], %concatenate3A {strides = array<i32>} : memref<1024x32xf32, #tpu.memory_space<vmem>>, vector<1024x32xf32>,
    %broadcast_in_dim3A_52 = vector.shape_cast %broadcast_in_dim3A_43 : vector<1024x1xf32> to vector<1024x1xf32>
    %broadcast_in_dim3A_53 = vector.broadcast %broadcast_in_dim3A_52 : vector<1024x1xf32> to vector<1024x16xf32>
    %swap3A_54 = arith.constant 0 : index
    %swap3A_55 = arith.constant 0 : index
    %swap3A_56 = vector.load %arg8[%swap3A_54, %swap3A_55] : memref<1024x16xf32, #tpu.memory_space<vmem>>, vector<1024x16xf32>
    tpu.vector_store %arg8[%swap3A_54, %swap3A_55], %broadcast_in_dim3A_53 {strides = array<i32>} : memref<1024x16xf32, #tpu.memory_space<vmem>>, vector<1024x16xf32>,
    return
  }
  func.func @transform_0(%arg0: i32) -> (i32, i32, i32) {
    %c0_i32 = arith.constant 0 : i32
    %c0_i32_0 = arith.constant 0 : i32
    %c0_i32_1 = arith.constant 0 : i32
    return %c0_i32, %arg0, %c0_i32_0 : i32, i32, i32
  }
  func.func @transform_1(%arg0: i32) -> (i32, i32) {
    %c0_i32 = arith.constant 0 : i32
    %c0_i32_0 = arith.constant 0 : i32
    %c0_i32_1 = arith.constant 0 : i32
    return %c0_i32, %c0_i32_0 : i32, i32
  }
  func.func @transform_2(%arg0: i32) -> (i32, i32) {
    %c0_i32 = arith.constant 0 : i32
    %c0_i32_0 = arith.constant 0 : i32
    %c0_i32_1 = arith.constant 0 : i32
    return %c0_i32, %c0_i32_0 : i32, i32
  }
  func.func @transform_3(%arg0: i32) -> (i32, i32) {
    %c0_i32 = arith.constant 0 : i32
    %c0_i32_0 = arith.constant 0 : i32
    %c0_i32_1 = arith.constant 0 : i32
    return %c0_i32, %c0_i32_0 : i32, i32
  }
  func.func @transform_4(%arg0: i32) -> (i32, i32) {
    %c0_i32 = arith.constant 0 : i32
    %c0_i32_0 = arith.constant 0 : i32
    %c0_i32_1 = arith.constant 0 : i32
    return %c0_i32, %c0_i32_0 : i32, i32
  }
  func.func @transform_5(%arg0: i32) -> (i32, i32) {
    %c0_i32 = arith.constant 0 : i32
    %c0_i32_0 = arith.constant 0 : i32
    %c0_i32_1 = arith.constant 0 : i32
    return %c0_i32, %c0_i32_0 : i32, i32
  }
  func.func @transform_6(%arg0: i32) -> (i32, i32) {
    %c0_i32 = arith.constant 0 : i32
    %c0_i32_0 = arith.constant 0 : i32
    return %arg0, %c0_i32 : i32, i32
  }
  func.func @transform_7(%arg0: i32) -> (i32, i32) {
    %c0_i32 = arith.constant 0 : i32
    %c0_i32_0 = arith.constant 0 : i32
    return %arg0, %c0_i32 : i32, i32
  }
}

module attributes {stable_mosaic.version = 14 : i64} {
  func.func @_tcc_body(%arg0: i32, %arg1: memref<2x1000x16xf32, #tpu.memory_space<vmem>>, %arg2: memref<1x7xf32, #tpu.memory_space<vmem>>, %arg3: memref<1000x7xf32, #tpu.memory_space<vmem>>, %arg4: memref<1000x7xf32, #tpu.memory_space<vmem>>) attributes {dimension_semantics = [#tpu.dimension_semantics<arbitrary>], iteration_bounds = array<i64: 10>, scalar_prefetch = 0 : i64, scratch_operands = 0 : i64, tpu.core_type = #tpu.core_type<tc>, window_params = [{transform_indices = @transform_0, window_bounds = array<i64: 2, 1000, 16>}, {pipeline_mode = #tpu.pipeline_mode<synchronous>, transform_indices = @transform_1, window_bounds = array<i64: 1, 7>}, {transform_indices = @transform_2, window_bounds = array<i64: 1000, 7>}, {transform_indices = @transform_3, window_bounds = array<i64: 1000, 7>}]} {
    %get3A = arith.constant 0 : index
    %get3A_0 = arith.constant 0 : index
    %get3A_1 = arith.constant 0 : index
    %get3A_2 = vector.load %arg1[%get3A, %get3A_0, %get3A_1] : memref<2x1000x16xf32, #tpu.memory_space<vmem>>, vector<1x1000x16xf32>
    %get3A_3 = vector.shape_cast %get3A_2 : vector<1x1000x16xf32> to vector<1000x16xf32>
    %get3A_4 = arith.constant 1 : index
    %get3A_5 = arith.constant 0 : index
    %get3A_6 = arith.constant 0 : index
    %get3A_7 = vector.load %arg1[%get3A_4, %get3A_5, %get3A_6] : memref<2x1000x16xf32, #tpu.memory_space<vmem>>, vector<1x1000x16xf32>
    %get3A_8 = vector.shape_cast %get3A_7 : vector<1x1000x16xf32> to vector<1000x16xf32>
    %add3A = arith.addf %get3A_3, %get3A_8 : vector<1000x16xf32>
    %slice3A = vector.extract_strided_slice %add3A {offsets = [0, 0], sizes = [1000, 1], strides = [1, 1]} : vector<1000x16xf32> to vector<1000x1xf32>
    %add3A_9 = arith.constant 1.000000e-16 : f32
    %add3A_10 = vector.broadcast %add3A_9 : f32 to vector<1000x1xf32>
    %add3A_11 = arith.addf %slice3A, %add3A_10 : vector<1000x1xf32>
    %slice3A_12 = vector.extract_strided_slice %add3A {offsets = [0, 1], sizes = [1000, 7], strides = [1, 1]} : vector<1000x16xf32> to vector<1000x7xf32>
    %div3A = vector.broadcast %add3A_11 : vector<1000x1xf32> to vector<1000x7xf32>
    %div3A_13 = arith.divf %slice3A_12, %div3A : vector<1000x7xf32>
    %get3A_14 = arith.constant 0 : index
    %get3A_15 = arith.constant 0 : index
    %get3A_16 = vector.load %arg2[%get3A_14, %get3A_15] : memref<1x7xf32, #tpu.memory_space<vmem>>, vector<1x7xf32>
    %add3A_17 = vector.broadcast %get3A_16 : vector<1x7xf32> to vector<1000x7xf32>
    %add3A_18 = arith.addf %div3A_13, %add3A_17 : vector<1000x7xf32>
    %reduce_max3A = arith.constant dense<0xFF800000> : vector<1000xf32>
    %reduce_max3A_19 = vector.multi_reduction <maximumf>, %add3A_18, %reduce_max3A [1] : vector<1000x7xf32> to vector<1000xf32>
    %broadcast_in_dim3A = vector.shape_cast %reduce_max3A_19 : vector<1000xf32> to vector<1000x1xf32>
    %sub3A = vector.broadcast %broadcast_in_dim3A : vector<1000x1xf32> to vector<1000x7xf32>
    %sub3A_20 = arith.subf %add3A_18, %sub3A : vector<1000x7xf32>
    %exp3A = math.exp %sub3A_20 : vector<1000x7xf32>
    %reduce_sum3A = arith.constant dense<0.000000e+00> : vector<1000xf32>
    %reduce_sum3A_21 = vector.multi_reduction <add>, %exp3A, %reduce_sum3A [1] : vector<1000x7xf32> to vector<1000xf32>
    %broadcast_in_dim3A_22 = vector.shape_cast %reduce_sum3A_21 : vector<1000xf32> to vector<1000x1xf32>
    %div3A_23 = vector.broadcast %broadcast_in_dim3A_22 : vector<1000x1xf32> to vector<1000x7xf32>
    %div3A_24 = arith.divf %exp3A, %div3A_23 : vector<1000x7xf32>
    %swap3A = arith.constant 0 : index
    %swap3A_25 = arith.constant 0 : index
    %swap3A_26 = vector.load %arg3[%swap3A, %swap3A_25] : memref<1000x7xf32, #tpu.memory_space<vmem>>, vector<1000x7xf32>
    tpu.vector_store %arg3[%swap3A, %swap3A_25], %div3A_24 {strides = array<i32>} : memref<1000x7xf32, #tpu.memory_space<vmem>>, vector<1000x7xf32>,
    %swap3A_27 = arith.constant 0 : index
    %swap3A_28 = arith.constant 0 : index
    %swap3A_29 = vector.load %arg4[%swap3A_27, %swap3A_28] : memref<1000x7xf32, #tpu.memory_space<vmem>>, vector<1000x7xf32>
    tpu.vector_store %arg4[%swap3A_27, %swap3A_28], %add3A_18 {strides = array<i32>} : memref<1000x7xf32, #tpu.memory_space<vmem>>, vector<1000x7xf32>,
    return
  }
  func.func @transform_0(%arg0: i32) -> (i32, i32, i32) {
    %c0_i32 = arith.constant 0 : i32
    %c0_i32_0 = arith.constant 0 : i32
    %c0_i32_1 = arith.constant 0 : i32
    return %c0_i32, %arg0, %c0_i32_0 : i32, i32, i32
  }
  func.func @transform_1(%arg0: i32) -> (i32, i32) {
    %c0_i32 = arith.constant 0 : i32
    %c0_i32_0 = arith.constant 0 : i32
    %c0_i32_1 = arith.constant 0 : i32
    return %c0_i32, %c0_i32_0 : i32, i32
  }
  func.func @transform_2(%arg0: i32) -> (i32, i32) {
    %c0_i32 = arith.constant 0 : i32
    %c0_i32_0 = arith.constant 0 : i32
    return %arg0, %c0_i32 : i32, i32
  }
  func.func @transform_3(%arg0: i32) -> (i32, i32) {
    %c0_i32 = arith.constant 0 : i32
    %c0_i32_0 = arith.constant 0 : i32
    return %arg0, %c0_i32 : i32, i32
  }
}

</mosaic_0001>

<sc_bundles>
// kernel: kernel.10.cloned.1.call-start
scs
__scs_entry_jumppad:
0x0: {  	(pc) =	sbr.rel $0x88, $3  }
0x1: {  	(tag) =	ssettag $0x0;
	lr =	simm.s32 $0x1  }
0x2: {  	[smem:$0x3F97] =	sst lr;
	_ =	strace $0xD0000000  }
0x3: {  	_ = 	snop  }
0x4: {  	_ = 	snop  }
0x5: {  	_ = 	snop  }
0x6: {  	_ = 	snop  }
0x7: {  	_ = 	snop  }
__scs_overlays_trampoline_lowered:
0x8: {  	[smem:$0x3FA6] =	sst s0  }
0x9: {  	[smem:$0x3FA7] =	sst s1  }
0xa: {  	[smem:$0x3FA8] =	sst s2  }
0xb: {  	[smem:$0x3FA9] =	sst s3  }
0xc: {  	[smem:$0x3FAA] =	sst s4  }
0xd: {  	[smem:$0x3FAB] =	sst s5  }
0xe: {  	[smem:$0x3FAC] =	sst s6  }
0xf: {  	[smem:$0x3FAD] =	sst s7  }
0x10: {  	[smem:$0x3FAE] =	sst s8  }
0x11: {  	[smem:$0x3FAF] =	sst s9;
	s0 =	simm.s32 @!p0 $0x0  }
0x12: {  	s1 =	sld [smem:$0x3F95];
	s0 =	simm.s32 @p0 $0x1  }
0x13: {  	[smem:$0x3FB0] =	sst s0;
	s0 =	simm.s32 @!p1 $0x0  }
0x14: {  	s2 =	sld [smem:$0x3F94];
	s0 =	simm.s32 @p1 $0x1  }
0x15: {  	[smem:$0x3FB1] =	sst s0;
	s0 =	simm.s32 @!p2 $0x0  }
0x16: {  	s3 =	sld [smem:$0x3FDB];
	s0 =	simm.s32 @p2 $0x1  }
0x17: {  	s4 =	simm.s32 $0x1BF5;
	[smem:$0x3FB3] =	sst s0  }
0x18: {  	s0 =	sld [smem:$0x3F96];
	_ =	swait.ge [sflag:s4], $0x0  }
0x19: {  	s7 =	sld [smem:$0x3F97]  }
0x1a: {  	s8 =	sadd.s32 $0xFFFFE003, lr  }
0x1b: {  	s9 =	sadd.s32 $0xFFFFFEF7, lr;
	s5 =	simm.s32 $0xFFFFFFFF;
	p2 =	slt.u32 s8, $0xFFFFF086  }
0x1c: {  	p1 =	slt.u32 s9, $0xF7A;
	s5 =	simm.s32 @!p2 $0x0  }
0x1d: {  	s5 =	simm.s32 @p1 $0x1;
	p0 =	seq.s32 s7, s2  }
0x1e: {  	s7 =	smul.u32 @!p0 $0xF7A, s2;
	p2 =	seq.s32 @!p0 s5, $0x0  }
0x1f: {  	s9 =	smul.u32 $0xF7A, s1;
	s8 =	simm.s32 @!p0 $0x1BF5;
	p2 =	por !p2, p0  }
0x20: {  	[sflag:s8] =	ssyncset.s32 @!p0 $0xFFFFF086;
	s6 =	sadd.s32 @!p0 s3, s7;
	s7 =	simm.s32 @!p0 $0x108  }
0x21: {  	s3 =	sadd.s32 s3, s9;
	s6 =	sadd.s32 @!p0 $0x88, s6;
	s7 =	simm.s32 @p2 $0x1082  }
0x22: {  	[simem:s7], [sflag:s8] =	dma.local @!p0 [hbm:s6], $0xF7A  }
0x23: {  	s9 =	sor.u32 $0xD0000000, s2;
	s6 =	simm.s32 $0x108;
	_ =	swait.ge @!p0 [sflag:s8], $0x0  }
0x24: {  	s3 =	sadd.s32 $0x88, s3;
	s6 =	simm.s32 @!p1 $0x1082;
	[sflag:s4] =	ssyncset.s32 $0xFFFFF086  }
0x25: {  	[simem:s6], [sflag:s4] =	dma.local [hbm:s3], $0xF7A  }
0x26: {  	[smem:$0x3F97] =	sst s1;
	(tag) =	ssettag s2;
	_ =	strace s9  }
0x27: {  	s1 =	sld [smem:$0x3FA7]  }
0x28: {  	s2 =	sld [smem:$0x3FA8]  }
0x29: {  	s4 =	sld [smem:$0x3FAA]  }
0x2a: {  	p0 =	seq.s32 s5, $0x0;
	s5 =	sld [smem:$0x3FAB]  }
0x2b: {  	s6 =	sld [smem:$0x3FAC]  }
0x2c: {  	s7 =	sld [smem:$0x3FAD]  }
0x2d: {  	s3 =	simm.s32 $0x108;
	s8 =	sld [smem:$0x3FAE]  }
0x2e: {  	s3 =	simm.s32 @!p0 $0x1082;
	s9 =	sld [smem:$0x3FAF]  }
0x2f: {  	lr =	sadd.s32 s0, s3;
	s0 =	sld [smem:$0x3FA6]  }
0x30: {  	s3 =	sld [smem:$0x3FA9]  }
0x31: {  	[smem:$0x3FB2] =	sst s10  }
0x32: {  	s10 =	sld [smem:$0x3FB0];
	_ =	sdelay $0x3  }
0x33: {  	p0 =	seq.s32 s10, $0x1;
	s10 =	sld [smem:$0x3FB2];
	_ =	sdelay $0x3  }
0x34: {  	[smem:$0x3FB2] =	sst s10  }
0x35: {  	s10 =	sld [smem:$0x3FB1];
	_ =	sdelay $0x3  }
0x36: {  	p1 =	seq.s32 s10, $0x1;
	s10 =	sld [smem:$0x3FB2];
	_ =	sdelay $0x3  }
0x37: {  	[smem:$0x3FB2] =	sst s10  }
0x38: {  	s10 =	sld [smem:$0x3FB3]  }
0x39: {  	_ = 	snop;
	(pc) =	sbr.ind lr, $3  }
0x3a: {  	_ = 	snop  }
0x3b: {  	_ = 	snop  }
0x3c: {  	p2 =	seq.s32 s10, $0x1;
	s10 =	sld [smem:$0x3FB2]  }
0x3d: {  	_ =	shalt  }
0x3e: {  	_ =	shalt  }
0x3f: {  	_ =	shalt  }
0x40: {  	_ =	shalt  }
0x41: {  	_ =	shalt  }
0x42: {  	_ =	shalt  }
0x43: {  	_ =	shalt  }
0x44: {  	_ =	shalt  }
0x45: {  	_ =	shalt  }
0x46: {  	_ =	shalt  }
0x47: {  	_ =	shalt  }
0x48: {  	_ =	shalt  }
0x49: {  	_ =	shalt  }
0x4a: {  	_ =	shalt  }
0x4b: {  	_ =	shalt  }
0x4c: {  	_ =	shalt  }
0x4d: {  	_ =	shalt  }
0x4e: {  	_ =	shalt  }
0x4f: {  	_ =	shalt  }
0x50: {  	_ =	shalt  }
0x51: {  	_ =	shalt  }
0x52: {  	_ =	shalt  }
0x53: {  	_ =	shalt  }
0x54: {  	_ =	shalt  }
0x55: {  	_ =	shalt  }
0x56: {  	_ =	shalt  }
0x57: {  	_ =	shalt  }
0x58: {  	_ =	shalt  }
0x59: {  	_ =	shalt  }
0x5a: {  	_ =	shalt  }
0x5b: {  	_ =	shalt  }
0x5c: {  	_ =	shalt  }
0x5d: {  	_ =	shalt  }
0x5e: {  	_ =	shalt  }
0x5f: {  	_ =	shalt  }
0x60: {  	_ =	shalt  }
0x61: {  	_ =	shalt  }
0x62: {  	_ =	shalt  }
0x63: {  	_ =	shalt  }
0x64: {  	_ =	shalt  }
0x65: {  	_ =	shalt  }
0x66: {  	_ =	shalt  }
0x67: {  	_ =	shalt  }
0x68: {  	_ =	shalt  }
0x69: {  	_ =	shalt  }
0x6a: {  	_ =	shalt  }
0x6b: {  	_ =	shalt  }
0x6c: {  	_ =	shalt  }
0x6d: {  	_ =	shalt  }
0x6e: {  	_ =	shalt  }
0x6f: {  	_ =	shalt  }
0x70: {  	_ =	shalt  }
0x71: {  	_ =	shalt  }
0x72: {  	_ =	shalt  }
0x73: {  	_ =	shalt  }
0x74: {  	_ =	shalt  }
0x75: {  	_ =	shalt  }
0x76: {  	_ =	shalt  }
0x77: {  	_ =	shalt  }
0x78: {  	_ =	shalt  }
0x79: {  	_ =	shalt  }
0x7a: {  	_ =	shalt  }
0x7b: {  	_ =	shalt  }
0x7c: {  	_ =	shalt  }
0x7d: {  	_ =	shalt  }
0x7e: {  	_ =	shalt  }
0x7f: {  	_ =	shalt  }
0x80: {  	_ =	shalt  }
0x81: {  	_ =	shalt  }
0x82: {  	_ =	shalt  }
0x83: {  	_ =	shalt  }
0x84: {  	_ =	shalt  }
0x85: {  	_ =	shalt  }
0x86: {  	_ =	shalt  }
0x87: {  	_ =	shalt  }
.Lfunc_end0:
.L_simem_size_0:
called_computation.1_lowered:
.L_overlay_start_0:
0x88: {  	s2 =	sld [smem:$0x3FD9]  }
0x89: {  	s3 =	sld [smem:$0x3FFE];
	_ =	sdelay $0x1  }
0x8a: {  	s1 =	srdreg.scid  }
0x8b: {  	s0 =	sand.u32 $0x1, s1  }
0x8c: {  	s16 =	sshll.u32 s0, $0xA;
	s2 =	sadd.s32 s3, s2  }
0x8d: {  	s2 =	sadd.s32 s2, s16  }
0x8e: {  	[smem:$0x3FBE] =	sst s2  }
0x8f: {  	_ = 	snop  }
0x90: {  	(tm) =	ssettm $0x1  }
0x91: {  	s17 =	sld [smem:$0x3FFB];
	_ =	sdelay $0x3  }
0x92: {  	_ =	strace s17  }
0x93: {  	s2 =	sld [smem:$0x3FFC];
	_ =	sdelay $0x3  }
0x94: {  	_ =	strace s2  }
0x95: {  	s2 =	sld [smem:$0x3FFD];
	_ =	sdelay $0x3  }
0x96: {  	_ =	strace s2  }
0x97: {  	_ =	strace $0x8FFFFFFF  }
0x98: {  	s18 =	sld [smem:$0x3FDB];
	_ =	sdelay $0x1  }
0x99: {  	s19 =	simm.s32 $_scs_section_size  }
0x9a: {  	s4 =	simm.s32 $_size__tile_overlayer_lowered;
	s5 =	simm.s32 $_tile_overlayer_lowered  }
0x9b: {  	s22 =	simm.s32 $0x1BFF;
	s21 =	sshll.u32 s5, $0x1;
	s2 =	sadd.s32 s19, s18  }
0x9c: {  	s6 =	simm.s32 $0x0;
	s20 =	sshll.u32 s4, $0x1;
	s4 =	sadd.s32 s21, s2  }
0x9d: {  	[timem:s6], [sflag:s22] =	dma.local [hbm:s4], s20  }
0x9e: {  	_ =	swait.ge [sflag:s22], s20  }
0x9f: {  	s3 =	ssub.s32 $0x0, s20;
	[sflag:s22] =	ssyncset.done $0x0  }
0xa0: {  	[sflag:s22] =	ssyncadd.s32 s3;
	_ =	sdelay $0x1  }
0xa1: {  	s23 =	simm.s32 $0x1B8B  }
0xa2: {  	_ =	swait.ge [sflag:s23], $0x1  }
0xa3: {  	[sflag:s23] =	ssyncset.done $0x0  }
0xa4: {  	s25 =	simm.s32 $0x1B8E;
	s24 =	sld [smem:$0x3FFE];
	[sflag:s23] =	ssyncadd.s32 $0xFFFFFFFF  }
0xa5: {  	s26 =	simm.s32 $execute0_lowered;
	[smem:$0x3FD2] =	sst s25  }
0xa6: {  	s4 =	sshll.u32 s26, $0x1;
	_ =	strace $0x80000049;
	[dreg:$0x1] =	wrdreg $0xFFFFFFFF  }
0xa7: {  	s28 =	simm.s32 $_size_execute0_lowered;
	s2 =	sadd.s32 s2, s4;
	[dreg:$0x0] =	wrdreg $0x0  }
0xa8: {  	s4 =	sshll.u32 s28, $0x1;
	[dreg:$0x2] =	wrdreg s2  }
0xa9: {  	[dreg:$0x3] =	wrdreg s4  }
0xaa: {  	[dreg:$0x4] =	wrdreg $0xC0  }
0xab: {  	_ =	task [dreg:s6], $0x5FFFF  }
0xac: {  	[dreg:$0x1] =	wrdreg $0xFFFFFFFF  }
0xad: {  	[dreg:$0x0] =	wrdreg $0x60  }
0xae: {  	[dreg:$0x2] =	wrdreg s24  }
0xaf: {  	[dreg:$0x3] =	wrdreg $0x6A000  }
0xb0: {  	[dreg:$0x4] =	wrdreg $0x9  }
0xb1: {  	_ =	task.clear_ibuf [dreg:s6], $0x5FFFF;
	_ =	strace $0x90000049  }
0xb2: {  	s29 =	simm.s32 $0x9;
	_ =	strace $0x8000004B  }
0xb3: {  	_ =	swait.ge [sflag:s29], $0x1  }
0xb4: {  	[sflag:s29] =	ssyncadd.s32 $0xFFFFFFFF  }
0xb5: {  	_ =	strace $0x9000004B  }
0xb6: {  	_ =	sfence  }
0xb7: {  	s30 =	sld [smem:$0x0];
	_ =	sdelay $0x2  }
0xb8: {  	s31 =	sshll.u32 s1, $0xD;
	s1 =	sshrl.u32 s1, $0x2  }
0xb9: {  	s3 =	sand.u32 $0x4000, s31;
	s1 =	sadd.s32 s1, s30  }
0xba: {  	s0 =	sor.u32 s3, s0;
	s1 =	sshll.u32 s1, $0x11  }
0xbb: {  	s0 =	sor.u32 s1, s0  }
0xbc: {  	s0 =	sadd.s32 $0x8F2B, s0  }
0xbd: {  	[sflag:s0] =	ssyncadd.remote.s32 $0x1  }
0xbe: {  	_ =	sfence.sel $0xFFFF  }
0xbf: {  	[dreg:$0x0] =	wrdreg $0xFFFFFFFF;
	(pc) =	sbr.abs _section_cstart, $3  }
0xc0: {  	[dreg:$0x1] =	wrdreg $0xFFFFFFFF  }
0xc1: {  	_ =	task.clear_ibuf [dreg:s6], $0x2FFFF;
	_ =	strace $0x9FFFFFFF  }
0xc2: {  	(tm) =	ssettm $0x7FFFFFFF  }
0xc3: {  	_ =	shalt  }
tec
execute0_lowered:
.L_overlay_start_1:
0x0: {  	(tag) =	ssettag $0x1  }
0x1: {  	s0 =	rddreg [dreg:$0x0]  }
0x2: {  	s1 =	rddreg [dreg:$0x1]  }
0x3: {  	s2 =	srdreg.scid;
	s3 =	simm.s32 $0x0;
	s10 =	stileid.u32  }
0x4: {  	s28 =	simm.s32 $0x80;
	s29 =	simm.s32 $0x2A00;
	s30 =	simm.s32 $0x4A00  }
0x5: {  	s31 =	simm.s32 $0x3A00;
	s2 =	sand.u32 $0x1, s2;
	[smem:$0x7FF] =	sst s3  }
0x6: {  	s5 =	sadd.s32 $0x16200, s0;
	s9 =	smul.u32 $0xA000, s10;
	s4 =	sshll.u32 s2, $0x4  }
0x7: {  	_ =	strace $0x8000004A;
	s7 =	ssub.s32 $0x2, s2;
	s2 =	smul.u32 $0x28000, s2  }
0x8: {  	s4 =	sor.u32 s10, s4;
	s8 =	sshrl.u32 s7, $0x1;
	s10 =	smul.u32 $0x2800, s10  }
0x9: {  	s9 =	sshrl.u32 s9, $0x2;
	s6 =	smul.u32 $0x2A0, s4;
	s4 =	sadd.s32 $0xC200, s0  }
0xa: {  	s7 =	ssub.s32 s7, s8;
	s8 =	sadd.s32 s9, s1;
	s11 =	sadd.s32 s10, s1  }
0xb: {  	s9 =	simm.s32 $0x4;
	s12 =	smax.u32 s7, $0x1;
	[dreg:$0x5] =	wrdreg s11  }
0xc: {  	s13 =	sadd.s32 $0x800, s8;
	s14 =	sadd.s32 $0x1000, s8;
	[dreg:$0x6] =	wrdreg s12  }
0xd: {  	s15 =	sadd.s32 $0x1800, s8;
	s16 =	sadd.s32 s2, s10;
	[dreg:$0x7] =	wrdreg s13  }
0xe: {  	s17 =	sadd.s32 $0x800, s10;
	s18 =	sadd.s32 $0x2000, s8;
	[dreg:$0x8] =	wrdreg s14  }
0xf: {  	s21 =	sadd.s32 $0x1000, s10;
	s24 =	sadd.s32 $0x1800, s10;
	[dreg:$0x9] =	wrdreg s15  }
0x10: {  	s6 =	sadd.s32 s6, s0;
	s0 =	sadd.s32 $0x1B200, s0;
	[dreg:$0xa] =	wrdreg s18  }
0x11: {  	s19 =	sadd.s32 s2, s17;
	s7 =	sadd.s32 s17, s1;
	s22 =	sadd.s32 s2, s21  }
0x12: {  	s23 =	sadd.s32 s21, s1;
	s25 =	sadd.s32 s2, s24;
	s11 =	simm.s32 $0x6200  }
0x13: {  	s12 =	simm.s32 $0x3;
	s13 =	simm.s32 $0x6;
	s14 =	simm.s32 $0x0  }
0x14: {  	s26 =	sadd.s32 $0x6E00, s6;
	s6 =	sadd.s32 $0x1A00, s6;
	[dreg:$0xc] =	wrdreg s7  }
0x15: {  	s20 =	sshrl.u32 s19, $0x3;
	[dreg:$0xe] =	wrdreg s23;
	s7 =	sadd.s32 s24, s1  }
0x16: {  	s24 =	simm.s32 $0x7;
	s19 =	simm.s32 $0x1580;
	[dreg:$0x3] =	wrdreg s26  }
0x17: {  	[dreg:$0x4] =	wrdreg s6;
	s6 =	sshrl.u32 s16, $0x3;
	s26 =	sadd.s32 $0x2000, s10  }
0x18: {  	[dreg:$0x10] =	wrdreg s7;
	s7 =	simm.s32 $0x2;
	s6 =	sadd.s32 s0, s6  }
0x19: {  	s10 =	simm.s32 $0x5;
	[dreg:$0xb] =	wrdreg s6;
	s6 =	sadd.s32 s0, s20  }
0x1a: {  	s2 =	sadd.s32 s2, s26;
	[dreg:$0xd] =	wrdreg s6;
	s6 =	sshrl.u32 s22, $0x3  }
0x1b: {  	s2 =	sshrl.u32 s2, $0x3;
	s22 =	sadd.s32 s26, s1;
	s6 =	sadd.s32 s0, s6  }
0x1c: {  	s23 =	sadd.s32 s0, s2;
	[dreg:$0xf] =	wrdreg s6;
	s6 =	sshrl.u32 s25, $0x3  }
0x1d: {  	s26 =	simm.s32 $0x5A00;
	s2 =	simm.s32 $0x5200;
	s6 =	sadd.s32 s0, s6  }
0x1e: {  	v0 =	vimm.f32 $0.0e+00;
	s25 =	simm.s32 $0x1500;
	[dreg:$0x11] =	wrdreg s6;
	s6 =	simm.s32 $0x1  }
.LBB2_1:
0x1f: {  	s0 =	rddreg [dreg:$0x3]  }
0x20: {  	[tilespmem:s3], [sflag:$0x7] =	stream.linear.gather [hbm4b:s0+s3], $0x1500, $0x38;
	[tilespmem:$0x9200] =	vst v63  }
0x21: {  	_ =	swait.ge [sflag:s24], $0x1500  }
0x22: {  	[sflag:s24] =	ssyncset.done $0x0  }
0x23: {  	s21 =	rddreg [dreg:$0x4];
	[sflag:s24] =	ssyncadd.s32 $0xFFFFEB00  }
0x24: {  	[tilespmem:s25], [sflag:$0x7] =	stream.linear.gather [hbm4b:s21+s3], $0x1500, $0x38;
	[tilespmem:$0x9200] =	vst v63  }
0x25: {  	_ =	swait.ge [sflag:s24], $0x1500  }
0x26: {  	[sflag:s24] =	ssyncset.done $0x0  }
0x27: {  	s15 =	simm.s32 $0x0;
	s0 =	simm.s32 $0x40;
	[sflag:s24] =	ssyncadd.s32 $0xFFFFEB00  }
.LBB2_2:
0x28: {  	p0 =	sne.s32 s0, $0x1FC0;
	[tilespmem:s15+$0x5A00] =	vst v0;
	s15 =	smov.u32 s0;
	s0 =	sadd.s32 $0x40, s0  }
.Ltmp0:
0x29: {  	(pc) =	sbr.rel @p0 .LBB2_2-.Ltmp0, $2  }
0x2a: {  	_ =	sdelay $0x2  }
0x2b: {  	s15 =	sshra.s32 s15, $0x2  }
0x2c: {  	[tilespmem:s15+$0x5A00] =	vst v0  }
0x2d: {  	[spmem:s8] =	stream.linear.scatter [tilespmem:s26], [sflag:$0x7], $0x800, $0x38;
	[tilespmem:$0x9200] =	vst v63  }
0x2e: {  	_ =	swait.ge [sflag:s24], $0x800  }
0x2f: {  	[sflag:s24] =	ssyncset.done $0x0  }
0x30: {  	s0 =	rddreg [dreg:$0x7];
	[sflag:s24] =	ssyncadd.s32 $0xFFFFF800  }
0x31: {  	[spmem:s0] =	stream.linear.scatter [tilespmem:s26], [sflag:$0x7], $0x800, $0x38;
	[tilespmem:$0x9200] =	vst v63  }
0x32: {  	_ =	swait.ge [sflag:s24], $0x800  }
0x33: {  	[sflag:s24] =	ssyncset.done $0x0  }
0x34: {  	s15 =	rddreg [dreg:$0x8];
	[sflag:s24] =	ssyncadd.s32 $0xFFFFF800  }
0x35: {  	[spmem:s15] =	stream.linear.scatter [tilespmem:s26], [sflag:$0x7], $0x800, $0x38;
	[tilespmem:$0x9200] =	vst v63  }
0x36: {  	_ =	swait.ge [sflag:s24], $0x800  }
0x37: {  	[sflag:s24] =	ssyncset.done $0x0  }
0x38: {  	s16 =	rddreg [dreg:$0x9];
	[sflag:s24] =	ssyncadd.s32 $0xFFFFF800  }
0x39: {  	[spmem:s16] =	stream.linear.scatter [tilespmem:s26], [sflag:$0x7], $0x800, $0x38;
	[tilespmem:$0x9200] =	vst v63  }
0x3a: {  	_ =	swait.ge [sflag:s24], $0x800  }
0x3b: {  	[sflag:s24] =	ssyncset.done $0x0  }
0x3c: {  	s17 =	rddreg [dreg:$0xa];
	[sflag:s24] =	ssyncadd.s32 $0xFFFFF800  }
0x3d: {  	[spmem:s17] =	stream.linear.scatter [tilespmem:s26], [sflag:$0x7], $0x800, $0x38;
	[tilespmem:$0x9200] =	vst v63  }
0x3e: {  	_ =	swait.ge [sflag:s24], $0x800  }
0x3f: {  	[sflag:s24] =	ssyncset.done $0x0  }
0x40: {  	[sflag:s24] =	ssyncadd.s32 $0xFFFFF800  }
0x41: {  	[bflag:$0x0] =	sbarrier.arrive $0xFFFF  }
0x42: {  	[tilespmem:s29], [sflag:$0x1] =	stream.indirect.gather [hbm4b:s4+s28], $0x20, s3, s28, $0xb8;
	[tilespmem:$0x9200] =	vst v63  }
0x43: {  	_ = 	snop  }
0x44: {  	[tilespmem:s30], [sflag:$0x2] =	stream.indirect.gather [hbm4b:s5+s28], $0x10, s25, s28, $0xb8;
	[tilespmem:$0x9200] =	vst v63  }
0x45: {  	_ = 	snop  }
0x46: {  	[tilespmem:s31], [sflag:$0x4] =	stream.indirect.gather [hbm4b:s4+s28], $0x20, s28, s28, $0xb8;
	[tilespmem:$0x9200] =	vst v63  }
0x47: {  	_ = 	snop  }
0x48: {  	[tilespmem:s2], [sflag:$0x5] =	stream.indirect.gather [hbm4b:s5+s28], $0x10, s19, s28, $0xb8;
	[tilespmem:$0x9200] =	vst v63  }
0x49: {  	_ =	swait.ge [sflag:s6], $0x1000  }
0x4a: {  	[sflag:s6] =	ssyncset.done $0x0  }
0x4b: {  	[sflag:s6] =	ssyncadd.s32 $0xFFFFF000  }
0x4c: {  	_ =	swait.ge [sflag:s7], $0x800  }
0x4d: {  	[sflag:s7] =	ssyncset.done $0x0  }
0x4e: {  	s18 =	simm.s32 $0x2A40;
	[sflag:s7] =	ssyncadd.s32 $0xFFFFF800  }
0x4f: {  	s20 =	simm.s32 $0x4A20;
	v1 =	vld [tilespmem:s18+$0x30]  }
0x50: {  	v2 =	vld [tilespmem:s20+$0x10]  }
0x51: {  	v3 =	vld [tilespmem:s20+$0xFFFFFFE0]  }
0x52: {  	v4 =	vld [tilespmem:s18+$0xFFFFFFF0]  }
0x53: {  	v5 =	vld [tilespmem:s20+$0xFFFFFFF0]  }
0x54: {  	v6 =	vld [tilespmem:s18+$0x10]  }
0x55: {  	v7 =	vld [tilespmem:s20+$0x0]  }
0x56: {  	v8 =	vld [tilespmem:s18+$0xFFFFFFD0]  }
0x57: {  	v10 =	vld [tilespmem:s18+$0xFFFFFFC0]  }
0x58: {  	v9 =	vld [tilespmem:s18+$0xFFFFFFE0]  }
0x59: {  	s21 =	simm.s32 $0x4A60;
	v11 =	vld [tilespmem:s18+$0x0];
	v1 =	vadd.f32 v2, v1  }
0x5a: {  	s16 =	simm.s32 $0x2AC0;
	v12 =	vld [tilespmem:s21+$0x10];
	v2 =	vadd.f32 v5, v4  }
0x5b: {  	v4 =	vld [tilespmem:s16+$0x30];
	v5 =	vmul.f32 $2.000000030e-01, v1  }
0x5c: {  	v15 =	vld [tilespmem:s16+$0x10];
	v6 =	vadd.f32 v7, v6;
	v13 =	vmul.f32 $2.000000030e-01, v2  }
0x5d: {  	v3 =	vadd.f32 v3, v8;
	v1 =	vmax.f32 v1, v5;
	v5 =	vld [tilespmem:s16+$0xFFFFFFF0]  }
0x5e: {  	v8 =	vmul.f32 $2.000000030e-01, v6;
	v2 =	vmax.f32 v2, v13;
	v13 =	vld [tilespmem:s21+$0xFFFFFFF0];
	v1 =	vmul.f32 $1.442695020e+00, v1  }
0x5f: {  	v7 =	vld [tilespmem:s21+$0xFFFFFFE0];
	v14 =	vmul.f32 $2.000000030e-01, v3;
	v2 =	vmul.f32 $1.442695020e+00, v2  }
0x60: {  	v4 =	vadd.f32 v12, v4;
	(erf) = vpow2.f32 v1;
	v1 =	vmax.f32 v6, v8;
	v8 =	vld [tilespmem:s21+$0x0]  }
0x61: {  	s0 =	simm.s32 $0x2B40;
	v3 =	vmax.f32 v3, v14;
	v12 =	vld [tilespmem:s16+$0xFFFFFFD0];
	v1 =	vmul.f32 $1.442695020e+00, v1;
	(erf) = vpow2.f32 v2  }
0x62: {  	v17 =	vld [tilespmem:s0+$0xFFFFFFF0];
	v14 =	vmul.f32 $2.000000030e-01, v4;
	v2 =	vmul.f32 $1.442695020e+00, v3  }
0x63: {  	s15 =	simm.s32 $0x4AA0;
	v5 =	vadd.f32 v13, v5;
	v13 =	vld [tilespmem:s0+$0x30];
	(erf) = vpow2.f32 v1  }
0x64: {  	v4 =	vmax.f32 v4, v14;
	v14 =	vld [tilespmem:s15+$0x10];
	(erf) = vpow2.f32 v2  }
0x65: {  	v6 =	vld [tilespmem:s18+$0x20];
	v4 =	vmul.f32 $1.442695020e+00, v4;
	v8 =	vadd.f32 v8, v15  }
0x66: {  	v18 =	vld [tilespmem:s15+$0xFFFFFFF0];
	v7 =	vadd.f32 v7, v12;
	v15 =	vmul.f32 $2.000000030e-01, v5  }
0x67: {  	v3 =	vld [tilespmem:s16+$0xFFFFFFE0];
	(erf) = vpow2.f32 v4;
	v16 =	vmul.f32 $2.000000030e-01, v8  }
0x68: {  	v1 =	vld [tilespmem:s16+$0xFFFFFFC0];
	v5 =	vmax.f32 v5, v15;
	v15 =	vmul.f32 $2.000000030e-01, v7  }
0x69: {  	v2 =	vld [tilespmem:s16+$0x0];
	v13 =	vadd.f32 v14, v13;
	v5 =	vmul.f32 $1.442695020e+00, v5;
	v12 =	vpop (erf);
	v16 =	vmax.f32 v8, v16  }
0x6a: {  	v4 =	vld [tilespmem:s15+$0xFFFFFFE0];
	v7 =	vmax.f32 v7, v15;
	v6 =	vmul.f32 v12, v6;
	v12 =	vpop (erf);
	v15 =	vmul.f32 $1.442695020e+00, v16  }
0x6b: {  	v14 =	vld [tilespmem:s16+$0x20];
	(erf) = vpow2.f32 v5;
	v12 =	vmul.f32 v12, v9  }
0x6c: {  	s16 =	simm.s32 $0x5A20;
	v8 =	vld [tilespmem:s0+$0x10];
	v63 =	vmul.f32 $2.000000030e-01, v13;
	v7 =	vmul.f32 $1.442695020e+00, v7;
	v19 =	vpop (erf)  }
0x6d: {  	v9 =	vld [tilespmem:s15+$0x0];
	(erf) = vpow2.f32 v15;
	v5 =	vpop (erf);
	[tilespmem:s16+$0xFFFFFFF0] =	vst v12;
	v12 =	vmul.f32 v19, v11  }
0x6e: {  	[tilespmem:s16+$0x10] =	vst v6;
	(erf) = vpow2.f32 v7;
	v6 =	vmul.f32 v5, v10;
	v10 =	vld [tilespmem:s0+$0xFFFFFFD0]  }
0x6f: {  	v7 =	vld [tilespmem:s0+$0xFFFFFFE0]  }
0x70: {  	v13 =	vmax.f32 v13, v63;
	v11 =	vadd.f32 v18, v17;
	v5 =	vld [tilespmem:s0+$0xFFFFFFC0];
	v15 =	vpop (erf);
	[tilespmem:s16+$0x0] =	vst v12  }
0x71: {  	s17 =	simm.s32 $0x8;
	s18 =	simm.s32 $0x2BC0;
	v13 =	vmul.f32 $1.442695020e+00, v13;
	v12 =	vmul.f32 v15, v14;
	[tilespmem:s16+$0xFFFFFFE0] =	vst v6;
	v6 =	vld [tilespmem:s0+$0x0]  }
.LBB2_4:
0x72: {  	v14 =	vld [tilespmem:s18+$0x30];
	v15 =	vmul.f32 $2.000000030e-01, v11;
	v8 =	vadd.f32 v9, v8;
	s15 =	sadd.s32 $0x40, s15;
	s16 =	sadd.s32 $0x40, s16  }
0x73: {  	s17 =	sadd.s32 $0x4, s17;
	v9 =	vld [tilespmem:s15+$0x10];
	v10 =	vadd.f32 v4, v10;
	(erf) = vpow2.f32 v13;
	[tilespmem:s16+$0x10] =	vst v12  }
0x74: {  	p0 =	slt.u32 s17, $0x7C;
	v4 =	vld [tilespmem:s15+$0xFFFFFFE0];
	v11 =	vmax.f32 v11, v15;
	v12 =	vmul.f32 $2.000000030e-01, v8;
	v13 =	vpop (erf)  }
0x75: {  	v15 =	vld [tilespmem:s18+$0xFFFFFFF0];
	v16 =	vmul.f32 $2.000000030e-01, v10;
	v19 =	vmul.f32 $1.442695020e+00, v11  }
0x76: {  	v13 =	vmul.f32 v13, v3;
	v3 =	vmov v7;
	v17 =	vld [tilespmem:s15+$0xFFFFFFF0];
	v12 =	vmax.f32 v8, v12;
	v18 =	vpop (erf)  }
0x77: {  	v8 =	vld [tilespmem:s18+$0x10];
	v7 =	vmax.f32 v10, v16;
	v10 =	vmul.f32 $1.442695020e+00, v12;
	(erf) = vpow2.f32 v19;
	v11 =	vpop (erf)  }
0x78: {  	v12 =	vadd.f32 v9, v14;
	v7 =	vmul.f32 $1.442695020e+00, v7;
	v14 =	vld [tilespmem:s0+$0x20];
	v11 =	vmul.f32 v11, v1;
	[tilespmem:s16+$0xFFFFFFF0] =	vst v13;
	v1 =	vmovc v5;
	s0 =	smov.u32 s18  }
.Ltmp1:
0x79: {  	v13 =	vmul.f32 v18, v2;
	v2 =	vmov v6;
	v9 =	vld [tilespmem:s15+$0x0];
	(erf) = vpow2.f32 v10;
	(pc) =	sbr.rel @p0 .LBB2_4-.Ltmp1, $4  }
0x7a: {  	v10 =	vld [tilespmem:s18+$0xFFFFFFD0];
	v6 =	vmul.f32 $2.000000030e-01, v12;
	(erf) = vpow2.f32 v7;
	[tilespmem:s16+$0xFFFFFFE0] =	vst v11  }
0x7b: {  	v5 =	vld [tilespmem:s18+$0xFFFFFFC0];
	v11 =	vadd.f32 v17, v15;
	[tilespmem:s16+$0x0] =	vst v13  }
0x7c: {  	v7 =	vld [tilespmem:s18+$0xFFFFFFE0];
	v12 =	vmax.f32 v12, v6;
	v15 =	vpop (erf)  }
0x7d: {  	s18 =	sadd.s32 $0x80, s18;
	v6 =	vld [tilespmem:s0+$0x0];
	v13 =	vmul.f32 $1.442695020e+00, v12;
	v12 =	vmul.f32 v15, v14  }
0x7e: {  	v8 =	vadd.f32 v9, v8  }
0x7f: {  	v9 =	vmul.f32 $2.000000030e-01, v11;
	v4 =	vadd.f32 v4, v10  }
0x80: {  	v10 =	vmul.f32 $2.000000030e-01, v8  }
0x81: {  	v9 =	vmax.f32 v11, v9;
	v11 =	vmul.f32 $2.000000030e-01, v4  }
0x82: {  	v9 =	vmul.f32 $1.442695020e+00, v9;
	v8 =	vmax.f32 v8, v10  }
0x83: {  	(erf) = vpow2.f32 v13;
	v4 =	vmax.f32 v4, v11;
	v8 =	vmul.f32 $1.442695020e+00, v8  }
0x84: {  	(erf) = vpow2.f32 v9;
	v4 =	vmul.f32 $1.442695020e+00, v4  }
0x85: {  	(erf) = vpow2.f32 v8  }
0x86: {  	(erf) = vpow2.f32 v4;
	_ =	sdelay $0x1  }
0x87: {  	v4 =	vpop (erf)  }
0x88: {  	v8 =	vld [tilespmem:s0+$0x20];
	v3 =	vmul.f32 v4, v3  }
0x89: {  	v9 =	vpop (erf)  }
0x8a: {  	s15 =	sadd.s32 $0x40, s16;
	v4 =	vpop (erf)  }
0x8b: {  	[tilespmem:s15+$0x10] =	vst v12;
	v1 =	vmul.f32 v4, v1;
	v4 =	vpop (erf)  }
0x8c: {  	v2 =	vmul.f32 v9, v2;
	[tilespmem:s15+$0xFFFFFFF0] =	vst v3;
	v3 =	vpop (erf)  }
0x8d: {  	[tilespmem:s15+$0xFFFFFFE0] =	vst v1;
	v1 =	vmul.f32 v4, v8;
	v4 =	vpop (erf)  }
0x8e: {  	s0 =	sadd.s32 $0x40, s15;
	[tilespmem:s15+$0x0] =	vst v2;
	v2 =	vmul.f32 v3, v7;
	v3 =	vpop (erf)  }
0x8f: {  	[tilespmem:s0+$0x10] =	vst v1;
	v1 =	vmul.f32 v3, v5  }
0x90: {  	[tilespmem:s0+$0xFFFFFFF0] =	vst v2;
	v2 =	vmul.f32 v4, v6  }
0x91: {  	[tilespmem:s0+$0xFFFFFFE0] =	vst v1  }
0x92: {  	[tilespmem:s0+$0x0] =	vst v2  }
0x93: {  	[spmem:s1] =	stream.indirect.scatter.add.f32 [tilespmem:s26], [sflag:$0x3], $0x10, s25, s28, $0xb8;
	[tilespmem:$0x9200] =	vst v63  }
0x94: {  	s16 =	simm.s32 $0x100  }
0x95: {  	[tilespmem:s29], [sflag:$0x1] =	stream.indirect.gather [hbm4b:s4+s28], $0x20, s16, s28, $0xb8;
	[tilespmem:$0x9200] =	vst v63  }
0x96: {  	s17 =	simm.s32 $0x1600  }
0x97: {  	[tilespmem:s30], [sflag:$0x2] =	stream.indirect.gather [hbm4b:s5+s28], $0x10, s17, s28, $0xb8;
	[tilespmem:$0x9200] =	vst v63  }
0x98: {  	_ =	swait.ge [sflag:s9], $0x1000  }
0x99: {  	[sflag:s9] =	ssyncset.done $0x0  }
0x9a: {  	[sflag:s9] =	ssyncadd.s32 $0xFFFFF000  }
0x9b: {  	_ =	swait.ge [sflag:s10], $0x800  }
0x9c: {  	[sflag:s10] =	ssyncset.done $0x0  }
0x9d: {  	s18 =	simm.s32 $0x3A70;
	[sflag:s10] =	ssyncadd.s32 $0xFFFFF800  }
0x9e: {  	s15 =	simm.s32 $0x5230;
	v1 =	vld [tilespmem:s18+$0x0]  }
0x9f: {  	v2 =	vld [tilespmem:s15+$0x0]  }
0xa0: {  	v3 =	vld [tilespmem:s15+$0xFFFFFFD0]  }
0xa1: {  	v4 =	vld [tilespmem:s18+$0xFFFFFFC0]  }
0xa2: {  	v5 =	vld [tilespmem:s15+$0xFFFFFFE0]  }
0xa3: {  	v6 =	vld [tilespmem:s18+$0xFFFFFFE0]  }
0xa4: {  	v7 =	vld [tilespmem:s15+$0xFFFFFFF0]  }
0xa5: {  	v8 =	vld [tilespmem:s18+$0xFFFFFFA0]  }
0xa6: {  	v10 =	vld [tilespmem:s18+$0xFFFFFF90]  }
0xa7: {  	v9 =	vld [tilespmem:s18+$0xFFFFFFB0]  }
0xa8: {  	s21 =	simm.s32 $0x5270;
	v11 =	vld [tilespmem:s18+$0xFFFFFFD0];
	v1 =	vadd.f32 v2, v1  }
0xa9: {  	s20 =	simm.s32 $0x3AF0;
	v12 =	vld [tilespmem:s21+$0x0];
	v2 =	vadd.f32 v5, v4  }
0xaa: {  	v4 =	vld [tilespmem:s20+$0x0];
	v5 =	vmul.f32 $2.000000030e-01, v1  }
0xab: {  	v15 =	vld [tilespmem:s20+$0xFFFFFFE0];
	v6 =	vadd.f32 v7, v6;
	v13 =	vmul.f32 $2.000000030e-01, v2  }
0xac: {  	v3 =	vadd.f32 v3, v8;
	v1 =	vmax.f32 v1, v5;
	v5 =	vld [tilespmem:s20+$0xFFFFFFC0]  }
0xad: {  	v8 =	vmul.f32 $2.000000030e-01, v6;
	v2 =	vmax.f32 v2, v13;
	v13 =	vld [tilespmem:s21+$0xFFFFFFE0];
	v1 =	vmul.f32 $1.442695020e+00, v1  }
0xae: {  	v7 =	vld [tilespmem:s21+$0xFFFFFFD0];
	v14 =	vmul.f32 $2.000000030e-01, v3;
	v2 =	vmul.f32 $1.442695020e+00, v2  }
0xaf: {  	v4 =	vadd.f32 v12, v4;
	(erf) = vpow2.f32 v1;
	v1 =	vmax.f32 v6, v8;
	v8 =	vld [tilespmem:s21+$0xFFFFFFF0]  }
0xb0: {  	s0 =	simm.s32 $0x3B70;
	v3 =	vmax.f32 v3, v14;
	v12 =	vld [tilespmem:s20+$0xFFFFFFA0];
	v1 =	vmul.f32 $1.442695020e+00, v1;
	(erf) = vpow2.f32 v2  }
0xb1: {  	v17 =	vld [tilespmem:s0+$0xFFFFFFC0];
	v14 =	vmul.f32 $2.000000030e-01, v4;
	v2 =	vmul.f32 $1.442695020e+00, v3  }
0xb2: {  	s15 =	simm.s32 $0x52B0;
	v5 =	vadd.f32 v13, v5;
	v13 =	vld [tilespmem:s0+$0x0];
	(erf) = vpow2.f32 v1  }
0xb3: {  	v4 =	vmax.f32 v4, v14;
	v14 =	vld [tilespmem:s15+$0x0];
	(erf) = vpow2.f32 v2  }
0xb4: {  	v6 =	vld [tilespmem:s18+$0xFFFFFFF0];
	v4 =	vmul.f32 $1.442695020e+00, v4;
	v8 =	vadd.f32 v8, v15  }
0xb5: {  	v18 =	vld [tilespmem:s15+$0xFFFFFFE0];
	v7 =	vadd.f32 v7, v12;
	v15 =	vmul.f32 $2.000000030e-01, v5  }
0xb6: {  	v3 =	vld [tilespmem:s20+$0xFFFFFFB0];
	(erf) = vpow2.f32 v4;
	v16 =	vmul.f32 $2.000000030e-01, v8  }
0xb7: {  	v1 =	vld [tilespmem:s20+$0xFFFFFF90];
	v5 =	vmax.f32 v5, v15;
	v15 =	vmul.f32 $2.000000030e-01, v7  }
0xb8: {  	v2 =	vld [tilespmem:s20+$0xFFFFFFD0];
	v13 =	vadd.f32 v14, v13;
	v5 =	vmul.f32 $1.442695020e+00, v5;
	v12 =	vpop (erf);
	v16 =	vmax.f32 v8, v16  }
0xb9: {  	v4 =	vld [tilespmem:s15+$0xFFFFFFD0];
	v7 =	vmax.f32 v7, v15;
	v6 =	vmul.f32 v12, v6;
	v12 =	vpop (erf);
	v15 =	vmul.f32 $1.442695020e+00, v16  }
0xba: {  	v14 =	vld [tilespmem:s20+$0xFFFFFFF0];
	(erf) = vpow2.f32 v5;
	v12 =	vmul.f32 v12, v9  }
0xbb: {  	s16 =	simm.s32 $0x6230;
	v8 =	vld [tilespmem:s0+$0xFFFFFFE0];
	v63 =	vmul.f32 $2.000000030e-01, v13;
	v7 =	vmul.f32 $1.442695020e+00, v7;
	v19 =	vpop (erf)  }
0xbc: {  	v9 =	vld [tilespmem:s15+$0xFFFFFFF0];
	(erf) = vpow2.f32 v15;
	v5 =	vpop (erf);
	[tilespmem:s16+$0xFFFFFFE0] =	vst v12;
	v12 =	vmul.f32 v19, v11  }
0xbd: {  	[tilespmem:s16+$0x0] =	vst v6;
	(erf) = vpow2.f32 v7;
	v6 =	vmul.f32 v5, v10;
	v10 =	vld [tilespmem:s0+$0xFFFFFFA0]  }
0xbe: {  	v7 =	vld [tilespmem:s0+$0xFFFFFFB0]  }
0xbf: {  	v13 =	vmax.f32 v13, v63;
	v11 =	vadd.f32 v18, v17;
	v5 =	vld [tilespmem:s0+$0xFFFFFF90];
	v15 =	vpop (erf);
	[tilespmem:s16+$0xFFFFFFF0] =	vst v12  }
0xc0: {  	s17 =	simm.s32 $0x8;
	s18 =	simm.s32 $0x3BF0;
	v13 =	vmul.f32 $1.442695020e+00, v13;
	v12 =	vmul.f32 v15, v14;
	[tilespmem:s16+$0xFFFFFFD0] =	vst v6;
	v6 =	vld [tilespmem:s0+$0xFFFFFFD0]  }
.LBB2_6:
0xc1: {  	v14 =	vld [tilespmem:s18+$0x0];
	v15 =	vmul.f32 $2.000000030e-01, v11;
	v8 =	vadd.f32 v9, v8;
	s15 =	sadd.s32 $0x40, s15;
	s16 =	sadd.s32 $0x40, s16  }
0xc2: {  	s17 =	sadd.s32 $0x4, s17;
	v9 =	vld [tilespmem:s15+$0x0];
	v10 =	vadd.f32 v4, v10;
	(erf) = vpow2.f32 v13;
	[tilespmem:s16+$0x0] =	vst v12  }
0xc3: {  	p0 =	slt.u32 s17, $0x7C;
	v4 =	vld [tilespmem:s15+$0xFFFFFFD0];
	v11 =	vmax.f32 v11, v15;
	v12 =	vmul.f32 $2.000000030e-01, v8;
	v13 =	vpop (erf)  }
0xc4: {  	v15 =	vld [tilespmem:s18+$0xFFFFFFC0];
	v16 =	vmul.f32 $2.000000030e-01, v10;
	v19 =	vmul.f32 $1.442695020e+00, v11  }
0xc5: {  	v13 =	vmul.f32 v13, v3;
	v3 =	vmov v7;
	v17 =	vld [tilespmem:s15+$0xFFFFFFE0];
	v12 =	vmax.f32 v8, v12;
	v18 =	vpop (erf)  }
0xc6: {  	v8 =	vld [tilespmem:s18+$0xFFFFFFE0];
	v7 =	vmax.f32 v10, v16;
	v10 =	vmul.f32 $1.442695020e+00, v12;
	(erf) = vpow2.f32 v19;
	v11 =	vpop (erf)  }
0xc7: {  	v12 =	vadd.f32 v9, v14;
	v7 =	vmul.f32 $1.442695020e+00, v7;
	v14 =	vld [tilespmem:s0+$0xFFFFFFF0];
	v11 =	vmul.f32 v11, v1;
	[tilespmem:s16+$0xFFFFFFE0] =	vst v13;
	v1 =	vmovc v5;
	s0 =	smov.u32 s18  }
.Ltmp2:
0xc8: {  	v13 =	vmul.f32 v18, v2;
	v2 =	vmov v6;
	v9 =	vld [tilespmem:s15+$0xFFFFFFF0];
	(erf) = vpow2.f32 v10;
	(pc) =	sbr.rel @p0 .LBB2_6-.Ltmp2, $4  }
0xc9: {  	v10 =	vld [tilespmem:s18+$0xFFFFFFA0];
	v6 =	vmul.f32 $2.000000030e-01, v12;
	(erf) = vpow2.f32 v7;
	[tilespmem:s16+$0xFFFFFFD0] =	vst v11  }
0xca: {  	v5 =	vld [tilespmem:s18+$0xFFFFFF90];
	v11 =	vadd.f32 v17, v15;
	[tilespmem:s16+$0xFFFFFFF0] =	vst v13  }
0xcb: {  	v7 =	vld [tilespmem:s18+$0xFFFFFFB0];
	v12 =	vmax.f32 v12, v6;
	v15 =	vpop (erf)  }
0xcc: {  	s18 =	sadd.s32 $0x80, s18;
	v6 =	vld [tilespmem:s0+$0xFFFFFFD0];
	v13 =	vmul.f32 $1.442695020e+00, v12;
	v12 =	vmul.f32 v15, v14  }
0xcd: {  	v8 =	vadd.f32 v9, v8;
	v55 =	vmul.f32 $2.000000030e-01, v11  }
0xce: {  	v4 =	vadd.f32 v4, v10  }
0xcf: {  	v56 =	vmul.f32 $2.000000030e-01, v8;
	v9 =	vmax.f32 v11, v55  }
0xd0: {  	v57 =	vmul.f32 $2.000000030e-01, v4;
	v9 =	vmul.f32 $1.442695020e+00, v9  }
0xd1: {  	(erf) = vpow2.f32 v13;
	v8 =	vmax.f32 v8, v56  }
0xd2: {  	v4 =	vmax.f32 v4, v57;
	v8 =	vmul.f32 $1.442695020e+00, v8;
	(erf) = vpow2.f32 v9  }
0xd3: {  	v4 =	vmul.f32 $1.442695020e+00, v4  }
0xd4: {  	(erf) = vpow2.f32 v8  }
0xd5: {  	(erf) = vpow2.f32 v4  }
0xd6: {  	v58 =	vpop (erf)  }
0xd7: {  	v3 =	vmul.f32 v58, v3  }
0xd8: {  	v59 =	vld [tilespmem:s0+$0xFFFFFFF0];
	v60 =	vpop (erf)  }
0xd9: {  	s18 =	sadd.s32 $0x40, s16;
	v61 =	vpop (erf)  }
0xda: {  	[tilespmem:s18+$0x0] =	vst v12;
	v2 =	vmul.f32 v60, v2;
	v62 =	vpop (erf)  }
0xdb: {  	[tilespmem:s18+$0xFFFFFFE0] =	vst v3;
	v1 =	vmul.f32 v61, v1;
	v3 =	vpop (erf)  }
0xdc: {  	[tilespmem:s18+$0xFFFFFFF0] =	vst v2;
	v2 =	vmul.f32 v3, v7  }
0xdd: {  	s0 =	sadd.s32 $0x40, s18;
	[tilespmem:s18+$0xFFFFFFD0] =	vst v1;
	v1 =	vmul.f32 v62, v59;
	v63 =	vpop (erf)  }
0xde: {  	v3 =	vpop (erf);
	[tilespmem:s0+$0xFFFFFFE0] =	vst v2;
	v2 =	vmul.f32 v63, v6  }
0xdf: {  	[tilespmem:s0+$0x0] =	vst v1;
	v1 =	vmul.f32 v3, v5  }
0xe0: {  	[tilespmem:s0+$0xFFFFFFF0] =	vst v2  }
0xe1: {  	[tilespmem:s0+$0xFFFFFFD0] =	vst v1  }
0xe2: {  	[spmem:s1] =	stream.indirect.scatter.add.f32 [tilespmem:s11], [sflag:$0x6], $0x10, s19, s28, $0xb8;
	[tilespmem:$0x9200] =	vst v63  }
0xe3: {  	s20 =	simm.s32 $0x180  }
0xe4: {  	[tilespmem:s31], [sflag:$0x4] =	stream.indirect.gather [hbm4b:s4+s28], $0x20, s20, s28, $0xb8;
	[tilespmem:$0x9200] =	vst v63  }
0xe5: {  	s21 =	simm.s32 $0x1680;
	s15 =	simm.s32 $0x1  }
0xe6: {  	[tilespmem:s2], [sflag:$0x5] =	stream.indirect.gather [hbm4b:s5+s28], $0x10, s21, s28, $0xb8;
	[tilespmem:$0x9200] =	vst v63  }
.LBB2_8:
0xe7: {  	_ =	swait.ge [sflag:s6], $0x1000  }
0xe8: {  	[sflag:s6] =	ssyncset.done $0x0  }
0xe9: {  	[sflag:s6] =	ssyncadd.s32 $0xFFFFF000  }
0xea: {  	_ =	swait.ge [sflag:s7], $0x800  }
0xeb: {  	[sflag:s7] =	ssyncset.done $0x0  }
0xec: {  	[sflag:s7] =	ssyncadd.s32 $0xFFFFF800  }
0xed: {  	_ =	swait.ge [sflag:s12], $0x800  }
0xee: {  	[sflag:s12] =	ssyncset.done $0x0  }
0xef: {  	s0 =	simm.s32 $0x2A40;
	[sflag:s12] =	ssyncadd.s32 $0xFFFFF800  }
0xf0: {  	s16 =	simm.s32 $0x4A20;
	v1 =	vld [tilespmem:s0+$0x30]  }
0xf1: {  	v2 =	vld [tilespmem:s16+$0x10]  }
0xf2: {  	v3 =	vld [tilespmem:s16+$0xFFFFFFE0]  }
0xf3: {  	v4 =	vld [tilespmem:s0+$0xFFFFFFF0]  }
0xf4: {  	v5 =	vld [tilespmem:s16+$0xFFFFFFF0]  }
0xf5: {  	v6 =	vld [tilespmem:s0+$0x10]  }
0xf6: {  	v7 =	vld [tilespmem:s16+$0x0]  }
0xf7: {  	v8 =	vld [tilespmem:s0+$0xFFFFFFD0]  }
0xf8: {  	v10 =	vld [tilespmem:s0+$0xFFFFFFC0]  }
0xf9: {  	v9 =	vld [tilespmem:s0+$0xFFFFFFE0]  }
0xfa: {  	s21 =	simm.s32 $0x4A60;
	v11 =	vld [tilespmem:s0+$0x0];
	v1 =	vadd.f32 v2, v1  }
0xfb: {  	s17 =	simm.s32 $0x2AC0;
	v12 =	vld [tilespmem:s21+$0x10];
	v2 =	vadd.f32 v5, v4  }
0xfc: {  	v4 =	vld [tilespmem:s17+$0x30];
	v5 =	vmul.f32 $2.000000030e-01, v1  }
0xfd: {  	v15 =	vld [tilespmem:s17+$0x10];
	v6 =	vadd.f32 v7, v6;
	v13 =	vmul.f32 $2.000000030e-01, v2  }
0xfe: {  	v3 =	vadd.f32 v3, v8;
	v1 =	vmax.f32 v1, v5;
	v5 =	vld [tilespmem:s17+$0xFFFFFFF0]  }
0xff: {  	v8 =	vmul.f32 $2.000000030e-01, v6;
	v2 =	vmax.f32 v2, v13;
	v13 =	vld [tilespmem:s21+$0xFFFFFFF0];
	v1 =	vmul.f32 $1.442695020e+00, v1  }
0x100: {  	v7 =	vld [tilespmem:s21+$0xFFFFFFE0];
	v14 =	vmul.f32 $2.000000030e-01, v3;
	v2 =	vmul.f32 $1.442695020e+00, v2  }
0x101: {  	v4 =	vadd.f32 v12, v4;
	(erf) = vpow2.f32 v1;
	v1 =	vmax.f32 v6, v8;
	v8 =	vld [tilespmem:s21+$0x0]  }
0x102: {  	v3 =	vmax.f32 v3, v14;
	v12 =	vld [tilespmem:s17+$0xFFFFFFD0];
	v1 =	vmul.f32 $1.442695020e+00, v1;
	(erf) = vpow2.f32 v2  }
0x103: {  	v6 =	vld [tilespmem:s0+$0x20];
	v14 =	vmul.f32 $2.000000030e-01, v4;
	s0 =	simm.s32 $0x2B40;
	v2 =	vmul.f32 $1.442695020e+00, v3  }
0x104: {  	s16 =	simm.s32 $0x4AA0;
	v5 =	vadd.f32 v13, v5;
	v13 =	vld [tilespmem:s0+$0x30];
	(erf) = vpow2.f32 v1  }
0x105: {  	v4 =	vmax.f32 v4, v14;
	v14 =	vld [tilespmem:s16+$0x10];
	(erf) = vpow2.f32 v2  }
0x106: {  	v18 =	vld [tilespmem:s16+$0xFFFFFFF0];
	v4 =	vmul.f32 $1.442695020e+00, v4;
	v8 =	vadd.f32 v8, v15  }
0x107: {  	v3 =	vld [tilespmem:s17+$0xFFFFFFE0];
	v7 =	vadd.f32 v7, v12;
	v15 =	vmul.f32 $2.000000030e-01, v5  }
0x108: {  	v17 =	vld [tilespmem:s0+$0xFFFFFFF0];
	(erf) = vpow2.f32 v4;
	v16 =	vmul.f32 $2.000000030e-01, v8  }
0x109: {  	v1 =	vld [tilespmem:s17+$0xFFFFFFC0];
	v5 =	vmax.f32 v5, v15;
	v15 =	vmul.f32 $2.000000030e-01, v7  }
0x10a: {  	v2 =	vld [tilespmem:s17+$0x0];
	v13 =	vadd.f32 v14, v13;
	v5 =	vmul.f32 $1.442695020e+00, v5;
	v12 =	vpop (erf);
	v16 =	vmax.f32 v8, v16  }
0x10b: {  	v4 =	vld [tilespmem:s16+$0xFFFFFFE0];
	v7 =	vmax.f32 v7, v15;
	v6 =	vmul.f32 v12, v6;
	v12 =	vpop (erf);
	v15 =	vmul.f32 $1.442695020e+00, v16  }
0x10c: {  	v14 =	vld [tilespmem:s17+$0x20];
	(erf) = vpow2.f32 v5;
	v12 =	vmul.f32 v12, v9  }
0x10d: {  	s17 =	simm.s32 $0x5A20;
	v8 =	vld [tilespmem:s0+$0x10];
	v63 =	vmul.f32 $2.000000030e-01, v13;
	v7 =	vmul.f32 $1.442695020e+00, v7;
	v19 =	vpop (erf)  }
0x10e: {  	v9 =	vld [tilespmem:s16+$0x0];
	(erf) = vpow2.f32 v15;
	v5 =	vpop (erf);
	[tilespmem:s17+$0xFFFFFFF0] =	vst v12;
	v12 =	vmul.f32 v19, v11  }
0x10f: {  	[tilespmem:s17+$0x10] =	vst v6;
	(erf) = vpow2.f32 v7;
	v6 =	vmul.f32 v5, v10;
	v10 =	vld [tilespmem:s0+$0xFFFFFFD0]  }
0x110: {  	v7 =	vld [tilespmem:s0+$0xFFFFFFE0]  }
0x111: {  	v13 =	vmax.f32 v13, v63;
	v11 =	vadd.f32 v18, v17;
	v5 =	vld [tilespmem:s0+$0xFFFFFFC0];
	v15 =	vpop (erf);
	[tilespmem:s17+$0x0] =	vst v12  }
0x112: {  	s18 =	simm.s32 $0x8;
	s19 =	simm.s32 $0x2BC0;
	v13 =	vmul.f32 $1.442695020e+00, v13;
	v12 =	vmul.f32 v15, v14;
	[tilespmem:s17+$0xFFFFFFE0] =	vst v6;
	v6 =	vld [tilespmem:s0+$0x0]  }
.LBB2_9:
0x113: {  	v14 =	vld [tilespmem:s19+$0x30];
	v15 =	vmul.f32 $2.000000030e-01, v11;
	v8 =	vadd.f32 v9, v8;
	s16 =	sadd.s32 $0x40, s16;
	s17 =	sadd.s32 $0x40, s17  }
0x114: {  	s18 =	sadd.s32 $0x4, s18;
	v9 =	vld [tilespmem:s16+$0x10];
	v10 =	vadd.f32 v4, v10;
	(erf) = vpow2.f32 v13;
	[tilespmem:s17+$0x10] =	vst v12  }
0x115: {  	p0 =	slt.u32 s18, $0x7C;
	v4 =	vld [tilespmem:s16+$0xFFFFFFE0];
	v11 =	vmax.f32 v11, v15;
	v12 =	vmul.f32 $2.000000030e-01, v8;
	v13 =	vpop (erf)  }
0x116: {  	v15 =	vld [tilespmem:s19+$0xFFFFFFF0];
	v16 =	vmul.f32 $2.000000030e-01, v10;
	v19 =	vmul.f32 $1.442695020e+00, v11  }
0x117: {  	v13 =	vmul.f32 v13, v3;
	v3 =	vmov v7;
	v17 =	vld [tilespmem:s16+$0xFFFFFFF0];
	v12 =	vmax.f32 v8, v12;
	v18 =	vpop (erf)  }
0x118: {  	v8 =	vld [tilespmem:s19+$0x10];
	v7 =	vmax.f32 v10, v16;
	v10 =	vmul.f32 $1.442695020e+00, v12;
	(erf) = vpow2.f32 v19;
	v11 =	vpop (erf)  }
0x119: {  	v12 =	vadd.f32 v9, v14;
	v7 =	vmul.f32 $1.442695020e+00, v7;
	v14 =	vld [tilespmem:s0+$0x20];
	v11 =	vmul.f32 v11, v1;
	[tilespmem:s17+$0xFFFFFFF0] =	vst v13;
	v1 =	vmovc v5;
	s0 =	smov.u32 s19  }
.Ltmp3:
0x11a: {  	v13 =	vmul.f32 v18, v2;
	v2 =	vmov v6;
	v9 =	vld [tilespmem:s16+$0x0];
	(erf) = vpow2.f32 v10;
	(pc) =	sbr.rel @p0 .LBB2_9-.Ltmp3, $4  }
0x11b: {  	v10 =	vld [tilespmem:s19+$0xFFFFFFD0];
	v6 =	vmul.f32 $2.000000030e-01, v12;
	(erf) = vpow2.f32 v7;
	[tilespmem:s17+$0xFFFFFFE0] =	vst v11  }
0x11c: {  	v5 =	vld [tilespmem:s19+$0xFFFFFFC0];
	v11 =	vadd.f32 v17, v15;
	[tilespmem:s17+$0x0] =	vst v13  }
0x11d: {  	v7 =	vld [tilespmem:s19+$0xFFFFFFE0];
	v12 =	vmax.f32 v12, v6;
	v15 =	vpop (erf)  }
0x11e: {  	s19 =	sadd.s32 $0x80, s19;
	v6 =	vld [tilespmem:s0+$0x0];
	v13 =	vmul.f32 $1.442695020e+00, v12;
	v12 =	vmul.f32 v15, v14  }
0x11f: {  	v8 =	vadd.f32 v9, v8  }
0x120: {  	v9 =	vmul.f32 $2.000000030e-01, v11;
	v4 =	vadd.f32 v4, v10  }
0x121: {  	v10 =	vmul.f32 $2.000000030e-01, v8  }
0x122: {  	v9 =	vmax.f32 v11, v9;
	v11 =	vmul.f32 $2.000000030e-01, v4  }
0x123: {  	v9 =	vmul.f32 $1.442695020e+00, v9;
	v8 =	vmax.f32 v8, v10  }
0x124: {  	(erf) = vpow2.f32 v13;
	v4 =	vmax.f32 v4, v11;
	v8 =	vmul.f32 $1.442695020e+00, v8  }
0x125: {  	(erf) = vpow2.f32 v9;
	v4 =	vmul.f32 $1.442695020e+00, v4  }
0x126: {  	(erf) = vpow2.f32 v8  }
0x127: {  	(erf) = vpow2.f32 v4;
	_ =	sdelay $0x1  }
0x128: {  	v4 =	vpop (erf)  }
0x129: {  	v8 =	vld [tilespmem:s0+$0x20];
	v3 =	vmul.f32 v4, v3  }
0x12a: {  	v9 =	vpop (erf)  }
0x12b: {  	s20 =	sadd.s32 $0x40, s17;
	v4 =	vpop (erf)  }
0x12c: {  	[tilespmem:s20+$0x10] =	vst v12;
	v1 =	vmul.f32 v4, v1;
	v4 =	vpop (erf)  }
0x12d: {  	v2 =	vmul.f32 v9, v2;
	[tilespmem:s20+$0xFFFFFFF0] =	vst v3;
	v3 =	vpop (erf)  }
0x12e: {  	[tilespmem:s20+$0xFFFFFFE0] =	vst v1;
	v1 =	vmul.f32 v4, v8;
	v4 =	vpop (erf)  }
0x12f: {  	s17 =	sadd.s32 $0x40, s20;
	[tilespmem:s20+$0x0] =	vst v2;
	v2 =	vmul.f32 v3, v7;
	v3 =	vpop (erf)  }
0x130: {  	[tilespmem:s17+$0x10] =	vst v1;
	v1 =	vmul.f32 v3, v5  }
0x131: {  	s16 =	sshll.u32 s15, $0x8;
	[tilespmem:s17+$0xFFFFFFF0] =	vst v2;
	v2 =	vmul.f32 v4, v6  }
0x132: {  	s0 =	sand.u32 $0x3FFFFF00, s16;
	[tilespmem:s17+$0xFFFFFFE0] =	vst v1  }
0x133: {  	s21 =	sadd.s32 $0x1500, s0;
	[tilespmem:s17+$0x0] =	vst v2  }
0x134: {  	[spmem:s1] =	stream.indirect.scatter.add.f32 [tilespmem:s26], [sflag:$0x3], $0x10, s21, s28, $0xb8;
	[tilespmem:$0x9200] =	vst v63  }
0x135: {  	s18 =	sadd.s32 $0x100, s16  }
0x136: {  	[tilespmem:s29], [sflag:$0x1] =	stream.indirect.gather [hbm4b:s4+s28], $0x20, s18, s28, $0xb8;
	[tilespmem:$0x9200] =	vst v63  }
0x137: {  	s19 =	sadd.s32 $0x1600, s16  }
0x138: {  	[tilespmem:s30], [sflag:$0x2] =	stream.indirect.gather [hbm4b:s5+s28], $0x10, s19, s28, $0xb8;
	[tilespmem:$0x9200] =	vst v63  }
0x139: {  	_ =	swait.ge [sflag:s9], $0x1000  }
0x13a: {  	[sflag:s9] =	ssyncset.done $0x0  }
0x13b: {  	[sflag:s9] =	ssyncadd.s32 $0xFFFFF000  }
0x13c: {  	_ =	swait.ge [sflag:s10], $0x800  }
0x13d: {  	[sflag:s10] =	ssyncset.done $0x0  }
0x13e: {  	[sflag:s10] =	ssyncadd.s32 $0xFFFFF800  }
0x13f: {  	_ =	swait.ge [sflag:s13], $0x800  }
0x140: {  	[sflag:s13] =	ssyncset.done $0x0  }
0x141: {  	s20 =	simm.s32 $0x3A70;
	[sflag:s13] =	ssyncadd.s32 $0xFFFFF800  }
0x142: {  	s18 =	simm.s32 $0x5230;
	v1 =	vld [tilespmem:s20+$0x0]  }
0x143: {  	v2 =	vld [tilespmem:s18+$0x0]  }
0x144: {  	v3 =	vld [tilespmem:s18+$0xFFFFFFD0]  }
0x145: {  	v4 =	vld [tilespmem:s20+$0xFFFFFFC0]  }
0x146: {  	v5 =	vld [tilespmem:s18+$0xFFFFFFE0]  }
0x147: {  	v6 =	vld [tilespmem:s20+$0xFFFFFFE0]  }
0x148: {  	v7 =	vld [tilespmem:s18+$0xFFFFFFF0]  }
0x149: {  	v8 =	vld [tilespmem:s20+$0xFFFFFFA0]  }
0x14a: {  	v10 =	vld [tilespmem:s20+$0xFFFFFF90]  }
0x14b: {  	v9 =	vld [tilespmem:s20+$0xFFFFFFB0]  }
0x14c: {  	s21 =	simm.s32 $0x5270;
	v11 =	vld [tilespmem:s20+$0xFFFFFFD0];
	v1 =	vadd.f32 v2, v1  }
0x14d: {  	s19 =	simm.s32 $0x3AF0;
	v12 =	vld [tilespmem:s21+$0x0];
	v2 =	vadd.f32 v5, v4  }
0x14e: {  	v4 =	vld [tilespmem:s19+$0x0];
	v5 =	vmul.f32 $2.000000030e-01, v1  }
0x14f: {  	v15 =	vld [tilespmem:s19+$0xFFFFFFE0];
	v6 =	vadd.f32 v7, v6;
	v13 =	vmul.f32 $2.000000030e-01, v2  }
0x150: {  	v3 =	vadd.f32 v3, v8;
	v1 =	vmax.f32 v1, v5;
	v5 =	vld [tilespmem:s19+$0xFFFFFFC0]  }
0x151: {  	v8 =	vmul.f32 $2.000000030e-01, v6;
	v2 =	vmax.f32 v2, v13;
	v13 =	vld [tilespmem:s21+$0xFFFFFFE0];
	v1 =	vmul.f32 $1.442695020e+00, v1  }
0x152: {  	v7 =	vld [tilespmem:s21+$0xFFFFFFD0];
	v14 =	vmul.f32 $2.000000030e-01, v3;
	v2 =	vmul.f32 $1.442695020e+00, v2  }
0x153: {  	v4 =	vadd.f32 v12, v4;
	(erf) = vpow2.f32 v1;
	v1 =	vmax.f32 v6, v8;
	v8 =	vld [tilespmem:s21+$0xFFFFFFF0]  }
0x154: {  	s17 =	simm.s32 $0x3B70;
	v3 =	vmax.f32 v3, v14;
	v12 =	vld [tilespmem:s19+$0xFFFFFFA0];
	v1 =	vmul.f32 $1.442695020e+00, v1;
	(erf) = vpow2.f32 v2  }
0x155: {  	v17 =	vld [tilespmem:s17+$0xFFFFFFC0];
	v14 =	vmul.f32 $2.000000030e-01, v4;
	v2 =	vmul.f32 $1.442695020e+00, v3  }
0x156: {  	s18 =	simm.s32 $0x52B0;
	v5 =	vadd.f32 v13, v5;
	v13 =	vld [tilespmem:s17+$0x0];
	(erf) = vpow2.f32 v1  }
0x157: {  	v4 =	vmax.f32 v4, v14;
	v14 =	vld [tilespmem:s18+$0x0];
	(erf) = vpow2.f32 v2  }
0x158: {  	v6 =	vld [tilespmem:s20+$0xFFFFFFF0];
	v4 =	vmul.f32 $1.442695020e+00, v4;
	v8 =	vadd.f32 v8, v15  }
0x159: {  	v18 =	vld [tilespmem:s18+$0xFFFFFFE0];
	v7 =	vadd.f32 v7, v12;
	v15 =	vmul.f32 $2.000000030e-01, v5  }
0x15a: {  	v3 =	vld [tilespmem:s19+$0xFFFFFFB0];
	(erf) = vpow2.f32 v4;
	v16 =	vmul.f32 $2.000000030e-01, v8  }
0x15b: {  	v1 =	vld [tilespmem:s19+$0xFFFFFF90];
	v5 =	vmax.f32 v5, v15;
	v15 =	vmul.f32 $2.000000030e-01, v7  }
0x15c: {  	v2 =	vld [tilespmem:s19+$0xFFFFFFD0];
	v13 =	vadd.f32 v14, v13;
	v5 =	vmul.f32 $1.442695020e+00, v5;
	v12 =	vpop (erf);
	v16 =	vmax.f32 v8, v16  }
0x15d: {  	v4 =	vld [tilespmem:s18+$0xFFFFFFD0];
	v7 =	vmax.f32 v7, v15;
	v6 =	vmul.f32 v12, v6;
	v12 =	vpop (erf);
	v15 =	vmul.f32 $1.442695020e+00, v16  }
0x15e: {  	v14 =	vld [tilespmem:s19+$0xFFFFFFF0];
	(erf) = vpow2.f32 v5;
	v12 =	vmul.f32 v12, v9  }
0x15f: {  	s19 =	simm.s32 $0x6230;
	v8 =	vld [tilespmem:s17+$0xFFFFFFE0];
	v63 =	vmul.f32 $2.000000030e-01, v13;
	v7 =	vmul.f32 $1.442695020e+00, v7;
	v19 =	vpop (erf)  }
0x160: {  	v9 =	vld [tilespmem:s18+$0xFFFFFFF0];
	(erf) = vpow2.f32 v15;
	v5 =	vpop (erf);
	[tilespmem:s19+$0xFFFFFFE0] =	vst v12;
	v12 =	vmul.f32 v19, v11  }
0x161: {  	[tilespmem:s19+$0x0] =	vst v6;
	(erf) = vpow2.f32 v7;
	v6 =	vmul.f32 v5, v10;
	v10 =	vld [tilespmem:s17+$0xFFFFFFA0]  }
0x162: {  	v7 =	vld [tilespmem:s17+$0xFFFFFFB0]  }
0x163: {  	v13 =	vmax.f32 v13, v63;
	v11 =	vadd.f32 v18, v17;
	v5 =	vld [tilespmem:s17+$0xFFFFFF90];
	v15 =	vpop (erf);
	[tilespmem:s19+$0xFFFFFFF0] =	vst v12  }
0x164: {  	s20 =	simm.s32 $0x8;
	s21 =	simm.s32 $0x3BF0;
	v13 =	vmul.f32 $1.442695020e+00, v13;
	v12 =	vmul.f32 v15, v14;
	[tilespmem:s19+$0xFFFFFFD0] =	vst v6;
	v6 =	vld [tilespmem:s17+$0xFFFFFFD0]  }
.LBB2_11:
0x165: {  	v14 =	vld [tilespmem:s21+$0x0];
	v15 =	vmul.f32 $2.000000030e-01, v11;
	v8 =	vadd.f32 v9, v8;
	s18 =	sadd.s32 $0x40, s18;
	s19 =	sadd.s32 $0x40, s19  }
0x166: {  	s20 =	sadd.s32 $0x4, s20;
	v9 =	vld [tilespmem:s18+$0x0];
	v10 =	vadd.f32 v4, v10;
	(erf) = vpow2.f32 v13;
	[tilespmem:s19+$0x0] =	vst v12  }
0x167: {  	p0 =	slt.u32 s20, $0x7C;
	v4 =	vld [tilespmem:s18+$0xFFFFFFD0];
	v11 =	vmax.f32 v11, v15;
	v12 =	vmul.f32 $2.000000030e-01, v8;
	v13 =	vpop (erf)  }
0x168: {  	v15 =	vld [tilespmem:s21+$0xFFFFFFC0];
	v16 =	vmul.f32 $2.000000030e-01, v10;
	v19 =	vmul.f32 $1.442695020e+00, v11  }
0x169: {  	v13 =	vmul.f32 v13, v3;
	v3 =	vmov v7;
	v17 =	vld [tilespmem:s18+$0xFFFFFFE0];
	v12 =	vmax.f32 v8, v12;
	v18 =	vpop (erf)  }
0x16a: {  	v8 =	vld [tilespmem:s21+$0xFFFFFFE0];
	v7 =	vmax.f32 v10, v16;
	v10 =	vmul.f32 $1.442695020e+00, v12;
	(erf) = vpow2.f32 v19;
	v11 =	vpop (erf)  }
0x16b: {  	v12 =	vadd.f32 v9, v14;
	v7 =	vmul.f32 $1.442695020e+00, v7;
	v14 =	vld [tilespmem:s17+$0xFFFFFFF0];
	v11 =	vmul.f32 v11, v1;
	[tilespmem:s19+$0xFFFFFFE0] =	vst v13;
	v1 =	vmovc v5;
	s17 =	smov.u32 s21  }
.Ltmp4:
0x16c: {  	v13 =	vmul.f32 v18, v2;
	v2 =	vmov v6;
	v9 =	vld [tilespmem:s18+$0xFFFFFFF0];
	(erf) = vpow2.f32 v10;
	(pc) =	sbr.rel @p0 .LBB2_11-.Ltmp4, $4  }
0x16d: {  	v10 =	vld [tilespmem:s21+$0xFFFFFFA0];
	v6 =	vmul.f32 $2.000000030e-01, v12;
	(erf) = vpow2.f32 v7;
	[tilespmem:s19+$0xFFFFFFD0] =	vst v11  }
0x16e: {  	v5 =	vld [tilespmem:s21+$0xFFFFFF90];
	v11 =	vadd.f32 v17, v15;
	[tilespmem:s19+$0xFFFFFFF0] =	vst v13  }
0x16f: {  	v7 =	vld [tilespmem:s21+$0xFFFFFFB0];
	v12 =	vmax.f32 v12, v6;
	v15 =	vpop (erf)  }
0x170: {  	s21 =	sadd.s32 $0x80, s21;
	v6 =	vld [tilespmem:s17+$0xFFFFFFD0];
	v13 =	vmul.f32 $1.442695020e+00, v12;
	v12 =	vmul.f32 v15, v14  }
0x171: {  	v8 =	vadd.f32 v9, v8;
	v55 =	vmul.f32 $2.000000030e-01, v11  }
0x172: {  	v4 =	vadd.f32 v4, v10  }
0x173: {  	v56 =	vmul.f32 $2.000000030e-01, v8;
	v9 =	vmax.f32 v11, v55  }
0x174: {  	v57 =	vmul.f32 $2.000000030e-01, v4;
	v9 =	vmul.f32 $1.442695020e+00, v9  }
0x175: {  	(erf) = vpow2.f32 v13;
	v8 =	vmax.f32 v8, v56  }
0x176: {  	v4 =	vmax.f32 v4, v57;
	v8 =	vmul.f32 $1.442695020e+00, v8;
	(erf) = vpow2.f32 v9  }
0x177: {  	v4 =	vmul.f32 $1.442695020e+00, v4  }
0x178: {  	(erf) = vpow2.f32 v8  }
0x179: {  	(erf) = vpow2.f32 v4  }
0x17a: {  	v58 =	vpop (erf)  }
0x17b: {  	v3 =	vmul.f32 v58, v3  }
0x17c: {  	v59 =	vld [tilespmem:s17+$0xFFFFFFF0];
	v60 =	vpop (erf)  }
0x17d: {  	s19 =	sadd.s32 $0x40, s19;
	v61 =	vpop (erf)  }
0x17e: {  	[tilespmem:s19+$0x0] =	vst v12;
	v2 =	vmul.f32 v60, v2;
	v62 =	vpop (erf)  }
0x17f: {  	[tilespmem:s19+$0xFFFFFFE0] =	vst v3;
	v1 =	vmul.f32 v61, v1;
	v3 =	vpop (erf)  }
0x180: {  	[tilespmem:s19+$0xFFFFFFF0] =	vst v2;
	v2 =	vmul.f32 v3, v7  }
0x181: {  	s17 =	sadd.s32 $0x40, s19;
	[tilespmem:s19+$0xFFFFFFD0] =	vst v1;
	v1 =	vmul.f32 v62, v59;
	v63 =	vpop (erf)  }
0x182: {  	v3 =	vpop (erf);
	[tilespmem:s17+$0xFFFFFFE0] =	vst v2;
	v2 =	vmul.f32 v63, v6  }
0x183: {  	[tilespmem:s17+$0x0] =	vst v1;
	v1 =	vmul.f32 v3, v5  }
0x184: {  	s15 =	sadd.s32 $0x1, s15;
	[tilespmem:s17+$0xFFFFFFF0] =	vst v2  }
0x185: {  	s0 =	sadd.s32 $0x1580, s0;
	p0 =	sne.s32 s15, $0x14;
	[tilespmem:s17+$0xFFFFFFD0] =	vst v1  }
0x186: {  	[spmem:s1] =	stream.indirect.scatter.add.f32 [tilespmem:s11], [sflag:$0x6], $0x10, s0, s28, $0xb8;
	[tilespmem:$0x9200] =	vst v63  }
.Ltmp5:
0x187: {  	_ = 	snop;
	(pc) =	sbr.rel @p0 .LBB2_8-.Ltmp5, $4  }
0x188: {  	s20 =	sadd.s32 $0x180, s16  }
0x189: {  	[tilespmem:s31], [sflag:$0x4] =	stream.indirect.gather [hbm4b:s4+s28], $0x20, s20, s28, $0xb8;
	[tilespmem:$0x9200] =	vst v63  }
0x18a: {  	s21 =	sadd.s32 $0x1680, s16  }
0x18b: {  	[tilespmem:s2], [sflag:$0x5] =	stream.indirect.gather [hbm4b:s5+s28], $0x10, s21, s28, $0xb8;
	[tilespmem:$0x9200] =	vst v63  }
0x18c: {  	_ =	swait.ge [sflag:s6], $0x1000  }
0x18d: {  	[sflag:s6] =	ssyncset.done $0x0  }
0x18e: {  	[sflag:s6] =	ssyncadd.s32 $0xFFFFF000  }
0x18f: {  	_ =	swait.ge [sflag:s7], $0x800  }
0x190: {  	[sflag:s7] =	ssyncset.done $0x0  }
0x191: {  	[sflag:s7] =	ssyncadd.s32 $0xFFFFF800  }
0x192: {  	_ =	swait.ge [sflag:s12], $0x800  }
0x193: {  	[sflag:s12] =	ssyncset.done $0x0  }
0x194: {  	s0 =	simm.s32 $0x2A40;
	[sflag:s12] =	ssyncadd.s32 $0xFFFFF800  }
0x195: {  	s15 =	simm.s32 $0x4A20;
	v1 =	vld [tilespmem:s0+$0x30]  }
0x196: {  	v2 =	vld [tilespmem:s15+$0x10]  }
0x197: {  	v3 =	vld [tilespmem:s15+$0xFFFFFFE0]  }
0x198: {  	v4 =	vld [tilespmem:s0+$0xFFFFFFF0]  }
0x199: {  	v5 =	vld [tilespmem:s15+$0xFFFFFFF0]  }
0x19a: {  	v6 =	vld [tilespmem:s0+$0x10]  }
0x19b: {  	v7 =	vld [tilespmem:s15+$0x0]  }
0x19c: {  	v8 =	vld [tilespmem:s0+$0xFFFFFFD0]  }
0x19d: {  	v10 =	vld [tilespmem:s0+$0xFFFFFFC0]  }
0x19e: {  	v9 =	vld [tilespmem:s0+$0xFFFFFFE0]  }
0x19f: {  	s21 =	simm.s32 $0x4A60;
	v11 =	vld [tilespmem:s0+$0x0];
	v1 =	vadd.f32 v2, v1  }
0x1a0: {  	s16 =	simm.s32 $0x2AC0;
	v12 =	vld [tilespmem:s21+$0x10];
	v2 =	vadd.f32 v5, v4  }
0x1a1: {  	v4 =	vld [tilespmem:s16+$0x30];
	v5 =	vmul.f32 $2.000000030e-01, v1  }
0x1a2: {  	v15 =	vld [tilespmem:s16+$0x10];
	v6 =	vadd.f32 v7, v6;
	v13 =	vmul.f32 $2.000000030e-01, v2  }
0x1a3: {  	v3 =	vadd.f32 v3, v8;
	v1 =	vmax.f32 v1, v5;
	v5 =	vld [tilespmem:s16+$0xFFFFFFF0]  }
0x1a4: {  	v8 =	vmul.f32 $2.000000030e-01, v6;
	v2 =	vmax.f32 v2, v13;
	v13 =	vld [tilespmem:s21+$0xFFFFFFF0];
	v1 =	vmul.f32 $1.442695020e+00, v1  }
0x1a5: {  	v7 =	vld [tilespmem:s21+$0xFFFFFFE0];
	v14 =	vmul.f32 $2.000000030e-01, v3;
	v2 =	vmul.f32 $1.442695020e+00, v2  }
0x1a6: {  	v4 =	vadd.f32 v12, v4;
	(erf) = vpow2.f32 v1;
	v1 =	vmax.f32 v6, v8;
	v8 =	vld [tilespmem:s21+$0x0]  }
0x1a7: {  	v3 =	vmax.f32 v3, v14;
	v12 =	vld [tilespmem:s16+$0xFFFFFFD0];
	v1 =	vmul.f32 $1.442695020e+00, v1;
	(erf) = vpow2.f32 v2  }
0x1a8: {  	v6 =	vld [tilespmem:s0+$0x20];
	v14 =	vmul.f32 $2.000000030e-01, v4;
	s0 =	simm.s32 $0x2B40;
	v2 =	vmul.f32 $1.442695020e+00, v3  }
0x1a9: {  	s15 =	simm.s32 $0x4AA0;
	v5 =	vadd.f32 v13, v5;
	v13 =	vld [tilespmem:s0+$0x30];
	(erf) = vpow2.f32 v1  }
0x1aa: {  	v4 =	vmax.f32 v4, v14;
	v14 =	vld [tilespmem:s15+$0x10];
	(erf) = vpow2.f32 v2  }
0x1ab: {  	v18 =	vld [tilespmem:s15+$0xFFFFFFF0];
	v4 =	vmul.f32 $1.442695020e+00, v4;
	v8 =	vadd.f32 v8, v15  }
0x1ac: {  	v3 =	vld [tilespmem:s16+$0xFFFFFFE0];
	v7 =	vadd.f32 v7, v12;
	v15 =	vmul.f32 $2.000000030e-01, v5  }
0x1ad: {  	v17 =	vld [tilespmem:s0+$0xFFFFFFF0];
	(erf) = vpow2.f32 v4;
	v16 =	vmul.f32 $2.000000030e-01, v8  }
0x1ae: {  	v1 =	vld [tilespmem:s16+$0xFFFFFFC0];
	v5 =	vmax.f32 v5, v15;
	v15 =	vmul.f32 $2.000000030e-01, v7  }
0x1af: {  	v2 =	vld [tilespmem:s16+$0x0];
	v13 =	vadd.f32 v14, v13;
	v5 =	vmul.f32 $1.442695020e+00, v5;
	v12 =	vpop (erf);
	v16 =	vmax.f32 v8, v16  }
0x1b0: {  	v4 =	vld [tilespmem:s15+$0xFFFFFFE0];
	v7 =	vmax.f32 v7, v15;
	v6 =	vmul.f32 v12, v6;
	v12 =	vpop (erf);
	v15 =	vmul.f32 $1.442695020e+00, v16  }
0x1b1: {  	v14 =	vld [tilespmem:s16+$0x20];
	(erf) = vpow2.f32 v5;
	v12 =	vmul.f32 v12, v9  }
0x1b2: {  	s16 =	simm.s32 $0x5A20;
	v8 =	vld [tilespmem:s0+$0x10];
	v63 =	vmul.f32 $2.000000030e-01, v13;
	v7 =	vmul.f32 $1.442695020e+00, v7;
	v19 =	vpop (erf)  }
0x1b3: {  	v9 =	vld [tilespmem:s15+$0x0];
	(erf) = vpow2.f32 v15;
	v5 =	vpop (erf);
	[tilespmem:s16+$0xFFFFFFF0] =	vst v12;
	v12 =	vmul.f32 v19, v11  }
0x1b4: {  	[tilespmem:s16+$0x10] =	vst v6;
	(erf) = vpow2.f32 v7;
	v6 =	vmul.f32 v5, v10;
	v10 =	vld [tilespmem:s0+$0xFFFFFFD0]  }
0x1b5: {  	v7 =	vld [tilespmem:s0+$0xFFFFFFE0]  }
0x1b6: {  	v13 =	vmax.f32 v13, v63;
	v11 =	vadd.f32 v18, v17;
	v5 =	vld [tilespmem:s0+$0xFFFFFFC0];
	v15 =	vpop (erf);
	[tilespmem:s16+$0x0] =	vst v12  }
0x1b7: {  	s17 =	simm.s32 $0x8;
	s18 =	simm.s32 $0x2BC0;
	v13 =	vmul.f32 $1.442695020e+00, v13;
	v12 =	vmul.f32 v15, v14;
	[tilespmem:s16+$0xFFFFFFE0] =	vst v6;
	v6 =	vld [tilespmem:s0+$0x0]  }
.LBB2_14:
0x1b8: {  	v14 =	vld [tilespmem:s18+$0x30];
	v15 =	vmul.f32 $2.000000030e-01, v11;
	v8 =	vadd.f32 v9, v8;
	s15 =	sadd.s32 $0x40, s15;
	s16 =	sadd.s32 $0x40, s16  }
0x1b9: {  	s17 =	sadd.s32 $0x4, s17;
	v9 =	vld [tilespmem:s15+$0x10];
	v10 =	vadd.f32 v4, v10;
	(erf) = vpow2.f32 v13;
	[tilespmem:s16+$0x10] =	vst v12  }
0x1ba: {  	p0 =	slt.u32 s17, $0x7C;
	v4 =	vld [tilespmem:s15+$0xFFFFFFE0];
	v11 =	vmax.f32 v11, v15;
	v12 =	vmul.f32 $2.000000030e-01, v8;
	v13 =	vpop (erf)  }
0x1bb: {  	v15 =	vld [tilespmem:s18+$0xFFFFFFF0];
	v16 =	vmul.f32 $2.000000030e-01, v10;
	v19 =	vmul.f32 $1.442695020e+00, v11  }
0x1bc: {  	v13 =	vmul.f32 v13, v3;
	v3 =	vmov v7;
	v17 =	vld [tilespmem:s15+$0xFFFFFFF0];
	v12 =	vmax.f32 v8, v12;
	v18 =	vpop (erf)  }
0x1bd: {  	v8 =	vld [tilespmem:s18+$0x10];
	v7 =	vmax.f32 v10, v16;
	v10 =	vmul.f32 $1.442695020e+00, v12;
	(erf) = vpow2.f32 v19;
	v11 =	vpop (erf)  }
0x1be: {  	v12 =	vadd.f32 v9, v14;
	v7 =	vmul.f32 $1.442695020e+00, v7;
	v14 =	vld [tilespmem:s0+$0x20];
	v11 =	vmul.f32 v11, v1;
	[tilespmem:s16+$0xFFFFFFF0] =	vst v13;
	v1 =	vmovc v5;
	s0 =	smov.u32 s18  }
.Ltmp6:
0x1bf: {  	v13 =	vmul.f32 v18, v2;
	v2 =	vmov v6;
	v9 =	vld [tilespmem:s15+$0x0];
	(erf) = vpow2.f32 v10;
	(pc) =	sbr.rel @p0 .LBB2_14-.Ltmp6, $4  }
0x1c0: {  	v10 =	vld [tilespmem:s18+$0xFFFFFFD0];
	v6 =	vmul.f32 $2.000000030e-01, v12;
	(erf) = vpow2.f32 v7;
	[tilespmem:s16+$0xFFFFFFE0] =	vst v11  }
0x1c1: {  	v5 =	vld [tilespmem:s18+$0xFFFFFFC0];
	v11 =	vadd.f32 v17, v15;
	[tilespmem:s16+$0x0] =	vst v13  }
0x1c2: {  	v7 =	vld [tilespmem:s18+$0xFFFFFFE0];
	v12 =	vmax.f32 v12, v6;
	v15 =	vpop (erf)  }
0x1c3: {  	s18 =	sadd.s32 $0x80, s18;
	v6 =	vld [tilespmem:s0+$0x0];
	v13 =	vmul.f32 $1.442695020e+00, v12;
	v12 =	vmul.f32 v15, v14  }
0x1c4: {  	v8 =	vadd.f32 v9, v8  }
0x1c5: {  	v9 =	vmul.f32 $2.000000030e-01, v11;
	v4 =	vadd.f32 v4, v10  }
0x1c6: {  	v10 =	vmul.f32 $2.000000030e-01, v8  }
0x1c7: {  	v9 =	vmax.f32 v11, v9;
	v11 =	vmul.f32 $2.000000030e-01, v4  }
0x1c8: {  	v9 =	vmul.f32 $1.442695020e+00, v9;
	v8 =	vmax.f32 v8, v10  }
0x1c9: {  	(erf) = vpow2.f32 v13;
	v4 =	vmax.f32 v4, v11;
	v8 =	vmul.f32 $1.442695020e+00, v8  }
0x1ca: {  	(erf) = vpow2.f32 v9;
	v4 =	vmul.f32 $1.442695020e+00, v4  }
0x1cb: {  	(erf) = vpow2.f32 v8  }
0x1cc: {  	(erf) = vpow2.f32 v4;
	_ =	sdelay $0x1  }
0x1cd: {  	v4 =	vpop (erf)  }
0x1ce: {  	v8 =	vld [tilespmem:s0+$0x20];
	v3 =	vmul.f32 v4, v3  }
0x1cf: {  	v9 =	vpop (erf)  }
0x1d0: {  	s17 =	sadd.s32 $0x40, s16;
	v4 =	vpop (erf)  }
0x1d1: {  	[tilespmem:s17+$0x10] =	vst v12;
	v1 =	vmul.f32 v4, v1;
	v4 =	vpop (erf)  }
0x1d2: {  	v2 =	vmul.f32 v9, v2;
	[tilespmem:s17+$0xFFFFFFF0] =	vst v3;
	v3 =	vpop (erf)  }
0x1d3: {  	[tilespmem:s17+$0xFFFFFFE0] =	vst v1;
	v1 =	vmul.f32 v4, v8;
	v4 =	vpop (erf)  }
0x1d4: {  	s0 =	sadd.s32 $0x40, s17;
	[tilespmem:s17+$0x0] =	vst v2;
	v2 =	vmul.f32 v3, v7;
	v3 =	vpop (erf)  }
0x1d5: {  	[tilespmem:s0+$0x10] =	vst v1;
	v1 =	vmul.f32 v3, v5  }
0x1d6: {  	[tilespmem:s0+$0xFFFFFFF0] =	vst v2;
	v2 =	vmul.f32 v4, v6  }
0x1d7: {  	[tilespmem:s0+$0xFFFFFFE0] =	vst v1  }
0x1d8: {  	s18 =	simm.s32 $0x2900;
	[tilespmem:s0+$0x0] =	vst v2  }
0x1d9: {  	[spmem:s1] =	stream.indirect.scatter.add.f32 [tilespmem:s26], [sflag:$0x3], $0x10, s18, s28, $0xb8;
	[tilespmem:$0x9200] =	vst v63  }
0x1da: {  	_ =	swait.ge [sflag:s9], $0x1000  }
0x1db: {  	[sflag:s9] =	ssyncset.done $0x0  }
0x1dc: {  	[sflag:s9] =	ssyncadd.s32 $0xFFFFF000  }
0x1dd: {  	_ =	swait.ge [sflag:s10], $0x800  }
0x1de: {  	[sflag:s10] =	ssyncset.done $0x0  }
0x1df: {  	[sflag:s10] =	ssyncadd.s32 $0xFFFFF800  }
0x1e0: {  	_ =	swait.ge [sflag:s13], $0x800  }
0x1e1: {  	[sflag:s13] =	ssyncset.done $0x0  }
0x1e2: {  	s19 =	simm.s32 $0x3A70;
	[sflag:s13] =	ssyncadd.s32 $0xFFFFF800  }
0x1e3: {  	s15 =	simm.s32 $0x5230;
	v1 =	vld [tilespmem:s19+$0x0]  }
0x1e4: {  	v2 =	vld [tilespmem:s15+$0x0]  }
0x1e5: {  	v3 =	vld [tilespmem:s15+$0xFFFFFFD0]  }
0x1e6: {  	v4 =	vld [tilespmem:s19+$0xFFFFFFC0]  }
0x1e7: {  	v5 =	vld [tilespmem:s15+$0xFFFFFFE0]  }
0x1e8: {  	v6 =	vld [tilespmem:s19+$0xFFFFFFE0]  }
0x1e9: {  	v7 =	vld [tilespmem:s15+$0xFFFFFFF0]  }
0x1ea: {  	v8 =	vld [tilespmem:s19+$0xFFFFFFA0]  }
0x1eb: {  	v10 =	vld [tilespmem:s19+$0xFFFFFF90]  }
0x1ec: {  	v9 =	vld [tilespmem:s19+$0xFFFFFFB0]  }
0x1ed: {  	s21 =	simm.s32 $0x5270;
	v11 =	vld [tilespmem:s19+$0xFFFFFFD0];
	v1 =	vadd.f32 v2, v1  }
0x1ee: {  	s20 =	simm.s32 $0x3AF0;
	v12 =	vld [tilespmem:s21+$0x0];
	v2 =	vadd.f32 v5, v4  }
0x1ef: {  	v4 =	vld [tilespmem:s20+$0x0];
	v5 =	vmul.f32 $2.000000030e-01, v1  }
0x1f0: {  	v15 =	vld [tilespmem:s20+$0xFFFFFFE0];
	v6 =	vadd.f32 v7, v6;
	v13 =	vmul.f32 $2.000000030e-01, v2  }
0x1f1: {  	v3 =	vadd.f32 v3, v8;
	v1 =	vmax.f32 v1, v5;
	v5 =	vld [tilespmem:s20+$0xFFFFFFC0]  }
0x1f2: {  	v8 =	vmul.f32 $2.000000030e-01, v6;
	v2 =	vmax.f32 v2, v13;
	v13 =	vld [tilespmem:s21+$0xFFFFFFE0];
	v1 =	vmul.f32 $1.442695020e+00, v1  }
0x1f3: {  	v7 =	vld [tilespmem:s21+$0xFFFFFFD0];
	v14 =	vmul.f32 $2.000000030e-01, v3;
	v2 =	vmul.f32 $1.442695020e+00, v2  }
0x1f4: {  	v4 =	vadd.f32 v12, v4;
	(erf) = vpow2.f32 v1;
	v1 =	vmax.f32 v6, v8;
	v8 =	vld [tilespmem:s21+$0xFFFFFFF0]  }
0x1f5: {  	s0 =	simm.s32 $0x3B70;
	v3 =	vmax.f32 v3, v14;
	v12 =	vld [tilespmem:s20+$0xFFFFFFA0];
	v1 =	vmul.f32 $1.442695020e+00, v1;
	(erf) = vpow2.f32 v2  }
0x1f6: {  	v17 =	vld [tilespmem:s0+$0xFFFFFFC0];
	v14 =	vmul.f32 $2.000000030e-01, v4;
	v2 =	vmul.f32 $1.442695020e+00, v3  }
0x1f7: {  	s15 =	simm.s32 $0x52B0;
	v5 =	vadd.f32 v13, v5;
	v13 =	vld [tilespmem:s0+$0x0];
	(erf) = vpow2.f32 v1  }
0x1f8: {  	v4 =	vmax.f32 v4, v14;
	v14 =	vld [tilespmem:s15+$0x0];
	(erf) = vpow2.f32 v2  }
0x1f9: {  	v6 =	vld [tilespmem:s19+$0xFFFFFFF0];
	v4 =	vmul.f32 $1.442695020e+00, v4;
	v8 =	vadd.f32 v8, v15  }
0x1fa: {  	v18 =	vld [tilespmem:s15+$0xFFFFFFE0];
	v7 =	vadd.f32 v7, v12;
	v15 =	vmul.f32 $2.000000030e-01, v5  }
0x1fb: {  	v3 =	vld [tilespmem:s20+$0xFFFFFFB0];
	(erf) = vpow2.f32 v4;
	v16 =	vmul.f32 $2.000000030e-01, v8  }
0x1fc: {  	v1 =	vld [tilespmem:s20+$0xFFFFFF90];
	v5 =	vmax.f32 v5, v15;
	v15 =	vmul.f32 $2.000000030e-01, v7  }
0x1fd: {  	v2 =	vld [tilespmem:s20+$0xFFFFFFD0];
	v13 =	vadd.f32 v14, v13;
	v5 =	vmul.f32 $1.442695020e+00, v5;
	v12 =	vpop (erf);
	v16 =	vmax.f32 v8, v16  }
0x1fe: {  	v4 =	vld [tilespmem:s15+$0xFFFFFFD0];
	v7 =	vmax.f32 v7, v15;
	v6 =	vmul.f32 v12, v6;
	v12 =	vpop (erf);
	v15 =	vmul.f32 $1.442695020e+00, v16  }
0x1ff: {  	v14 =	vld [tilespmem:s20+$0xFFFFFFF0];
	(erf) = vpow2.f32 v5;
	v12 =	vmul.f32 v12, v9  }
0x200: {  	s16 =	simm.s32 $0x6230;
	v8 =	vld [tilespmem:s0+$0xFFFFFFE0];
	v63 =	vmul.f32 $2.000000030e-01, v13;
	v7 =	vmul.f32 $1.442695020e+00, v7;
	v19 =	vpop (erf)  }
0x201: {  	v9 =	vld [tilespmem:s15+$0xFFFFFFF0];
	(erf) = vpow2.f32 v15;
	v5 =	vpop (erf);
	[tilespmem:s16+$0xFFFFFFE0] =	vst v12;
	v12 =	vmul.f32 v19, v11  }
0x202: {  	[tilespmem:s16+$0x0] =	vst v6;
	(erf) = vpow2.f32 v7;
	v6 =	vmul.f32 v5, v10;
	v10 =	vld [tilespmem:s0+$0xFFFFFFA0]  }
0x203: {  	v7 =	vld [tilespmem:s0+$0xFFFFFFB0]  }
0x204: {  	v13 =	vmax.f32 v13, v63;
	v11 =	vadd.f32 v18, v17;
	v5 =	vld [tilespmem:s0+$0xFFFFFF90];
	v15 =	vpop (erf);
	[tilespmem:s16+$0xFFFFFFF0] =	vst v12  }
0x205: {  	s17 =	simm.s32 $0x8;
	s18 =	simm.s32 $0x3BF0;
	v13 =	vmul.f32 $1.442695020e+00, v13;
	v12 =	vmul.f32 v15, v14;
	[tilespmem:s16+$0xFFFFFFD0] =	vst v6;
	v6 =	vld [tilespmem:s0+$0xFFFFFFD0]  }
.LBB2_16:
0x206: {  	v14 =	vld [tilespmem:s18+$0x0];
	v15 =	vmul.f32 $2.000000030e-01, v11;
	v8 =	vadd.f32 v9, v8;
	s15 =	sadd.s32 $0x40, s15;
	s16 =	sadd.s32 $0x40, s16  }
0x207: {  	s17 =	sadd.s32 $0x4, s17;
	v9 =	vld [tilespmem:s15+$0x0];
	v10 =	vadd.f32 v4, v10;
	(erf) = vpow2.f32 v13;
	[tilespmem:s16+$0x0] =	vst v12  }
0x208: {  	p0 =	slt.u32 s17, $0x7C;
	v4 =	vld [tilespmem:s15+$0xFFFFFFD0];
	v11 =	vmax.f32 v11, v15;
	v12 =	vmul.f32 $2.000000030e-01, v8;
	v13 =	vpop (erf)  }
0x209: {  	v15 =	vld [tilespmem:s18+$0xFFFFFFC0];
	v16 =	vmul.f32 $2.000000030e-01, v10;
	v19 =	vmul.f32 $1.442695020e+00, v11  }
0x20a: {  	v13 =	vmul.f32 v13, v3;
	v3 =	vmov v7;
	v17 =	vld [tilespmem:s15+$0xFFFFFFE0];
	v12 =	vmax.f32 v8, v12;
	v18 =	vpop (erf)  }
0x20b: {  	v8 =	vld [tilespmem:s18+$0xFFFFFFE0];
	v7 =	vmax.f32 v10, v16;
	v10 =	vmul.f32 $1.442695020e+00, v12;
	(erf) = vpow2.f32 v19;
	v11 =	vpop (erf)  }
0x20c: {  	v12 =	vadd.f32 v9, v14;
	v7 =	vmul.f32 $1.442695020e+00, v7;
	v14 =	vld [tilespmem:s0+$0xFFFFFFF0];
	v11 =	vmul.f32 v11, v1;
	[tilespmem:s16+$0xFFFFFFE0] =	vst v13;
	v1 =	vmovc v5;
	s0 =	smov.u32 s18  }
.Ltmp7:
0x20d: {  	v13 =	vmul.f32 v18, v2;
	v2 =	vmov v6;
	v9 =	vld [tilespmem:s15+$0xFFFFFFF0];
	(erf) = vpow2.f32 v10;
	(pc) =	sbr.rel @p0 .LBB2_16-.Ltmp7, $4  }
0x20e: {  	v10 =	vld [tilespmem:s18+$0xFFFFFFA0];
	v6 =	vmul.f32 $2.000000030e-01, v12;
	(erf) = vpow2.f32 v7;
	[tilespmem:s16+$0xFFFFFFD0] =	vst v11  }
0x20f: {  	v5 =	vld [tilespmem:s18+$0xFFFFFF90];
	v11 =	vadd.f32 v17, v15;
	[tilespmem:s16+$0xFFFFFFF0] =	vst v13  }
0x210: {  	v7 =	vld [tilespmem:s18+$0xFFFFFFB0];
	v12 =	vmax.f32 v12, v6;
	v15 =	vpop (erf)  }
0x211: {  	s18 =	sadd.s32 $0x80, s18;
	v6 =	vld [tilespmem:s0+$0xFFFFFFD0];
	v13 =	vmul.f32 $1.442695020e+00, v12;
	v12 =	vmul.f32 v15, v14  }
0x212: {  	v8 =	vadd.f32 v9, v8;
	v55 =	vmul.f32 $2.000000030e-01, v11  }
0x213: {  	v4 =	vadd.f32 v4, v10  }
0x214: {  	v56 =	vmul.f32 $2.000000030e-01, v8;
	v9 =	vmax.f32 v11, v55  }
0x215: {  	v57 =	vmul.f32 $2.000000030e-01, v4;
	v9 =	vmul.f32 $1.442695020e+00, v9  }
0x216: {  	(erf) = vpow2.f32 v13;
	v8 =	vmax.f32 v8, v56  }
0x217: {  	v4 =	vmax.f32 v4, v57;
	v8 =	vmul.f32 $1.442695020e+00, v8;
	(erf) = vpow2.f32 v9  }
0x218: {  	v4 =	vmul.f32 $1.442695020e+00, v4  }
0x219: {  	(erf) = vpow2.f32 v8  }
0x21a: {  	(erf) = vpow2.f32 v4  }
0x21b: {  	v58 =	vpop (erf)  }
0x21c: {  	v3 =	vmul.f32 v58, v3  }
0x21d: {  	v59 =	vld [tilespmem:s0+$0xFFFFFFF0];
	v60 =	vpop (erf)  }
0x21e: {  	s18 =	sadd.s32 $0x40, s16;
	v61 =	vpop (erf)  }
0x21f: {  	[tilespmem:s18+$0x0] =	vst v12;
	v2 =	vmul.f32 v60, v2;
	v62 =	vpop (erf)  }
0x220: {  	[tilespmem:s18+$0xFFFFFFE0] =	vst v3;
	v1 =	vmul.f32 v61, v1;
	v3 =	vpop (erf)  }
0x221: {  	[tilespmem:s18+$0xFFFFFFF0] =	vst v2;
	v2 =	vmul.f32 v3, v7  }
0x222: {  	s0 =	sadd.s32 $0x40, s18;
	[tilespmem:s18+$0xFFFFFFD0] =	vst v1;
	v1 =	vmul.f32 v62, v59;
	v63 =	vpop (erf)  }
0x223: {  	v3 =	vpop (erf);
	[tilespmem:s0+$0xFFFFFFE0] =	vst v2;
	v2 =	vmul.f32 v63, v6  }
0x224: {  	[tilespmem:s0+$0x0] =	vst v1;
	v1 =	vmul.f32 v3, v5  }
0x225: {  	[tilespmem:s0+$0xFFFFFFF0] =	vst v2  }
0x226: {  	s19 =	simm.s32 $0x2980;
	[tilespmem:s0+$0xFFFFFFD0] =	vst v1  }
0x227: {  	[spmem:s1] =	stream.indirect.scatter.add.f32 [tilespmem:s11], [sflag:$0x6], $0x10, s19, s28, $0xb8;
	[tilespmem:$0x9200] =	vst v63  }
0x228: {  	_ =	swait.ge [sflag:s12], $0x800  }
0x229: {  	[sflag:s12] =	ssyncset.done $0x0  }
0x22a: {  	[sflag:s12] =	ssyncadd.s32 $0xFFFFF800  }
0x22b: {  	_ =	swait.ge [sflag:s13], $0x800  }
0x22c: {  	[sflag:s13] =	ssyncset.done $0x0  }
0x22d: {  	[sflag:s13] =	ssyncadd.s32 $0xFFFFF800  }
0x22e: {  	[bflag:$0x0] =	sbarrier.arrive $0xFFFF  }
0x22f: {  	s20 =	rddreg [dreg:$0x5]  }
0x230: {  	[tilespmem:s26], [sflag:$0x7] =	stream.linear.gather [spmem:s20], $0x800, $0x38;
	[tilespmem:$0x9200] =	vst v63  }
0x231: {  	_ =	swait.ge [sflag:s24], $0x800  }
0x232: {  	[sflag:s24] =	ssyncset.done $0x0  }
0x233: {  	s21 =	rddreg [dreg:$0xb];
	[sflag:s24] =	ssyncadd.s32 $0xFFFFF800  }
0x234: {  	[hbm4b:s21+s3] =	stream.linear.scatter [tilespmem:s26], [sflag:$0x7], $0x800, $0x38;
	[tilespmem:$0x9200] =	vst v63  }
0x235: {  	_ =	swait.ge [sflag:s24], $0x800  }
0x236: {  	[sflag:s24] =	ssyncset.done $0x0  }
0x237: {  	s15 =	rddreg [dreg:$0xc];
	[sflag:s24] =	ssyncadd.s32 $0xFFFFF800  }
0x238: {  	[tilespmem:s26], [sflag:$0x7] =	stream.linear.gather [spmem:s15], $0x800, $0x38;
	[tilespmem:$0x9200] =	vst v63  }
0x239: {  	_ =	swait.ge [sflag:s24], $0x800  }
0x23a: {  	[sflag:s24] =	ssyncset.done $0x0  }
0x23b: {  	s16 =	rddreg [dreg:$0xd];
	[sflag:s24] =	ssyncadd.s32 $0xFFFFF800  }
0x23c: {  	[hbm4b:s16+s3] =	stream.linear.scatter [tilespmem:s26], [sflag:$0x7], $0x800, $0x38;
	[tilespmem:$0x9200] =	vst v63  }
0x23d: {  	_ =	swait.ge [sflag:s24], $0x800  }
0x23e: {  	[sflag:s24] =	ssyncset.done $0x0  }
0x23f: {  	s17 =	rddreg [dreg:$0xe];
	[sflag:s24] =	ssyncadd.s32 $0xFFFFF800  }
0x240: {  	[tilespmem:s26], [sflag:$0x7] =	stream.linear.gather [spmem:s17], $0x800, $0x38;
	[tilespmem:$0x9200] =	vst v63  }
0x241: {  	_ =	swait.ge [sflag:s24], $0x800  }
0x242: {  	[sflag:s24] =	ssyncset.done $0x0  }
0x243: {  	s18 =	rddreg [dreg:$0xf];
	[sflag:s24] =	ssyncadd.s32 $0xFFFFF800  }
0x244: {  	[hbm4b:s18+s3] =	stream.linear.scatter [tilespmem:s26], [sflag:$0x7], $0x800, $0x38;
	[tilespmem:$0x9200] =	vst v63  }
0x245: {  	_ =	swait.ge [sflag:s24], $0x800  }
0x246: {  	[sflag:s24] =	ssyncset.done $0x0  }
0x247: {  	s19 =	rddreg [dreg:$0x10];
	[sflag:s24] =	ssyncadd.s32 $0xFFFFF800  }
0x248: {  	[tilespmem:s26], [sflag:$0x7] =	stream.linear.gather [spmem:s19], $0x800, $0x38;
	[tilespmem:$0x9200] =	vst v63  }
0x249: {  	_ =	swait.ge [sflag:s24], $0x800  }
0x24a: {  	[sflag:s24] =	ssyncset.done $0x0  }
0x24b: {  	s20 =	rddreg [dreg:$0x11];
	[sflag:s24] =	ssyncadd.s32 $0xFFFFF800  }
0x24c: {  	[hbm4b:s20+s3] =	stream.linear.scatter [tilespmem:s26], [sflag:$0x7], $0x800, $0x38;
	[tilespmem:$0x9200] =	vst v63  }
0x24d: {  	_ =	swait.ge [sflag:s24], $0x800  }
0x24e: {  	[sflag:s24] =	ssyncset.done $0x0  }
0x24f: {  	[sflag:s24] =	ssyncadd.s32 $0xFFFFF800  }
0x250: {  	[tilespmem:s26], [sflag:$0x7] =	stream.linear.gather [spmem:s22], $0x800, $0x38;
	[tilespmem:$0x9200] =	vst v63  }
0x251: {  	_ =	swait.ge [sflag:s24], $0x800  }
0x252: {  	[sflag:s24] =	ssyncset.done $0x0  }
0x253: {  	[sflag:s24] =	ssyncadd.s32 $0xFFFFF800  }
0x254: {  	[hbm4b:s23+s3] =	stream.linear.scatter [tilespmem:s26], [sflag:$0x7], $0x800, $0x38;
	[tilespmem:$0x9200] =	vst v63  }
0x255: {  	_ =	swait.ge [sflag:s24], $0x800  }
0x256: {  	s14 =	sadd.s32 $0x1, s14;
	s21 =	rddreg [dreg:$0x6]  }
0x257: {  	p0 =	sne.s32 s14, s21  }
.Ltmp8:
0x258: {  	_ = 	snop;
	(pc) =	sbr.rel @p0 .LBB2_1-.Ltmp8, $3  }
0x259: {  	_ =	sdelay $0x1  }
0x25a: {  	[sflag:s24] =	ssyncset.done $0x0  }
0x25b: {  	s19 =	simm.s32 $0x1580;
	[sflag:s24] =	ssyncadd.s32 $0xFFFFF800  }
0x25c: {  	_ =	sfence.sel $0x180000  }
0x25d: {  	[bflag:$0x0] =	sbarrier.arrive $0xFFFF  }
0x25e: {  	_ =	strace $0x9000004A  }
0x25f: {  	s0 =	stileid.u32;
	[bflag:$0x2] =	sbarrier.arrive $0xFFFF  }
0x260: {  	p0 =	sne.s32 s0, $0x0;
	s0 =	rddreg [dreg:$0x2]  }
0x261: {  	s0 =	sadd.s32 @!p0 $0x100000, s0  }
0x262: {  	[sflag:s0] =	ssyncadd.tile.s32 @!p0 $0x1;
	_ =	shalt  }
.Lfunc_end2:
_tile_overlayer_lowered:
.L_overlay_start_2:
0x263: {  	(tag) =	ssettag $0x2  }
0x264: {  	s0 =	rddreg [dreg:$0x0];
	s2 =	stileid.u32  }
0x265: {  	s1 =	rddreg [dreg:$0x1];
	p0 =	sne.s32 s2, $0x0  }
0x266: {  	s3 =	rddreg [dreg:$0x2];
	[bflag:$0x3] =	sbarrier.arrive $0xFFFF;
	s2 =	simm.s32 @!p0 $0x1C07  }
0x267: {  	[timem:s3], [sflag:s2] =	dma.local @!p0 [hbm:s0], s1  }
0x268: {  	s0 =	simm.s32 @!p0 $0x7  }
0x269: {  	_ =	swait.ge @!p0 [sflag:s0], s1  }
0x26a: {  	s1 =	ssub.s32 @!p0 $0x0, s1;
	[sflag:s0] =	ssyncset.done @!p0 $0x0  }
0x26b: {  	[sflag:s0] =	ssyncadd.s32 @!p0 s1  }
0x26c: {  	[bflag:$0x3] =	sbarrier.arrive $0xFFFF  }
0x26d: {  	_ =	shalt  }

// kernel: kernel.7.cloned.1.call-start
scs
__scs_entry_jumppad:
0x0: {  	(pc) =	sbr.rel $0x88, $3  }
0x1: {  	(tag) =	ssettag $0x0;
	lr =	simm.s32 $0x1  }
0x2: {  	[smem:$0x3F97] =	sst lr;
	_ =	strace $0xD0000000  }
0x3: {  	_ = 	snop  }
0x4: {  	_ = 	snop  }
0x5: {  	_ = 	snop  }
0x6: {  	_ = 	snop  }
0x7: {  	_ = 	snop  }
__scs_overlays_trampoline_lowered:
0x8: {  	[smem:$0x3FA6] =	sst s0  }
0x9: {  	[smem:$0x3FA7] =	sst s1  }
0xa: {  	[smem:$0x3FA8] =	sst s2  }
0xb: {  	[smem:$0x3FA9] =	sst s3  }
0xc: {  	[smem:$0x3FAA] =	sst s4  }
0xd: {  	[smem:$0x3FAB] =	sst s5  }
0xe: {  	[smem:$0x3FAC] =	sst s6  }
0xf: {  	[smem:$0x3FAD] =	sst s7  }
0x10: {  	[smem:$0x3FAE] =	sst s8  }
0x11: {  	[smem:$0x3FAF] =	sst s9;
	s0 =	simm.s32 @!p0 $0x0  }
0x12: {  	s1 =	sld [smem:$0x3F95];
	s0 =	simm.s32 @p0 $0x1  }
0x13: {  	[smem:$0x3FB0] =	sst s0;
	s0 =	simm.s32 @!p1 $0x0  }
0x14: {  	s2 =	sld [smem:$0x3F94];
	s0 =	simm.s32 @p1 $0x1  }
0x15: {  	[smem:$0x3FB1] =	sst s0;
	s0 =	simm.s32 @!p2 $0x0  }
0x16: {  	s3 =	sld [smem:$0x3FDB];
	s0 =	simm.s32 @p2 $0x1  }
0x17: {  	s4 =	simm.s32 $0x1BF5;
	[smem:$0x3FB3] =	sst s0  }
0x18: {  	s0 =	sld [smem:$0x3F96];
	_ =	swait.ge [sflag:s4], $0x0  }
0x19: {  	s7 =	sld [smem:$0x3F97]  }
0x1a: {  	s8 =	sadd.s32 $0xFFFFE003, lr  }
0x1b: {  	s9 =	sadd.s32 $0xFFFFFEF7, lr;
	s5 =	simm.s32 $0xFFFFFFFF;
	p2 =	slt.u32 s8, $0xFFFFF086  }
0x1c: {  	p1 =	slt.u32 s9, $0xF7A;
	s5 =	simm.s32 @!p2 $0x0  }
0x1d: {  	s5 =	simm.s32 @p1 $0x1;
	p0 =	seq.s32 s7, s2  }
0x1e: {  	s7 =	smul.u32 @!p0 $0xF7A, s2;
	p2 =	seq.s32 @!p0 s5, $0x0  }
0x1f: {  	s9 =	smul.u32 $0xF7A, s1;
	s8 =	simm.s32 @!p0 $0x1BF5;
	p2 =	por !p2, p0  }
0x20: {  	[sflag:s8] =	ssyncset.s32 @!p0 $0xFFFFF086;
	s6 =	sadd.s32 @!p0 s3, s7;
	s7 =	simm.s32 @!p0 $0x108  }
0x21: {  	s3 =	sadd.s32 s3, s9;
	s6 =	sadd.s32 @!p0 $0x88, s6;
	s7 =	simm.s32 @p2 $0x1082  }
0x22: {  	[simem:s7], [sflag:s8] =	dma.local @!p0 [hbm:s6], $0xF7A  }
0x23: {  	s9 =	sor.u32 $0xD0000000, s2;
	s6 =	simm.s32 $0x108;
	_ =	swait.ge @!p0 [sflag:s8], $0x0  }
0x24: {  	s3 =	sadd.s32 $0x88, s3;
	s6 =	simm.s32 @!p1 $0x1082;
	[sflag:s4] =	ssyncset.s32 $0xFFFFF086  }
0x25: {  	[simem:s6], [sflag:s4] =	dma.local [hbm:s3], $0xF7A  }
0x26: {  	[smem:$0x3F97] =	sst s1;
	(tag) =	ssettag s2;
	_ =	strace s9  }
0x27: {  	s1 =	sld [smem:$0x3FA7]  }
0x28: {  	s2 =	sld [smem:$0x3FA8]  }
0x29: {  	s4 =	sld [smem:$0x3FAA]  }
0x2a: {  	p0 =	seq.s32 s5, $0x0;
	s5 =	sld [smem:$0x3FAB]  }
0x2b: {  	s6 =	sld [smem:$0x3FAC]  }
0x2c: {  	s7 =	sld [smem:$0x3FAD]  }
0x2d: {  	s3 =	simm.s32 $0x108;
	s8 =	sld [smem:$0x3FAE]  }
0x2e: {  	s3 =	simm.s32 @!p0 $0x1082;
	s9 =	sld [smem:$0x3FAF]  }
0x2f: {  	lr =	sadd.s32 s0, s3;
	s0 =	sld [smem:$0x3FA6]  }
0x30: {  	s3 =	sld [smem:$0x3FA9]  }
0x31: {  	[smem:$0x3FB2] =	sst s10  }
0x32: {  	s10 =	sld [smem:$0x3FB0];
	_ =	sdelay $0x3  }
0x33: {  	p0 =	seq.s32 s10, $0x1;
	s10 =	sld [smem:$0x3FB2];
	_ =	sdelay $0x3  }
0x34: {  	[smem:$0x3FB2] =	sst s10  }
0x35: {  	s10 =	sld [smem:$0x3FB1];
	_ =	sdelay $0x3  }
0x36: {  	p1 =	seq.s32 s10, $0x1;
	s10 =	sld [smem:$0x3FB2];
	_ =	sdelay $0x3  }
0x37: {  	[smem:$0x3FB2] =	sst s10  }
0x38: {  	s10 =	sld [smem:$0x3FB3]  }
0x39: {  	_ = 	snop;
	(pc) =	sbr.ind lr, $3  }
0x3a: {  	_ = 	snop  }
0x3b: {  	_ = 	snop  }
0x3c: {  	p2 =	seq.s32 s10, $0x1;
	s10 =	sld [smem:$0x3FB2]  }
0x3d: {  	_ =	shalt  }
0x3e: {  	_ =	shalt  }
0x3f: {  	_ =	shalt  }
0x40: {  	_ =	shalt  }
0x41: {  	_ =	shalt  }
0x42: {  	_ =	shalt  }
0x43: {  	_ =	shalt  }
0x44: {  	_ =	shalt  }
0x45: {  	_ =	shalt  }
0x46: {  	_ =	shalt  }
0x47: {  	_ =	shalt  }
0x48: {  	_ =	shalt  }
0x49: {  	_ =	shalt  }
0x4a: {  	_ =	shalt  }
0x4b: {  	_ =	shalt  }
0x4c: {  	_ =	shalt  }
0x4d: {  	_ =	shalt  }
0x4e: {  	_ =	shalt  }
0x4f: {  	_ =	shalt  }
0x50: {  	_ =	shalt  }
0x51: {  	_ =	shalt  }
0x52: {  	_ =	shalt  }
0x53: {  	_ =	shalt  }
0x54: {  	_ =	shalt  }
0x55: {  	_ =	shalt  }
0x56: {  	_ =	shalt  }
0x57: {  	_ =	shalt  }
0x58: {  	_ =	shalt  }
0x59: {  	_ =	shalt  }
0x5a: {  	_ =	shalt  }
0x5b: {  	_ =	shalt  }
0x5c: {  	_ =	shalt  }
0x5d: {  	_ =	shalt  }
0x5e: {  	_ =	shalt  }
0x5f: {  	_ =	shalt  }
0x60: {  	_ =	shalt  }
0x61: {  	_ =	shalt  }
0x62: {  	_ =	shalt  }
0x63: {  	_ =	shalt  }
0x64: {  	_ =	shalt  }
0x65: {  	_ =	shalt  }
0x66: {  	_ =	shalt  }
0x67: {  	_ =	shalt  }
0x68: {  	_ =	shalt  }
0x69: {  	_ =	shalt  }
0x6a: {  	_ =	shalt  }
0x6b: {  	_ =	shalt  }
0x6c: {  	_ =	shalt  }
0x6d: {  	_ =	shalt  }
0x6e: {  	_ =	shalt  }
0x6f: {  	_ =	shalt  }
0x70: {  	_ =	shalt  }
0x71: {  	_ =	shalt  }
0x72: {  	_ =	shalt  }
0x73: {  	_ =	shalt  }
0x74: {  	_ =	shalt  }
0x75: {  	_ =	shalt  }
0x76: {  	_ =	shalt  }
0x77: {  	_ =	shalt  }
0x78: {  	_ =	shalt  }
0x79: {  	_ =	shalt  }
0x7a: {  	_ =	shalt  }
0x7b: {  	_ =	shalt  }
0x7c: {  	_ =	shalt  }
0x7d: {  	_ =	shalt  }
0x7e: {  	_ =	shalt  }
0x7f: {  	_ =	shalt  }
0x80: {  	_ =	shalt  }
0x81: {  	_ =	shalt  }
0x82: {  	_ =	shalt  }
0x83: {  	_ =	shalt  }
0x84: {  	_ =	shalt  }
0x85: {  	_ =	shalt  }
0x86: {  	_ =	shalt  }
0x87: {  	_ =	shalt  }
.Lfunc_end0:
.L_simem_size_0:
called_computation_lowered:
.L_overlay_start_0:
0x88: {  	s2 =	sld [smem:$0x3FD9]  }
0x89: {  	s3 =	sld [smem:$0x3FFE];
	_ =	sdelay $0x1  }
0x8a: {  	s1 =	srdreg.scid  }
0x8b: {  	s0 =	sand.u32 $0x1, s1  }
0x8c: {  	s16 =	sshll.u32 s0, $0xA;
	s2 =	sadd.s32 s3, s2  }
0x8d: {  	s2 =	sadd.s32 s2, s16  }
0x8e: {  	[smem:$0x3FBE] =	sst s2  }
0x8f: {  	_ = 	snop  }
0x90: {  	(tm) =	ssettm $0x1  }
0x91: {  	s17 =	sld [smem:$0x3FFB];
	_ =	sdelay $0x3  }
0x92: {  	_ =	strace s17  }
0x93: {  	s2 =	sld [smem:$0x3FFC];
	_ =	sdelay $0x3  }
0x94: {  	_ =	strace s2  }
0x95: {  	s2 =	sld [smem:$0x3FFD];
	_ =	sdelay $0x3  }
0x96: {  	_ =	strace s2  }
0x97: {  	_ =	strace $0x8FFFFFFF  }
0x98: {  	s18 =	sld [smem:$0x3FDB];
	_ =	sdelay $0x1  }
0x99: {  	s19 =	simm.s32 $_scs_section_size  }
0x9a: {  	s4 =	simm.s32 $_size__tile_overlayer_lowered;
	s5 =	simm.s32 $_tile_overlayer_lowered  }
0x9b: {  	s22 =	simm.s32 $0x1BFF;
	s21 =	sshll.u32 s5, $0x1;
	s2 =	sadd.s32 s19, s18  }
0x9c: {  	s6 =	simm.s32 $0x0;
	s20 =	sshll.u32 s4, $0x1;
	s4 =	sadd.s32 s21, s2  }
0x9d: {  	[timem:s6], [sflag:s22] =	dma.local [hbm:s4], s20  }
0x9e: {  	_ =	swait.ge [sflag:s22], s20  }
0x9f: {  	s3 =	ssub.s32 $0x0, s20;
	[sflag:s22] =	ssyncset.done $0x0  }
0xa0: {  	[sflag:s22] =	ssyncadd.s32 s3;
	_ =	sdelay $0x1  }
0xa1: {  	s23 =	simm.s32 $0x1B8B  }
0xa2: {  	_ =	swait.ge [sflag:s23], $0x1  }
0xa3: {  	[sflag:s23] =	ssyncset.done $0x0  }
0xa4: {  	s25 =	simm.s32 $0x1B8E;
	s24 =	sld [smem:$0x3FFE];
	[sflag:s23] =	ssyncadd.s32 $0xFFFFFFFF  }
0xa5: {  	s26 =	simm.s32 $execute0_lowered;
	[smem:$0x3FD2] =	sst s25  }
0xa6: {  	s4 =	sshll.u32 s26, $0x1;
	_ =	strace $0x80000046;
	[dreg:$0x1] =	wrdreg $0xFFFFFFFF  }
0xa7: {  	s28 =	simm.s32 $_size_execute0_lowered;
	s2 =	sadd.s32 s2, s4;
	[dreg:$0x0] =	wrdreg $0x0  }
0xa8: {  	s4 =	sshll.u32 s28, $0x1;
	[dreg:$0x2] =	wrdreg s2  }
0xa9: {  	[dreg:$0x3] =	wrdreg s4  }
0xaa: {  	[dreg:$0x4] =	wrdreg $0xC0  }
0xab: {  	_ =	task [dreg:s6], $0x5FFFF  }
0xac: {  	[dreg:$0x1] =	wrdreg $0xFFFFFFFF  }
0xad: {  	[dreg:$0x0] =	wrdreg $0x60  }
0xae: {  	[dreg:$0x2] =	wrdreg s24  }
0xaf: {  	[dreg:$0x3] =	wrdreg $0xDA000  }
0xb0: {  	[dreg:$0x4] =	wrdreg $0x9  }
0xb1: {  	_ =	task.clear_ibuf [dreg:s6], $0x5FFFF;
	_ =	strace $0x90000046  }
0xb2: {  	s29 =	simm.s32 $0x9;
	_ =	strace $0x80000048  }
0xb3: {  	_ =	swait.ge [sflag:s29], $0x1  }
0xb4: {  	[sflag:s29] =	ssyncadd.s32 $0xFFFFFFFF  }
0xb5: {  	_ =	strace $0x90000048  }
0xb6: {  	_ =	sfence  }
0xb7: {  	s30 =	sld [smem:$0x0];
	_ =	sdelay $0x2  }
0xb8: {  	s31 =	sshll.u32 s1, $0xD;
	s1 =	sshrl.u32 s1, $0x2  }
0xb9: {  	s3 =	sand.u32 $0x4000, s31;
	s1 =	sadd.s32 s1, s30  }
0xba: {  	s0 =	sor.u32 s3, s0;
	s1 =	sshll.u32 s1, $0x11  }
0xbb: {  	s0 =	sor.u32 s1, s0  }
0xbc: {  	s0 =	sadd.s32 $0x8F2B, s0  }
0xbd: {  	[sflag:s0] =	ssyncadd.remote.s32 $0x1  }
0xbe: {  	_ =	sfence.sel $0xFFFF  }
0xbf: {  	[dreg:$0x0] =	wrdreg $0xFFFFFFFF;
	(pc) =	sbr.abs _section_cstart, $3  }
0xc0: {  	[dreg:$0x1] =	wrdreg $0xFFFFFFFF  }
0xc1: {  	_ =	task.clear_ibuf [dreg:s6], $0x2FFFF;
	_ =	strace $0x9FFFFFFF  }
0xc2: {  	(tm) =	ssettm $0x7FFFFFFF  }
0xc3: {  	_ =	shalt  }
tec
execute0_lowered:
.L_overlay_start_1:
0x0: {  	(tag) =	ssettag $0x1  }
0x1: {  	s0 =	rddreg [dreg:$0x0]  }
0x2: {  	s1 =	rddreg [dreg:$0x1];
	s2 =	srdreg.scid  }
0x3: {  	s15 =	simm.s32 $0x0;
	s9 =	stileid.u32;
	s2 =	sand.u32 $0x1, s2  }
0x4: {  	s28 =	simm.s32 $0x80;
	s7 =	smul.u32 $0x280, s9;
	s3 =	sshll.u32 s2, $0x4  }
0x5: {  	s6 =	ssub.s32 $0x2, s2;
	s2 =	smul.u32 $0xC8000, s2;
	s3 =	sor.u32 s9, s3  }
0x6: {  	s29 =	simm.s32 $0x2A00;
	s8 =	sshrl.u32 s6, $0x1;
	s3 =	smul.u32 $0x2A0, s3  }
0x7: {  	s30 =	simm.s32 $0x7A00;
	s6 =	ssub.s32 s6, s8;
	s8 =	smul.u32 $0xC800, s9  }
0x8: {  	s31 =	simm.s32 $0x5200;
	s7 =	sadd.s32 $0x80, s7;
	s9 =	smul.u32 $0x32000, s9  }
0x9: {  	[smem:$0x7FF] =	sst s15;
	s4 =	sadd.s32 $0xC200, s0;
	s24 =	smul.u32 $0x140, s7  }
0xa: {  	s5 =	sadd.s32 $0x25200, s0;
	_ =	strace $0x80000047;
	s7 =	smul.u32 $0x50, s7  }
0xb: {  	s6 =	smax.u32 s6, $0x1;
	s3 =	sadd.s32 s3, s0;
	s0 =	sadd.s32 $0x2A200, s0  }
0xc: {  	s23 =	sadd.s32 s8, s1;
	[dreg:$0x6] =	wrdreg s6;
	s25 =	sshrl.u32 s9, $0x2  }
0xd: {  	s26 =	sadd.s32 $0x14000, s9;
	s13 =	sadd.s32 $0x1E000, s9;
	s14 =	sadd.s32 $0x28000, s9  }
0xe: {  	s17 =	sadd.s32 s2, s8;
	s19 =	sadd.s32 s2, s7;
	s21 =	sadd.s32 $0x5000, s8  }
0xf: {  	s7 =	sadd.s32 s7, s1;
	s9 =	simm.s32 $0xB200;
	s10 =	sadd.s32 $0x6E00, s3  }
0x10: {  	s3 =	sadd.s32 $0x1A00, s3;
	[dreg:$0x5] =	wrdreg s23;
	s6 =	sadd.s32 s25, s1  }
0x11: {  	s11 =	sshrl.u32 s26, $0x2;
	s16 =	sshrl.u32 s14, $0x2;
	s18 =	sshrl.u32 s17, $0x3  }
0x12: {  	s20 =	sshrl.u32 s19, $0x3;
	[dreg:$0xd] =	wrdreg s7;
	s22 =	sadd.s32 s2, s21  }
0x13: {  	s23 =	sadd.s32 $0x7800, s8;
	s25 =	sadd.s32 $0xA000, s8;
	[dreg:$0x3] =	wrdreg s10  }
0x14: {  	s7 =	simm.s32 $0x4;
	s8 =	simm.s32 $0x5;
	[dreg:$0x4] =	wrdreg s3  }
0x15: {  	[dreg:$0x7] =	wrdreg s6;
	s3 =	sshrl.u32 s24, $0x2;
	s12 =	sadd.s32 s11, s1  }
0x16: {  	s6 =	sadd.s32 s21, s1;
	s24 =	sadd.s32 s2, s23;
	[dreg:$0x9] =	wrdreg s12  }
0x17: {  	s2 =	sadd.s32 s2, s25;
	s3 =	sadd.s32 s3, s1;
	[dreg:$0xf] =	wrdreg s6  }
0x18: {  	s26 =	sadd.s32 s25, s1;
	[dreg:$0x8] =	wrdreg s3;
	s3 =	sshrl.u32 s13, $0x2  }
0x19: {  	s25 =	simm.s32 $0x1580;
	[dreg:$0x13] =	wrdreg s26;
	s3 =	sadd.s32 s3, s1  }
0x1a: {  	s10 =	simm.s32 $0x3;
	[dreg:$0xa] =	wrdreg s3;
	s3 =	sadd.s32 s16, s1  }
0x1b: {  	s11 =	simm.s32 $0x6;
	[dreg:$0xb] =	wrdreg s3;
	s3 =	sadd.s32 s0, s18  }
0x1c: {  	s6 =	sadd.s32 s23, s1;
	[dreg:$0xc] =	wrdreg s3;
	s3 =	sadd.s32 s0, s20  }
0x1d: {  	s2 =	sshrl.u32 s2, $0x3;
	[dreg:$0xe] =	wrdreg s3;
	s3 =	sshrl.u32 s22, $0x3  }
0x1e: {  	s23 =	simm.s32 $0x1500;
	s26 =	simm.s32 $0x8A00;
	s3 =	sadd.s32 s0, s3  }
0x1f: {  	s12 =	simm.s32 $0x0;
	[dreg:$0x10] =	wrdreg s3;
	s3 =	sshrl.u32 s24, $0x3  }
0x20: {  	[dreg:$0x11] =	wrdreg s6;
	s6 =	simm.s32 $0x1;
	s3 =	sadd.s32 s0, s3  }
0x21: {  	s24 =	simm.s32 $0x7;
	s0 =	sadd.s32 s0, s2;
	[dreg:$0x12] =	wrdreg s3  }
0x22: {  	v0 =	vimm.f32 $0.0e+00;
	s2 =	simm.s32 $0x8200;
	[dreg:$0x14] =	wrdreg s0;
	s0 =	simm.s32 $0x2  }
.LBB2_1:
0x23: {  	s3 =	rddreg [dreg:$0x3]  }
0x24: {  	[tilespmem:s15], [sflag:$0x7] =	stream.linear.gather [hbm4b:s3+s15], $0x1500, $0x38;
	[tilespmem:$0x1A200] =	vst v63  }
0x25: {  	_ =	swait.ge [sflag:s24], $0x1500  }
0x26: {  	[sflag:s24] =	ssyncset.done $0x0  }
0x27: {  	s22 =	rddreg [dreg:$0x4];
	[sflag:s24] =	ssyncadd.s32 $0xFFFFEB00  }
0x28: {  	[tilespmem:s23], [sflag:$0x7] =	stream.linear.gather [hbm4b:s22+s15], $0x1500, $0x38;
	[tilespmem:$0x1A200] =	vst v63  }
0x29: {  	_ =	swait.ge [sflag:s24], $0x1500  }
0x2a: {  	[sflag:s24] =	ssyncset.done $0x0  }
0x2b: {  	s13 =	simm.s32 $0x140;
	s3 =	simm.s32 $0x0;
	[sflag:s24] =	ssyncadd.s32 $0xFFFFEB00  }
.LBB2_2:
0x2c: {  	p0 =	sne.s32 s13, $0x9EC0;
	[tilespmem:s3+$0x8A40] =	vst v0;
	s14 =	smov.u32 s13;
	s13 =	sadd.s32 $0x140, s13  }
.Ltmp0:
0x2d: {  	[tilespmem:s3+$0x8A30] =	vst v0;
	(pc) =	sbr.rel @p0 .LBB2_2-.Ltmp0, $4  }
0x2e: {  	[tilespmem:s3+$0x8A20] =	vst v0  }
0x2f: {  	[tilespmem:s3+$0x8A00] =	vst v0  }
0x30: {  	[tilespmem:s3+$0x8A10] =	vst v0  }
0x31: {  	s3 =	sshra.s32 s14, $0x2  }
0x32: {  	[tilespmem:s3+$0x8A40] =	vst v0  }
0x33: {  	[tilespmem:s3+$0x8A30] =	vst v0  }
0x34: {  	[tilespmem:s3+$0x8A20] =	vst v0  }
0x35: {  	[tilespmem:s3+$0x8A00] =	vst v0  }
0x36: {  	[tilespmem:s3+$0x8A10] =	vst v0;
	s14 =	rddreg [dreg:$0x7]  }
0x37: {  	[spmem:s14] =	stream.linear.scatter [tilespmem:s26], [sflag:$0x7], $0x2800, $0x38;
	[tilespmem:$0x1A200] =	vst v63  }
0x38: {  	_ =	swait.ge [sflag:s24], $0x2800  }
0x39: {  	[sflag:s24] =	ssyncset.done $0x0  }
0x3a: {  	s16 =	rddreg [dreg:$0x8];
	[sflag:s24] =	ssyncadd.s32 $0xFFFFD800  }
0x3b: {  	[spmem:s16] =	stream.linear.scatter [tilespmem:s26], [sflag:$0x7], $0x2800, $0x38;
	[tilespmem:$0x1A200] =	vst v63  }
0x3c: {  	_ =	swait.ge [sflag:s24], $0x2800  }
0x3d: {  	[sflag:s24] =	ssyncset.done $0x0  }
0x3e: {  	s17 =	rddreg [dreg:$0x9];
	[sflag:s24] =	ssyncadd.s32 $0xFFFFD800  }
0x3f: {  	[spmem:s17] =	stream.linear.scatter [tilespmem:s26], [sflag:$0x7], $0x2800, $0x38;
	[tilespmem:$0x1A200] =	vst v63  }
0x40: {  	_ =	swait.ge [sflag:s24], $0x2800  }
0x41: {  	[sflag:s24] =	ssyncset.done $0x0  }
0x42: {  	s18 =	rddreg [dreg:$0xa];
	[sflag:s24] =	ssyncadd.s32 $0xFFFFD800  }
0x43: {  	[spmem:s18] =	stream.linear.scatter [tilespmem:s26], [sflag:$0x7], $0x2800, $0x38;
	[tilespmem:$0x1A200] =	vst v63  }
0x44: {  	_ =	swait.ge [sflag:s24], $0x2800  }
0x45: {  	[sflag:s24] =	ssyncset.done $0x0  }
0x46: {  	s19 =	rddreg [dreg:$0xb];
	[sflag:s24] =	ssyncadd.s32 $0xFFFFD800  }
0x47: {  	[spmem:s19] =	stream.linear.scatter [tilespmem:s26], [sflag:$0x7], $0x2800, $0x38;
	[tilespmem:$0x1A200] =	vst v63  }
0x48: {  	_ =	swait.ge [sflag:s24], $0x2800  }
0x49: {  	[sflag:s24] =	ssyncset.done $0x0  }
0x4a: {  	[sflag:s24] =	ssyncadd.s32 $0xFFFFD800  }
0x4b: {  	[bflag:$0x0] =	sbarrier.arrive $0xFFFF  }
0x4c: {  	[tilespmem:s29], [sflag:$0x1] =	stream.indirect.gather [hbm4b:s4+s28], $0x50, s15, s28, $0xb8;
	[tilespmem:$0x1A200] =	vst v63  }
0x4d: {  	_ = 	snop  }
0x4e: {  	[tilespmem:s30], [sflag:$0x2] =	stream.indirect.gather [hbm4b:s5+s28], $0x10, s23, s28, $0xb8;
	[tilespmem:$0x1A200] =	vst v63  }
0x4f: {  	_ = 	snop  }
0x50: {  	[tilespmem:s31], [sflag:$0x4] =	stream.indirect.gather [hbm4b:s4+s28], $0x50, s28, s28, $0xb8;
	[tilespmem:$0x1A200] =	vst v63  }
0x51: {  	_ = 	snop  }
0x52: {  	[tilespmem:s2], [sflag:$0x5] =	stream.indirect.gather [hbm4b:s5+s28], $0x10, s25, s28, $0xb8;
	[tilespmem:$0x1A200] =	vst v63  }
0x53: {  	_ =	swait.ge [sflag:s6], $0x2800  }
0x54: {  	[sflag:s6] =	ssyncset.done $0x0  }
0x55: {  	[sflag:s6] =	ssyncadd.s32 $0xFFFFD800  }
0x56: {  	_ =	swait.ge [sflag:s0], $0x800  }
0x57: {  	[sflag:s0] =	ssyncset.done $0x0  }
0x58: {  	s18 =	simm.s32 $0x2AA0;
	[sflag:s0] =	ssyncadd.s32 $0xFFFFF800  }
0x59: {  	s20 =	simm.s32 $0x7A20;
	v1 =	vld [tilespmem:s18+$0x50]  }
0x5a: {  	v2 =	vld [tilespmem:s20+$0x10];
	_ =	sdelay $0x3  }
0x5b: {  	v4 =	vld [tilespmem:s18+$0xFFFFFFB0]  }
0x5c: {  	v5 =	vld [tilespmem:s18+$0x0];
	v1 =	vadd.f32 v2, v1  }
0x5d: {  	v2 =	vld [tilespmem:s20+$0xFFFFFFF0]  }
0x5e: {  	v7 =	vld [tilespmem:s20+$0x0];
	v6 =	vmul.f32 $2.000000030e-01, v1;
	_ =	sdelay $0x1  }
0x5f: {  	v3 =	vld [tilespmem:s20+$0xFFFFFFE0];
	v1 =	vmax.f32 v1, v6  }
0x60: {  	v8 =	vld [tilespmem:s18+$0xFFFFFF60];
	v1 =	vmul.f32 $1.442695020e+00, v1  }
0x61: {  	v2 =	vadd.f32 v2, v4  }
0x62: {  	(erf) = vpow2.f32 v1;
	v1 =	vadd.f32 v7, v5  }
0x63: {  	v4 =	vmul.f32 $2.000000030e-01, v2  }
0x64: {  	v5 =	vmul.f32 $2.000000030e-01, v1  }
0x65: {  	v3 =	vadd.f32 v3, v8;
	v2 =	vmax.f32 v2, v4  }
0x66: {  	v2 =	vmul.f32 $1.442695020e+00, v2;
	v1 =	vmax.f32 v1, v5  }
0x67: {  	s13 =	simm.s32 $0x2BE0;
	v4 =	vmul.f32 $2.000000030e-01, v3;
	v1 =	vmul.f32 $1.442695020e+00, v1  }
0x68: {  	s21 =	simm.s32 $0x7A60;
	(erf) = vpow2.f32 v2;
	v2 =	vld [tilespmem:s13+$0x50]  }
0x69: {  	v3 =	vmax.f32 v3, v4;
	(erf) = vpow2.f32 v1;
	v1 =	vld [tilespmem:s21+$0x10]  }
0x6a: {  	v3 =	vmul.f32 $1.442695020e+00, v3  }
0x6b: {  	s14 =	simm.s32 $0x8AA0;
	v5 =	vpop (erf)  }
0x6c: {  	(erf) = vpow2.f32 v3;
	[tilespmem:s14+$0x50] =	vst v5  }
0x6d: {  	v3 =	vld [tilespmem:s18+$0x60]  }
0x6e: {  	v11 =	vld [tilespmem:s13+$0x0];
	v2 =	vadd.f32 v1, v2  }
0x6f: {  	v12 =	vld [tilespmem:s21+$0x0]  }
0x70: {  	v6 =	vld [tilespmem:s13+$0xFFFFFFB0];
	v8 =	vmul.f32 $2.000000030e-01, v2  }
0x71: {  	v7 =	vld [tilespmem:s21+$0xFFFFFFF0]  }
0x72: {  	v4 =	vld [tilespmem:s21+$0xFFFFFFE0];
	v3 =	vmul.f32 v5, v3;
	v2 =	vmax.f32 v2, v8  }
0x73: {  	v9 =	vpop (erf);
	v8 =	vld [tilespmem:s13+$0xFFFFFF60];
	v2 =	vmul.f32 $1.442695020e+00, v2  }
0x74: {  	v1 =	vpop (erf);
	[tilespmem:s14+$0x60] =	vst v3  }
0x75: {  	v10 =	vpop (erf);
	v3 =	vld [tilespmem:s18+$0x70];
	(erf) = vpow2.f32 v2  }
0x76: {  	[tilespmem:s14+$0xFFFFFF60] =	vst v10;
	v2 =	vadd.f32 v7, v6  }
0x77: {  	v13 =	vld [tilespmem:s18+$0xFFFFFF70];
	v6 =	vadd.f32 v12, v11  }
0x78: {  	[tilespmem:s14+$0xFFFFFFB0] =	vst v9;
	v7 =	vmul.f32 $2.000000030e-01, v2;
	v4 =	vadd.f32 v4, v8  }
0x79: {  	s16 =	simm.s32 $0x2D20;
	v8 =	vld [tilespmem:s18+$0xFFFFFFC0];
	v11 =	vmul.f32 $2.000000030e-01, v6  }
0x7a: {  	s22 =	simm.s32 $0x7AA0;
	v14 =	vld [tilespmem:s16+$0xFFFFFFB0];
	v2 =	vmax.f32 v2, v7;
	v7 =	vmul.f32 $2.000000030e-01, v4;
	v3 =	vmul.f32 v5, v3  }
0x7b: {  	v15 =	vld [tilespmem:s22+$0xFFFFFFF0];
	[tilespmem:s14+$0x0] =	vst v1;
	v6 =	vmax.f32 v6, v11;
	v2 =	vmul.f32 $1.442695020e+00, v2  }
0x7c: {  	v16 =	vld [tilespmem:s16+$0x0];
	v12 =	vmul.f32 v10, v13;
	[tilespmem:s14+$0x70] =	vst v3;
	v3 =	vmax.f32 v4, v7;
	v4 =	vmul.f32 $1.442695020e+00, v6  }
0x7d: {  	v13 =	vld [tilespmem:s18+$0x10];
	(erf) = vpow2.f32 v2;
	v3 =	vmul.f32 $1.442695020e+00, v3  }
0x7e: {  	s15 =	simm.s32 $0x8BE0;
	v2 =	vmul.f32 v9, v8;
	(erf) = vpow2.f32 v4;
	v4 =	vld [tilespmem:s16+$0x50];
	v11 =	vpop (erf)  }
0x7f: {  	(erf) = vpow2.f32 v3;
	v3 =	vld [tilespmem:s22+$0x10];
	[tilespmem:s15+$0x50] =	vst v11  }
0x80: {  	[tilespmem:s14+$0xFFFFFFC0] =	vst v2;
	v2 =	vld [tilespmem:s13+$0x60]  }
0x81: {  	v19 =	vld [tilespmem:s16+$0xFFFFFF60]  }
0x82: {  	s19 =	simm.s32 $0x7AE0;
	v6 =	vld [tilespmem:s18+$0x80]  }
0x83: {  	v22 =	vld [tilespmem:s19+$0xFFFFFFE0]  }
0x84: {  	[tilespmem:s14+$0xFFFFFF70] =	vst v12;
	v12 =	vld [tilespmem:s22+$0xFFFFFFE0];
	v18 =	vadd.f32 v3, v4;
	v4 =	vmul.f32 v1, v13  }
0x85: {  	v7 =	vld [tilespmem:s18+$0xFFFFFF80];
	v17 =	vmul.f32 v11, v2  }
0x86: {  	v8 =	vld [tilespmem:s18+$0xFFFFFFD0];
	[tilespmem:s14+$0x10] =	vst v4  }
0x87: {  	v6 =	vmul.f32 v6, v5;
	v13 =	vld [tilespmem:s22+$0x0];
	[tilespmem:s15+$0x60] =	vst v17;
	v17 =	vmul.f32 $2.000000030e-01, v18  }
0x88: {  	v21 =	vld [tilespmem:s18+$0x20]  }
0x89: {  	s17 =	simm.s32 $0x2E60;
	[tilespmem:s14+$0x80] =	vst v6;
	v3 =	vpop (erf);
	v20 =	vld [tilespmem:s13+$0x70];
	v17 =	vmax.f32 v18, v17  }
0x8a: {  	v23 =	vld [tilespmem:s17+$0xFFFFFFB0];
	[tilespmem:s15+$0xFFFFFFB0] =	vst v3;
	v2 =	vpop (erf);
	v17 =	vmul.f32 $1.442695020e+00, v17  }
0x8b: {  	v14 =	vadd.f32 v15, v14;
	v8 =	vmul.f32 v9, v8;
	v15 =	vld [tilespmem:s13+$0xFFFFFFC0];
	v4 =	vpop (erf);
	[tilespmem:s15+$0x0] =	vst v2  }
0x8c: {  	v7 =	vmul.f32 v10, v7;
	[tilespmem:s15+$0xFFFFFF60] =	vst v4;
	v6 =	vadd.f32 v13, v16;
	v13 =	vld [tilespmem:s13+$0x10];
	(erf) = vpow2.f32 v17  }
0x8d: {  	v12 =	vadd.f32 v12, v19;
	[tilespmem:s14+$0xFFFFFFD0] =	vst v8;
	v16 =	vmul.f32 $2.000000030e-01, v14;
	v18 =	vld [tilespmem:s13+$0xFFFFFF70];
	v8 =	vmul.f32 v1, v21  }
0x8e: {  	v24 =	vld [tilespmem:s17+$0x0];
	[tilespmem:s14+$0xFFFFFF80] =	vst v7;
	v17 =	vmul.f32 v11, v20  }
0x8f: {  	v54 =	vmul.f32 $2.000000030e-01, v12;
	v7 =	vld [tilespmem:s18+$0x90];
	v53 =	vmul.f32 $2.000000030e-01, v6;
	v14 =	vmax.f32 v14, v16;
	[tilespmem:s14+$0x20] =	vst v8  }
0x90: {  	v16 =	vld [tilespmem:s18+$0xFFFFFFE0];
	v8 =	vmul.f32 $1.442695020e+00, v14;
	v14 =	vmul.f32 v3, v15;
	[tilespmem:s15+$0x70] =	vst v17  }
0x91: {  	v6 =	vmax.f32 v6, v53;
	v13 =	vmul.f32 v2, v13;
	v15 =	vld [tilespmem:s13+$0x80]  }
0x92: {  	v19 =	vld [tilespmem:s18+$0xFFFFFF90];
	v12 =	vmax.f32 v12, v54;
	v6 =	vmul.f32 $1.442695020e+00, v6;
	v18 =	vmul.f32 v4, v18;
	[tilespmem:s15+$0xFFFFFFC0] =	vst v14  }
0x93: {  	v12 =	vmul.f32 $1.442695020e+00, v12;
	(erf) = vpow2.f32 v8;
	[tilespmem:s15+$0x10] =	vst v13;
	v14 =	vld [tilespmem:s13+$0xFFFFFFD0]  }
0x94: {  	v13 =	vld [tilespmem:s17+$0x50];
	[tilespmem:s15+$0xFFFFFF70] =	vst v18;
	(erf) = vpow2.f32 v6  }
0x95: {  	s20 =	simm.s32 $0x8D20;
	v18 =	vld [tilespmem:s13+$0xFFFFFF80];
	(erf) = vpow2.f32 v12;
	v8 =	vpop (erf)  }
0x96: {  	v16 =	vmul.f32 v16, v9;
	v6 =	vmul.f32 v15, v11;
	v15 =	vld [tilespmem:s19+$0x10];
	[tilespmem:s20+$0x50] =	vst v8  }
0x97: {  	v55 =	vld [tilespmem:s16+$0x60]  }
0x98: {  	v25 =	vld [tilespmem:s19+$0x0];
	[tilespmem:s14+$0xFFFFFFE0] =	vst v16;
	v14 =	vmul.f32 v3, v14  }
0x99: {  	v17 =	vld [tilespmem:s18+$0x30];
	[tilespmem:s15+$0x80] =	vst v6;
	v6 =	vmul.f32 v7, v5  }
0x9a: {  	v12 =	vld [tilespmem:s13+$0x20];
	v7 =	vmul.f32 v19, v10;
	[tilespmem:s15+$0xFFFFFFD0] =	vst v14  }
0x9b: {  	v19 =	vld [tilespmem:s19+$0xFFFFFFF0];
	v18 =	vmul.f32 v4, v18;
	[tilespmem:s14+$0x90] =	vst v6  }
0x9c: {  	v63 =	vld [tilespmem:s18+$0xFFFFFFF0];
	v5 =	vpop (erf);
	[tilespmem:s14+$0xFFFFFF90] =	vst v7;
	v13 =	vadd.f32 v15, v13;
	v20 =	vmul.f32 v8, v55  }
0x9d: {  	[tilespmem:s15+$0xFFFFFF80] =	vst v18;
	v15 =	vld [tilespmem:s17+$0xFFFFFF60];
	v6 =	vpop (erf)  }
0x9e: {  	v56 =	vld [tilespmem:s13+$0x90];
	v7 =	vpop (erf);
	v57 =	vmul.f32 $2.000000030e-01, v13;
	[tilespmem:s20+$0x60] =	vst v20  }
0x9f: {  	v12 =	vmul.f32 v2, v12;
	[tilespmem:s20+$0xFFFFFF60] =	vst v7;
	v58 =	vld [tilespmem:s16+$0x70]  }
0xa0: {  	v18 =	vadd.f32 v25, v24;
	[tilespmem:s20+$0xFFFFFFB0] =	vst v5;
	v19 =	vadd.f32 v19, v23;
	v26 =	vld [tilespmem:s16+$0xFFFFFF70];
	v13 =	vmax.f32 v13, v57  }
0xa1: {  	v17 =	vmul.f32 v17, v1;
	[tilespmem:s15+$0x20] =	vst v12;
	v59 =	vld [tilespmem:s16+$0xFFFFFFC0];
	v13 =	vmul.f32 $1.442695020e+00, v13  }
0xa2: {  	v62 =	vld [tilespmem:s13+$0xFFFFFFE0];
	v12 =	vmul.f32 $2.000000030e-01, v18;
	[tilespmem:s20+$0x0] =	vst v6;
	v14 =	vmul.f32 $2.000000030e-01, v19;
	v15 =	vadd.f32 v22, v15  }
0xa3: {  	v60 =	vld [tilespmem:s16+$0x10];
	v11 =	vmul.f32 v56, v11;
	(erf) = vpow2.f32 v13  }
0xa4: {  	v61 =	vld [tilespmem:s13+$0xFFFFFF90];
	v13 =	vmax.f32 v19, v14;
	v14 =	vmul.f32 $2.000000030e-01, v15;
	v16 =	vmul.f32 v8, v58  }
0xa5: {  	v12 =	vmax.f32 v18, v12;
	v18 =	vld [tilespmem:s18+$0xFFFFFFA0];
	[tilespmem:s15+$0x90] =	vst v11;
	v11 =	vmul.f32 $1.442695020e+00, v13;
	v13 =	vmul.f32 v7, v26  }
0xa6: {  	v12 =	vmul.f32 $1.442695020e+00, v12;
	v19 =	vld [tilespmem:s13+$0x30];
	v14 =	vmax.f32 v15, v14;
	v15 =	vmul.f32 v5, v59;
	[tilespmem:s20+$0x70] =	vst v16  }
0xa7: {  	v14 =	vmul.f32 $1.442695020e+00, v14;
	(erf) = vpow2.f32 v11;
	[tilespmem:s20+$0xFFFFFF70] =	vst v13;
	v16 =	vld [tilespmem:s16+$0x80]  }
0xa8: {  	v11 =	vmul.f32 v6, v60;
	(erf) = vpow2.f32 v12;
	[tilespmem:s20+$0xFFFFFFC0] =	vst v15;
	v13 =	vld [tilespmem:s16+$0xFFFFFF80]  }
0xa9: {  	[tilespmem:s14+$0x30] =	vst v17;
	v21 =	vmul.f32 v61, v4;
	(erf) = vpow2.f32 v14;
	v14 =	vld [tilespmem:s16+$0xFFFFFFD0]  }
0xaa: {  	v9 =	vmul.f32 v63, v9;
	v17 =	vmul.f32 v62, v3;
	v12 =	vld [tilespmem:s18+$0x40];
	[tilespmem:s20+$0x10] =	vst v11  }
0xab: {  	s21 =	simm.s32 $0xC;
	s22 =	simm.s32 $0x2FA0;
	[tilespmem:s15+$0xFFFFFF90] =	vst v21;
	v10 =	vmul.f32 v18, v10;
	s18 =	simm.s32 $0x8D20;
	v11 =	vmul.f32 v19, v2;
	v15 =	vld [tilespmem:s16+$0x20]  }
.LBB2_4:
0xac: {  	v18 =	vld [tilespmem:s22+$0x50];
	s19 =	sadd.s32 $0x40, s19;
	v19 =	vpop (erf);
	v16 =	vmul.f32 v16, v8;
	s20 =	sadd.s32 $0x140, s20;
	[tilespmem:s15+$0xFFFFFFE0] =	vst v17;
	v20 =	vmov v4;
	v4 =	vmov v7  }
0xad: {  	v17 =	vld [tilespmem:s19+$0x10];
	[tilespmem:s20+$0x50] =	vst v19;
	v7 =	vmul.f32 v4, v13  }
0xae: {  	v13 =	vld [tilespmem:s17+$0x60];
	v14 =	vmul.f32 v5, v14;
	[tilespmem:s18+$0x80] =	vst v16  }
0xaf: {  	[tilespmem:s18+$0xFFFFFF80] =	vst v7;
	v16 =	vld [tilespmem:s16+$0x90];
	v12 =	vmul.f32 v12, v1;
	v1 =	vmov v2;
	v2 =	vmov v6  }
0xb0: {  	s21 =	sadd.s32 $0x4, s21;
	v21 =	vld [tilespmem:s19+$0xFFFFFFE0];
	v22 =	vpop (erf);
	[tilespmem:s18+$0xFFFFFFD0] =	vst v14;
	v14 =	vmul.f32 v2, v15  }
0xb1: {  	p0 =	slt.u32 s21, $0x7C;
	v15 =	vld [tilespmem:s22+$0xFFFFFFB0];
	[tilespmem:s20+$0xFFFFFFB0] =	vst v22;
	v6 =	vpop (erf)  }
0xb2: {  	v23 =	vld [tilespmem:s19+$0xFFFFFFF0];
	[tilespmem:s20+$0x0] =	vst v6;
	v7 =	vpop (erf)  }
0xb3: {  	v24 =	vld [tilespmem:s22+$0x0];
	[tilespmem:s20+$0xFFFFFF60] =	vst v7;
	v13 =	vmul.f32 v19, v13  }
0xb4: {  	v17 =	vadd.f32 v17, v18;
	v25 =	vld [tilespmem:s19+$0x0];
	[tilespmem:s18+$0x20] =	vst v14;
	v14 =	vmul.f32 v16, v8;
	v8 =	vmov v19  }
0xb5: {  	v16 =	vld [tilespmem:s22+$0xFFFFFF60];
	[tilespmem:s20+$0x60] =	vst v13  }
0xb6: {  	v13 =	vmul.f32 $2.000000030e-01, v17;
	v18 =	vld [tilespmem:s17+$0xFFFFFF70];
	[tilespmem:s18+$0x90] =	vst v14  }
0xb7: {  	v14 =	vadd.f32 v23, v15;
	v15 =	vld [tilespmem:s17+$0x70];
	[tilespmem:s15+$0x30] =	vst v11  }
0xb8: {  	v11 =	vmax.f32 v17, v13;
	v13 =	vld [tilespmem:s17+$0xFFFFFFC0];
	[tilespmem:s14+$0xFFFFFFA0] =	vst v10  }
0xb9: {  	v11 =	vmul.f32 $1.442695020e+00, v11;
	v10 =	vmul.f32 $2.000000030e-01, v14;
	v17 =	vadd.f32 v25, v24;
	v19 =	vld [tilespmem:s17+$0x10];
	[tilespmem:s14+$0xFFFFFFF0] =	vst v9  }
0xba: {  	v9 =	vadd.f32 v21, v16;
	v21 =	vld [tilespmem:s16+$0xFFFFFF90];
	[tilespmem:s14+$0x40] =	vst v12;
	s14 =	smov.u32 s15;
	s15 =	smov.u32 s18;
	s18 =	smov.u32 s20  }
0xbb: {  	v10 =	vmax.f32 v14, v10;
	v12 =	vmul.f32 $2.000000030e-01, v17;
	(erf) = vpow2.f32 v11;
	v11 =	vld [tilespmem:s16+$0xFFFFFFE0]  }
0xbc: {  	v14 =	vmul.f32 $2.000000030e-01, v9;
	v15 =	vmul.f32 v8, v15;
	v23 =	vld [tilespmem:s16+$0x30]  }
0xbd: {  	v16 =	vmul.f32 v7, v18;
	v10 =	vmul.f32 $1.442695020e+00, v10;
	v12 =	vmax.f32 v17, v12;
	v18 =	vld [tilespmem:s13+$0xFFFFFFA0]  }
0xbe: {  	v9 =	vmax.f32 v9, v14;
	v12 =	vmul.f32 $1.442695020e+00, v12;
	v14 =	vmul.f32 v22, v13;
	[tilespmem:s20+$0x70] =	vst v15;
	v24 =	vld [tilespmem:s13+$0xFFFFFFF0]  }
.Ltmp1:
0xbf: {  	v9 =	vmul.f32 $1.442695020e+00, v9;
	(erf) = vpow2.f32 v10;
	[tilespmem:s20+$0xFFFFFF70] =	vst v16;
	v16 =	vld [tilespmem:s17+$0x80];
	(pc) =	sbr.rel @p0 .LBB2_4-.Ltmp1, $4  }
0xc0: {  	v10 =	vmul.f32 v6, v19;
	(erf) = vpow2.f32 v12;
	v13 =	vld [tilespmem:s17+$0xFFFFFF80];
	[tilespmem:s20+$0xFFFFFFC0] =	vst v14  }
0xc1: {  	(erf) = vpow2.f32 v9;
	v14 =	vld [tilespmem:s17+$0xFFFFFFD0];
	v9 =	vmul.f32 v21, v4  }
0xc2: {  	v17 =	vmul.f32 v11, v5;
	v11 =	vmul.f32 v23, v2;
	[tilespmem:s20+$0x10] =	vst v10;
	v12 =	vld [tilespmem:s13+$0x40];
	s13 =	smov.u32 s16;
	s16 =	smov.u32 s17;
	s17 =	smov.u32 s22  }
0xc3: {  	s22 =	sadd.s32 $0x140, s22;
	v10 =	vmul.f32 v18, v20;
	v15 =	vld [tilespmem:s16+$0x20];
	[tilespmem:s15+$0xFFFFFF90] =	vst v9;
	v9 =	vmul.f32 v24, v3;
	v3 =	vmovc v5;
	v5 =	vmov v22  }
0xc4: {  	v18 =	vpop (erf);
	s3 =	sadd.s32 $0x140, s20  }
0xc5: {  	[tilespmem:s3+$0x50] =	vst v18  }
0xc6: {  	v19 =	vld [tilespmem:s17+$0x60];
	_ =	sdelay $0x2  }
0xc7: {  	v16 =	vmul.f32 v16, v8;
	_ =	sdelay $0x1  }
0xc8: {  	[tilespmem:s15+$0xFFFFFFE0] =	vst v17;
	v20 =	vpop (erf);
	v19 =	vmul.f32 v18, v19  }
0xc9: {  	[tilespmem:s18+$0x80] =	vst v16;
	v17 =	vpop (erf)  }
0xca: {  	v21 =	vld [tilespmem:s16+$0x90];
	v16 =	vpop (erf);
	[tilespmem:s3+$0x60] =	vst v19  }
0xcb: {  	v14 =	vmul.f32 v5, v14;
	[tilespmem:s3+$0xFFFFFF60] =	vst v16;
	v19 =	vld [tilespmem:s17+$0x70]  }
0xcc: {  	[tilespmem:s3+$0xFFFFFFB0] =	vst v20;
	v22 =	vld [tilespmem:s17+$0xFFFFFF70]  }
0xcd: {  	v13 =	vmul.f32 v7, v13;
	[tilespmem:s18+$0xFFFFFFD0] =	vst v14;
	v23 =	vld [tilespmem:s17+$0xFFFFFFC0]  }
0xce: {  	v14 =	vmul.f32 v6, v15;
	[tilespmem:s3+$0x0] =	vst v17  }
0xcf: {  	[tilespmem:s18+$0xFFFFFF80] =	vst v13;
	v13 =	vld [tilespmem:s17+$0x10];
	v8 =	vmul.f32 v21, v8  }
0xd0: {  	[tilespmem:s18+$0x20] =	vst v14;
	v19 =	vmul.f32 v18, v19  }
0xd1: {  	[tilespmem:s18+$0x90] =	vst v8;
	v14 =	vmul.f32 v16, v22  }
0xd2: {  	v8 =	vmul.f32 v20, v23;
	[tilespmem:s3+$0x70] =	vst v19  }
0xd3: {  	[tilespmem:s3+$0xFFFFFF70] =	vst v14;
	v15 =	vld [tilespmem:s17+$0x80]  }
0xd4: {  	v13 =	vmul.f32 v17, v13;
	[tilespmem:s3+$0xFFFFFFC0] =	vst v8;
	v14 =	vld [tilespmem:s17+$0xFFFFFF80]  }
0xd5: {  	[tilespmem:s14+$0xFFFFFFA0] =	vst v10;
	v8 =	vld [tilespmem:s17+$0xFFFFFFD0]  }
0xd6: {  	v10 =	vld [tilespmem:s16+$0xFFFFFF90];
	[tilespmem:s3+$0x10] =	vst v13  }
0xd7: {  	[tilespmem:s15+$0x30] =	vst v11;
	v1 =	vmul.f32 v12, v1;
	v11 =	vld [tilespmem:s17+$0x20]  }
0xd8: {  	[tilespmem:s14+$0xFFFFFFF0] =	vst v9;
	v12 =	vld [tilespmem:s16+$0xFFFFFFE0];
	v13 =	vmul.f32 v15, v18  }
0xd9: {  	[tilespmem:s14+$0x40] =	vst v1;
	v1 =	vld [tilespmem:s16+$0x30];
	v9 =	vmul.f32 v16, v14  }
0xda: {  	v8 =	vmul.f32 v20, v8;
	v14 =	vld [tilespmem:s13+$0xFFFFFFA0];
	[tilespmem:s3+$0x80] =	vst v13  }
0xdb: {  	[tilespmem:s3+$0xFFFFFF80] =	vst v9;
	v13 =	vld [tilespmem:s17+$0x90]  }
0xdc: {  	[tilespmem:s3+$0xFFFFFFD0] =	vst v8;
	v9 =	vmul.f32 v17, v11;
	v8 =	vld [tilespmem:s17+$0xFFFFFF90]  }
0xdd: {  	v10 =	vmul.f32 v10, v7  }
0xde: {  	v1 =	vmul.f32 v1, v6;
	[tilespmem:s3+$0x20] =	vst v9;
	v9 =	vld [tilespmem:s17+$0xFFFFFFE0]  }
0xdf: {  	[tilespmem:s18+$0xFFFFFF90] =	vst v10;
	v11 =	vmul.f32 v12, v5;
	v12 =	vld [tilespmem:s17+$0x30]  }
0xe0: {  	[tilespmem:s18+$0x30] =	vst v1;
	v4 =	vmul.f32 v14, v4;
	v10 =	vmul.f32 v13, v18;
	v13 =	vld [tilespmem:s13+$0xFFFFFFF0]  }
0xe1: {  	[tilespmem:s18+$0xFFFFFFE0] =	vst v11;
	v11 =	vld [tilespmem:s13+$0x40];
	v8 =	vmul.f32 v8, v16  }
0xe2: {  	v1 =	vld [tilespmem:s16+$0xFFFFFFA0];
	[tilespmem:s15+$0xFFFFFFA0] =	vst v4  }
0xe3: {  	v4 =	vld [tilespmem:s16+$0xFFFFFFF0];
	v9 =	vmul.f32 v9, v20;
	[tilespmem:s3+$0xFFFFFF90] =	vst v8  }
0xe4: {  	v8 =	vld [tilespmem:s17+$0xFFFFFFA0];
	[tilespmem:s3+$0x90] =	vst v10;
	v10 =	vmul.f32 v12, v17  }
0xe5: {  	[tilespmem:s3+$0xFFFFFFE0] =	vst v9;
	v12 =	vld [tilespmem:s16+$0x40];
	v3 =	vmul.f32 v13, v3  }
0xe6: {  	v2 =	vmul.f32 v11, v2;
	v9 =	vld [tilespmem:s17+$0xFFFFFFF0];
	[tilespmem:s3+$0x30] =	vst v10  }
0xe7: {  	v1 =	vmul.f32 v1, v7;
	[tilespmem:s15+$0xFFFFFFF0] =	vst v3;
	v3 =	vld [tilespmem:s17+$0x40]  }
0xe8: {  	[tilespmem:s15+$0x40] =	vst v2;
	v2 =	vmul.f32 v4, v5  }
0xe9: {  	[tilespmem:s18+$0xFFFFFFA0] =	vst v1;
	v1 =	vmul.f32 v8, v16  }
0xea: {  	[tilespmem:s18+$0xFFFFFFF0] =	vst v2;
	v4 =	vmul.f32 v12, v6  }
0xeb: {  	v2 =	vmul.f32 v9, v20;
	[tilespmem:s3+$0xFFFFFFA0] =	vst v1  }
0xec: {  	[tilespmem:s18+$0x40] =	vst v4;
	v3 =	vmul.f32 v3, v17  }
0xed: {  	[tilespmem:s3+$0xFFFFFFF0] =	vst v2  }
0xee: {  	[tilespmem:s3+$0x40] =	vst v3  }
0xef: {  	[spmem:s1] =	stream.indirect.scatter.add.f32 [tilespmem:s26], [sflag:$0x3], $0x50, s23, s28, $0xb8;
	[tilespmem:$0x1A200] =	vst v63  }
0xf0: {  	s19 =	simm.s32 $0x100  }
0xf1: {  	[tilespmem:s29], [sflag:$0x1] =	stream.indirect.gather [hbm4b:s4+s28], $0x50, s19, s28, $0xb8;
	[tilespmem:$0x1A200] =	vst v63  }
0xf2: {  	s20 =	simm.s32 $0x1600  }
0xf3: {  	[tilespmem:s30], [sflag:$0x2] =	stream.indirect.gather [hbm4b:s5+s28], $0x10, s20, s28, $0xb8;
	[tilespmem:$0x1A200] =	vst v63  }
0xf4: {  	_ =	swait.ge [sflag:s7], $0x2800  }
0xf5: {  	[sflag:s7] =	ssyncset.done $0x0  }
0xf6: {  	[sflag:s7] =	ssyncadd.s32 $0xFFFFD800  }
0xf7: {  	_ =	swait.ge [sflag:s8], $0x800  }
0xf8: {  	[sflag:s8] =	ssyncset.done $0x0  }
0xf9: {  	s18 =	simm.s32 $0x5330;
	[sflag:s8] =	ssyncadd.s32 $0xFFFFF800  }
0xfa: {  	s21 =	simm.s32 $0x8230;
	v1 =	vld [tilespmem:s18+$0xFFFFFFC0]  }
0xfb: {  	v2 =	vld [tilespmem:s21+$0x0];
	_ =	sdelay $0x3  }
0xfc: {  	v4 =	vld [tilespmem:s18+$0xFFFFFF20]  }
0xfd: {  	v5 =	vld [tilespmem:s18+$0xFFFFFF70];
	v1 =	vadd.f32 v2, v1  }
0xfe: {  	v2 =	vld [tilespmem:s21+$0xFFFFFFE0]  }
0xff: {  	v7 =	vld [tilespmem:s21+$0xFFFFFFF0];
	v6 =	vmul.f32 $2.000000030e-01, v1;
	_ =	sdelay $0x1  }
0x100: {  	v3 =	vld [tilespmem:s21+$0xFFFFFFD0];
	v1 =	vmax.f32 v1, v6  }
0x101: {  	v8 =	vld [tilespmem:s18+$0xFFFFFED0];
	v1 =	vmul.f32 $1.442695020e+00, v1  }
0x102: {  	v2 =	vadd.f32 v2, v4  }
0x103: {  	(erf) = vpow2.f32 v1;
	v1 =	vadd.f32 v7, v5  }
0x104: {  	v4 =	vmul.f32 $2.000000030e-01, v2  }
0x105: {  	v5 =	vmul.f32 $2.000000030e-01, v1  }
0x106: {  	v3 =	vadd.f32 v3, v8;
	v2 =	vmax.f32 v2, v4  }
0x107: {  	v2 =	vmul.f32 $1.442695020e+00, v2;
	v1 =	vmax.f32 v1, v5  }
0x108: {  	s13 =	simm.s32 $0x5470;
	v4 =	vmul.f32 $2.000000030e-01, v3;
	v1 =	vmul.f32 $1.442695020e+00, v1  }
0x109: {  	s22 =	simm.s32 $0x8270;
	(erf) = vpow2.f32 v2;
	v2 =	vld [tilespmem:s13+$0xFFFFFFC0]  }
0x10a: {  	v3 =	vmax.f32 v3, v4;
	(erf) = vpow2.f32 v1;
	v1 =	vld [tilespmem:s22+$0x0]  }
0x10b: {  	v3 =	vmul.f32 $1.442695020e+00, v3  }
0x10c: {  	s14 =	simm.s32 $0xB330;
	v5 =	vpop (erf)  }
0x10d: {  	(erf) = vpow2.f32 v3;
	[tilespmem:s14+$0xFFFFFFC0] =	vst v5  }
0x10e: {  	v3 =	vld [tilespmem:s18+$0xFFFFFFD0]  }
0x10f: {  	v11 =	vld [tilespmem:s13+$0xFFFFFF70];
	v2 =	vadd.f32 v1, v2  }
0x110: {  	v12 =	vld [tilespmem:s22+$0xFFFFFFF0]  }
0x111: {  	v6 =	vld [tilespmem:s13+$0xFFFFFF20];
	v8 =	vmul.f32 $2.000000030e-01, v2  }
0x112: {  	v7 =	vld [tilespmem:s22+$0xFFFFFFE0]  }
0x113: {  	v4 =	vld [tilespmem:s22+$0xFFFFFFD0];
	v3 =	vmul.f32 v5, v3;
	v2 =	vmax.f32 v2, v8  }
0x114: {  	v9 =	vpop (erf);
	v8 =	vld [tilespmem:s13+$0xFFFFFED0];
	v2 =	vmul.f32 $1.442695020e+00, v2  }
0x115: {  	v1 =	vpop (erf);
	[tilespmem:s14+$0xFFFFFFD0] =	vst v3  }
0x116: {  	v10 =	vpop (erf);
	v3 =	vld [tilespmem:s18+$0xFFFFFFE0];
	(erf) = vpow2.f32 v2  }
0x117: {  	[tilespmem:s14+$0xFFFFFED0] =	vst v10;
	v2 =	vadd.f32 v7, v6  }
0x118: {  	v13 =	vld [tilespmem:s18+$0xFFFFFEE0];
	v6 =	vadd.f32 v12, v11  }
0x119: {  	[tilespmem:s14+$0xFFFFFF20] =	vst v9;
	v7 =	vmul.f32 $2.000000030e-01, v2;
	v4 =	vadd.f32 v4, v8  }
0x11a: {  	s16 =	simm.s32 $0x55B0;
	v8 =	vld [tilespmem:s18+$0xFFFFFF30];
	v11 =	vmul.f32 $2.000000030e-01, v6  }
0x11b: {  	s23 =	simm.s32 $0x82B0;
	v14 =	vld [tilespmem:s16+$0xFFFFFF20];
	v2 =	vmax.f32 v2, v7;
	v7 =	vmul.f32 $2.000000030e-01, v4;
	v3 =	vmul.f32 v5, v3  }
0x11c: {  	v15 =	vld [tilespmem:s23+$0xFFFFFFE0];
	[tilespmem:s14+$0xFFFFFF70] =	vst v1;
	v6 =	vmax.f32 v6, v11;
	v2 =	vmul.f32 $1.442695020e+00, v2  }
0x11d: {  	v16 =	vld [tilespmem:s16+$0xFFFFFF70];
	v12 =	vmul.f32 v10, v13;
	[tilespmem:s14+$0xFFFFFFE0] =	vst v3;
	v3 =	vmax.f32 v4, v7;
	v4 =	vmul.f32 $1.442695020e+00, v6  }
0x11e: {  	v13 =	vld [tilespmem:s18+$0xFFFFFF80];
	(erf) = vpow2.f32 v2;
	v3 =	vmul.f32 $1.442695020e+00, v3  }
0x11f: {  	s15 =	simm.s32 $0xB470;
	v2 =	vmul.f32 v9, v8;
	(erf) = vpow2.f32 v4;
	v4 =	vld [tilespmem:s16+$0xFFFFFFC0];
	v11 =	vpop (erf)  }
0x120: {  	(erf) = vpow2.f32 v3;
	v3 =	vld [tilespmem:s23+$0x0];
	[tilespmem:s15+$0xFFFFFFC0] =	vst v11  }
0x121: {  	[tilespmem:s14+$0xFFFFFF30] =	vst v2;
	v2 =	vld [tilespmem:s13+$0xFFFFFFD0]  }
0x122: {  	v19 =	vld [tilespmem:s16+$0xFFFFFED0]  }
0x123: {  	s19 =	simm.s32 $0x82F0;
	v6 =	vld [tilespmem:s18+$0xFFFFFFF0]  }
0x124: {  	v55 =	vld [tilespmem:s19+$0xFFFFFFD0]  }
0x125: {  	[tilespmem:s14+$0xFFFFFEE0] =	vst v12;
	v12 =	vld [tilespmem:s23+$0xFFFFFFD0];
	v18 =	vadd.f32 v3, v4;
	v4 =	vmul.f32 v1, v13  }
0x126: {  	v7 =	vld [tilespmem:s18+$0xFFFFFEF0];
	v17 =	vmul.f32 v11, v2  }
0x127: {  	v8 =	vld [tilespmem:s18+$0xFFFFFF40];
	[tilespmem:s14+$0xFFFFFF80] =	vst v4  }
0x128: {  	v6 =	vmul.f32 v6, v5;
	v13 =	vld [tilespmem:s23+$0xFFFFFFF0];
	[tilespmem:s15+$0xFFFFFFD0] =	vst v17;
	v17 =	vmul.f32 $2.000000030e-01, v18  }
0x129: {  	v50 =	vld [tilespmem:s18+$0xFFFFFF90]  }
0x12a: {  	s17 =	simm.s32 $0x56F0;
	[tilespmem:s14+$0xFFFFFFF0] =	vst v6;
	v3 =	vpop (erf);
	v49 =	vld [tilespmem:s13+$0xFFFFFFE0];
	v17 =	vmax.f32 v18, v17  }
0x12b: {  	v56 =	vld [tilespmem:s17+$0xFFFFFF20];
	[tilespmem:s15+$0xFFFFFF20] =	vst v3;
	v2 =	vpop (erf);
	v17 =	vmul.f32 $1.442695020e+00, v17  }
0x12c: {  	v14 =	vadd.f32 v15, v14;
	v8 =	vmul.f32 v9, v8;
	v15 =	vld [tilespmem:s13+$0xFFFFFF30];
	v4 =	vpop (erf);
	[tilespmem:s15+$0xFFFFFF70] =	vst v2  }
0x12d: {  	v7 =	vmul.f32 v10, v7;
	[tilespmem:s15+$0xFFFFFED0] =	vst v4;
	v6 =	vadd.f32 v13, v16;
	v13 =	vld [tilespmem:s13+$0xFFFFFF80];
	(erf) = vpow2.f32 v17  }
0x12e: {  	v12 =	vadd.f32 v12, v19;
	[tilespmem:s14+$0xFFFFFF40] =	vst v8;
	v16 =	vmul.f32 $2.000000030e-01, v14;
	v18 =	vld [tilespmem:s13+$0xFFFFFEE0];
	v8 =	vmul.f32 v1, v50  }
0x12f: {  	v24 =	vld [tilespmem:s17+$0xFFFFFF70];
	[tilespmem:s14+$0xFFFFFEF0] =	vst v7;
	v17 =	vmul.f32 v11, v49  }
0x130: {  	v52 =	vmul.f32 $2.000000030e-01, v12;
	v7 =	vld [tilespmem:s18+$0x0];
	v51 =	vmul.f32 $2.000000030e-01, v6;
	v14 =	vmax.f32 v14, v16;
	[tilespmem:s14+$0xFFFFFF90] =	vst v8  }
0x131: {  	v16 =	vld [tilespmem:s18+$0xFFFFFF50];
	v8 =	vmul.f32 $1.442695020e+00, v14;
	v14 =	vmul.f32 v3, v15;
	[tilespmem:s15+$0xFFFFFFE0] =	vst v17  }
0x132: {  	v6 =	vmax.f32 v6, v51;
	v13 =	vmul.f32 v2, v13;
	v15 =	vld [tilespmem:s13+$0xFFFFFFF0]  }
0x133: {  	v19 =	vld [tilespmem:s18+$0xFFFFFF00];
	v12 =	vmax.f32 v12, v52;
	v6 =	vmul.f32 $1.442695020e+00, v6;
	v18 =	vmul.f32 v4, v18;
	[tilespmem:s15+$0xFFFFFF30] =	vst v14  }
0x134: {  	v12 =	vmul.f32 $1.442695020e+00, v12;
	(erf) = vpow2.f32 v8;
	[tilespmem:s15+$0xFFFFFF80] =	vst v13;
	v14 =	vld [tilespmem:s13+$0xFFFFFF40]  }
0x135: {  	v13 =	vld [tilespmem:s17+$0xFFFFFFC0];
	[tilespmem:s15+$0xFFFFFEE0] =	vst v18;
	(erf) = vpow2.f32 v6  }
0x136: {  	s20 =	simm.s32 $0xB5B0;
	v18 =	vld [tilespmem:s13+$0xFFFFFEF0];
	(erf) = vpow2.f32 v12;
	v8 =	vpop (erf)  }
0x137: {  	v16 =	vmul.f32 v16, v9;
	v6 =	vmul.f32 v15, v11;
	v15 =	vld [tilespmem:s19+$0x0];
	[tilespmem:s20+$0xFFFFFFC0] =	vst v8  }
0x138: {  	v53 =	vld [tilespmem:s16+$0xFFFFFFD0]  }
0x139: {  	v25 =	vld [tilespmem:s19+$0xFFFFFFF0];
	[tilespmem:s14+$0xFFFFFF50] =	vst v16;
	v14 =	vmul.f32 v3, v14  }
0x13a: {  	v17 =	vld [tilespmem:s18+$0xFFFFFFA0];
	[tilespmem:s15+$0xFFFFFFF0] =	vst v6;
	v6 =	vmul.f32 v7, v5  }
0x13b: {  	v12 =	vld [tilespmem:s13+$0xFFFFFF90];
	v7 =	vmul.f32 v19, v10;
	[tilespmem:s15+$0xFFFFFF40] =	vst v14  }
0x13c: {  	v19 =	vld [tilespmem:s19+$0xFFFFFFE0];
	v18 =	vmul.f32 v4, v18;
	[tilespmem:s14+$0x0] =	vst v6  }
0x13d: {  	v63 =	vld [tilespmem:s18+$0xFFFFFF60];
	v5 =	vpop (erf);
	[tilespmem:s14+$0xFFFFFF00] =	vst v7;
	v13 =	vadd.f32 v15, v13;
	v20 =	vmul.f32 v8, v53  }
0x13e: {  	[tilespmem:s15+$0xFFFFFEF0] =	vst v18;
	v15 =	vld [tilespmem:s17+$0xFFFFFED0];
	v6 =	vpop (erf)  }
0x13f: {  	v54 =	vld [tilespmem:s13+$0x0];
	v7 =	vpop (erf);
	v57 =	vmul.f32 $2.000000030e-01, v13;
	[tilespmem:s20+$0xFFFFFFD0] =	vst v20  }
0x140: {  	v12 =	vmul.f32 v2, v12;
	[tilespmem:s20+$0xFFFFFED0] =	vst v7;
	v58 =	vld [tilespmem:s16+$0xFFFFFFE0]  }
0x141: {  	v18 =	vadd.f32 v25, v24;
	[tilespmem:s20+$0xFFFFFF20] =	vst v5;
	v19 =	vadd.f32 v19, v56;
	v26 =	vld [tilespmem:s16+$0xFFFFFEE0];
	v13 =	vmax.f32 v13, v57  }
0x142: {  	v17 =	vmul.f32 v17, v1;
	[tilespmem:s15+$0xFFFFFF90] =	vst v12;
	v59 =	vld [tilespmem:s16+$0xFFFFFF30];
	v13 =	vmul.f32 $1.442695020e+00, v13  }
0x143: {  	v62 =	vld [tilespmem:s13+$0xFFFFFF50];
	v12 =	vmul.f32 $2.000000030e-01, v18;
	[tilespmem:s20+$0xFFFFFF70] =	vst v6;
	v14 =	vmul.f32 $2.000000030e-01, v19;
	v15 =	vadd.f32 v55, v15  }
0x144: {  	v60 =	vld [tilespmem:s16+$0xFFFFFF80];
	v11 =	vmul.f32 v54, v11;
	(erf) = vpow2.f32 v13  }
0x145: {  	v61 =	vld [tilespmem:s13+$0xFFFFFF00];
	v13 =	vmax.f32 v19, v14;
	v14 =	vmul.f32 $2.000000030e-01, v15;
	v16 =	vmul.f32 v8, v58  }
0x146: {  	v12 =	vmax.f32 v18, v12;
	v18 =	vld [tilespmem:s18+$0xFFFFFF10];
	[tilespmem:s15+$0x0] =	vst v11;
	v11 =	vmul.f32 $1.442695020e+00, v13;
	v13 =	vmul.f32 v7, v26  }
0x147: {  	v12 =	vmul.f32 $1.442695020e+00, v12;
	v19 =	vld [tilespmem:s13+$0xFFFFFFA0];
	v14 =	vmax.f32 v15, v14;
	v15 =	vmul.f32 v5, v59;
	[tilespmem:s20+$0xFFFFFFE0] =	vst v16  }
0x148: {  	v14 =	vmul.f32 $1.442695020e+00, v14;
	(erf) = vpow2.f32 v11;
	[tilespmem:s20+$0xFFFFFEE0] =	vst v13;
	v16 =	vld [tilespmem:s16+$0xFFFFFFF0]  }
0x149: {  	v11 =	vmul.f32 v6, v60;
	(erf) = vpow2.f32 v12;
	[tilespmem:s20+$0xFFFFFF30] =	vst v15;
	v13 =	vld [tilespmem:s16+$0xFFFFFEF0]  }
0x14a: {  	[tilespmem:s14+$0xFFFFFFA0] =	vst v17;
	v21 =	vmul.f32 v61, v4;
	(erf) = vpow2.f32 v14;
	v14 =	vld [tilespmem:s16+$0xFFFFFF40]  }
0x14b: {  	v9 =	vmul.f32 v63, v9;
	v17 =	vmul.f32 v62, v3;
	v12 =	vld [tilespmem:s18+$0xFFFFFFB0];
	[tilespmem:s20+$0xFFFFFF80] =	vst v11  }
0x14c: {  	s21 =	simm.s32 $0xC;
	s22 =	simm.s32 $0x5830;
	[tilespmem:s15+$0xFFFFFF00] =	vst v21;
	v10 =	vmul.f32 v18, v10;
	s18 =	simm.s32 $0xB5B0;
	v11 =	vmul.f32 v19, v2;
	v15 =	vld [tilespmem:s16+$0xFFFFFF90]  }
.LBB2_6:
0x14d: {  	v18 =	vld [tilespmem:s22+$0xFFFFFFC0];
	s19 =	sadd.s32 $0x40, s19;
	v19 =	vpop (erf);
	v16 =	vmul.f32 v16, v8;
	s20 =	sadd.s32 $0x140, s20;
	[tilespmem:s15+$0xFFFFFF50] =	vst v17;
	v20 =	vmov v4;
	v4 =	vmov v7  }
0x14e: {  	v17 =	vld [tilespmem:s19+$0x0];
	[tilespmem:s20+$0xFFFFFFC0] =	vst v19;
	v7 =	vmul.f32 v4, v13  }
0x14f: {  	v13 =	vld [tilespmem:s17+$0xFFFFFFD0];
	v14 =	vmul.f32 v5, v14;
	[tilespmem:s18+$0xFFFFFFF0] =	vst v16  }
0x150: {  	[tilespmem:s18+$0xFFFFFEF0] =	vst v7;
	v16 =	vld [tilespmem:s16+$0x0];
	v12 =	vmul.f32 v12, v1;
	v1 =	vmov v2;
	v2 =	vmov v6  }
0x151: {  	s21 =	sadd.s32 $0x4, s21;
	v21 =	vld [tilespmem:s19+$0xFFFFFFD0];
	v22 =	vpop (erf);
	[tilespmem:s18+$0xFFFFFF40] =	vst v14;
	v14 =	vmul.f32 v2, v15  }
0x152: {  	p0 =	slt.u32 s21, $0x7C;
	v15 =	vld [tilespmem:s22+$0xFFFFFF20];
	[tilespmem:s20+$0xFFFFFF20] =	vst v22;
	v6 =	vpop (erf)  }
0x153: {  	v23 =	vld [tilespmem:s19+$0xFFFFFFE0];
	[tilespmem:s20+$0xFFFFFF70] =	vst v6;
	v7 =	vpop (erf)  }
0x154: {  	v24 =	vld [tilespmem:s22+$0xFFFFFF70];
	[tilespmem:s20+$0xFFFFFED0] =	vst v7;
	v13 =	vmul.f32 v19, v13  }
0x155: {  	v17 =	vadd.f32 v17, v18;
	v25 =	vld [tilespmem:s19+$0xFFFFFFF0];
	[tilespmem:s18+$0xFFFFFF90] =	vst v14;
	v14 =	vmul.f32 v16, v8;
	v8 =	vmov v19  }
0x156: {  	v16 =	vld [tilespmem:s22+$0xFFFFFED0];
	[tilespmem:s20+$0xFFFFFFD0] =	vst v13  }
0x157: {  	v13 =	vmul.f32 $2.000000030e-01, v17;
	v18 =	vld [tilespmem:s17+$0xFFFFFEE0];
	[tilespmem:s18+$0x0] =	vst v14  }
0x158: {  	v14 =	vadd.f32 v23, v15;
	v15 =	vld [tilespmem:s17+$0xFFFFFFE0];
	[tilespmem:s15+$0xFFFFFFA0] =	vst v11  }
0x159: {  	v11 =	vmax.f32 v17, v13;
	v13 =	vld [tilespmem:s17+$0xFFFFFF30];
	[tilespmem:s14+$0xFFFFFF10] =	vst v10  }
0x15a: {  	v11 =	vmul.f32 $1.442695020e+00, v11;
	v10 =	vmul.f32 $2.000000030e-01, v14;
	v17 =	vadd.f32 v25, v24;
	v19 =	vld [tilespmem:s17+$0xFFFFFF80];
	[tilespmem:s14+$0xFFFFFF60] =	vst v9  }
0x15b: {  	v9 =	vadd.f32 v21, v16;
	v21 =	vld [tilespmem:s16+$0xFFFFFF00];
	[tilespmem:s14+$0xFFFFFFB0] =	vst v12;
	s14 =	smov.u32 s15;
	s15 =	smov.u32 s18;
	s18 =	smov.u32 s20  }
0x15c: {  	v10 =	vmax.f32 v14, v10;
	v12 =	vmul.f32 $2.000000030e-01, v17;
	(erf) = vpow2.f32 v11;
	v11 =	vld [tilespmem:s16+$0xFFFFFF50]  }
0x15d: {  	v14 =	vmul.f32 $2.000000030e-01, v9;
	v15 =	vmul.f32 v8, v15;
	v23 =	vld [tilespmem:s16+$0xFFFFFFA0]  }
0x15e: {  	v16 =	vmul.f32 v7, v18;
	v10 =	vmul.f32 $1.442695020e+00, v10;
	v12 =	vmax.f32 v17, v12;
	v18 =	vld [tilespmem:s13+$0xFFFFFF10]  }
0x15f: {  	v9 =	vmax.f32 v9, v14;
	v12 =	vmul.f32 $1.442695020e+00, v12;
	v14 =	vmul.f32 v22, v13;
	[tilespmem:s20+$0xFFFFFFE0] =	vst v15;
	v24 =	vld [tilespmem:s13+$0xFFFFFF60]  }
.Ltmp2:
0x160: {  	v9 =	vmul.f32 $1.442695020e+00, v9;
	(erf) = vpow2.f32 v10;
	[tilespmem:s20+$0xFFFFFEE0] =	vst v16;
	v16 =	vld [tilespmem:s17+$0xFFFFFFF0];
	(pc) =	sbr.rel @p0 .LBB2_6-.Ltmp2, $4  }
0x161: {  	v10 =	vmul.f32 v6, v19;
	(erf) = vpow2.f32 v12;
	v13 =	vld [tilespmem:s17+$0xFFFFFEF0];
	[tilespmem:s20+$0xFFFFFF30] =	vst v14  }
0x162: {  	(erf) = vpow2.f32 v9;
	v14 =	vld [tilespmem:s17+$0xFFFFFF40];
	v9 =	vmul.f32 v21, v4  }
0x163: {  	v17 =	vmul.f32 v11, v5;
	v11 =	vmul.f32 v23, v2;
	[tilespmem:s20+$0xFFFFFF80] =	vst v10;
	v12 =	vld [tilespmem:s13+$0xFFFFFFB0];
	s13 =	smov.u32 s16;
	s16 =	smov.u32 s17;
	s17 =	smov.u32 s22  }
0x164: {  	s22 =	sadd.s32 $0x140, s22;
	v10 =	vmul.f32 v18, v20;
	v15 =	vld [tilespmem:s16+$0xFFFFFF90];
	[tilespmem:s15+$0xFFFFFF00] =	vst v9;
	v9 =	vmul.f32 v24, v3;
	v3 =	vmovc v5;
	v5 =	vmov v22  }
0x165: {  	_ = 	snop  }
0x166: {  	[tilespmem:s15+$0xFFFFFF50] =	vst v17  }
0x167: {  	v18 =	vpop (erf);
	s3 =	sadd.s32 $0x140, s20;
	[tilespmem:s15+$0xFFFFFFA0] =	vst v11  }
0x168: {  	[tilespmem:s3+$0xFFFFFFC0] =	vst v18  }
0x169: {  	[tilespmem:s14+$0xFFFFFF10] =	vst v10;
	v20 =	vpop (erf)  }
0x16a: {  	v19 =	vld [tilespmem:s17+$0xFFFFFFD0];
	v38 =	vpop (erf);
	[tilespmem:s3+$0xFFFFFF20] =	vst v20  }
0x16b: {  	v16 =	vmul.f32 v16, v8;
	v39 =	vpop (erf);
	[tilespmem:s3+$0xFFFFFF70] =	vst v38;
	v23 =	vld [tilespmem:s17+$0xFFFFFF30]  }
0x16c: {  	[tilespmem:s3+$0xFFFFFED0] =	vst v39;
	v40 =	vld [tilespmem:s17+$0xFFFFFF80]  }
0x16d: {  	v13 =	vmul.f32 v7, v13;
	[tilespmem:s18+$0xFFFFFFF0] =	vst v16;
	v22 =	vld [tilespmem:s17+$0xFFFFFEE0]  }
0x16e: {  	[tilespmem:s14+$0xFFFFFF60] =	vst v9;
	v14 =	vmul.f32 v5, v14;
	v21 =	vld [tilespmem:s16+$0x0]  }
0x16f: {  	[tilespmem:s18+$0xFFFFFEF0] =	vst v13;
	v19 =	vmul.f32 v18, v19  }
0x170: {  	v51 =	vld [tilespmem:s13+$0xFFFFFF10];
	[tilespmem:s18+$0xFFFFFF40] =	vst v14;
	v45 =	vmul.f32 v20, v23  }
0x171: {  	v58 =	vld [tilespmem:s13+$0xFFFFFF60];
	[tilespmem:s3+$0xFFFFFFD0] =	vst v19;
	v13 =	vmul.f32 v38, v40  }
0x172: {  	v19 =	vld [tilespmem:s17+$0xFFFFFFE0];
	v43 =	vmul.f32 v39, v22;
	[tilespmem:s3+$0xFFFFFF30] =	vst v45  }
0x173: {  	v1 =	vmul.f32 v12, v1;
	v42 =	vmul.f32 v21, v8;
	v8 =	vld [tilespmem:s17+$0xFFFFFF40];
	[tilespmem:s3+$0xFFFFFF80] =	vst v13  }
0x174: {  	v41 =	vmul.f32 v6, v15;
	[tilespmem:s3+$0xFFFFFEE0] =	vst v43;
	v46 =	vld [tilespmem:s17+$0xFFFFFF90]  }
0x175: {  	[tilespmem:s14+$0xFFFFFFB0] =	vst v1;
	v4 =	vmul.f32 v51, v4;
	v14 =	vld [tilespmem:s17+$0xFFFFFEF0]  }
0x176: {  	v59 =	vld [tilespmem:s13+$0xFFFFFFB0];
	[tilespmem:s18+$0xFFFFFF90] =	vst v41;
	v3 =	vmul.f32 v58, v3  }
0x177: {  	v49 =	vld [tilespmem:s16+$0xFFFFFF50];
	[tilespmem:s15+$0xFFFFFF10] =	vst v4;
	v19 =	vmul.f32 v18, v19  }
0x178: {  	v48 =	vld [tilespmem:s16+$0xFFFFFF00];
	[tilespmem:s15+$0xFFFFFF60] =	vst v3;
	v8 =	vmul.f32 v20, v8  }
0x179: {  	v1 =	vld [tilespmem:s16+$0xFFFFFFA0];
	[tilespmem:s3+$0xFFFFFFE0] =	vst v19;
	v52 =	vmul.f32 v38, v46  }
0x17a: {  	v44 =	vld [tilespmem:s17+$0xFFFFFFF0];
	v50 =	vmul.f32 v39, v14;
	[tilespmem:s3+$0xFFFFFF40] =	vst v8  }
0x17b: {  	v2 =	vmul.f32 v59, v2;
	[tilespmem:s3+$0xFFFFFF90] =	vst v52;
	v55 =	vld [tilespmem:s17+$0xFFFFFF50]  }
0x17c: {  	v54 =	vmul.f32 v49, v5;
	[tilespmem:s3+$0xFFFFFEF0] =	vst v50;
	v57 =	vld [tilespmem:s17+$0xFFFFFFA0]  }
0x17d: {  	[tilespmem:s15+$0xFFFFFFB0] =	vst v2;
	v10 =	vmul.f32 v48, v7;
	v53 =	vld [tilespmem:s17+$0xFFFFFF00]  }
0x17e: {  	v1 =	vmul.f32 v1, v6;
	[tilespmem:s18+$0xFFFFFF50] =	vst v54  }
0x17f: {  	[tilespmem:s18+$0xFFFFFF00] =	vst v10;
	v60 =	vld [tilespmem:s16+$0xFFFFFF60];
	v47 =	vmul.f32 v44, v18  }
0x180: {  	[tilespmem:s18+$0xFFFFFFA0] =	vst v1;
	v1 =	vld [tilespmem:s16+$0xFFFFFF10];
	v9 =	vmul.f32 v55, v20  }
0x181: {  	v62 =	vld [tilespmem:s16+$0xFFFFFFB0];
	[tilespmem:s3+$0xFFFFFFF0] =	vst v47;
	v61 =	vmul.f32 v57, v38  }
0x182: {  	v13 =	vld [tilespmem:s17+$0x0];
	v8 =	vmul.f32 v53, v39;
	[tilespmem:s3+$0xFFFFFF50] =	vst v9  }
0x183: {  	[tilespmem:s3+$0xFFFFFFA0] =	vst v61;
	v9 =	vld [tilespmem:s17+$0xFFFFFF60]  }
0x184: {  	v2 =	vmul.f32 v60, v5;
	[tilespmem:s3+$0xFFFFFF00] =	vst v8;
	v3 =	vld [tilespmem:s17+$0xFFFFFFB0]  }
0x185: {  	[tilespmem:s18+$0x0] =	vst v42;
	v1 =	vmul.f32 v1, v7;
	v8 =	vld [tilespmem:s17+$0xFFFFFF10]  }
0x186: {  	v63 =	vmul.f32 v62, v6;
	[tilespmem:s18+$0xFFFFFF60] =	vst v2  }
0x187: {  	[tilespmem:s18+$0xFFFFFF10] =	vst v1;
	v56 =	vmul.f32 v13, v18  }
0x188: {  	[tilespmem:s18+$0xFFFFFFB0] =	vst v63;
	v2 =	vmul.f32 v9, v20  }
0x189: {  	[tilespmem:s3+$0x0] =	vst v56;
	v3 =	vmul.f32 v3, v38  }
0x18a: {  	v1 =	vmul.f32 v8, v39;
	[tilespmem:s3+$0xFFFFFF60] =	vst v2  }
0x18b: {  	[tilespmem:s3+$0xFFFFFFB0] =	vst v3  }
0x18c: {  	[tilespmem:s3+$0xFFFFFF10] =	vst v1  }
0x18d: {  	[spmem:s1] =	stream.indirect.scatter.add.f32 [tilespmem:s9], [sflag:$0x6], $0x50, s25, s28, $0xb8;
	[tilespmem:$0x1A200] =	vst v63  }
0x18e: {  	s23 =	simm.s32 $0x180  }
0x18f: {  	[tilespmem:s31], [sflag:$0x4] =	stream.indirect.gather [hbm4b:s4+s28], $0x50, s23, s28, $0xb8;
	[tilespmem:$0x1A200] =	vst v63  }
0x190: {  	s13 =	simm.s32 $0x1;
	s25 =	simm.s32 $0x1680  }
0x191: {  	[tilespmem:s2], [sflag:$0x5] =	stream.indirect.gather [hbm4b:s5+s28], $0x10, s25, s28, $0xb8;
	[tilespmem:$0x1A200] =	vst v63  }
.LBB2_8:
0x192: {  	_ =	swait.ge [sflag:s6], $0x2800  }
0x193: {  	[sflag:s6] =	ssyncset.done $0x0  }
0x194: {  	[sflag:s6] =	ssyncadd.s32 $0xFFFFD800  }
0x195: {  	_ =	swait.ge [sflag:s0], $0x800  }
0x196: {  	[sflag:s0] =	ssyncset.done $0x0  }
0x197: {  	[sflag:s0] =	ssyncadd.s32 $0xFFFFF800  }
0x198: {  	_ =	swait.ge [sflag:s10], $0x2800  }
0x199: {  	[sflag:s10] =	ssyncset.done $0x0  }
0x19a: {  	s19 =	simm.s32 $0x2AA0;
	[sflag:s10] =	ssyncadd.s32 $0xFFFFD800  }
0x19b: {  	s3 =	simm.s32 $0x7A20;
	v1 =	vld [tilespmem:s19+$0x50]  }
0x19c: {  	v2 =	vld [tilespmem:s3+$0x10];
	_ =	sdelay $0x3  }
0x19d: {  	v4 =	vld [tilespmem:s19+$0xFFFFFFB0]  }
0x19e: {  	v5 =	vld [tilespmem:s19+$0x0];
	v1 =	vadd.f32 v2, v1  }
0x19f: {  	v2 =	vld [tilespmem:s3+$0xFFFFFFF0]  }
0x1a0: {  	v7 =	vld [tilespmem:s3+$0x0];
	v6 =	vmul.f32 $2.000000030e-01, v1;
	_ =	sdelay $0x1  }
0x1a1: {  	v3 =	vld [tilespmem:s3+$0xFFFFFFE0];
	v1 =	vmax.f32 v1, v6  }
0x1a2: {  	v8 =	vld [tilespmem:s19+$0xFFFFFF60];
	v1 =	vmul.f32 $1.442695020e+00, v1  }
0x1a3: {  	v2 =	vadd.f32 v2, v4  }
0x1a4: {  	(erf) = vpow2.f32 v1;
	v1 =	vadd.f32 v7, v5  }
0x1a5: {  	v4 =	vmul.f32 $2.000000030e-01, v2  }
0x1a6: {  	v5 =	vmul.f32 $2.000000030e-01, v1  }
0x1a7: {  	v3 =	vadd.f32 v3, v8;
	v2 =	vmax.f32 v2, v4  }
0x1a8: {  	v2 =	vmul.f32 $1.442695020e+00, v2;
	v1 =	vmax.f32 v1, v5  }
0x1a9: {  	s14 =	simm.s32 $0x2BE0;
	v4 =	vmul.f32 $2.000000030e-01, v3;
	v1 =	vmul.f32 $1.442695020e+00, v1  }
0x1aa: {  	s23 =	simm.s32 $0x7A60;
	(erf) = vpow2.f32 v2;
	v2 =	vld [tilespmem:s14+$0x50]  }
0x1ab: {  	v3 =	vmax.f32 v3, v4;
	(erf) = vpow2.f32 v1;
	v1 =	vld [tilespmem:s23+$0x10]  }
0x1ac: {  	v3 =	vmul.f32 $1.442695020e+00, v3  }
0x1ad: {  	s15 =	simm.s32 $0x8AA0;
	v5 =	vpop (erf)  }
0x1ae: {  	(erf) = vpow2.f32 v3;
	[tilespmem:s15+$0x50] =	vst v5  }
0x1af: {  	v3 =	vld [tilespmem:s19+$0x60]  }
0x1b0: {  	v11 =	vld [tilespmem:s14+$0x0];
	v2 =	vadd.f32 v1, v2  }
0x1b1: {  	v12 =	vld [tilespmem:s23+$0x0]  }
0x1b2: {  	v6 =	vld [tilespmem:s14+$0xFFFFFFB0];
	v8 =	vmul.f32 $2.000000030e-01, v2  }
0x1b3: {  	v7 =	vld [tilespmem:s23+$0xFFFFFFF0]  }
0x1b4: {  	v4 =	vld [tilespmem:s23+$0xFFFFFFE0];
	v3 =	vmul.f32 v5, v3;
	v2 =	vmax.f32 v2, v8  }
0x1b5: {  	v9 =	vpop (erf);
	v8 =	vld [tilespmem:s14+$0xFFFFFF60];
	v2 =	vmul.f32 $1.442695020e+00, v2  }
0x1b6: {  	v1 =	vpop (erf);
	[tilespmem:s15+$0x60] =	vst v3  }
0x1b7: {  	v10 =	vpop (erf);
	v3 =	vld [tilespmem:s19+$0x70];
	(erf) = vpow2.f32 v2  }
0x1b8: {  	[tilespmem:s15+$0xFFFFFF60] =	vst v10;
	v2 =	vadd.f32 v7, v6  }
0x1b9: {  	v13 =	vld [tilespmem:s19+$0xFFFFFF70];
	v6 =	vadd.f32 v12, v11  }
0x1ba: {  	[tilespmem:s15+$0xFFFFFFB0] =	vst v9;
	v7 =	vmul.f32 $2.000000030e-01, v2;
	v4 =	vadd.f32 v4, v8  }
0x1bb: {  	s17 =	simm.s32 $0x2D20;
	v8 =	vld [tilespmem:s19+$0xFFFFFFC0];
	v11 =	vmul.f32 $2.000000030e-01, v6  }
0x1bc: {  	s25 =	simm.s32 $0x7AA0;
	v14 =	vld [tilespmem:s17+$0xFFFFFFB0];
	v2 =	vmax.f32 v2, v7;
	v7 =	vmul.f32 $2.000000030e-01, v4;
	v3 =	vmul.f32 v5, v3  }
0x1bd: {  	v15 =	vld [tilespmem:s25+$0xFFFFFFF0];
	[tilespmem:s15+$0x0] =	vst v1;
	v6 =	vmax.f32 v6, v11;
	v2 =	vmul.f32 $1.442695020e+00, v2  }
0x1be: {  	v16 =	vld [tilespmem:s17+$0x0];
	v12 =	vmul.f32 v10, v13;
	[tilespmem:s15+$0x70] =	vst v3;
	v3 =	vmax.f32 v4, v7;
	v4 =	vmul.f32 $1.442695020e+00, v6  }
0x1bf: {  	v13 =	vld [tilespmem:s19+$0x10];
	(erf) = vpow2.f32 v2;
	v3 =	vmul.f32 $1.442695020e+00, v3  }
0x1c0: {  	s16 =	simm.s32 $0x8BE0;
	v2 =	vmul.f32 v9, v8;
	(erf) = vpow2.f32 v4;
	v4 =	vld [tilespmem:s17+$0x50];
	v11 =	vpop (erf)  }
0x1c1: {  	(erf) = vpow2.f32 v3;
	v3 =	vld [tilespmem:s25+$0x10];
	[tilespmem:s16+$0x50] =	vst v11  }
0x1c2: {  	[tilespmem:s15+$0xFFFFFFC0] =	vst v2;
	v2 =	vld [tilespmem:s14+$0x60]  }
0x1c3: {  	v19 =	vld [tilespmem:s17+$0xFFFFFF60]  }
0x1c4: {  	s20 =	simm.s32 $0x7AE0;
	v6 =	vld [tilespmem:s19+$0x80]  }
0x1c5: {  	v22 =	vld [tilespmem:s20+$0xFFFFFFE0]  }
0x1c6: {  	[tilespmem:s15+$0xFFFFFF70] =	vst v12;
	v12 =	vld [tilespmem:s25+$0xFFFFFFE0];
	v18 =	vadd.f32 v3, v4;
	v4 =	vmul.f32 v1, v13  }
0x1c7: {  	v7 =	vld [tilespmem:s19+$0xFFFFFF80];
	v17 =	vmul.f32 v11, v2  }
0x1c8: {  	v8 =	vld [tilespmem:s19+$0xFFFFFFD0];
	[tilespmem:s15+$0x10] =	vst v4  }
0x1c9: {  	v6 =	vmul.f32 v6, v5;
	v13 =	vld [tilespmem:s25+$0x0];
	[tilespmem:s16+$0x60] =	vst v17;
	v17 =	vmul.f32 $2.000000030e-01, v18  }
0x1ca: {  	v21 =	vld [tilespmem:s19+$0x20]  }
0x1cb: {  	s18 =	simm.s32 $0x2E60;
	[tilespmem:s15+$0x80] =	vst v6;
	v3 =	vpop (erf);
	v20 =	vld [tilespmem:s14+$0x70];
	v17 =	vmax.f32 v18, v17  }
0x1cc: {  	v23 =	vld [tilespmem:s18+$0xFFFFFFB0];
	[tilespmem:s16+$0xFFFFFFB0] =	vst v3;
	v2 =	vpop (erf);
	v17 =	vmul.f32 $1.442695020e+00, v17  }
0x1cd: {  	v14 =	vadd.f32 v15, v14;
	v8 =	vmul.f32 v9, v8;
	v15 =	vld [tilespmem:s14+$0xFFFFFFC0];
	v4 =	vpop (erf);
	[tilespmem:s16+$0x0] =	vst v2  }
0x1ce: {  	v7 =	vmul.f32 v10, v7;
	[tilespmem:s16+$0xFFFFFF60] =	vst v4;
	v6 =	vadd.f32 v13, v16;
	v13 =	vld [tilespmem:s14+$0x10];
	(erf) = vpow2.f32 v17  }
0x1cf: {  	v12 =	vadd.f32 v12, v19;
	[tilespmem:s15+$0xFFFFFFD0] =	vst v8;
	v16 =	vmul.f32 $2.000000030e-01, v14;
	v18 =	vld [tilespmem:s14+$0xFFFFFF70];
	v8 =	vmul.f32 v1, v21  }
0x1d0: {  	v24 =	vld [tilespmem:s18+$0x0];
	[tilespmem:s15+$0xFFFFFF80] =	vst v7;
	v17 =	vmul.f32 v11, v20  }
0x1d1: {  	v54 =	vmul.f32 $2.000000030e-01, v12;
	v7 =	vld [tilespmem:s19+$0x90];
	v53 =	vmul.f32 $2.000000030e-01, v6;
	v14 =	vmax.f32 v14, v16;
	[tilespmem:s15+$0x20] =	vst v8  }
0x1d2: {  	v16 =	vld [tilespmem:s19+$0xFFFFFFE0];
	v8 =	vmul.f32 $1.442695020e+00, v14;
	v14 =	vmul.f32 v3, v15;
	[tilespmem:s16+$0x70] =	vst v17  }
0x1d3: {  	v6 =	vmax.f32 v6, v53;
	v13 =	vmul.f32 v2, v13;
	v15 =	vld [tilespmem:s14+$0x80]  }
0x1d4: {  	v19 =	vld [tilespmem:s19+$0xFFFFFF90];
	v12 =	vmax.f32 v12, v54;
	v6 =	vmul.f32 $1.442695020e+00, v6;
	v18 =	vmul.f32 v4, v18;
	[tilespmem:s16+$0xFFFFFFC0] =	vst v14  }
0x1d5: {  	v12 =	vmul.f32 $1.442695020e+00, v12;
	(erf) = vpow2.f32 v8;
	[tilespmem:s16+$0x10] =	vst v13;
	v14 =	vld [tilespmem:s14+$0xFFFFFFD0]  }
0x1d6: {  	v13 =	vld [tilespmem:s18+$0x50];
	[tilespmem:s16+$0xFFFFFF70] =	vst v18;
	(erf) = vpow2.f32 v6  }
0x1d7: {  	s21 =	simm.s32 $0x8D20;
	v18 =	vld [tilespmem:s14+$0xFFFFFF80];
	(erf) = vpow2.f32 v12;
	v8 =	vpop (erf)  }
0x1d8: {  	v16 =	vmul.f32 v16, v9;
	v6 =	vmul.f32 v15, v11;
	v15 =	vld [tilespmem:s20+$0x10];
	[tilespmem:s21+$0x50] =	vst v8  }
0x1d9: {  	v55 =	vld [tilespmem:s17+$0x60]  }
0x1da: {  	v25 =	vld [tilespmem:s20+$0x0];
	[tilespmem:s15+$0xFFFFFFE0] =	vst v16;
	v14 =	vmul.f32 v3, v14  }
0x1db: {  	v17 =	vld [tilespmem:s19+$0x30];
	[tilespmem:s16+$0x80] =	vst v6;
	v6 =	vmul.f32 v7, v5  }
0x1dc: {  	v12 =	vld [tilespmem:s14+$0x20];
	v7 =	vmul.f32 v19, v10;
	[tilespmem:s16+$0xFFFFFFD0] =	vst v14  }
0x1dd: {  	v19 =	vld [tilespmem:s20+$0xFFFFFFF0];
	v18 =	vmul.f32 v4, v18;
	[tilespmem:s15+$0x90] =	vst v6  }
0x1de: {  	v63 =	vld [tilespmem:s19+$0xFFFFFFF0];
	v5 =	vpop (erf);
	[tilespmem:s15+$0xFFFFFF90] =	vst v7;
	v13 =	vadd.f32 v15, v13;
	v20 =	vmul.f32 v8, v55  }
0x1df: {  	[tilespmem:s16+$0xFFFFFF80] =	vst v18;
	v15 =	vld [tilespmem:s18+$0xFFFFFF60];
	v6 =	vpop (erf)  }
0x1e0: {  	v56 =	vld [tilespmem:s14+$0x90];
	v7 =	vpop (erf);
	v57 =	vmul.f32 $2.000000030e-01, v13;
	[tilespmem:s21+$0x60] =	vst v20  }
0x1e1: {  	v12 =	vmul.f32 v2, v12;
	[tilespmem:s21+$0xFFFFFF60] =	vst v7;
	v58 =	vld [tilespmem:s17+$0x70]  }
0x1e2: {  	v18 =	vadd.f32 v25, v24;
	[tilespmem:s21+$0xFFFFFFB0] =	vst v5;
	v19 =	vadd.f32 v19, v23;
	v26 =	vld [tilespmem:s17+$0xFFFFFF70];
	v13 =	vmax.f32 v13, v57  }
0x1e3: {  	v17 =	vmul.f32 v17, v1;
	[tilespmem:s16+$0x20] =	vst v12;
	v59 =	vld [tilespmem:s17+$0xFFFFFFC0];
	v13 =	vmul.f32 $1.442695020e+00, v13  }
0x1e4: {  	v62 =	vld [tilespmem:s14+$0xFFFFFFE0];
	v12 =	vmul.f32 $2.000000030e-01, v18;
	[tilespmem:s21+$0x0] =	vst v6;
	v14 =	vmul.f32 $2.000000030e-01, v19;
	v15 =	vadd.f32 v22, v15  }
0x1e5: {  	v60 =	vld [tilespmem:s17+$0x10];
	v11 =	vmul.f32 v56, v11;
	(erf) = vpow2.f32 v13  }
0x1e6: {  	v61 =	vld [tilespmem:s14+$0xFFFFFF90];
	v13 =	vmax.f32 v19, v14;
	v14 =	vmul.f32 $2.000000030e-01, v15;
	v16 =	vmul.f32 v8, v58  }
0x1e7: {  	v12 =	vmax.f32 v18, v12;
	v18 =	vld [tilespmem:s19+$0xFFFFFFA0];
	[tilespmem:s16+$0x90] =	vst v11;
	v11 =	vmul.f32 $1.442695020e+00, v13;
	v13 =	vmul.f32 v7, v26  }
0x1e8: {  	v12 =	vmul.f32 $1.442695020e+00, v12;
	v19 =	vld [tilespmem:s14+$0x30];
	v14 =	vmax.f32 v15, v14;
	v15 =	vmul.f32 v5, v59;
	[tilespmem:s21+$0x70] =	vst v16  }
0x1e9: {  	v14 =	vmul.f32 $1.442695020e+00, v14;
	(erf) = vpow2.f32 v11;
	[tilespmem:s21+$0xFFFFFF70] =	vst v13;
	v16 =	vld [tilespmem:s17+$0x80]  }
0x1ea: {  	v11 =	vmul.f32 v6, v60;
	(erf) = vpow2.f32 v12;
	[tilespmem:s21+$0xFFFFFFC0] =	vst v15;
	v13 =	vld [tilespmem:s17+$0xFFFFFF80]  }
0x1eb: {  	[tilespmem:s15+$0x30] =	vst v17;
	v21 =	vmul.f32 v61, v4;
	(erf) = vpow2.f32 v14;
	v14 =	vld [tilespmem:s17+$0xFFFFFFD0]  }
0x1ec: {  	v9 =	vmul.f32 v63, v9;
	v17 =	vmul.f32 v62, v3;
	v12 =	vld [tilespmem:s19+$0x40];
	[tilespmem:s21+$0x10] =	vst v11  }
0x1ed: {  	s22 =	simm.s32 $0xC;
	s23 =	simm.s32 $0x2FA0;
	[tilespmem:s16+$0xFFFFFF90] =	vst v21;
	v10 =	vmul.f32 v18, v10;
	s19 =	simm.s32 $0x8D20;
	v11 =	vmul.f32 v19, v2;
	v15 =	vld [tilespmem:s17+$0x20]  }
.LBB2_9:
0x1ee: {  	v18 =	vld [tilespmem:s23+$0x50];
	s20 =	sadd.s32 $0x40, s20;
	v19 =	vpop (erf);
	v16 =	vmul.f32 v16, v8;
	s21 =	sadd.s32 $0x140, s21;
	[tilespmem:s16+$0xFFFFFFE0] =	vst v17;
	v20 =	vmov v4;
	v4 =	vmov v7  }
0x1ef: {  	v17 =	vld [tilespmem:s20+$0x10];
	[tilespmem:s21+$0x50] =	vst v19;
	v7 =	vmul.f32 v4, v13  }
0x1f0: {  	v13 =	vld [tilespmem:s18+$0x60];
	v14 =	vmul.f32 v5, v14;
	[tilespmem:s19+$0x80] =	vst v16  }
0x1f1: {  	[tilespmem:s19+$0xFFFFFF80] =	vst v7;
	v16 =	vld [tilespmem:s17+$0x90];
	v12 =	vmul.f32 v12, v1;
	v1 =	vmov v2;
	v2 =	vmov v6  }
0x1f2: {  	s22 =	sadd.s32 $0x4, s22;
	v21 =	vld [tilespmem:s20+$0xFFFFFFE0];
	v22 =	vpop (erf);
	[tilespmem:s19+$0xFFFFFFD0] =	vst v14;
	v14 =	vmul.f32 v2, v15  }
0x1f3: {  	p0 =	slt.u32 s22, $0x7C;
	v15 =	vld [tilespmem:s23+$0xFFFFFFB0];
	[tilespmem:s21+$0xFFFFFFB0] =	vst v22;
	v6 =	vpop (erf)  }
0x1f4: {  	v23 =	vld [tilespmem:s20+$0xFFFFFFF0];
	[tilespmem:s21+$0x0] =	vst v6;
	v7 =	vpop (erf)  }
0x1f5: {  	v24 =	vld [tilespmem:s23+$0x0];
	[tilespmem:s21+$0xFFFFFF60] =	vst v7;
	v13 =	vmul.f32 v19, v13  }
0x1f6: {  	v17 =	vadd.f32 v17, v18;
	v25 =	vld [tilespmem:s20+$0x0];
	[tilespmem:s19+$0x20] =	vst v14;
	v14 =	vmul.f32 v16, v8;
	v8 =	vmov v19  }
0x1f7: {  	v16 =	vld [tilespmem:s23+$0xFFFFFF60];
	[tilespmem:s21+$0x60] =	vst v13  }
0x1f8: {  	v13 =	vmul.f32 $2.000000030e-01, v17;
	v18 =	vld [tilespmem:s18+$0xFFFFFF70];
	[tilespmem:s19+$0x90] =	vst v14  }
0x1f9: {  	v14 =	vadd.f32 v23, v15;
	v15 =	vld [tilespmem:s18+$0x70];
	[tilespmem:s16+$0x30] =	vst v11  }
0x1fa: {  	v11 =	vmax.f32 v17, v13;
	v13 =	vld [tilespmem:s18+$0xFFFFFFC0];
	[tilespmem:s15+$0xFFFFFFA0] =	vst v10  }
0x1fb: {  	v11 =	vmul.f32 $1.442695020e+00, v11;
	v10 =	vmul.f32 $2.000000030e-01, v14;
	v17 =	vadd.f32 v25, v24;
	v19 =	vld [tilespmem:s18+$0x10];
	[tilespmem:s15+$0xFFFFFFF0] =	vst v9  }
0x1fc: {  	v9 =	vadd.f32 v21, v16;
	v21 =	vld [tilespmem:s17+$0xFFFFFF90];
	[tilespmem:s15+$0x40] =	vst v12;
	s15 =	smov.u32 s16;
	s16 =	smov.u32 s19;
	s19 =	smov.u32 s21  }
0x1fd: {  	v10 =	vmax.f32 v14, v10;
	v12 =	vmul.f32 $2.000000030e-01, v17;
	(erf) = vpow2.f32 v11;
	v11 =	vld [tilespmem:s17+$0xFFFFFFE0]  }
0x1fe: {  	v14 =	vmul.f32 $2.000000030e-01, v9;
	v15 =	vmul.f32 v8, v15;
	v23 =	vld [tilespmem:s17+$0x30]  }
0x1ff: {  	v16 =	vmul.f32 v7, v18;
	v10 =	vmul.f32 $1.442695020e+00, v10;
	v12 =	vmax.f32 v17, v12;
	v18 =	vld [tilespmem:s14+$0xFFFFFFA0]  }
0x200: {  	v9 =	vmax.f32 v9, v14;
	v12 =	vmul.f32 $1.442695020e+00, v12;
	v14 =	vmul.f32 v22, v13;
	[tilespmem:s21+$0x70] =	vst v15;
	v24 =	vld [tilespmem:s14+$0xFFFFFFF0]  }
.Ltmp3:
0x201: {  	v9 =	vmul.f32 $1.442695020e+00, v9;
	(erf) = vpow2.f32 v10;
	[tilespmem:s21+$0xFFFFFF70] =	vst v16;
	v16 =	vld [tilespmem:s18+$0x80];
	(pc) =	sbr.rel @p0 .LBB2_9-.Ltmp3, $4  }
0x202: {  	v10 =	vmul.f32 v6, v19;
	(erf) = vpow2.f32 v12;
	v13 =	vld [tilespmem:s18+$0xFFFFFF80];
	[tilespmem:s21+$0xFFFFFFC0] =	vst v14  }
0x203: {  	(erf) = vpow2.f32 v9;
	v14 =	vld [tilespmem:s18+$0xFFFFFFD0];
	v9 =	vmul.f32 v21, v4  }
0x204: {  	v17 =	vmul.f32 v11, v5;
	v11 =	vmul.f32 v23, v2;
	[tilespmem:s21+$0x10] =	vst v10;
	v12 =	vld [tilespmem:s14+$0x40];
	s14 =	smov.u32 s17;
	s17 =	smov.u32 s18;
	s18 =	smov.u32 s23  }
0x205: {  	s23 =	sadd.s32 $0x140, s23;
	v10 =	vmul.f32 v18, v20;
	v15 =	vld [tilespmem:s17+$0x20];
	[tilespmem:s16+$0xFFFFFF90] =	vst v9;
	v9 =	vmul.f32 v24, v3;
	v3 =	vmovc v5;
	v5 =	vmov v22  }
0x206: {  	v18 =	vpop (erf);
	s3 =	sadd.s32 $0x140, s21  }
0x207: {  	[tilespmem:s3+$0x50] =	vst v18  }
0x208: {  	v19 =	vld [tilespmem:s18+$0x60];
	_ =	sdelay $0x2  }
0x209: {  	v16 =	vmul.f32 v16, v8;
	_ =	sdelay $0x1  }
0x20a: {  	[tilespmem:s16+$0xFFFFFFE0] =	vst v17;
	v20 =	vpop (erf);
	v19 =	vmul.f32 v18, v19  }
0x20b: {  	[tilespmem:s19+$0x80] =	vst v16;
	v17 =	vpop (erf)  }
0x20c: {  	v21 =	vld [tilespmem:s17+$0x90];
	v16 =	vpop (erf);
	[tilespmem:s3+$0x60] =	vst v19  }
0x20d: {  	v14 =	vmul.f32 v5, v14;
	[tilespmem:s3+$0xFFFFFF60] =	vst v16;
	v19 =	vld [tilespmem:s18+$0x70]  }
0x20e: {  	[tilespmem:s3+$0xFFFFFFB0] =	vst v20;
	v22 =	vld [tilespmem:s18+$0xFFFFFF70]  }
0x20f: {  	v13 =	vmul.f32 v7, v13;
	[tilespmem:s19+$0xFFFFFFD0] =	vst v14;
	v23 =	vld [tilespmem:s18+$0xFFFFFFC0]  }
0x210: {  	v14 =	vmul.f32 v6, v15;
	[tilespmem:s3+$0x0] =	vst v17  }
0x211: {  	[tilespmem:s19+$0xFFFFFF80] =	vst v13;
	v13 =	vld [tilespmem:s18+$0x10];
	v8 =	vmul.f32 v21, v8  }
0x212: {  	[tilespmem:s19+$0x20] =	vst v14;
	v19 =	vmul.f32 v18, v19  }
0x213: {  	[tilespmem:s19+$0x90] =	vst v8;
	v14 =	vmul.f32 v16, v22  }
0x214: {  	v8 =	vmul.f32 v20, v23;
	[tilespmem:s3+$0x70] =	vst v19  }
0x215: {  	[tilespmem:s3+$0xFFFFFF70] =	vst v14;
	v15 =	vld [tilespmem:s18+$0x80]  }
0x216: {  	v13 =	vmul.f32 v17, v13;
	[tilespmem:s3+$0xFFFFFFC0] =	vst v8;
	v14 =	vld [tilespmem:s18+$0xFFFFFF80]  }
0x217: {  	[tilespmem:s15+$0xFFFFFFA0] =	vst v10;
	v8 =	vld [tilespmem:s18+$0xFFFFFFD0]  }
0x218: {  	v10 =	vld [tilespmem:s17+$0xFFFFFF90];
	[tilespmem:s3+$0x10] =	vst v13  }
0x219: {  	[tilespmem:s16+$0x30] =	vst v11;
	v1 =	vmul.f32 v12, v1;
	v11 =	vld [tilespmem:s18+$0x20]  }
0x21a: {  	[tilespmem:s15+$0xFFFFFFF0] =	vst v9;
	v12 =	vld [tilespmem:s17+$0xFFFFFFE0];
	v13 =	vmul.f32 v15, v18  }
0x21b: {  	[tilespmem:s15+$0x40] =	vst v1;
	v1 =	vld [tilespmem:s17+$0x30];
	v9 =	vmul.f32 v16, v14  }
0x21c: {  	v8 =	vmul.f32 v20, v8;
	v14 =	vld [tilespmem:s14+$0xFFFFFFA0];
	[tilespmem:s3+$0x80] =	vst v13  }
0x21d: {  	[tilespmem:s3+$0xFFFFFF80] =	vst v9;
	v13 =	vld [tilespmem:s18+$0x90]  }
0x21e: {  	[tilespmem:s3+$0xFFFFFFD0] =	vst v8;
	v9 =	vmul.f32 v17, v11;
	v8 =	vld [tilespmem:s18+$0xFFFFFF90]  }
0x21f: {  	v10 =	vmul.f32 v10, v7  }
0x220: {  	v1 =	vmul.f32 v1, v6;
	[tilespmem:s3+$0x20] =	vst v9;
	v9 =	vld [tilespmem:s18+$0xFFFFFFE0]  }
0x221: {  	[tilespmem:s19+$0xFFFFFF90] =	vst v10;
	v11 =	vmul.f32 v12, v5;
	v12 =	vld [tilespmem:s18+$0x30]  }
0x222: {  	[tilespmem:s19+$0x30] =	vst v1;
	v4 =	vmul.f32 v14, v4;
	v10 =	vmul.f32 v13, v18;
	v13 =	vld [tilespmem:s14+$0xFFFFFFF0]  }
0x223: {  	[tilespmem:s19+$0xFFFFFFE0] =	vst v11;
	v11 =	vld [tilespmem:s14+$0x40];
	v8 =	vmul.f32 v8, v16  }
0x224: {  	v1 =	vld [tilespmem:s17+$0xFFFFFFA0];
	[tilespmem:s16+$0xFFFFFFA0] =	vst v4  }
0x225: {  	v4 =	vld [tilespmem:s17+$0xFFFFFFF0];
	v9 =	vmul.f32 v9, v20;
	[tilespmem:s3+$0xFFFFFF90] =	vst v8  }
0x226: {  	v8 =	vld [tilespmem:s18+$0xFFFFFFA0];
	[tilespmem:s3+$0x90] =	vst v10;
	v10 =	vmul.f32 v12, v17  }
0x227: {  	[tilespmem:s3+$0xFFFFFFE0] =	vst v9;
	v12 =	vld [tilespmem:s17+$0x40];
	v3 =	vmul.f32 v13, v3  }
0x228: {  	v2 =	vmul.f32 v11, v2;
	v9 =	vld [tilespmem:s18+$0xFFFFFFF0];
	[tilespmem:s3+$0x30] =	vst v10  }
0x229: {  	v1 =	vmul.f32 v1, v7;
	[tilespmem:s16+$0xFFFFFFF0] =	vst v3;
	v3 =	vld [tilespmem:s18+$0x40]  }
0x22a: {  	[tilespmem:s16+$0x40] =	vst v2;
	v2 =	vmul.f32 v4, v5  }
0x22b: {  	[tilespmem:s19+$0xFFFFFFA0] =	vst v1;
	v1 =	vmul.f32 v8, v16  }
0x22c: {  	[tilespmem:s19+$0xFFFFFFF0] =	vst v2;
	v4 =	vmul.f32 v12, v6  }
0x22d: {  	v2 =	vmul.f32 v9, v20;
	[tilespmem:s3+$0xFFFFFFA0] =	vst v1  }
0x22e: {  	s14 =	sshll.u32 s13, $0x8;
	[tilespmem:s19+$0x40] =	vst v4;
	v3 =	vmul.f32 v3, v17  }
0x22f: {  	s15 =	sand.u32 $0x3FFFFF00, s14;
	[tilespmem:s3+$0xFFFFFFF0] =	vst v2  }
0x230: {  	s19 =	sadd.s32 $0x1500, s15;
	[tilespmem:s3+$0x40] =	vst v3  }
0x231: {  	[spmem:s1] =	stream.indirect.scatter.add.f32 [tilespmem:s26], [sflag:$0x3], $0x50, s19, s28, $0xb8;
	[tilespmem:$0x1A200] =	vst v63  }
0x232: {  	s20 =	sadd.s32 $0x100, s14  }
0x233: {  	[tilespmem:s29], [sflag:$0x1] =	stream.indirect.gather [hbm4b:s4+s28], $0x50, s20, s28, $0xb8;
	[tilespmem:$0x1A200] =	vst v63  }
0x234: {  	s21 =	sadd.s32 $0x1600, s14  }
0x235: {  	[tilespmem:s30], [sflag:$0x2] =	stream.indirect.gather [hbm4b:s5+s28], $0x10, s21, s28, $0xb8;
	[tilespmem:$0x1A200] =	vst v63  }
0x236: {  	_ =	swait.ge [sflag:s7], $0x2800  }
0x237: {  	[sflag:s7] =	ssyncset.done $0x0  }
0x238: {  	[sflag:s7] =	ssyncadd.s32 $0xFFFFD800  }
0x239: {  	_ =	swait.ge [sflag:s8], $0x800  }
0x23a: {  	[sflag:s8] =	ssyncset.done $0x0  }
0x23b: {  	[sflag:s8] =	ssyncadd.s32 $0xFFFFF800  }
0x23c: {  	_ =	swait.ge [sflag:s11], $0x2800  }
0x23d: {  	[sflag:s11] =	ssyncset.done $0x0  }
0x23e: {  	s21 =	simm.s32 $0x5330;
	[sflag:s11] =	ssyncadd.s32 $0xFFFFD800  }
0x23f: {  	s22 =	simm.s32 $0x8230;
	v1 =	vld [tilespmem:s21+$0xFFFFFFC0]  }
0x240: {  	v2 =	vld [tilespmem:s22+$0x0];
	_ =	sdelay $0x3  }
0x241: {  	v4 =	vld [tilespmem:s21+$0xFFFFFF20]  }
0x242: {  	v5 =	vld [tilespmem:s21+$0xFFFFFF70];
	v1 =	vadd.f32 v2, v1  }
0x243: {  	v2 =	vld [tilespmem:s22+$0xFFFFFFE0]  }
0x244: {  	v7 =	vld [tilespmem:s22+$0xFFFFFFF0];
	v6 =	vmul.f32 $2.000000030e-01, v1;
	_ =	sdelay $0x1  }
0x245: {  	v3 =	vld [tilespmem:s22+$0xFFFFFFD0];
	v1 =	vmax.f32 v1, v6  }
0x246: {  	v8 =	vld [tilespmem:s21+$0xFFFFFED0];
	v1 =	vmul.f32 $1.442695020e+00, v1  }
0x247: {  	v2 =	vadd.f32 v2, v4  }
0x248: {  	(erf) = vpow2.f32 v1;
	v1 =	vadd.f32 v7, v5  }
0x249: {  	v4 =	vmul.f32 $2.000000030e-01, v2  }
0x24a: {  	v5 =	vmul.f32 $2.000000030e-01, v1  }
0x24b: {  	v3 =	vadd.f32 v3, v8;
	v2 =	vmax.f32 v2, v4  }
0x24c: {  	v2 =	vmul.f32 $1.442695020e+00, v2;
	v1 =	vmax.f32 v1, v5  }
0x24d: {  	s16 =	simm.s32 $0x5470;
	v4 =	vmul.f32 $2.000000030e-01, v3;
	v1 =	vmul.f32 $1.442695020e+00, v1  }
0x24e: {  	s23 =	simm.s32 $0x8270;
	(erf) = vpow2.f32 v2;
	v2 =	vld [tilespmem:s16+$0xFFFFFFC0]  }
0x24f: {  	v3 =	vmax.f32 v3, v4;
	(erf) = vpow2.f32 v1;
	v1 =	vld [tilespmem:s23+$0x0]  }
0x250: {  	v3 =	vmul.f32 $1.442695020e+00, v3  }
0x251: {  	s17 =	simm.s32 $0xB330;
	v5 =	vpop (erf)  }
0x252: {  	(erf) = vpow2.f32 v3;
	[tilespmem:s17+$0xFFFFFFC0] =	vst v5  }
0x253: {  	v3 =	vld [tilespmem:s21+$0xFFFFFFD0]  }
0x254: {  	v11 =	vld [tilespmem:s16+$0xFFFFFF70];
	v2 =	vadd.f32 v1, v2  }
0x255: {  	v12 =	vld [tilespmem:s23+$0xFFFFFFF0]  }
0x256: {  	v6 =	vld [tilespmem:s16+$0xFFFFFF20];
	v8 =	vmul.f32 $2.000000030e-01, v2  }
0x257: {  	v7 =	vld [tilespmem:s23+$0xFFFFFFE0]  }
0x258: {  	v4 =	vld [tilespmem:s23+$0xFFFFFFD0];
	v3 =	vmul.f32 v5, v3;
	v2 =	vmax.f32 v2, v8  }
0x259: {  	v9 =	vpop (erf);
	v8 =	vld [tilespmem:s16+$0xFFFFFED0];
	v2 =	vmul.f32 $1.442695020e+00, v2  }
0x25a: {  	v1 =	vpop (erf);
	[tilespmem:s17+$0xFFFFFFD0] =	vst v3  }
0x25b: {  	v10 =	vpop (erf);
	v3 =	vld [tilespmem:s21+$0xFFFFFFE0];
	(erf) = vpow2.f32 v2  }
0x25c: {  	[tilespmem:s17+$0xFFFFFED0] =	vst v10;
	v2 =	vadd.f32 v7, v6  }
0x25d: {  	v13 =	vld [tilespmem:s21+$0xFFFFFEE0];
	v6 =	vadd.f32 v12, v11  }
0x25e: {  	[tilespmem:s17+$0xFFFFFF20] =	vst v9;
	v7 =	vmul.f32 $2.000000030e-01, v2;
	v4 =	vadd.f32 v4, v8  }
0x25f: {  	s19 =	simm.s32 $0x55B0;
	v8 =	vld [tilespmem:s21+$0xFFFFFF30];
	v11 =	vmul.f32 $2.000000030e-01, v6  }
0x260: {  	s25 =	simm.s32 $0x82B0;
	v14 =	vld [tilespmem:s19+$0xFFFFFF20];
	v2 =	vmax.f32 v2, v7;
	v7 =	vmul.f32 $2.000000030e-01, v4;
	v3 =	vmul.f32 v5, v3  }
0x261: {  	v15 =	vld [tilespmem:s25+$0xFFFFFFE0];
	[tilespmem:s17+$0xFFFFFF70] =	vst v1;
	v6 =	vmax.f32 v6, v11;
	v2 =	vmul.f32 $1.442695020e+00, v2  }
0x262: {  	v16 =	vld [tilespmem:s19+$0xFFFFFF70];
	v12 =	vmul.f32 v10, v13;
	[tilespmem:s17+$0xFFFFFFE0] =	vst v3;
	v3 =	vmax.f32 v4, v7;
	v4 =	vmul.f32 $1.442695020e+00, v6  }
0x263: {  	v13 =	vld [tilespmem:s21+$0xFFFFFF80];
	(erf) = vpow2.f32 v2;
	v3 =	vmul.f32 $1.442695020e+00, v3  }
0x264: {  	s18 =	simm.s32 $0xB470;
	v2 =	vmul.f32 v9, v8;
	(erf) = vpow2.f32 v4;
	v4 =	vld [tilespmem:s19+$0xFFFFFFC0];
	v11 =	vpop (erf)  }
0x265: {  	(erf) = vpow2.f32 v3;
	v3 =	vld [tilespmem:s25+$0x0];
	[tilespmem:s18+$0xFFFFFFC0] =	vst v11  }
0x266: {  	[tilespmem:s17+$0xFFFFFF30] =	vst v2;
	v2 =	vld [tilespmem:s16+$0xFFFFFFD0]  }
0x267: {  	v19 =	vld [tilespmem:s19+$0xFFFFFED0]  }
0x268: {  	s20 =	simm.s32 $0x56F0;
	v6 =	vld [tilespmem:s21+$0xFFFFFFF0]  }
0x269: {  	v56 =	vld [tilespmem:s20+$0xFFFFFF20]  }
0x26a: {  	[tilespmem:s17+$0xFFFFFEE0] =	vst v12;
	v12 =	vld [tilespmem:s25+$0xFFFFFFD0];
	v18 =	vadd.f32 v3, v4;
	v4 =	vmul.f32 v1, v13  }
0x26b: {  	v7 =	vld [tilespmem:s21+$0xFFFFFEF0];
	v17 =	vmul.f32 v11, v2  }
0x26c: {  	v8 =	vld [tilespmem:s21+$0xFFFFFF40];
	[tilespmem:s17+$0xFFFFFF80] =	vst v4  }
0x26d: {  	v6 =	vmul.f32 v6, v5;
	v13 =	vld [tilespmem:s25+$0xFFFFFFF0];
	[tilespmem:s18+$0xFFFFFFD0] =	vst v17;
	v17 =	vmul.f32 $2.000000030e-01, v18  }
0x26e: {  	v50 =	vld [tilespmem:s21+$0xFFFFFF90]  }
0x26f: {  	[tilespmem:s17+$0xFFFFFFF0] =	vst v6;
	v3 =	vpop (erf);
	v49 =	vld [tilespmem:s16+$0xFFFFFFE0];
	v17 =	vmax.f32 v18, v17  }
0x270: {  	v24 =	vld [tilespmem:s20+$0xFFFFFF70];
	[tilespmem:s18+$0xFFFFFF20] =	vst v3;
	v2 =	vpop (erf);
	v17 =	vmul.f32 $1.442695020e+00, v17  }
0x271: {  	v14 =	vadd.f32 v15, v14;
	v8 =	vmul.f32 v9, v8;
	v15 =	vld [tilespmem:s16+$0xFFFFFF30];
	v4 =	vpop (erf);
	[tilespmem:s18+$0xFFFFFF70] =	vst v2  }
0x272: {  	v7 =	vmul.f32 v10, v7;
	[tilespmem:s18+$0xFFFFFED0] =	vst v4;
	v6 =	vadd.f32 v13, v16;
	v13 =	vld [tilespmem:s16+$0xFFFFFF80];
	(erf) = vpow2.f32 v17  }
0x273: {  	s22 =	simm.s32 $0x82F0;
	v12 =	vadd.f32 v12, v19;
	[tilespmem:s17+$0xFFFFFF40] =	vst v8;
	v16 =	vmul.f32 $2.000000030e-01, v14;
	v18 =	vld [tilespmem:s16+$0xFFFFFEE0];
	v8 =	vmul.f32 v1, v50  }
0x274: {  	v55 =	vld [tilespmem:s22+$0xFFFFFFD0];
	[tilespmem:s17+$0xFFFFFEF0] =	vst v7;
	v17 =	vmul.f32 v11, v49  }
0x275: {  	v52 =	vmul.f32 $2.000000030e-01, v12;
	v7 =	vld [tilespmem:s21+$0x0];
	v51 =	vmul.f32 $2.000000030e-01, v6;
	v14 =	vmax.f32 v14, v16;
	[tilespmem:s17+$0xFFFFFF90] =	vst v8  }
0x276: {  	v16 =	vld [tilespmem:s21+$0xFFFFFF50];
	v8 =	vmul.f32 $1.442695020e+00, v14;
	v14 =	vmul.f32 v3, v15;
	[tilespmem:s18+$0xFFFFFFE0] =	vst v17  }
0x277: {  	v6 =	vmax.f32 v6, v51;
	v13 =	vmul.f32 v2, v13;
	v15 =	vld [tilespmem:s16+$0xFFFFFFF0]  }
0x278: {  	v19 =	vld [tilespmem:s21+$0xFFFFFF00];
	v12 =	vmax.f32 v12, v52;
	v6 =	vmul.f32 $1.442695020e+00, v6;
	v18 =	vmul.f32 v4, v18;
	[tilespmem:s18+$0xFFFFFF30] =	vst v14  }
0x279: {  	v12 =	vmul.f32 $1.442695020e+00, v12;
	(erf) = vpow2.f32 v8;
	[tilespmem:s18+$0xFFFFFF80] =	vst v13;
	v14 =	vld [tilespmem:s16+$0xFFFFFF40]  }
0x27a: {  	v13 =	vld [tilespmem:s20+$0xFFFFFFC0];
	[tilespmem:s18+$0xFFFFFEE0] =	vst v18;
	(erf) = vpow2.f32 v6  }
0x27b: {  	s23 =	simm.s32 $0xB5B0;
	v18 =	vld [tilespmem:s16+$0xFFFFFEF0];
	(erf) = vpow2.f32 v12;
	v8 =	vpop (erf)  }
0x27c: {  	v16 =	vmul.f32 v16, v9;
	v6 =	vmul.f32 v15, v11;
	v15 =	vld [tilespmem:s22+$0x0];
	[tilespmem:s23+$0xFFFFFFC0] =	vst v8  }
0x27d: {  	v53 =	vld [tilespmem:s19+$0xFFFFFFD0]  }
0x27e: {  	v25 =	vld [tilespmem:s22+$0xFFFFFFF0];
	[tilespmem:s17+$0xFFFFFF50] =	vst v16;
	v14 =	vmul.f32 v3, v14  }
0x27f: {  	v17 =	vld [tilespmem:s21+$0xFFFFFFA0];
	[tilespmem:s18+$0xFFFFFFF0] =	vst v6;
	v6 =	vmul.f32 v7, v5  }
0x280: {  	v12 =	vld [tilespmem:s16+$0xFFFFFF90];
	v7 =	vmul.f32 v19, v10;
	[tilespmem:s18+$0xFFFFFF40] =	vst v14  }
0x281: {  	v19 =	vld [tilespmem:s22+$0xFFFFFFE0];
	v18 =	vmul.f32 v4, v18;
	[tilespmem:s17+$0x0] =	vst v6  }
0x282: {  	v63 =	vld [tilespmem:s21+$0xFFFFFF60];
	v5 =	vpop (erf);
	[tilespmem:s17+$0xFFFFFF00] =	vst v7;
	v13 =	vadd.f32 v15, v13;
	v20 =	vmul.f32 v8, v53  }
0x283: {  	[tilespmem:s18+$0xFFFFFEF0] =	vst v18;
	v15 =	vld [tilespmem:s20+$0xFFFFFED0];
	v6 =	vpop (erf)  }
0x284: {  	v54 =	vld [tilespmem:s16+$0x0];
	v7 =	vpop (erf);
	v57 =	vmul.f32 $2.000000030e-01, v13;
	[tilespmem:s23+$0xFFFFFFD0] =	vst v20  }
0x285: {  	v12 =	vmul.f32 v2, v12;
	[tilespmem:s23+$0xFFFFFED0] =	vst v7;
	v58 =	vld [tilespmem:s19+$0xFFFFFFE0]  }
0x286: {  	v18 =	vadd.f32 v25, v24;
	[tilespmem:s23+$0xFFFFFF20] =	vst v5;
	v19 =	vadd.f32 v19, v56;
	v26 =	vld [tilespmem:s19+$0xFFFFFEE0];
	v13 =	vmax.f32 v13, v57  }
0x287: {  	v17 =	vmul.f32 v17, v1;
	[tilespmem:s18+$0xFFFFFF90] =	vst v12;
	v59 =	vld [tilespmem:s19+$0xFFFFFF30];
	v13 =	vmul.f32 $1.442695020e+00, v13  }
0x288: {  	v62 =	vld [tilespmem:s16+$0xFFFFFF50];
	v12 =	vmul.f32 $2.000000030e-01, v18;
	[tilespmem:s23+$0xFFFFFF70] =	vst v6;
	v14 =	vmul.f32 $2.000000030e-01, v19;
	v15 =	vadd.f32 v55, v15  }
0x289: {  	v60 =	vld [tilespmem:s19+$0xFFFFFF80];
	v11 =	vmul.f32 v54, v11;
	(erf) = vpow2.f32 v13  }
0x28a: {  	v61 =	vld [tilespmem:s16+$0xFFFFFF00];
	v13 =	vmax.f32 v19, v14;
	v14 =	vmul.f32 $2.000000030e-01, v15;
	v16 =	vmul.f32 v8, v58  }
0x28b: {  	v12 =	vmax.f32 v18, v12;
	v18 =	vld [tilespmem:s21+$0xFFFFFF10];
	[tilespmem:s18+$0x0] =	vst v11;
	v11 =	vmul.f32 $1.442695020e+00, v13;
	v13 =	vmul.f32 v7, v26  }
0x28c: {  	v12 =	vmul.f32 $1.442695020e+00, v12;
	v19 =	vld [tilespmem:s16+$0xFFFFFFA0];
	v14 =	vmax.f32 v15, v14;
	v15 =	vmul.f32 v5, v59;
	[tilespmem:s23+$0xFFFFFFE0] =	vst v16  }
0x28d: {  	v14 =	vmul.f32 $1.442695020e+00, v14;
	(erf) = vpow2.f32 v11;
	[tilespmem:s23+$0xFFFFFEE0] =	vst v13;
	v16 =	vld [tilespmem:s19+$0xFFFFFFF0]  }
0x28e: {  	v11 =	vmul.f32 v6, v60;
	(erf) = vpow2.f32 v12;
	[tilespmem:s23+$0xFFFFFF30] =	vst v15;
	v13 =	vld [tilespmem:s19+$0xFFFFFEF0]  }
0x28f: {  	[tilespmem:s17+$0xFFFFFFA0] =	vst v17;
	v21 =	vmul.f32 v61, v4;
	(erf) = vpow2.f32 v14;
	v14 =	vld [tilespmem:s19+$0xFFFFFF40]  }
0x290: {  	v9 =	vmul.f32 v63, v9;
	v17 =	vmul.f32 v62, v3;
	v12 =	vld [tilespmem:s21+$0xFFFFFFB0];
	[tilespmem:s23+$0xFFFFFF80] =	vst v11  }
0x291: {  	s3 =	simm.s32 $0x5830;
	s25 =	simm.s32 $0xC;
	[tilespmem:s18+$0xFFFFFF00] =	vst v21;
	v10 =	vmul.f32 v18, v10;
	s21 =	simm.s32 $0xB5B0;
	v11 =	vmul.f32 v19, v2;
	v15 =	vld [tilespmem:s19+$0xFFFFFF90]  }
.LBB2_11:
0x292: {  	v18 =	vld [tilespmem:s3+$0xFFFFFFC0];
	s22 =	sadd.s32 $0x40, s22;
	v19 =	vpop (erf);
	v16 =	vmul.f32 v16, v8;
	s23 =	sadd.s32 $0x140, s23;
	[tilespmem:s18+$0xFFFFFF50] =	vst v17;
	v20 =	vmov v4;
	v4 =	vmov v7  }
0x293: {  	v17 =	vld [tilespmem:s22+$0x0];
	[tilespmem:s23+$0xFFFFFFC0] =	vst v19;
	v7 =	vmul.f32 v4, v13  }
0x294: {  	v13 =	vld [tilespmem:s20+$0xFFFFFFD0];
	v14 =	vmul.f32 v5, v14;
	[tilespmem:s21+$0xFFFFFFF0] =	vst v16  }
0x295: {  	[tilespmem:s21+$0xFFFFFEF0] =	vst v7;
	v16 =	vld [tilespmem:s19+$0x0];
	v12 =	vmul.f32 v12, v1;
	v1 =	vmov v2;
	v2 =	vmov v6  }
0x296: {  	s25 =	sadd.s32 $0x4, s25;
	v21 =	vld [tilespmem:s22+$0xFFFFFFD0];
	v22 =	vpop (erf);
	[tilespmem:s21+$0xFFFFFF40] =	vst v14;
	v14 =	vmul.f32 v2, v15  }
0x297: {  	p0 =	slt.u32 s25, $0x7C;
	v15 =	vld [tilespmem:s3+$0xFFFFFF20];
	[tilespmem:s23+$0xFFFFFF20] =	vst v22;
	v6 =	vpop (erf)  }
0x298: {  	v23 =	vld [tilespmem:s22+$0xFFFFFFE0];
	[tilespmem:s23+$0xFFFFFF70] =	vst v6;
	v7 =	vpop (erf)  }
0x299: {  	v24 =	vld [tilespmem:s3+$0xFFFFFF70];
	[tilespmem:s23+$0xFFFFFED0] =	vst v7;
	v13 =	vmul.f32 v19, v13  }
0x29a: {  	v17 =	vadd.f32 v17, v18;
	v25 =	vld [tilespmem:s22+$0xFFFFFFF0];
	[tilespmem:s21+$0xFFFFFF90] =	vst v14;
	v14 =	vmul.f32 v16, v8;
	v8 =	vmov v19  }
0x29b: {  	v16 =	vld [tilespmem:s3+$0xFFFFFED0];
	[tilespmem:s23+$0xFFFFFFD0] =	vst v13  }
0x29c: {  	v13 =	vmul.f32 $2.000000030e-01, v17;
	v18 =	vld [tilespmem:s20+$0xFFFFFEE0];
	[tilespmem:s21+$0x0] =	vst v14  }
0x29d: {  	v14 =	vadd.f32 v23, v15;
	v15 =	vld [tilespmem:s20+$0xFFFFFFE0];
	[tilespmem:s18+$0xFFFFFFA0] =	vst v11  }
0x29e: {  	v11 =	vmax.f32 v17, v13;
	v13 =	vld [tilespmem:s20+$0xFFFFFF30];
	[tilespmem:s17+$0xFFFFFF10] =	vst v10  }
0x29f: {  	v11 =	vmul.f32 $1.442695020e+00, v11;
	v10 =	vmul.f32 $2.000000030e-01, v14;
	v17 =	vadd.f32 v25, v24;
	v19 =	vld [tilespmem:s20+$0xFFFFFF80];
	[tilespmem:s17+$0xFFFFFF60] =	vst v9  }
0x2a0: {  	v9 =	vadd.f32 v21, v16;
	v21 =	vld [tilespmem:s19+$0xFFFFFF00];
	[tilespmem:s17+$0xFFFFFFB0] =	vst v12;
	s17 =	smov.u32 s18;
	s18 =	smov.u32 s21;
	s21 =	smov.u32 s23  }
0x2a1: {  	v10 =	vmax.f32 v14, v10;
	v12 =	vmul.f32 $2.000000030e-01, v17;
	(erf) = vpow2.f32 v11;
	v11 =	vld [tilespmem:s19+$0xFFFFFF50]  }
0x2a2: {  	v14 =	vmul.f32 $2.000000030e-01, v9;
	v15 =	vmul.f32 v8, v15;
	v23 =	vld [tilespmem:s19+$0xFFFFFFA0]  }
0x2a3: {  	v16 =	vmul.f32 v7, v18;
	v10 =	vmul.f32 $1.442695020e+00, v10;
	v12 =	vmax.f32 v17, v12;
	v18 =	vld [tilespmem:s16+$0xFFFFFF10]  }
0x2a4: {  	v9 =	vmax.f32 v9, v14;
	v12 =	vmul.f32 $1.442695020e+00, v12;
	v14 =	vmul.f32 v22, v13;
	[tilespmem:s23+$0xFFFFFFE0] =	vst v15;
	v24 =	vld [tilespmem:s16+$0xFFFFFF60]  }
.Ltmp4:
0x2a5: {  	v9 =	vmul.f32 $1.442695020e+00, v9;
	(erf) = vpow2.f32 v10;
	[tilespmem:s23+$0xFFFFFEE0] =	vst v16;
	v16 =	vld [tilespmem:s20+$0xFFFFFFF0];
	(pc) =	sbr.rel @p0 .LBB2_11-.Ltmp4, $4  }
0x2a6: {  	v10 =	vmul.f32 v6, v19;
	(erf) = vpow2.f32 v12;
	v13 =	vld [tilespmem:s20+$0xFFFFFEF0];
	[tilespmem:s23+$0xFFFFFF30] =	vst v14  }
0x2a7: {  	(erf) = vpow2.f32 v9;
	v14 =	vld [tilespmem:s20+$0xFFFFFF40];
	v9 =	vmul.f32 v21, v4  }
0x2a8: {  	v17 =	vmul.f32 v11, v5;
	v11 =	vmul.f32 v23, v2;
	[tilespmem:s23+$0xFFFFFF80] =	vst v10;
	v12 =	vld [tilespmem:s16+$0xFFFFFFB0];
	s16 =	smov.u32 s19;
	s19 =	smov.u32 s20;
	s20 =	smov.u32 s3  }
0x2a9: {  	s3 =	sadd.s32 $0x140, s3;
	v10 =	vmul.f32 v18, v20;
	v15 =	vld [tilespmem:s19+$0xFFFFFF90];
	[tilespmem:s18+$0xFFFFFF00] =	vst v9;
	v9 =	vmul.f32 v24, v3;
	v3 =	vmovc v5;
	v5 =	vmov v22  }
0x2aa: {  	_ = 	snop  }
0x2ab: {  	[tilespmem:s18+$0xFFFFFF50] =	vst v17  }
0x2ac: {  	v18 =	vpop (erf);
	s3 =	sadd.s32 $0x140, s23;
	[tilespmem:s18+$0xFFFFFFA0] =	vst v11  }
0x2ad: {  	[tilespmem:s3+$0xFFFFFFC0] =	vst v18  }
0x2ae: {  	[tilespmem:s17+$0xFFFFFF10] =	vst v10;
	v20 =	vpop (erf)  }
0x2af: {  	v19 =	vld [tilespmem:s20+$0xFFFFFFD0];
	v38 =	vpop (erf);
	[tilespmem:s3+$0xFFFFFF20] =	vst v20  }
0x2b0: {  	v16 =	vmul.f32 v16, v8;
	v39 =	vpop (erf);
	[tilespmem:s3+$0xFFFFFF70] =	vst v38;
	v23 =	vld [tilespmem:s20+$0xFFFFFF30]  }
0x2b1: {  	[tilespmem:s3+$0xFFFFFED0] =	vst v39;
	v40 =	vld [tilespmem:s20+$0xFFFFFF80]  }
0x2b2: {  	v13 =	vmul.f32 v7, v13;
	[tilespmem:s21+$0xFFFFFFF0] =	vst v16;
	v22 =	vld [tilespmem:s20+$0xFFFFFEE0]  }
0x2b3: {  	[tilespmem:s17+$0xFFFFFF60] =	vst v9;
	v14 =	vmul.f32 v5, v14;
	v21 =	vld [tilespmem:s19+$0x0]  }
0x2b4: {  	[tilespmem:s21+$0xFFFFFEF0] =	vst v13;
	v19 =	vmul.f32 v18, v19  }
0x2b5: {  	v51 =	vld [tilespmem:s16+$0xFFFFFF10];
	[tilespmem:s21+$0xFFFFFF40] =	vst v14;
	v45 =	vmul.f32 v20, v23  }
0x2b6: {  	v58 =	vld [tilespmem:s16+$0xFFFFFF60];
	[tilespmem:s3+$0xFFFFFFD0] =	vst v19;
	v13 =	vmul.f32 v38, v40  }
0x2b7: {  	v19 =	vld [tilespmem:s20+$0xFFFFFFE0];
	v43 =	vmul.f32 v39, v22;
	[tilespmem:s3+$0xFFFFFF30] =	vst v45  }
0x2b8: {  	v1 =	vmul.f32 v12, v1;
	v42 =	vmul.f32 v21, v8;
	v8 =	vld [tilespmem:s20+$0xFFFFFF40];
	[tilespmem:s3+$0xFFFFFF80] =	vst v13  }
0x2b9: {  	v41 =	vmul.f32 v6, v15;
	[tilespmem:s3+$0xFFFFFEE0] =	vst v43;
	v46 =	vld [tilespmem:s20+$0xFFFFFF90]  }
0x2ba: {  	[tilespmem:s17+$0xFFFFFFB0] =	vst v1;
	v4 =	vmul.f32 v51, v4;
	v14 =	vld [tilespmem:s20+$0xFFFFFEF0]  }
0x2bb: {  	v59 =	vld [tilespmem:s16+$0xFFFFFFB0];
	[tilespmem:s21+$0xFFFFFF90] =	vst v41;
	v3 =	vmul.f32 v58, v3  }
0x2bc: {  	v49 =	vld [tilespmem:s19+$0xFFFFFF50];
	[tilespmem:s18+$0xFFFFFF10] =	vst v4;
	v19 =	vmul.f32 v18, v19  }
0x2bd: {  	v48 =	vld [tilespmem:s19+$0xFFFFFF00];
	[tilespmem:s18+$0xFFFFFF60] =	vst v3;
	v8 =	vmul.f32 v20, v8  }
0x2be: {  	v1 =	vld [tilespmem:s19+$0xFFFFFFA0];
	[tilespmem:s3+$0xFFFFFFE0] =	vst v19;
	v52 =	vmul.f32 v38, v46  }
0x2bf: {  	v44 =	vld [tilespmem:s20+$0xFFFFFFF0];
	v50 =	vmul.f32 v39, v14;
	[tilespmem:s3+$0xFFFFFF40] =	vst v8  }
0x2c0: {  	v2 =	vmul.f32 v59, v2;
	[tilespmem:s3+$0xFFFFFF90] =	vst v52;
	v55 =	vld [tilespmem:s20+$0xFFFFFF50]  }
0x2c1: {  	v54 =	vmul.f32 v49, v5;
	[tilespmem:s3+$0xFFFFFEF0] =	vst v50;
	v57 =	vld [tilespmem:s20+$0xFFFFFFA0]  }
0x2c2: {  	[tilespmem:s18+$0xFFFFFFB0] =	vst v2;
	v10 =	vmul.f32 v48, v7;
	v53 =	vld [tilespmem:s20+$0xFFFFFF00]  }
0x2c3: {  	v1 =	vmul.f32 v1, v6;
	[tilespmem:s21+$0xFFFFFF50] =	vst v54  }
0x2c4: {  	[tilespmem:s21+$0xFFFFFF00] =	vst v10;
	v60 =	vld [tilespmem:s19+$0xFFFFFF60];
	v47 =	vmul.f32 v44, v18  }
0x2c5: {  	[tilespmem:s21+$0xFFFFFFA0] =	vst v1;
	v1 =	vld [tilespmem:s19+$0xFFFFFF10];
	v9 =	vmul.f32 v55, v20  }
0x2c6: {  	v62 =	vld [tilespmem:s19+$0xFFFFFFB0];
	[tilespmem:s3+$0xFFFFFFF0] =	vst v47;
	v61 =	vmul.f32 v57, v38  }
0x2c7: {  	v13 =	vld [tilespmem:s20+$0x0];
	v8 =	vmul.f32 v53, v39;
	[tilespmem:s3+$0xFFFFFF50] =	vst v9  }
0x2c8: {  	[tilespmem:s3+$0xFFFFFFA0] =	vst v61;
	v9 =	vld [tilespmem:s20+$0xFFFFFF60]  }
0x2c9: {  	v2 =	vmul.f32 v60, v5;
	[tilespmem:s3+$0xFFFFFF00] =	vst v8;
	v3 =	vld [tilespmem:s20+$0xFFFFFFB0]  }
0x2ca: {  	[tilespmem:s21+$0x0] =	vst v42;
	v1 =	vmul.f32 v1, v7;
	v8 =	vld [tilespmem:s20+$0xFFFFFF10]  }
0x2cb: {  	v63 =	vmul.f32 v62, v6;
	[tilespmem:s21+$0xFFFFFF60] =	vst v2  }
0x2cc: {  	[tilespmem:s21+$0xFFFFFF10] =	vst v1;
	v56 =	vmul.f32 v13, v18  }
0x2cd: {  	[tilespmem:s21+$0xFFFFFFB0] =	vst v63;
	v2 =	vmul.f32 v9, v20  }
0x2ce: {  	[tilespmem:s3+$0x0] =	vst v56;
	v3 =	vmul.f32 v3, v38  }
0x2cf: {  	v1 =	vmul.f32 v8, v39;
	[tilespmem:s3+$0xFFFFFF60] =	vst v2  }
0x2d0: {  	s13 =	sadd.s32 $0x1, s13;
	[tilespmem:s3+$0xFFFFFFB0] =	vst v3  }
0x2d1: {  	s22 =	sadd.s32 $0x1580, s15;
	p0 =	sne.s32 s13, $0x14;
	[tilespmem:s3+$0xFFFFFF10] =	vst v1  }
0x2d2: {  	[spmem:s1] =	stream.indirect.scatter.add.f32 [tilespmem:s9], [sflag:$0x6], $0x50, s22, s28, $0xb8;
	[tilespmem:$0x1A200] =	vst v63  }
.Ltmp5:
0x2d3: {  	_ = 	snop;
	(pc) =	sbr.rel @p0 .LBB2_8-.Ltmp5, $4  }
0x2d4: {  	s23 =	sadd.s32 $0x180, s14  }
0x2d5: {  	[tilespmem:s31], [sflag:$0x4] =	stream.indirect.gather [hbm4b:s4+s28], $0x50, s23, s28, $0xb8;
	[tilespmem:$0x1A200] =	vst v63  }
0x2d6: {  	s25 =	sadd.s32 $0x1680, s14  }
0x2d7: {  	[tilespmem:s2], [sflag:$0x5] =	stream.indirect.gather [hbm4b:s5+s28], $0x10, s25, s28, $0xb8;
	[tilespmem:$0x1A200] =	vst v63  }
0x2d8: {  	_ =	swait.ge [sflag:s6], $0x2800  }
0x2d9: {  	[sflag:s6] =	ssyncset.done $0x0  }
0x2da: {  	[sflag:s6] =	ssyncadd.s32 $0xFFFFD800  }
0x2db: {  	_ =	swait.ge [sflag:s0], $0x800  }
0x2dc: {  	[sflag:s0] =	ssyncset.done $0x0  }
0x2dd: {  	[sflag:s0] =	ssyncadd.s32 $0xFFFFF800  }
0x2de: {  	_ =	swait.ge [sflag:s10], $0x2800  }
0x2df: {  	[sflag:s10] =	ssyncset.done $0x0  }
0x2e0: {  	s18 =	simm.s32 $0x2AA0;
	[sflag:s10] =	ssyncadd.s32 $0xFFFFD800  }
0x2e1: {  	s3 =	simm.s32 $0x7A20;
	v1 =	vld [tilespmem:s18+$0x50]  }
0x2e2: {  	v2 =	vld [tilespmem:s3+$0x10];
	_ =	sdelay $0x3  }
0x2e3: {  	v4 =	vld [tilespmem:s18+$0xFFFFFFB0]  }
0x2e4: {  	v5 =	vld [tilespmem:s18+$0x0];
	v1 =	vadd.f32 v2, v1  }
0x2e5: {  	v2 =	vld [tilespmem:s3+$0xFFFFFFF0]  }
0x2e6: {  	v7 =	vld [tilespmem:s3+$0x0];
	v6 =	vmul.f32 $2.000000030e-01, v1;
	_ =	sdelay $0x1  }
0x2e7: {  	v3 =	vld [tilespmem:s3+$0xFFFFFFE0];
	v1 =	vmax.f32 v1, v6  }
0x2e8: {  	v8 =	vld [tilespmem:s18+$0xFFFFFF60];
	v1 =	vmul.f32 $1.442695020e+00, v1  }
0x2e9: {  	v2 =	vadd.f32 v2, v4  }
0x2ea: {  	(erf) = vpow2.f32 v1;
	v1 =	vadd.f32 v7, v5  }
0x2eb: {  	v4 =	vmul.f32 $2.000000030e-01, v2  }
0x2ec: {  	v5 =	vmul.f32 $2.000000030e-01, v1  }
0x2ed: {  	v3 =	vadd.f32 v3, v8;
	v2 =	vmax.f32 v2, v4  }
0x2ee: {  	v2 =	vmul.f32 $1.442695020e+00, v2;
	v1 =	vmax.f32 v1, v5  }
0x2ef: {  	s13 =	simm.s32 $0x2BE0;
	v4 =	vmul.f32 $2.000000030e-01, v3;
	v1 =	vmul.f32 $1.442695020e+00, v1  }
0x2f0: {  	s23 =	simm.s32 $0x7A60;
	(erf) = vpow2.f32 v2;
	v2 =	vld [tilespmem:s13+$0x50]  }
0x2f1: {  	v3 =	vmax.f32 v3, v4;
	(erf) = vpow2.f32 v1;
	v1 =	vld [tilespmem:s23+$0x10]  }
0x2f2: {  	v3 =	vmul.f32 $1.442695020e+00, v3  }
0x2f3: {  	s14 =	simm.s32 $0x8AA0;
	v5 =	vpop (erf)  }
0x2f4: {  	(erf) = vpow2.f32 v3;
	[tilespmem:s14+$0x50] =	vst v5  }
0x2f5: {  	v3 =	vld [tilespmem:s18+$0x60]  }
0x2f6: {  	v11 =	vld [tilespmem:s13+$0x0];
	v2 =	vadd.f32 v1, v2  }
0x2f7: {  	v12 =	vld [tilespmem:s23+$0x0]  }
0x2f8: {  	v6 =	vld [tilespmem:s13+$0xFFFFFFB0];
	v8 =	vmul.f32 $2.000000030e-01, v2  }
0x2f9: {  	v7 =	vld [tilespmem:s23+$0xFFFFFFF0]  }
0x2fa: {  	v4 =	vld [tilespmem:s23+$0xFFFFFFE0];
	v3 =	vmul.f32 v5, v3;
	v2 =	vmax.f32 v2, v8  }
0x2fb: {  	v9 =	vpop (erf);
	v8 =	vld [tilespmem:s13+$0xFFFFFF60];
	v2 =	vmul.f32 $1.442695020e+00, v2  }
0x2fc: {  	v1 =	vpop (erf);
	[tilespmem:s14+$0x60] =	vst v3  }
0x2fd: {  	v10 =	vpop (erf);
	v3 =	vld [tilespmem:s18+$0x70];
	(erf) = vpow2.f32 v2  }
0x2fe: {  	[tilespmem:s14+$0xFFFFFF60] =	vst v10;
	v2 =	vadd.f32 v7, v6  }
0x2ff: {  	v13 =	vld [tilespmem:s18+$0xFFFFFF70];
	v6 =	vadd.f32 v12, v11  }
0x300: {  	[tilespmem:s14+$0xFFFFFFB0] =	vst v9;
	v7 =	vmul.f32 $2.000000030e-01, v2;
	v4 =	vadd.f32 v4, v8  }
0x301: {  	s16 =	simm.s32 $0x2D20;
	v8 =	vld [tilespmem:s18+$0xFFFFFFC0];
	v11 =	vmul.f32 $2.000000030e-01, v6  }
0x302: {  	s25 =	simm.s32 $0x7AA0;
	v14 =	vld [tilespmem:s16+$0xFFFFFFB0];
	v2 =	vmax.f32 v2, v7;
	v7 =	vmul.f32 $2.000000030e-01, v4;
	v3 =	vmul.f32 v5, v3  }
0x303: {  	v15 =	vld [tilespmem:s25+$0xFFFFFFF0];
	[tilespmem:s14+$0x0] =	vst v1;
	v6 =	vmax.f32 v6, v11;
	v2 =	vmul.f32 $1.442695020e+00, v2  }
0x304: {  	v16 =	vld [tilespmem:s16+$0x0];
	v12 =	vmul.f32 v10, v13;
	[tilespmem:s14+$0x70] =	vst v3;
	v3 =	vmax.f32 v4, v7;
	v4 =	vmul.f32 $1.442695020e+00, v6  }
0x305: {  	v13 =	vld [tilespmem:s18+$0x10];
	(erf) = vpow2.f32 v2;
	v3 =	vmul.f32 $1.442695020e+00, v3  }
0x306: {  	s15 =	simm.s32 $0x8BE0;
	v2 =	vmul.f32 v9, v8;
	(erf) = vpow2.f32 v4;
	v4 =	vld [tilespmem:s16+$0x50];
	v11 =	vpop (erf)  }
0x307: {  	(erf) = vpow2.f32 v3;
	v3 =	vld [tilespmem:s25+$0x10];
	[tilespmem:s15+$0x50] =	vst v11  }
0x308: {  	[tilespmem:s14+$0xFFFFFFC0] =	vst v2;
	v2 =	vld [tilespmem:s13+$0x60]  }
0x309: {  	v19 =	vld [tilespmem:s16+$0xFFFFFF60]  }
0x30a: {  	s19 =	simm.s32 $0x7AE0;
	v6 =	vld [tilespmem:s18+$0x80]  }
0x30b: {  	v22 =	vld [tilespmem:s19+$0xFFFFFFE0]  }
0x30c: {  	[tilespmem:s14+$0xFFFFFF70] =	vst v12;
	v12 =	vld [tilespmem:s25+$0xFFFFFFE0];
	v18 =	vadd.f32 v3, v4;
	v4 =	vmul.f32 v1, v13  }
0x30d: {  	v7 =	vld [tilespmem:s18+$0xFFFFFF80];
	v17 =	vmul.f32 v11, v2  }
0x30e: {  	v8 =	vld [tilespmem:s18+$0xFFFFFFD0];
	[tilespmem:s14+$0x10] =	vst v4  }
0x30f: {  	v6 =	vmul.f32 v6, v5;
	v13 =	vld [tilespmem:s25+$0x0];
	[tilespmem:s15+$0x60] =	vst v17;
	v17 =	vmul.f32 $2.000000030e-01, v18  }
0x310: {  	v21 =	vld [tilespmem:s18+$0x20]  }
0x311: {  	s17 =	simm.s32 $0x2E60;
	[tilespmem:s14+$0x80] =	vst v6;
	v3 =	vpop (erf);
	v20 =	vld [tilespmem:s13+$0x70];
	v17 =	vmax.f32 v18, v17  }
0x312: {  	v23 =	vld [tilespmem:s17+$0xFFFFFFB0];
	[tilespmem:s15+$0xFFFFFFB0] =	vst v3;
	v2 =	vpop (erf);
	v17 =	vmul.f32 $1.442695020e+00, v17  }
0x313: {  	v14 =	vadd.f32 v15, v14;
	v8 =	vmul.f32 v9, v8;
	v15 =	vld [tilespmem:s13+$0xFFFFFFC0];
	v4 =	vpop (erf);
	[tilespmem:s15+$0x0] =	vst v2  }
0x314: {  	v7 =	vmul.f32 v10, v7;
	[tilespmem:s15+$0xFFFFFF60] =	vst v4;
	v6 =	vadd.f32 v13, v16;
	v13 =	vld [tilespmem:s13+$0x10];
	(erf) = vpow2.f32 v17  }
0x315: {  	v12 =	vadd.f32 v12, v19;
	[tilespmem:s14+$0xFFFFFFD0] =	vst v8;
	v16 =	vmul.f32 $2.000000030e-01, v14;
	v18 =	vld [tilespmem:s13+$0xFFFFFF70];
	v8 =	vmul.f32 v1, v21  }
0x316: {  	v24 =	vld [tilespmem:s17+$0x0];
	[tilespmem:s14+$0xFFFFFF80] =	vst v7;
	v17 =	vmul.f32 v11, v20  }
0x317: {  	v54 =	vmul.f32 $2.000000030e-01, v12;
	v7 =	vld [tilespmem:s18+$0x90];
	v53 =	vmul.f32 $2.000000030e-01, v6;
	v14 =	vmax.f32 v14, v16;
	[tilespmem:s14+$0x20] =	vst v8  }
0x318: {  	v16 =	vld [tilespmem:s18+$0xFFFFFFE0];
	v8 =	vmul.f32 $1.442695020e+00, v14;
	v14 =	vmul.f32 v3, v15;
	[tilespmem:s15+$0x70] =	vst v17  }
0x319: {  	v6 =	vmax.f32 v6, v53;
	v13 =	vmul.f32 v2, v13;
	v15 =	vld [tilespmem:s13+$0x80]  }
0x31a: {  	v19 =	vld [tilespmem:s18+$0xFFFFFF90];
	v12 =	vmax.f32 v12, v54;
	v6 =	vmul.f32 $1.442695020e+00, v6;
	v18 =	vmul.f32 v4, v18;
	[tilespmem:s15+$0xFFFFFFC0] =	vst v14  }
0x31b: {  	v12 =	vmul.f32 $1.442695020e+00, v12;
	(erf) = vpow2.f32 v8;
	[tilespmem:s15+$0x10] =	vst v13;
	v14 =	vld [tilespmem:s13+$0xFFFFFFD0]  }
0x31c: {  	v13 =	vld [tilespmem:s17+$0x50];
	[tilespmem:s15+$0xFFFFFF70] =	vst v18;
	(erf) = vpow2.f32 v6  }
0x31d: {  	s20 =	simm.s32 $0x8D20;
	v18 =	vld [tilespmem:s13+$0xFFFFFF80];
	(erf) = vpow2.f32 v12;
	v8 =	vpop (erf)  }
0x31e: {  	v16 =	vmul.f32 v16, v9;
	v6 =	vmul.f32 v15, v11;
	v15 =	vld [tilespmem:s19+$0x10];
	[tilespmem:s20+$0x50] =	vst v8  }
0x31f: {  	v55 =	vld [tilespmem:s16+$0x60]  }
0x320: {  	v25 =	vld [tilespmem:s19+$0x0];
	[tilespmem:s14+$0xFFFFFFE0] =	vst v16;
	v14 =	vmul.f32 v3, v14  }
0x321: {  	v17 =	vld [tilespmem:s18+$0x30];
	[tilespmem:s15+$0x80] =	vst v6;
	v6 =	vmul.f32 v7, v5  }
0x322: {  	v12 =	vld [tilespmem:s13+$0x20];
	v7 =	vmul.f32 v19, v10;
	[tilespmem:s15+$0xFFFFFFD0] =	vst v14  }
0x323: {  	v19 =	vld [tilespmem:s19+$0xFFFFFFF0];
	v18 =	vmul.f32 v4, v18;
	[tilespmem:s14+$0x90] =	vst v6  }
0x324: {  	v63 =	vld [tilespmem:s18+$0xFFFFFFF0];
	v5 =	vpop (erf);
	[tilespmem:s14+$0xFFFFFF90] =	vst v7;
	v13 =	vadd.f32 v15, v13;
	v20 =	vmul.f32 v8, v55  }
0x325: {  	[tilespmem:s15+$0xFFFFFF80] =	vst v18;
	v15 =	vld [tilespmem:s17+$0xFFFFFF60];
	v6 =	vpop (erf)  }
0x326: {  	v56 =	vld [tilespmem:s13+$0x90];
	v7 =	vpop (erf);
	v57 =	vmul.f32 $2.000000030e-01, v13;
	[tilespmem:s20+$0x60] =	vst v20  }
0x327: {  	v12 =	vmul.f32 v2, v12;
	[tilespmem:s20+$0xFFFFFF60] =	vst v7;
	v58 =	vld [tilespmem:s16+$0x70]  }
0x328: {  	v18 =	vadd.f32 v25, v24;
	[tilespmem:s20+$0xFFFFFFB0] =	vst v5;
	v19 =	vadd.f32 v19, v23;
	v26 =	vld [tilespmem:s16+$0xFFFFFF70];
	v13 =	vmax.f32 v13, v57  }
0x329: {  	v17 =	vmul.f32 v17, v1;
	[tilespmem:s15+$0x20] =	vst v12;
	v59 =	vld [tilespmem:s16+$0xFFFFFFC0];
	v13 =	vmul.f32 $1.442695020e+00, v13  }
0x32a: {  	v62 =	vld [tilespmem:s13+$0xFFFFFFE0];
	v12 =	vmul.f32 $2.000000030e-01, v18;
	[tilespmem:s20+$0x0] =	vst v6;
	v14 =	vmul.f32 $2.000000030e-01, v19;
	v15 =	vadd.f32 v22, v15  }
0x32b: {  	v60 =	vld [tilespmem:s16+$0x10];
	v11 =	vmul.f32 v56, v11;
	(erf) = vpow2.f32 v13  }
0x32c: {  	v61 =	vld [tilespmem:s13+$0xFFFFFF90];
	v13 =	vmax.f32 v19, v14;
	v14 =	vmul.f32 $2.000000030e-01, v15;
	v16 =	vmul.f32 v8, v58  }
0x32d: {  	v12 =	vmax.f32 v18, v12;
	v18 =	vld [tilespmem:s18+$0xFFFFFFA0];
	[tilespmem:s15+$0x90] =	vst v11;
	v11 =	vmul.f32 $1.442695020e+00, v13;
	v13 =	vmul.f32 v7, v26  }
0x32e: {  	v12 =	vmul.f32 $1.442695020e+00, v12;
	v19 =	vld [tilespmem:s13+$0x30];
	v14 =	vmax.f32 v15, v14;
	v15 =	vmul.f32 v5, v59;
	[tilespmem:s20+$0x70] =	vst v16  }
0x32f: {  	v14 =	vmul.f32 $1.442695020e+00, v14;
	(erf) = vpow2.f32 v11;
	[tilespmem:s20+$0xFFFFFF70] =	vst v13;
	v16 =	vld [tilespmem:s16+$0x80]  }
0x330: {  	v11 =	vmul.f32 v6, v60;
	(erf) = vpow2.f32 v12;
	[tilespmem:s20+$0xFFFFFFC0] =	vst v15;
	v13 =	vld [tilespmem:s16+$0xFFFFFF80]  }
0x331: {  	[tilespmem:s14+$0x30] =	vst v17;
	v21 =	vmul.f32 v61, v4;
	(erf) = vpow2.f32 v14;
	v14 =	vld [tilespmem:s16+$0xFFFFFFD0]  }
0x332: {  	v9 =	vmul.f32 v63, v9;
	v17 =	vmul.f32 v62, v3;
	v12 =	vld [tilespmem:s18+$0x40];
	[tilespmem:s20+$0x10] =	vst v11  }
0x333: {  	s21 =	simm.s32 $0xC;
	s3 =	simm.s32 $0x2FA0;
	[tilespmem:s15+$0xFFFFFF90] =	vst v21;
	v10 =	vmul.f32 v18, v10;
	s18 =	simm.s32 $0x8D20;
	v11 =	vmul.f32 v19, v2;
	v15 =	vld [tilespmem:s16+$0x20]  }
.LBB2_14:
0x334: {  	v18 =	vld [tilespmem:s3+$0x50];
	s19 =	sadd.s32 $0x40, s19;
	v19 =	vpop (erf);
	v16 =	vmul.f32 v16, v8;
	s20 =	sadd.s32 $0x140, s20;
	[tilespmem:s15+$0xFFFFFFE0] =	vst v17;
	v20 =	vmov v4;
	v4 =	vmov v7  }
0x335: {  	v17 =	vld [tilespmem:s19+$0x10];
	[tilespmem:s20+$0x50] =	vst v19;
	v7 =	vmul.f32 v4, v13  }
0x336: {  	v13 =	vld [tilespmem:s17+$0x60];
	v14 =	vmul.f32 v5, v14;
	[tilespmem:s18+$0x80] =	vst v16  }
0x337: {  	[tilespmem:s18+$0xFFFFFF80] =	vst v7;
	v16 =	vld [tilespmem:s16+$0x90];
	v12 =	vmul.f32 v12, v1;
	v1 =	vmov v2;
	v2 =	vmov v6  }
0x338: {  	s21 =	sadd.s32 $0x4, s21;
	v21 =	vld [tilespmem:s19+$0xFFFFFFE0];
	v22 =	vpop (erf);
	[tilespmem:s18+$0xFFFFFFD0] =	vst v14;
	v14 =	vmul.f32 v2, v15  }
0x339: {  	p0 =	slt.u32 s21, $0x7C;
	v15 =	vld [tilespmem:s3+$0xFFFFFFB0];
	[tilespmem:s20+$0xFFFFFFB0] =	vst v22;
	v6 =	vpop (erf)  }
0x33a: {  	v23 =	vld [tilespmem:s19+$0xFFFFFFF0];
	[tilespmem:s20+$0x0] =	vst v6;
	v7 =	vpop (erf)  }
0x33b: {  	v24 =	vld [tilespmem:s3+$0x0];
	[tilespmem:s20+$0xFFFFFF60] =	vst v7;
	v13 =	vmul.f32 v19, v13  }
0x33c: {  	v17 =	vadd.f32 v17, v18;
	v25 =	vld [tilespmem:s19+$0x0];
	[tilespmem:s18+$0x20] =	vst v14;
	v14 =	vmul.f32 v16, v8;
	v8 =	vmov v19  }
0x33d: {  	v16 =	vld [tilespmem:s3+$0xFFFFFF60];
	[tilespmem:s20+$0x60] =	vst v13  }
0x33e: {  	v13 =	vmul.f32 $2.000000030e-01, v17;
	v18 =	vld [tilespmem:s17+$0xFFFFFF70];
	[tilespmem:s18+$0x90] =	vst v14  }
0x33f: {  	v14 =	vadd.f32 v23, v15;
	v15 =	vld [tilespmem:s17+$0x70];
	[tilespmem:s15+$0x30] =	vst v11  }
0x340: {  	v11 =	vmax.f32 v17, v13;
	v13 =	vld [tilespmem:s17+$0xFFFFFFC0];
	[tilespmem:s14+$0xFFFFFFA0] =	vst v10  }
0x341: {  	v11 =	vmul.f32 $1.442695020e+00, v11;
	v10 =	vmul.f32 $2.000000030e-01, v14;
	v17 =	vadd.f32 v25, v24;
	v19 =	vld [tilespmem:s17+$0x10];
	[tilespmem:s14+$0xFFFFFFF0] =	vst v9  }
0x342: {  	v9 =	vadd.f32 v21, v16;
	v21 =	vld [tilespmem:s16+$0xFFFFFF90];
	[tilespmem:s14+$0x40] =	vst v12;
	s14 =	smov.u32 s15;
	s15 =	smov.u32 s18;
	s18 =	smov.u32 s20  }
0x343: {  	v10 =	vmax.f32 v14, v10;
	v12 =	vmul.f32 $2.000000030e-01, v17;
	(erf) = vpow2.f32 v11;
	v11 =	vld [tilespmem:s16+$0xFFFFFFE0]  }
0x344: {  	v14 =	vmul.f32 $2.000000030e-01, v9;
	v15 =	vmul.f32 v8, v15;
	v23 =	vld [tilespmem:s16+$0x30]  }
0x345: {  	v16 =	vmul.f32 v7, v18;
	v10 =	vmul.f32 $1.442695020e+00, v10;
	v12 =	vmax.f32 v17, v12;
	v18 =	vld [tilespmem:s13+$0xFFFFFFA0]  }
0x346: {  	v9 =	vmax.f32 v9, v14;
	v12 =	vmul.f32 $1.442695020e+00, v12;
	v14 =	vmul.f32 v22, v13;
	[tilespmem:s20+$0x70] =	vst v15;
	v24 =	vld [tilespmem:s13+$0xFFFFFFF0]  }
.Ltmp6:
0x347: {  	v9 =	vmul.f32 $1.442695020e+00, v9;
	(erf) = vpow2.f32 v10;
	[tilespmem:s20+$0xFFFFFF70] =	vst v16;
	v16 =	vld [tilespmem:s17+$0x80];
	(pc) =	sbr.rel @p0 .LBB2_14-.Ltmp6, $4  }
0x348: {  	v10 =	vmul.f32 v6, v19;
	(erf) = vpow2.f32 v12;
	v13 =	vld [tilespmem:s17+$0xFFFFFF80];
	[tilespmem:s20+$0xFFFFFFC0] =	vst v14  }
0x349: {  	(erf) = vpow2.f32 v9;
	v14 =	vld [tilespmem:s17+$0xFFFFFFD0];
	v9 =	vmul.f32 v21, v4  }
0x34a: {  	v17 =	vmul.f32 v11, v5;
	v11 =	vmul.f32 v23, v2;
	[tilespmem:s20+$0x10] =	vst v10;
	v12 =	vld [tilespmem:s13+$0x40];
	s13 =	smov.u32 s16;
	s16 =	smov.u32 s17;
	s17 =	smov.u32 s3  }
0x34b: {  	s3 =	sadd.s32 $0x140, s3;
	v10 =	vmul.f32 v18, v20;
	v15 =	vld [tilespmem:s16+$0x20];
	[tilespmem:s15+$0xFFFFFF90] =	vst v9;
	v9 =	vmul.f32 v24, v3;
	v3 =	vmovc v5;
	v5 =	vmov v22  }
0x34c: {  	v18 =	vpop (erf);
	s3 =	sadd.s32 $0x140, s20  }
0x34d: {  	[tilespmem:s3+$0x50] =	vst v18  }
0x34e: {  	v19 =	vld [tilespmem:s17+$0x60];
	_ =	sdelay $0x2  }
0x34f: {  	v16 =	vmul.f32 v16, v8;
	_ =	sdelay $0x1  }
0x350: {  	[tilespmem:s15+$0xFFFFFFE0] =	vst v17;
	v20 =	vpop (erf);
	v19 =	vmul.f32 v18, v19  }
0x351: {  	[tilespmem:s18+$0x80] =	vst v16;
	v17 =	vpop (erf)  }
0x352: {  	v21 =	vld [tilespmem:s16+$0x90];
	v16 =	vpop (erf);
	[tilespmem:s3+$0x60] =	vst v19  }
0x353: {  	v14 =	vmul.f32 v5, v14;
	[tilespmem:s3+$0xFFFFFF60] =	vst v16;
	v19 =	vld [tilespmem:s17+$0x70]  }
0x354: {  	[tilespmem:s3+$0xFFFFFFB0] =	vst v20;
	v22 =	vld [tilespmem:s17+$0xFFFFFF70]  }
0x355: {  	v13 =	vmul.f32 v7, v13;
	[tilespmem:s18+$0xFFFFFFD0] =	vst v14;
	v23 =	vld [tilespmem:s17+$0xFFFFFFC0]  }
0x356: {  	v14 =	vmul.f32 v6, v15;
	[tilespmem:s3+$0x0] =	vst v17  }
0x357: {  	[tilespmem:s18+$0xFFFFFF80] =	vst v13;
	v13 =	vld [tilespmem:s17+$0x10];
	v8 =	vmul.f32 v21, v8  }
0x358: {  	[tilespmem:s18+$0x20] =	vst v14;
	v19 =	vmul.f32 v18, v19  }
0x359: {  	[tilespmem:s18+$0x90] =	vst v8;
	v14 =	vmul.f32 v16, v22  }
0x35a: {  	v8 =	vmul.f32 v20, v23;
	[tilespmem:s3+$0x70] =	vst v19  }
0x35b: {  	[tilespmem:s3+$0xFFFFFF70] =	vst v14;
	v15 =	vld [tilespmem:s17+$0x80]  }
0x35c: {  	v13 =	vmul.f32 v17, v13;
	[tilespmem:s3+$0xFFFFFFC0] =	vst v8;
	v14 =	vld [tilespmem:s17+$0xFFFFFF80]  }
0x35d: {  	[tilespmem:s14+$0xFFFFFFA0] =	vst v10;
	v8 =	vld [tilespmem:s17+$0xFFFFFFD0]  }
0x35e: {  	v10 =	vld [tilespmem:s16+$0xFFFFFF90];
	[tilespmem:s3+$0x10] =	vst v13  }
0x35f: {  	[tilespmem:s15+$0x30] =	vst v11;
	v1 =	vmul.f32 v12, v1;
	v11 =	vld [tilespmem:s17+$0x20]  }
0x360: {  	[tilespmem:s14+$0xFFFFFFF0] =	vst v9;
	v12 =	vld [tilespmem:s16+$0xFFFFFFE0];
	v13 =	vmul.f32 v15, v18  }
0x361: {  	[tilespmem:s14+$0x40] =	vst v1;
	v1 =	vld [tilespmem:s16+$0x30];
	v9 =	vmul.f32 v16, v14  }
0x362: {  	v8 =	vmul.f32 v20, v8;
	v14 =	vld [tilespmem:s13+$0xFFFFFFA0];
	[tilespmem:s3+$0x80] =	vst v13  }
0x363: {  	[tilespmem:s3+$0xFFFFFF80] =	vst v9;
	v13 =	vld [tilespmem:s17+$0x90]  }
0x364: {  	[tilespmem:s3+$0xFFFFFFD0] =	vst v8;
	v9 =	vmul.f32 v17, v11;
	v8 =	vld [tilespmem:s17+$0xFFFFFF90]  }
0x365: {  	v10 =	vmul.f32 v10, v7  }
0x366: {  	v1 =	vmul.f32 v1, v6;
	[tilespmem:s3+$0x20] =	vst v9;
	v9 =	vld [tilespmem:s17+$0xFFFFFFE0]  }
0x367: {  	[tilespmem:s18+$0xFFFFFF90] =	vst v10;
	v11 =	vmul.f32 v12, v5;
	v12 =	vld [tilespmem:s17+$0x30]  }
0x368: {  	[tilespmem:s18+$0x30] =	vst v1;
	v4 =	vmul.f32 v14, v4;
	v10 =	vmul.f32 v13, v18;
	v13 =	vld [tilespmem:s13+$0xFFFFFFF0]  }
0x369: {  	[tilespmem:s18+$0xFFFFFFE0] =	vst v11;
	v11 =	vld [tilespmem:s13+$0x40];
	v8 =	vmul.f32 v8, v16  }
0x36a: {  	v1 =	vld [tilespmem:s16+$0xFFFFFFA0];
	[tilespmem:s15+$0xFFFFFFA0] =	vst v4  }
0x36b: {  	v4 =	vld [tilespmem:s16+$0xFFFFFFF0];
	v9 =	vmul.f32 v9, v20;
	[tilespmem:s3+$0xFFFFFF90] =	vst v8  }
0x36c: {  	v8 =	vld [tilespmem:s17+$0xFFFFFFA0];
	[tilespmem:s3+$0x90] =	vst v10;
	v10 =	vmul.f32 v12, v17  }
0x36d: {  	[tilespmem:s3+$0xFFFFFFE0] =	vst v9;
	v12 =	vld [tilespmem:s16+$0x40];
	v3 =	vmul.f32 v13, v3  }
0x36e: {  	v2 =	vmul.f32 v11, v2;
	v9 =	vld [tilespmem:s17+$0xFFFFFFF0];
	[tilespmem:s3+$0x30] =	vst v10  }
0x36f: {  	v1 =	vmul.f32 v1, v7;
	[tilespmem:s15+$0xFFFFFFF0] =	vst v3;
	v3 =	vld [tilespmem:s17+$0x40]  }
0x370: {  	[tilespmem:s15+$0x40] =	vst v2;
	v2 =	vmul.f32 v4, v5  }
0x371: {  	[tilespmem:s18+$0xFFFFFFA0] =	vst v1;
	v1 =	vmul.f32 v8, v16  }
0x372: {  	[tilespmem:s18+$0xFFFFFFF0] =	vst v2;
	v4 =	vmul.f32 v12, v6  }
0x373: {  	v2 =	vmul.f32 v9, v20;
	[tilespmem:s3+$0xFFFFFFA0] =	vst v1  }
0x374: {  	[tilespmem:s18+$0x40] =	vst v4;
	v3 =	vmul.f32 v3, v17  }
0x375: {  	[tilespmem:s3+$0xFFFFFFF0] =	vst v2  }
0x376: {  	s20 =	simm.s32 $0x2900;
	[tilespmem:s3+$0x40] =	vst v3  }
0x377: {  	[spmem:s1] =	stream.indirect.scatter.add.f32 [tilespmem:s26], [sflag:$0x3], $0x50, s20, s28, $0xb8;
	[tilespmem:$0x1A200] =	vst v63  }
0x378: {  	_ =	swait.ge [sflag:s7], $0x2800  }
0x379: {  	[sflag:s7] =	ssyncset.done $0x0  }
0x37a: {  	[sflag:s7] =	ssyncadd.s32 $0xFFFFD800  }
0x37b: {  	_ =	swait.ge [sflag:s8], $0x800  }
0x37c: {  	[sflag:s8] =	ssyncset.done $0x0  }
0x37d: {  	[sflag:s8] =	ssyncadd.s32 $0xFFFFF800  }
0x37e: {  	_ =	swait.ge [sflag:s11], $0x2800  }
0x37f: {  	[sflag:s11] =	ssyncset.done $0x0  }
0x380: {  	s21 =	simm.s32 $0x5330;
	[sflag:s11] =	ssyncadd.s32 $0xFFFFD800  }
0x381: {  	s22 =	simm.s32 $0x8230;
	v1 =	vld [tilespmem:s21+$0xFFFFFFC0]  }
0x382: {  	v2 =	vld [tilespmem:s22+$0x0];
	_ =	sdelay $0x3  }
0x383: {  	v4 =	vld [tilespmem:s21+$0xFFFFFF20]  }
0x384: {  	v5 =	vld [tilespmem:s21+$0xFFFFFF70];
	v1 =	vadd.f32 v2, v1  }
0x385: {  	v2 =	vld [tilespmem:s22+$0xFFFFFFE0]  }
0x386: {  	v7 =	vld [tilespmem:s22+$0xFFFFFFF0];
	v6 =	vmul.f32 $2.000000030e-01, v1;
	_ =	sdelay $0x1  }
0x387: {  	v3 =	vld [tilespmem:s22+$0xFFFFFFD0];
	v1 =	vmax.f32 v1, v6  }
0x388: {  	v8 =	vld [tilespmem:s21+$0xFFFFFED0];
	v1 =	vmul.f32 $1.442695020e+00, v1  }
0x389: {  	v2 =	vadd.f32 v2, v4  }
0x38a: {  	(erf) = vpow2.f32 v1;
	v1 =	vadd.f32 v7, v5  }
0x38b: {  	v4 =	vmul.f32 $2.000000030e-01, v2  }
0x38c: {  	v5 =	vmul.f32 $2.000000030e-01, v1  }
0x38d: {  	v3 =	vadd.f32 v3, v8;
	v2 =	vmax.f32 v2, v4  }
0x38e: {  	v2 =	vmul.f32 $1.442695020e+00, v2;
	v1 =	vmax.f32 v1, v5  }
0x38f: {  	s13 =	simm.s32 $0x5470;
	v4 =	vmul.f32 $2.000000030e-01, v3;
	v1 =	vmul.f32 $1.442695020e+00, v1  }
0x390: {  	s23 =	simm.s32 $0x8270;
	(erf) = vpow2.f32 v2;
	v2 =	vld [tilespmem:s13+$0xFFFFFFC0]  }
0x391: {  	v3 =	vmax.f32 v3, v4;
	(erf) = vpow2.f32 v1;
	v1 =	vld [tilespmem:s23+$0x0]  }
0x392: {  	v3 =	vmul.f32 $1.442695020e+00, v3  }
0x393: {  	s15 =	simm.s32 $0xB330;
	v6 =	vpop (erf)  }
0x394: {  	(erf) = vpow2.f32 v3;
	[tilespmem:s15+$0xFFFFFFC0] =	vst v6  }
0x395: {  	v3 =	vld [tilespmem:s21+$0xFFFFFFD0]  }
0x396: {  	v11 =	vld [tilespmem:s13+$0xFFFFFF70];
	v2 =	vadd.f32 v1, v2  }
0x397: {  	v12 =	vld [tilespmem:s23+$0xFFFFFFF0]  }
0x398: {  	v7 =	vld [tilespmem:s23+$0xFFFFFFE0];
	v8 =	vmul.f32 $2.000000030e-01, v2  }
0x399: {  	v5 =	vld [tilespmem:s13+$0xFFFFFF20]  }
0x39a: {  	v4 =	vld [tilespmem:s23+$0xFFFFFFD0];
	v3 =	vmul.f32 v6, v3;
	v2 =	vmax.f32 v2, v8  }
0x39b: {  	v9 =	vpop (erf);
	v8 =	vld [tilespmem:s13+$0xFFFFFED0];
	v2 =	vmul.f32 $1.442695020e+00, v2  }
0x39c: {  	v1 =	vpop (erf);
	[tilespmem:s15+$0xFFFFFFD0] =	vst v3  }
0x39d: {  	v10 =	vpop (erf);
	v3 =	vld [tilespmem:s21+$0xFFFFFFE0];
	(erf) = vpow2.f32 v2  }
0x39e: {  	[tilespmem:s15+$0xFFFFFED0] =	vst v10;
	v2 =	vadd.f32 v7, v5  }
0x39f: {  	v13 =	vld [tilespmem:s21+$0xFFFFFEE0];
	v5 =	vadd.f32 v12, v11  }
0x3a0: {  	[tilespmem:s15+$0xFFFFFF20] =	vst v9;
	v7 =	vmul.f32 $2.000000030e-01, v2;
	v4 =	vadd.f32 v4, v8  }
0x3a1: {  	s14 =	simm.s32 $0x55B0;
	v8 =	vld [tilespmem:s21+$0xFFFFFF30];
	v11 =	vmul.f32 $2.000000030e-01, v5  }
0x3a2: {  	s25 =	simm.s32 $0x82B0;
	v14 =	vld [tilespmem:s14+$0xFFFFFF20];
	v2 =	vmax.f32 v2, v7;
	v7 =	vmul.f32 $2.000000030e-01, v4;
	v3 =	vmul.f32 v6, v3  }
0x3a3: {  	v15 =	vld [tilespmem:s25+$0xFFFFFFE0];
	[tilespmem:s15+$0xFFFFFF70] =	vst v1;
	v5 =	vmax.f32 v5, v11;
	v2 =	vmul.f32 $1.442695020e+00, v2  }
0x3a4: {  	v16 =	vld [tilespmem:s14+$0xFFFFFF70];
	v12 =	vmul.f32 v10, v13;
	[tilespmem:s15+$0xFFFFFFE0] =	vst v3;
	v3 =	vmax.f32 v4, v7;
	v4 =	vmul.f32 $1.442695020e+00, v5  }
0x3a5: {  	v13 =	vld [tilespmem:s21+$0xFFFFFF80];
	(erf) = vpow2.f32 v2;
	v3 =	vmul.f32 $1.442695020e+00, v3  }
0x3a6: {  	s16 =	simm.s32 $0xB470;
	v2 =	vmul.f32 v9, v8;
	(erf) = vpow2.f32 v4;
	v4 =	vld [tilespmem:s14+$0xFFFFFFC0];
	v11 =	vpop (erf)  }
0x3a7: {  	(erf) = vpow2.f32 v3;
	v3 =	vld [tilespmem:s25+$0x0];
	[tilespmem:s16+$0xFFFFFFC0] =	vst v11  }
0x3a8: {  	[tilespmem:s15+$0xFFFFFF30] =	vst v2;
	v2 =	vld [tilespmem:s13+$0xFFFFFFD0]  }
0x3a9: {  	v19 =	vld [tilespmem:s14+$0xFFFFFED0]  }
0x3aa: {  	s20 =	simm.s32 $0x82F0;
	v5 =	vld [tilespmem:s21+$0xFFFFFFF0]  }
0x3ab: {  	v55 =	vld [tilespmem:s20+$0xFFFFFFD0]  }
0x3ac: {  	[tilespmem:s15+$0xFFFFFEE0] =	vst v12;
	v12 =	vld [tilespmem:s25+$0xFFFFFFD0];
	v18 =	vadd.f32 v3, v4;
	v4 =	vmul.f32 v1, v13  }
0x3ad: {  	v7 =	vld [tilespmem:s21+$0xFFFFFEF0];
	v17 =	vmul.f32 v11, v2  }
0x3ae: {  	v8 =	vld [tilespmem:s21+$0xFFFFFF40];
	[tilespmem:s15+$0xFFFFFF80] =	vst v4  }
0x3af: {  	v5 =	vmul.f32 v5, v6;
	v13 =	vld [tilespmem:s25+$0xFFFFFFF0];
	[tilespmem:s16+$0xFFFFFFD0] =	vst v17;
	v17 =	vmul.f32 $2.000000030e-01, v18  }
0x3b0: {  	v50 =	vld [tilespmem:s21+$0xFFFFFF90]  }
0x3b1: {  	s17 =	simm.s32 $0x56F0;
	[tilespmem:s15+$0xFFFFFFF0] =	vst v5;
	v3 =	vpop (erf);
	v49 =	vld [tilespmem:s13+$0xFFFFFFE0];
	v17 =	vmax.f32 v18, v17  }
0x3b2: {  	v56 =	vld [tilespmem:s17+$0xFFFFFF20];
	[tilespmem:s16+$0xFFFFFF20] =	vst v3;
	v2 =	vpop (erf);
	v17 =	vmul.f32 $1.442695020e+00, v17  }
0x3b3: {  	v14 =	vadd.f32 v15, v14;
	v8 =	vmul.f32 v9, v8;
	v15 =	vld [tilespmem:s13+$0xFFFFFF30];
	v4 =	vpop (erf);
	[tilespmem:s16+$0xFFFFFF70] =	vst v2  }
0x3b4: {  	v7 =	vmul.f32 v10, v7;
	[tilespmem:s16+$0xFFFFFED0] =	vst v4;
	v5 =	vadd.f32 v13, v16;
	v13 =	vld [tilespmem:s13+$0xFFFFFF80];
	(erf) = vpow2.f32 v17  }
0x3b5: {  	v12 =	vadd.f32 v12, v19;
	[tilespmem:s15+$0xFFFFFF40] =	vst v8;
	v16 =	vmul.f32 $2.000000030e-01, v14;
	v18 =	vld [tilespmem:s13+$0xFFFFFEE0];
	v8 =	vmul.f32 v1, v50  }
0x3b6: {  	v24 =	vld [tilespmem:s17+$0xFFFFFF70];
	[tilespmem:s15+$0xFFFFFEF0] =	vst v7;
	v51 =	vmul.f32 $2.000000030e-01, v5;
	v17 =	vmul.f32 v11, v49  }
0x3b7: {  	v52 =	vmul.f32 $2.000000030e-01, v12;
	v7 =	vld [tilespmem:s21+$0x0];
	v14 =	vmax.f32 v14, v16;
	[tilespmem:s15+$0xFFFFFF90] =	vst v8  }
0x3b8: {  	v19 =	vld [tilespmem:s21+$0xFFFFFF00];
	v5 =	vmax.f32 v5, v51;
	v8 =	vmul.f32 $1.442695020e+00, v14;
	v14 =	vmul.f32 v3, v15;
	[tilespmem:s16+$0xFFFFFFE0] =	vst v17  }
0x3b9: {  	v5 =	vmul.f32 $1.442695020e+00, v5;
	v13 =	vmul.f32 v2, v13;
	v15 =	vld [tilespmem:s13+$0xFFFFFFF0]  }
0x3ba: {  	v12 =	vmax.f32 v12, v52;
	v16 =	vld [tilespmem:s21+$0xFFFFFF50];
	v18 =	vmul.f32 v4, v18;
	[tilespmem:s16+$0xFFFFFF30] =	vst v14  }
0x3bb: {  	v12 =	vmul.f32 $1.442695020e+00, v12;
	(erf) = vpow2.f32 v8;
	[tilespmem:s16+$0xFFFFFF80] =	vst v13;
	v13 =	vld [tilespmem:s17+$0xFFFFFFC0]  }
0x3bc: {  	[tilespmem:s16+$0xFFFFFEE0] =	vst v18;
	(erf) = vpow2.f32 v5;
	v14 =	vld [tilespmem:s13+$0xFFFFFF40]  }
0x3bd: {  	s19 =	simm.s32 $0xB5B0;
	v18 =	vld [tilespmem:s13+$0xFFFFFEF0];
	(erf) = vpow2.f32 v12;
	v5 =	vpop (erf)  }
0x3be: {  	v7 =	vmul.f32 v7, v6;
	v8 =	vmul.f32 v15, v11;
	v15 =	vld [tilespmem:s20+$0x0];
	[tilespmem:s19+$0xFFFFFFC0] =	vst v5  }
0x3bf: {  	v16 =	vmul.f32 v16, v9;
	v53 =	vld [tilespmem:s14+$0xFFFFFFD0]  }
0x3c0: {  	v25 =	vld [tilespmem:s20+$0xFFFFFFF0];
	[tilespmem:s15+$0x0] =	vst v7  }
0x3c1: {  	v17 =	vld [tilespmem:s21+$0xFFFFFFA0];
	[tilespmem:s15+$0xFFFFFF50] =	vst v16;
	v14 =	vmul.f32 v3, v14  }
0x3c2: {  	v12 =	vld [tilespmem:s13+$0xFFFFFF90];
	[tilespmem:s16+$0xFFFFFFF0] =	vst v8;
	v8 =	vmul.f32 v19, v10  }
0x3c3: {  	v19 =	vld [tilespmem:s20+$0xFFFFFFE0];
	v18 =	vmul.f32 v4, v18;
	[tilespmem:s16+$0xFFFFFF40] =	vst v14  }
0x3c4: {  	v63 =	vld [tilespmem:s21+$0xFFFFFF60];
	v6 =	vpop (erf);
	[tilespmem:s15+$0xFFFFFF00] =	vst v8;
	v13 =	vadd.f32 v15, v13;
	v20 =	vmul.f32 v5, v53  }
0x3c5: {  	[tilespmem:s16+$0xFFFFFEF0] =	vst v18;
	v7 =	vpop (erf);
	v15 =	vld [tilespmem:s17+$0xFFFFFED0]  }
0x3c6: {  	v54 =	vld [tilespmem:s13+$0x0];
	v8 =	vpop (erf);
	v57 =	vmul.f32 $2.000000030e-01, v13;
	[tilespmem:s19+$0xFFFFFFD0] =	vst v20  }
0x3c7: {  	v12 =	vmul.f32 v2, v12;
	[tilespmem:s19+$0xFFFFFED0] =	vst v8;
	v58 =	vld [tilespmem:s14+$0xFFFFFFE0]  }
0x3c8: {  	v18 =	vadd.f32 v25, v24;
	[tilespmem:s19+$0xFFFFFF20] =	vst v6;
	v19 =	vadd.f32 v19, v56;
	v26 =	vld [tilespmem:s14+$0xFFFFFEE0];
	v13 =	vmax.f32 v13, v57  }
0x3c9: {  	v17 =	vmul.f32 v17, v1;
	[tilespmem:s16+$0xFFFFFF90] =	vst v12;
	v59 =	vld [tilespmem:s14+$0xFFFFFF30];
	v13 =	vmul.f32 $1.442695020e+00, v13  }
0x3ca: {  	v62 =	vld [tilespmem:s13+$0xFFFFFF50];
	[tilespmem:s19+$0xFFFFFF70] =	vst v7;
	v12 =	vmul.f32 $2.000000030e-01, v18;
	v14 =	vmul.f32 $2.000000030e-01, v19;
	v15 =	vadd.f32 v55, v15  }
0x3cb: {  	v60 =	vld [tilespmem:s14+$0xFFFFFF80];
	v11 =	vmul.f32 v54, v11;
	(erf) = vpow2.f32 v13  }
0x3cc: {  	v61 =	vld [tilespmem:s13+$0xFFFFFF00];
	v13 =	vmax.f32 v19, v14;
	v14 =	vmul.f32 $2.000000030e-01, v15;
	v16 =	vmul.f32 v5, v58  }
0x3cd: {  	v12 =	vmax.f32 v18, v12;
	v18 =	vld [tilespmem:s21+$0xFFFFFF10];
	[tilespmem:s16+$0x0] =	vst v11;
	v11 =	vmul.f32 $1.442695020e+00, v13;
	v13 =	vmul.f32 v8, v26  }
0x3ce: {  	v12 =	vmul.f32 $1.442695020e+00, v12;
	v19 =	vld [tilespmem:s13+$0xFFFFFFA0];
	v14 =	vmax.f32 v15, v14;
	v15 =	vmul.f32 v6, v59;
	[tilespmem:s19+$0xFFFFFFE0] =	vst v16  }
0x3cf: {  	v14 =	vmul.f32 $1.442695020e+00, v14;
	(erf) = vpow2.f32 v11;
	[tilespmem:s19+$0xFFFFFEE0] =	vst v13;
	v11 =	vld [tilespmem:s14+$0xFFFFFFF0]  }
0x3d0: {  	(erf) = vpow2.f32 v12;
	v13 =	vld [tilespmem:s14+$0xFFFFFEF0];
	[tilespmem:s19+$0xFFFFFF30] =	vst v15;
	v12 =	vmul.f32 v7, v60  }
0x3d1: {  	[tilespmem:s15+$0xFFFFFFA0] =	vst v17;
	v21 =	vmul.f32 v61, v4;
	(erf) = vpow2.f32 v14;
	v14 =	vld [tilespmem:s14+$0xFFFFFF40]  }
0x3d2: {  	s18 =	simm.s32 $0xB5B0;
	s3 =	simm.s32 $0x5830;
	v9 =	vmul.f32 v63, v9;
	v17 =	vmul.f32 v62, v3;
	v16 =	vld [tilespmem:s21+$0xFFFFFFB0];
	[tilespmem:s19+$0xFFFFFF80] =	vst v12  }
0x3d3: {  	s23 =	simm.s32 $0x1500;
	s25 =	simm.s32 $0x1580;
	[tilespmem:s16+$0xFFFFFF00] =	vst v21;
	v10 =	vmul.f32 v18, v10;
	s21 =	simm.s32 $0xC;
	v12 =	vmul.f32 v19, v2;
	v15 =	vld [tilespmem:s14+$0xFFFFFF90]  }
.LBB2_16:
0x3d4: {  	v18 =	vld [tilespmem:s3+$0xFFFFFFC0];
	s20 =	sadd.s32 $0x40, s20;
	v19 =	vpop (erf);
	v11 =	vmul.f32 v11, v5;
	s19 =	sadd.s32 $0x140, s19;
	[tilespmem:s16+$0xFFFFFF50] =	vst v17;
	v20 =	vmov v4;
	v4 =	vmov v8  }
0x3d5: {  	v17 =	vld [tilespmem:s20+$0x0];
	[tilespmem:s19+$0xFFFFFFC0] =	vst v19;
	v8 =	vmul.f32 v4, v13  }
0x3d6: {  	v13 =	vld [tilespmem:s17+$0xFFFFFFD0];
	v14 =	vmul.f32 v6, v14;
	[tilespmem:s18+$0xFFFFFFF0] =	vst v11  }
0x3d7: {  	[tilespmem:s18+$0xFFFFFEF0] =	vst v8;
	v11 =	vld [tilespmem:s14+$0x0];
	v16 =	vmul.f32 v16, v1;
	v1 =	vmov v2;
	v2 =	vmov v7  }
0x3d8: {  	s21 =	sadd.s32 $0x4, s21;
	v21 =	vld [tilespmem:s20+$0xFFFFFFD0];
	v22 =	vpop (erf);
	[tilespmem:s18+$0xFFFFFF40] =	vst v14;
	v14 =	vmul.f32 v2, v15  }
0x3d9: {  	p0 =	slt.u32 s21, $0x7C;
	v15 =	vld [tilespmem:s3+$0xFFFFFF20];
	[tilespmem:s19+$0xFFFFFF20] =	vst v22;
	v7 =	vpop (erf)  }
0x3da: {  	v23 =	vld [tilespmem:s20+$0xFFFFFFE0];
	[tilespmem:s19+$0xFFFFFF70] =	vst v7;
	v8 =	vpop (erf)  }
0x3db: {  	v24 =	vld [tilespmem:s3+$0xFFFFFF70];
	[tilespmem:s19+$0xFFFFFED0] =	vst v8;
	v13 =	vmul.f32 v19, v13  }
0x3dc: {  	v17 =	vadd.f32 v17, v18;
	v25 =	vld [tilespmem:s20+$0xFFFFFFF0];
	[tilespmem:s18+$0xFFFFFF90] =	vst v14;
	v11 =	vmul.f32 v11, v5;
	v5 =	vmov v19  }
0x3dd: {  	v14 =	vld [tilespmem:s3+$0xFFFFFED0];
	[tilespmem:s19+$0xFFFFFFD0] =	vst v13  }
0x3de: {  	v13 =	vmul.f32 $2.000000030e-01, v17;
	v18 =	vld [tilespmem:s17+$0xFFFFFEE0];
	[tilespmem:s18+$0x0] =	vst v11  }
0x3df: {  	v11 =	vadd.f32 v23, v15;
	v15 =	vld [tilespmem:s17+$0xFFFFFFE0];
	[tilespmem:s16+$0xFFFFFFA0] =	vst v12  }
0x3e0: {  	v12 =	vmax.f32 v17, v13;
	v13 =	vld [tilespmem:s17+$0xFFFFFF30];
	[tilespmem:s15+$0xFFFFFF10] =	vst v10  }
0x3e1: {  	v12 =	vmul.f32 $1.442695020e+00, v12;
	v10 =	vmul.f32 $2.000000030e-01, v11;
	v17 =	vadd.f32 v25, v24;
	v19 =	vld [tilespmem:s17+$0xFFFFFF80];
	[tilespmem:s15+$0xFFFFFF60] =	vst v9  }
0x3e2: {  	v9 =	vadd.f32 v21, v14;
	v21 =	vld [tilespmem:s14+$0xFFFFFF00];
	[tilespmem:s15+$0xFFFFFFB0] =	vst v16;
	s15 =	smov.u32 s16;
	s16 =	smov.u32 s18;
	s18 =	smov.u32 s19  }
0x3e3: {  	v10 =	vmax.f32 v11, v10;
	v11 =	vmul.f32 $2.000000030e-01, v17;
	(erf) = vpow2.f32 v12;
	v12 =	vld [tilespmem:s14+$0xFFFFFF50]  }
0x3e4: {  	v14 =	vmul.f32 $2.000000030e-01, v9;
	v15 =	vmul.f32 v5, v15;
	v16 =	vld [tilespmem:s14+$0xFFFFFFA0]  }
0x3e5: {  	v10 =	vmul.f32 $1.442695020e+00, v10;
	v11 =	vmax.f32 v17, v11;
	v17 =	vmul.f32 v8, v18;
	v18 =	vld [tilespmem:s13+$0xFFFFFF10]  }
0x3e6: {  	v23 =	vmul.f32 v22, v13;
	v9 =	vmax.f32 v9, v14;
	v14 =	vmul.f32 $1.442695020e+00, v11;
	[tilespmem:s19+$0xFFFFFFE0] =	vst v15;
	v24 =	vld [tilespmem:s13+$0xFFFFFF60]  }
.Ltmp7:
0x3e7: {  	v9 =	vmul.f32 $1.442695020e+00, v9;
	(erf) = vpow2.f32 v10;
	[tilespmem:s19+$0xFFFFFEE0] =	vst v17;
	v11 =	vld [tilespmem:s17+$0xFFFFFFF0];
	(pc) =	sbr.rel @p0 .LBB2_16-.Ltmp7, $4  }
0x3e8: {  	v10 =	vmul.f32 v7, v19;
	(erf) = vpow2.f32 v14;
	v13 =	vld [tilespmem:s17+$0xFFFFFEF0];
	[tilespmem:s19+$0xFFFFFF30] =	vst v23  }
0x3e9: {  	(erf) = vpow2.f32 v9;
	v14 =	vld [tilespmem:s17+$0xFFFFFF40];
	v9 =	vmul.f32 v21, v4  }
0x3ea: {  	v17 =	vmul.f32 v12, v6;
	v12 =	vmul.f32 v16, v2;
	[tilespmem:s19+$0xFFFFFF80] =	vst v10;
	v16 =	vld [tilespmem:s13+$0xFFFFFFB0];
	s13 =	smov.u32 s14;
	s14 =	smov.u32 s17;
	s17 =	smov.u32 s3  }
0x3eb: {  	s3 =	sadd.s32 $0x140, s3;
	v10 =	vmul.f32 v18, v20;
	v15 =	vld [tilespmem:s14+$0xFFFFFF90];
	[tilespmem:s16+$0xFFFFFF00] =	vst v9;
	v9 =	vmul.f32 v24, v3;
	v3 =	vmovc v6;
	v6 =	vmov v22  }
0x3ec: {  	_ =	sdelay $0x1  }
0x3ed: {  	[tilespmem:s16+$0xFFFFFF50] =	vst v17  }
0x3ee: {  	v18 =	vpop (erf);
	s3 =	sadd.s32 $0x140, s19;
	[tilespmem:s16+$0xFFFFFFA0] =	vst v12;
	v45 =	vld [tilespmem:s13+$0xFFFFFF10]  }
0x3ef: {  	[tilespmem:s3+$0xFFFFFFC0] =	vst v18;
	v47 =	vld [tilespmem:s13+$0xFFFFFF60];
	v1 =	vmul.f32 v16, v1;
	v19 =	vpop (erf)  }
0x3f0: {  	v21 =	vld [tilespmem:s17+$0xFFFFFFD0];
	[tilespmem:s3+$0xFFFFFF20] =	vst v19  }
0x3f1: {  	v43 =	vpop (erf);
	[tilespmem:s15+$0xFFFFFFB0] =	vst v1;
	v1 =	vld [tilespmem:s13+$0xFFFFFFB0]  }
0x3f2: {  	v20 =	vpop (erf);
	[tilespmem:s3+$0xFFFFFF70] =	vst v43;
	v23 =	vld [tilespmem:s17+$0xFFFFFF30]  }
0x3f3: {  	v4 =	vmul.f32 v45, v4;
	[tilespmem:s3+$0xFFFFFED0] =	vst v20;
	v44 =	vld [tilespmem:s17+$0xFFFFFF80]  }
0x3f4: {  	[tilespmem:s15+$0xFFFFFF10] =	vst v10;
	v3 =	vmul.f32 v47, v3;
	v22 =	vld [tilespmem:s17+$0xFFFFFEE0]  }
0x3f5: {  	v46 =	vmul.f32 v18, v21;
	[tilespmem:s16+$0xFFFFFF10] =	vst v4  }
0x3f6: {  	[tilespmem:s16+$0xFFFFFF60] =	vst v3;
	v1 =	vmul.f32 v1, v2  }
0x3f7: {  	[tilespmem:s3+$0xFFFFFFD0] =	vst v46;
	v49 =	vmul.f32 v19, v23  }
0x3f8: {  	v50 =	vld [tilespmem:s17+$0xFFFFFFE0];
	v12 =	vmul.f32 v43, v44;
	[tilespmem:s16+$0xFFFFFFB0] =	vst v1  }
0x3f9: {  	v48 =	vmul.f32 v20, v22;
	[tilespmem:s3+$0xFFFFFF30] =	vst v49  }
0x3fa: {  	v2 =	vmul.f32 v8, v13;
	[tilespmem:s3+$0xFFFFFF80] =	vst v12;
	v52 =	vld [tilespmem:s17+$0xFFFFFF40]  }
0x3fb: {  	v1 =	vmul.f32 v6, v14;
	[tilespmem:s3+$0xFFFFFEE0] =	vst v48;
	v3 =	vld [tilespmem:s17+$0xFFFFFF90]  }
0x3fc: {  	[tilespmem:s18+$0xFFFFFEF0] =	vst v2;
	v2 =	vmul.f32 v7, v15;
	v51 =	vld [tilespmem:s17+$0xFFFFFEF0]  }
0x3fd: {  	[tilespmem:s18+$0xFFFFFF40] =	vst v1;
	v10 =	vmul.f32 v18, v50  }
0x3fe: {  	v1 =	vld [tilespmem:s14+$0xFFFFFF00];
	[tilespmem:s18+$0xFFFFFF90] =	vst v2  }
0x3ff: {  	v2 =	vld [tilespmem:s14+$0xFFFFFF50];
	[tilespmem:s3+$0xFFFFFFE0] =	vst v10;
	v4 =	vmul.f32 v19, v52  }
0x400: {  	[tilespmem:s15+$0xFFFFFF60] =	vst v9;
	v10 =	vld [tilespmem:s17+$0xFFFFFFF0];
	v3 =	vmul.f32 v43, v3  }
0x401: {  	v53 =	vld [tilespmem:s14+$0xFFFFFFA0];
	v9 =	vmul.f32 v20, v51;
	[tilespmem:s3+$0xFFFFFF40] =	vst v4  }
0x402: {  	v54 =	vmul.f32 v11, v5;
	[tilespmem:s3+$0xFFFFFF90] =	vst v3;
	v3 =	vld [tilespmem:s17+$0xFFFFFF50]  }
0x403: {  	v1 =	vmul.f32 v1, v8;
	[tilespmem:s3+$0xFFFFFEF0] =	vst v9;
	v56 =	vld [tilespmem:s17+$0xFFFFFFA0]  }
0x404: {  	[tilespmem:s18+$0xFFFFFFF0] =	vst v54;
	v2 =	vmul.f32 v2, v6;
	v55 =	vld [tilespmem:s17+$0xFFFFFF00]  }
0x405: {  	v57 =	vld [tilespmem:s14+$0x0];
	[tilespmem:s18+$0xFFFFFF00] =	vst v1;
	v1 =	vmul.f32 v10, v18  }
0x406: {  	v12 =	vmul.f32 v53, v7;
	[tilespmem:s18+$0xFFFFFF50] =	vst v2;
	v2 =	vld [tilespmem:s14+$0xFFFFFF10]  }
0x407: {  	v58 =	vld [tilespmem:s14+$0xFFFFFF60];
	[tilespmem:s3+$0xFFFFFFF0] =	vst v1;
	v1 =	vmul.f32 v3, v19  }
0x408: {  	[tilespmem:s18+$0xFFFFFFA0] =	vst v12;
	v3 =	vld [tilespmem:s17+$0x0];
	v9 =	vmul.f32 v56, v43  }
0x409: {  	v12 =	vld [tilespmem:s14+$0xFFFFFFB0];
	v4 =	vmul.f32 v55, v20;
	[tilespmem:s3+$0xFFFFFF50] =	vst v1  }
0x40a: {  	v59 =	vmul.f32 v57, v5;
	[tilespmem:s3+$0xFFFFFFA0] =	vst v9;
	v60 =	vld [tilespmem:s17+$0xFFFFFF60]  }
0x40b: {  	v2 =	vmul.f32 v2, v8;
	[tilespmem:s3+$0xFFFFFF00] =	vst v4;
	v61 =	vld [tilespmem:s17+$0xFFFFFFB0]  }
0x40c: {  	[tilespmem:s18+$0x0] =	vst v59;
	v62 =	vmul.f32 v58, v6;
	v1 =	vld [tilespmem:s17+$0xFFFFFF10]  }
0x40d: {  	[tilespmem:s18+$0xFFFFFF10] =	vst v2;
	v2 =	vmul.f32 v3, v18  }
0x40e: {  	v63 =	vmul.f32 v12, v7;
	[tilespmem:s18+$0xFFFFFF60] =	vst v62  }
0x40f: {  	[tilespmem:s3+$0x0] =	vst v2;
	v2 =	vmul.f32 v60, v19  }
0x410: {  	[tilespmem:s18+$0xFFFFFFB0] =	vst v63;
	v3 =	vmul.f32 v61, v43  }
0x411: {  	v1 =	vmul.f32 v1, v20;
	[tilespmem:s3+$0xFFFFFF60] =	vst v2  }
0x412: {  	[tilespmem:s3+$0xFFFFFFB0] =	vst v3  }
0x413: {  	s20 =	simm.s32 $0x2980;
	[tilespmem:s3+$0xFFFFFF10] =	vst v1  }
0x414: {  	[spmem:s1] =	stream.indirect.scatter.add.f32 [tilespmem:s9], [sflag:$0x6], $0x50, s20, s28, $0xb8;
	[tilespmem:$0x1A200] =	vst v63  }
0x415: {  	_ =	swait.ge [sflag:s10], $0x2800  }
0x416: {  	[sflag:s10] =	ssyncset.done $0x0  }
0x417: {  	[sflag:s10] =	ssyncadd.s32 $0xFFFFD800  }
0x418: {  	_ =	swait.ge [sflag:s11], $0x2800  }
0x419: {  	[sflag:s11] =	ssyncset.done $0x0  }
0x41a: {  	[sflag:s11] =	ssyncadd.s32 $0xFFFFD800  }
0x41b: {  	[bflag:$0x0] =	sbarrier.arrive $0xFFFF  }
0x41c: {  	s21 =	rddreg [dreg:$0x5]  }
0x41d: {  	[tilespmem:s26], [sflag:$0x7] =	stream.linear.gather [spmem:s21], $0x2800, $0x38;
	[tilespmem:$0x1A200] =	vst v63  }
0x41e: {  	_ =	swait.ge [sflag:s24], $0x2800  }
0x41f: {  	[sflag:s24] =	ssyncset.done $0x0  }
0x420: {  	s15 =	simm.s32 $0x0;
	s22 =	rddreg [dreg:$0xc];
	[sflag:s24] =	ssyncadd.s32 $0xFFFFD800  }
0x421: {  	[hbm4b:s22+s15] =	stream.linear.scatter [tilespmem:s26], [sflag:$0x7], $0x2800, $0x38;
	[tilespmem:$0x1A200] =	vst v63  }
0x422: {  	_ =	swait.ge [sflag:s24], $0x2800  }
0x423: {  	[sflag:s24] =	ssyncset.done $0x0  }
0x424: {  	s13 =	rddreg [dreg:$0xd];
	[sflag:s24] =	ssyncadd.s32 $0xFFFFD800  }
0x425: {  	[tilespmem:s26], [sflag:$0x7] =	stream.linear.gather [spmem:s13], $0x2800, $0x38;
	[tilespmem:$0x1A200] =	vst v63  }
0x426: {  	_ =	swait.ge [sflag:s24], $0x2800  }
0x427: {  	[sflag:s24] =	ssyncset.done $0x0  }
0x428: {  	s14 =	rddreg [dreg:$0xe];
	[sflag:s24] =	ssyncadd.s32 $0xFFFFD800  }
0x429: {  	[hbm4b:s14+s15] =	stream.linear.scatter [tilespmem:s26], [sflag:$0x7], $0x2800, $0x38;
	[tilespmem:$0x1A200] =	vst v63  }
0x42a: {  	_ =	swait.ge [sflag:s24], $0x2800  }
0x42b: {  	[sflag:s24] =	ssyncset.done $0x0  }
0x42c: {  	s16 =	rddreg [dreg:$0xf];
	[sflag:s24] =	ssyncadd.s32 $0xFFFFD800  }
0x42d: {  	[tilespmem:s26], [sflag:$0x7] =	stream.linear.gather [spmem:s16], $0x2800, $0x38;
	[tilespmem:$0x1A200] =	vst v63  }
0x42e: {  	_ =	swait.ge [sflag:s24], $0x2800  }
0x42f: {  	[sflag:s24] =	ssyncset.done $0x0  }
0x430: {  	s17 =	rddreg [dreg:$0x10];
	[sflag:s24] =	ssyncadd.s32 $0xFFFFD800  }
0x431: {  	[hbm4b:s17+s15] =	stream.linear.scatter [tilespmem:s26], [sflag:$0x7], $0x2800, $0x38;
	[tilespmem:$0x1A200] =	vst v63  }
0x432: {  	_ =	swait.ge [sflag:s24], $0x2800  }
0x433: {  	[sflag:s24] =	ssyncset.done $0x0  }
0x434: {  	s18 =	rddreg [dreg:$0x11];
	[sflag:s24] =	ssyncadd.s32 $0xFFFFD800  }
0x435: {  	[tilespmem:s26], [sflag:$0x7] =	stream.linear.gather [spmem:s18], $0x2800, $0x38;
	[tilespmem:$0x1A200] =	vst v63  }
0x436: {  	_ =	swait.ge [sflag:s24], $0x2800  }
0x437: {  	[sflag:s24] =	ssyncset.done $0x0  }
0x438: {  	s19 =	rddreg [dreg:$0x12];
	[sflag:s24] =	ssyncadd.s32 $0xFFFFD800  }
0x439: {  	[hbm4b:s19+s15] =	stream.linear.scatter [tilespmem:s26], [sflag:$0x7], $0x2800, $0x38;
	[tilespmem:$0x1A200] =	vst v63  }
0x43a: {  	_ =	swait.ge [sflag:s24], $0x2800  }
0x43b: {  	[sflag:s24] =	ssyncset.done $0x0  }
0x43c: {  	s20 =	rddreg [dreg:$0x13];
	[sflag:s24] =	ssyncadd.s32 $0xFFFFD800  }
0x43d: {  	[tilespmem:s26], [sflag:$0x7] =	stream.linear.gather [spmem:s20], $0x2800, $0x38;
	[tilespmem:$0x1A200] =	vst v63  }
0x43e: {  	_ =	swait.ge [sflag:s24], $0x2800  }
0x43f: {  	[sflag:s24] =	ssyncset.done $0x0  }
0x440: {  	s21 =	rddreg [dreg:$0x14];
	[sflag:s24] =	ssyncadd.s32 $0xFFFFD800  }
0x441: {  	[hbm4b:s21+s15] =	stream.linear.scatter [tilespmem:s26], [sflag:$0x7], $0x2800, $0x38;
	[tilespmem:$0x1A200] =	vst v63  }
0x442: {  	_ =	swait.ge [sflag:s24], $0x2800  }
0x443: {  	s12 =	sadd.s32 $0x1, s12;
	s22 =	rddreg [dreg:$0x6]  }
0x444: {  	p0 =	sne.s32 s12, s22  }
.Ltmp8:
0x445: {  	_ = 	snop;
	(pc) =	sbr.rel @p0 .LBB2_1-.Ltmp8, $3  }
0x446: {  	_ =	sdelay $0x1  }
0x447: {  	[sflag:s24] =	ssyncset.done $0x0  }
0x448: {  	[sflag:s24] =	ssyncadd.s32 $0xFFFFD800  }
0x449: {  	_ =	sfence.sel $0x180000  }
0x44a: {  	[bflag:$0x0] =	sbarrier.arrive $0xFFFF  }
0x44b: {  	_ =	strace $0x90000047  }
0x44c: {  	s0 =	stileid.u32;
	[bflag:$0x2] =	sbarrier.arrive $0xFFFF  }
0x44d: {  	p0 =	sne.s32 s0, $0x0;
	s0 =	rddreg [dreg:$0x2]  }
0x44e: {  	s0 =	sadd.s32 @!p0 $0x100000, s0  }
0x44f: {  	[sflag:s0] =	ssyncadd.tile.s32 @!p0 $0x1;
	_ =	shalt  }
.Lfunc_end2:
_tile_overlayer_lowered:
.L_overlay_start_2:
0x450: {  	(tag) =	ssettag $0x2  }
0x451: {  	s0 =	rddreg [dreg:$0x0];
	s2 =	stileid.u32  }
0x452: {  	s1 =	rddreg [dreg:$0x1];
	p0 =	sne.s32 s2, $0x0  }
0x453: {  	s3 =	rddreg [dreg:$0x2];
	[bflag:$0x3] =	sbarrier.arrive $0xFFFF;
	s2 =	simm.s32 @!p0 $0x1C07  }
0x454: {  	[timem:s3], [sflag:s2] =	dma.local @!p0 [hbm:s0], s1  }
0x455: {  	s0 =	simm.s32 @!p0 $0x7  }
0x456: {  	_ =	swait.ge @!p0 [sflag:s0], s1  }
0x457: {  	s1 =	ssub.s32 @!p0 $0x0, s1;
	[sflag:s0] =	ssyncset.done @!p0 $0x0  }
0x458: {  	[sflag:s0] =	ssyncadd.s32 @!p0 s1  }
0x459: {  	[bflag:$0x3] =	sbarrier.arrive $0xFFFF  }
0x45a: {  	_ =	shalt  }

</sc_bundles>
